<compile_context>
chip_gen: v7x
topology: tpu7x:2x2x1
jax: 0.10.2.dev20260603
libtpu: 0.0.44.dev20260713+nightly
codegen_flags: <defaults>
</compile_context>

<pallas_src>
import functools

import jax
import jax.numpy as jnp
from jax import lax
from jax.experimental import pallas as pl
from jax.experimental.pallas import tpu as pltpu
from jax.experimental.pallas import tpu_sc as plsc

N = 10000
M = 10000
E = 320000
D = 128
ALPHA = 0.1

NW = 32
PER_W = E // NW
K = 80
IB = 25
NSB = PER_W // (K * IB)
ROW_STRIDE = 624
ROW_WIN = 640

_HIGH = lax.Precision.HIGHEST


def _dot(a, b):
    return jnp.dot(a, b, preferred_element_type=jnp.float32, precision=_HIGH)



def _dense1_body(x_ref, w1a, b1a, g1, beta1, w1b, b1b, w2a_t, b2a,
                 y1_ref, a_ref):
    xb = x_ref[...]
    h = jnp.maximum(_dot(xb, w1a[...]) + b1a[...], 0.0)
    mu = jnp.mean(h, axis=-1, keepdims=True)
    var = jnp.mean((h - mu) ** 2, axis=-1, keepdims=True)
    hn = (h - mu) / jnp.sqrt(var + 1e-5) * g1[...] + beta1[...]
    y1_ref[...] = _dot(hn, w1b[...]) + b1b[...]
    a_ref[...] = _dot(xb, w2a_t[...]) + b2a[...]


def _dense2_body(xe_p, ce_p, w2a_b, b_ref):
    s = xe_p[0] + xe_p[1]
    cnt = ce_p[0, :, 0:1] + ce_p[1, :, 0:1]
    xe = s / jnp.maximum(cnt, 1.0)
    b_ref[...] = _dot(xe, w2a_b[...])


def _dense3_body(xv_p, cv_p, w2b, b2b, x_ref, out_ref):
    s = xv_p[0] + xv_p[1]
    cnt = cv_p[0, :, 0:1] + cv_p[1, :, 0:1]
    xv = _dot(s / jnp.maximum(cnt, 1.0), w2b[...]) + b2b[...]
    xv = jnp.where(cnt > 0.0, xv, 0.0)
    out_ref[...] = (1.0 - ALPHA) * xv + ALPHA * x_ref[...]


_BLK = 1000


def _row_spec(last=128):
    return pl.BlockSpec((_BLK, last), lambda i: (i, 0))


def _p_spec(last=128):
    return pl.BlockSpec((2, _BLK, last), lambda i: (0, i, 0))


def _w_spec(r=128, c=128):
    return pl.BlockSpec((r, c), lambda i: (0, 0))



def _xlane_sum16(v):
    dnums = lax.GatherDimensionNumbers(
        offset_dims=(), collapsed_slice_dims=(0,), start_index_map=(0,))
    lanes = lax.iota(jnp.int32, 16)
    for s in (8, 4, 2, 1):
        perm = jnp.reshape(lanes ^ s, (16, 1))
        v = v + lax.gather(v, perm, dnums, (1,),
                           mode=lax.GatherScatterMode.PROMISE_IN_BOUNDS)
    return v


def _rsqrt16(m):
    s = jnp.full((16,), 1.0, jnp.float32)
    for e in (32, 16, 8, 4, 2):
        big = m >= 2.0 ** e
        m = jnp.where(big, m * 2.0 ** (-e), m)
        s = jnp.where(big, s * 2.0 ** (-e // 2), s)
        small = m < 1.0
        m = jnp.where(small, m * 2.0 ** e, m)
        s = jnp.where(small, s * 2.0 ** (e // 2), s)
    y = 1.12 - 0.155 * m
    for _ in range(4):
        y = y * (1.5 - 0.5 * m * y * y)
    return y * s


def _sc_phase_body(a_hbm, b_hbm, vert_hbm, edge_hbm, zw_hbm, g_hbm, beta_hbm,
                   main_out,
                   vert_v, edge_v, a_rows, b_rows, g_v, beta_v,
                   acc_sh, sem_a, sem_b, second=False):
    cid = lax.axis_index("c")
    sid = lax.axis_index("s")
    wid = sid * 2 + cid
    r0 = sid * ROW_STRIDE
    pltpu.sync_copy(zw_hbm, a_rows)
    for j in range(ROW_WIN // K):
        pltpu.sync_copy(a_rows, acc_sh.at[pl.ds(r0 + j * K, K)])
    pltpu.sync_copy(g_hbm, g_v)
    pltpu.sync_copy(beta_hbm, beta_v)
    plsc.subcore_barrier()

    g = [g_v[k, :] for k in range(8)]
    beta = [beta_v[k, :] for k in range(8)]

    def superblock(sb, _):
        pltpu.sync_copy(vert_hbm.at[wid, sb], vert_v)
        pltpu.sync_copy(edge_hbm.at[wid, sb], edge_v)

        def chunk(c, __):
            sidx_ref = vert_v if second else edge_v
            ca = pltpu.async_copy(a_hbm.at[vert_v.at[c]], a_rows, sem_a)
            if second:
                cb = pltpu.async_copy(b_hbm.at[edge_v.at[c]], b_rows, sem_b)
            ca.wait()
            if second:
                cb.wait()

                def row(r, ___):
                    acc1 = jnp.zeros((16,), jnp.float32)
                    acc2 = jnp.zeros((16,), jnp.float32)
                    for k in range(8):
                        rl = jnp.maximum(
                            a_rows[r, pl.ds(k * 16, 16)]
                            + b_rows[r, pl.ds(k * 16, 16)], 0.0)
                        a_rows[r, pl.ds(k * 16, 16)] = rl
                        acc1 = acc1 + rl
                        acc2 = acc2 + rl * rl
                    mub = _xlane_sum16(acc1) * (1.0 / 128.0)
                    var = _xlane_sum16(acc2) * (1.0 / 128.0) - mub * mub
                    inv = _rsqrt16(var + 1e-5)
                    for k in range(8):
                        rl = a_rows[r, pl.ds(k * 16, 16)]
                        a_rows[r, pl.ds(k * 16, 16)] = (
                            (rl - mub) * inv * g[k] + beta[k])
                    return ___

                lax.fori_loop(0, K, row, None)
            pltpu.sync_copy(a_rows, acc_sh.at[sidx_ref.at[c]], add=True)
            return __

        lax.fori_loop(0, IB, chunk, None)
        return _

    lax.fori_loop(0, NSB, superblock, None)
    plsc.subcore_barrier()
    for j in range(ROW_WIN // K):
        pltpu.sync_copy(acc_sh.at[pl.ds(r0 + j * K, K)], a_rows)
        pltpu.sync_copy(a_rows, main_out.at[cid, pl.ds(r0 + j * K, K)])



def kernel(x, edge_index, W1_a, b1_a, ln1_g, ln1_b, W1_b, b1_b,
           W2_a, b2a_, ln2_g, ln2_b, W2_b, b2_b):
    f32 = jnp.float32
    ei = edge_index.astype(jnp.int32)
    vert = ei[0].reshape(NW, NSB, IB, K)
    edge = ei[1].reshape(NW, NSB, IB, K)

    b1a = b1_a.reshape(1, D)
    g1 = ln1_g.reshape(1, D)
    beta1 = ln1_b.reshape(1, D)
    b1b = b1_b.reshape(1, D)
    b2a = b2a_.reshape(1, D)
    b2b = b2_b.reshape(1, D)
    g2 = ln2_g.reshape(8, 16)
    beta2 = ln2_b.reshape(8, 16)
    zw = jnp.zeros((K, D), f32)

    grid = N // _BLK

    y1, a_nodes = pl.pallas_call(
        _dense1_body,
        grid=(grid,),
        in_specs=[_row_spec(), _w_spec(), _w_spec(1), _w_spec(1), _w_spec(1),
                  _w_spec(), _w_spec(1), _w_spec(), _w_spec(1)],
        out_specs=[_row_spec(), _row_spec()],
        out_shape=[jax.ShapeDtypeStruct((N, D), f32),
                   jax.ShapeDtypeStruct((N, D), f32)],
    )(x, W1_a, b1a, g1, beta1, W1_b, b1b, W2_a[:D], b2a)

    mesh = plsc.VectorSubcoreMesh(core_axis_name="c", subcore_axis_name="s")

    def mk_phase(second):
        body = functools.partial(_sc_phase_body, second=second)
        return functools.partial(
            pl.kernel,
            mesh=mesh,
            out_type=jax.ShapeDtypeStruct((2, M, D), f32),
            scratch_types=[
                pltpu.VMEM((IB, K), jnp.int32),
                pltpu.VMEM((IB, K), jnp.int32),
                pltpu.VMEM((K, D), f32),
                pltpu.VMEM((K, D), f32),
                pltpu.VMEM((8, 16), f32),
                pltpu.VMEM((8, 16), f32),
                pltpu.MemorySpace.VMEM_SHARED((M, D), f32),
                pltpu.SemaphoreType.DMA,
                pltpu.SemaphoreType.DMA,
            ],
        )(body)

    phase1 = mk_phase(False)
    phase2 = mk_phase(True)

    xe_p = phase1(y1, x, vert, edge, zw, g2, beta2)

    ones_n = jnp.ones((N, D), f32) + 0.0 * xe_p[0, 0, 0]
    ce_p = phase1(ones_n, x, vert, edge, zw, g2, beta2)

    ones_n2 = ones_n + 0.0 * ce_p[0, 0, 0]
    cv_p = phase1(ones_n2, x, edge, vert, zw, g2, beta2)

    b_edges = pl.pallas_call(
        _dense2_body,
        grid=(grid,),
        in_specs=[_p_spec(), _p_spec(), _w_spec()],
        out_specs=_row_spec(),
        out_shape=jax.ShapeDtypeStruct((M, D), f32),
    )(xe_p, ce_p, W2_a[D:])

    a_dep = a_nodes + 0.0 * cv_p[0, 0, 0]
    xv_p = phase2(a_dep, b_edges, vert, edge, zw, g2, beta2)

    out = pl.pallas_call(
        _dense3_body,
        grid=(grid,),
        in_specs=[_p_spec(), _p_spec(), _w_spec(), _w_spec(1), _row_spec()],
        out_specs=_row_spec(),
        out_shape=jax.ShapeDtypeStruct((N, D), f32),
    )(xv_p, cv_p, W2_b, b2b, x)
    return out

# --- scband reference (transcript-rebuilt; emitter-appended) ---
"""Pipeline reference for scband-equiv-diffusion-49658411876808 (READ-ONLY COPY).

The authoritative reference and input builder live on the scoring server;
editing this copy changes nothing except your own understanding.
"""

import jax, jax.numpy as jnp
import numpy as np

N = 10000
M = 10000  # number of hyperedges (max edge id)
E = 320000
D = 128   # num_features
H = 128   # MLP_hidden
C = 128   # num_classes
ALPHA = 0.1

def layernorm(x, g, b, eps=1e-5):
    mu = jnp.mean(x, axis=-1, keepdims=True)
    var = jnp.var(x, axis=-1, keepdims=True)
    return (x - mu) / jnp.sqrt(var + eps) * g + b

def mlp2(x, W_a, b_a, g, beta, W_b, b_b):
    # 2-layer MLP: Linear -> ReLU -> LayerNorm -> Linear (dropout=0.0, eval)
    h = x @ W_a + b_a
    h = jax.nn.relu(h)
    h = layernorm(h, g, beta)
    return h @ W_b + b_b

def setup_inputs(seed: int = 0) -> dict:
    key = jax.random.key(seed)
    ks = jax.random.split(key, 10)
    x = jax.random.normal(ks[0], (N, D), dtype=jnp.float32)
    edge_index = jax.random.randint(ks[1], (2, E), 0, N, dtype=jnp.int64)
    s1 = 1.0 / np.sqrt(D)
    s1b = 1.0 / np.sqrt(H)
    s2 = 1.0 / np.sqrt(D + H)
    return {
        "x": x,
        "edge_index": edge_index,
        "W1_a": jax.random.uniform(ks[2], (D, H), jnp.float32, -s1, s1),
        "b1_a": jnp.zeros((H,), jnp.float32),
        "ln1_g": jnp.ones((H,), jnp.float32),
        "ln1_b": jnp.zeros((H,), jnp.float32),
        "W1_b": jax.random.uniform(ks[3], (H, H), jnp.float32, -s1b, s1b),
        "b1_b": jnp.zeros((H,), jnp.float32),
        "W2_a": jax.random.uniform(ks[4], (D + H, H), jnp.float32, -s2, s2),
        "b2_a": jnp.zeros((H,), jnp.float32),
        "ln2_g": jnp.ones((H,), jnp.float32),
        "ln2_b": jnp.zeros((H,), jnp.float32),
        "W2_b": jax.random.uniform(ks[5], (H, C), jnp.float32, -s1b, s1b),
        "b2_b": jnp.zeros((C,), jnp.float32),
    }

def scatter_mean(vals, idx, num_segments):
    sums = jax.ops.segment_sum(vals, idx, num_segments=num_segments)
    cnt = jax.ops.segment_sum(jnp.ones((idx.shape[0], 1), vals.dtype), idx, num_segments=num_segments)
    return sums / jnp.maximum(cnt, 1.0)

def reference(x, edge_index, W1_a, b1_a, ln1_g, ln1_b, W1_b, b1_b, W2_a, b2_a, ln2_g, ln2_b, W2_b, b2_b):
    vertex = edge_index[0]
    edges = edge_index[1]
    X0 = x
    Xgv = x[vertex]                                    # gather vertex features to incidences
    Xve = mlp2(Xgv, W1_a, b1_a, ln1_g, ln1_b, W1_b, b1_b)
    Xe = scatter_mean(Xve, edges, M)                   # vertex -> hyperedge (mean)
    Xev = Xe[edges]                                    # gather hyperedge features back
    Xev = mlp2(jnp.concatenate([Xgv, Xev], axis=-1), W2_a, b2_a, ln2_g, ln2_b, W2_b, b2_b)
    Xv = scatter_mean(Xev, vertex, N)                  # hyperedge -> vertex (mean)
    return (1.0 - ALPHA) * Xv + ALPHA * X0

if __name__ == "__main__":
    import jax
    _d = setup_inputs()
    print(jax.jit(kernel)(*tuple(_d.values())))

</pallas_src>

<mosaic_0001>
#map = affine_map<(d0, d1) -> (0, 0)>
#map1 = affine_map<(d0, d1) -> (0, 0, 0, 0)>
#map2 = affine_map<(d0, d1) -> (0, 0, 0)>
module attributes {stable_mosaic.version = 14 : i64} {
  func.func @_sc_phase_body(%arg0: i32, %arg1: i32, %arg2: memref<10000x128xf32, #tpu.memory_space<hbm>>, %arg3: memref<10000x128xf32, #tpu.memory_space<hbm>>, %arg4: memref<32x5x25x80xi32, #tpu.memory_space<hbm>>, %arg5: memref<32x5x25x80xi32, #tpu.memory_space<hbm>>, %arg6: memref<80x128xf32, #tpu.memory_space<hbm>>, %arg7: memref<8x16xf32, #tpu.memory_space<hbm>>, %arg8: memref<8x16xf32, #tpu.memory_space<hbm>>, %arg9: memref<2x10000x128xf32, #tpu.memory_space<hbm>>, %arg10: memref<25x80xi32, #tpu.memory_space<vmem>>, %arg11: memref<25x80xi32, #tpu.memory_space<vmem>>, %arg12: memref<80x128xf32, #tpu.memory_space<vmem>>, %arg13: memref<80x128xf32, #tpu.memory_space<vmem>>, %arg14: memref<8x16xf32, #tpu.memory_space<vmem>>, %arg15: memref<8x16xf32, #tpu.memory_space<vmem>>, %arg16: memref<10000x128xf32, #tpu.memory_space<vmem_shared>>, %arg17: memref<!tpu.dma_semaphore, #tpu.memory_space<semaphore_mem>>, %arg18: memref<!tpu.dma_semaphore, #tpu.memory_space<semaphore_mem>>) attributes {dimension_semantics = [#tpu.dimension_semantics<core_parallel>, #tpu.dimension_semantics<subcore_parallel>], iteration_bounds = array<i64: 2, 16>, scalar_prefetch = 0 : i64, scratch_operands = 9 : i64, tpu.core_type = #tpu.core_type<sc_vector_subcore>, window_params = [{transform_indices = #map}, {transform_indices = #map}, {transform_indices = #map1}, {transform_indices = #map1}, {transform_indices = #map}, {transform_indices = #map}, {transform_indices = #map}, {transform_indices = #map2}]} {
    %mul3A = arith.constant 2 : i32
    %mul3A_0 = arith.muli %arg1, %mul3A : i32
    %add3A = arith.addi %mul3A_0, %arg0 : i32
    %mul3A_1 = arith.constant 624 : i32
    %mul3A_2 = arith.muli %arg1, %mul3A_1 : i32
    "tpu.region"() ({
      %run_scoped3A = tpu.sem_alloc : memref<!tpu.dma_semaphore, #tpu.memory_space<semaphore_mem>>
      tpu.enqueue_dma source(%arg6 : memref<80x128xf32, #tpu.memory_space<hbm>>) target(%arg12 : memref<80x128xf32, #tpu.memory_space<vmem>>) target_semaphore(%run_scoped3A : memref<!tpu.dma_semaphore, #tpu.memory_space<semaphore_mem>>)
      tpu.wait_dma2 semaphore(%run_scoped3A : memref<!tpu.dma_semaphore, #tpu.memory_space<semaphore_mem>>) src(%arg6 : memref<80x128xf32, #tpu.memory_space<hbm>>) dst(%arg12 : memref<80x128xf32, #tpu.memory_space<vmem>>)
      tpu.yield
    }) : () -> ()
    %add3A_3 = arith.constant 0 : i32
    %add3A_4 = arith.addi %mul3A_2, %add3A_3 : i32
    "tpu.region"() ({
      %run_scoped3A = tpu.sem_alloc : memref<!tpu.dma_semaphore, #tpu.memory_space<semaphore_mem>>
      %dma_start3A = arith.constant 0 : i32
      %dma_start3A_135 = tpu.memref_slice %arg16[%add3A_4, %dma_start3A] : memref<10000x128xf32, #tpu.memory_space<vmem_shared>> -> memref<80x128xf32, #tpu.memory_space<vmem_shared>>
      %dma_start3A_136 = arith.constant 0 : i32
      %dma_start3A_137 = tpu.memref_slice %arg16[%add3A_4, %dma_start3A_136] : memref<10000x128xf32, #tpu.memory_space<vmem_shared>> -> memref<80x128xf32, #tpu.memory_space<vmem_shared>>
      tpu.enqueue_dma source(%arg12 : memref<80x128xf32, #tpu.memory_space<vmem>>) target(%dma_start3A_137 : memref<80x128xf32, #tpu.memory_space<vmem_shared>>) target_semaphore(%run_scoped3A : memref<!tpu.dma_semaphore, #tpu.memory_space<semaphore_mem>>)
      %dma_wait3A = arith.constant 0 : i32
      %dma_wait3A_138 = tpu.memref_slice %arg16[%add3A_4, %dma_wait3A] : memref<10000x128xf32, #tpu.memory_space<vmem_shared>> -> memref<80x128xf32, #tpu.memory_space<vmem_shared>>
      %dma_wait3A_139 = arith.constant 0 : i32
      %dma_wait3A_140 = tpu.memref_slice %arg16[%add3A_4, %dma_wait3A_139] : memref<10000x128xf32, #tpu.memory_space<vmem_shared>> -> memref<80x128xf32, #tpu.memory_space<vmem_shared>>
      tpu.wait_dma2 semaphore(%run_scoped3A : memref<!tpu.dma_semaphore, #tpu.memory_space<semaphore_mem>>) src(%arg12 : memref<80x128xf32, #tpu.memory_space<vmem>>) dst(%dma_wait3A_140 : memref<80x128xf32, #tpu.memory_space<vmem_shared>>)
      tpu.yield
    }) : () -> ()
    %add3A_5 = arith.constant 80 : i32
    %add3A_6 = arith.addi %mul3A_2, %add3A_5 : i32
    "tpu.region"() ({
      %run_scoped3A = tpu.sem_alloc : memref<!tpu.dma_semaphore, #tpu.memory_space<semaphore_mem>>
      %dma_start3A = arith.constant 0 : i32
      %dma_start3A_135 = tpu.memref_slice %arg16[%add3A_6, %dma_start3A] : memref<10000x128xf32, #tpu.memory_space<vmem_shared>> -> memref<80x128xf32, #tpu.memory_space<vmem_shared>>
      %dma_start3A_136 = arith.constant 0 : i32
      %dma_start3A_137 = tpu.memref_slice %arg16[%add3A_6, %dma_start3A_136] : memref<10000x128xf32, #tpu.memory_space<vmem_shared>> -> memref<80x128xf32, #tpu.memory_space<vmem_shared>>
      tpu.enqueue_dma source(%arg12 : memref<80x128xf32, #tpu.memory_space<vmem>>) target(%dma_start3A_137 : memref<80x128xf32, #tpu.memory_space<vmem_shared>>) target_semaphore(%run_scoped3A : memref<!tpu.dma_semaphore, #tpu.memory_space<semaphore_mem>>)
      %dma_wait3A = arith.constant 0 : i32
      %dma_wait3A_138 = tpu.memref_slice %arg16[%add3A_6, %dma_wait3A] : memref<10000x128xf32, #tpu.memory_space<vmem_shared>> -> memref<80x128xf32, #tpu.memory_space<vmem_shared>>
      %dma_wait3A_139 = arith.constant 0 : i32
      %dma_wait3A_140 = tpu.memref_slice %arg16[%add3A_6, %dma_wait3A_139] : memref<10000x128xf32, #tpu.memory_space<vmem_shared>> -> memref<80x128xf32, #tpu.memory_space<vmem_shared>>
      tpu.wait_dma2 semaphore(%run_scoped3A : memref<!tpu.dma_semaphore, #tpu.memory_space<semaphore_mem>>) src(%arg12 : memref<80x128xf32, #tpu.memory_space<vmem>>) dst(%dma_wait3A_140 : memref<80x128xf32, #tpu.memory_space<vmem_shared>>)
      tpu.yield
    }) : () -> ()
    %add3A_7 = arith.constant 160 : i32
    %add3A_8 = arith.addi %mul3A_2, %add3A_7 : i32
    "tpu.region"() ({
      %run_scoped3A = tpu.sem_alloc : memref<!tpu.dma_semaphore, #tpu.memory_space<semaphore_mem>>
      %dma_start3A = arith.constant 0 : i32
      %dma_start3A_135 = tpu.memref_slice %arg16[%add3A_8, %dma_start3A] : memref<10000x128xf32, #tpu.memory_space<vmem_shared>> -> memref<80x128xf32, #tpu.memory_space<vmem_shared>>
      %dma_start3A_136 = arith.constant 0 : i32
      %dma_start3A_137 = tpu.memref_slice %arg16[%add3A_8, %dma_start3A_136] : memref<10000x128xf32, #tpu.memory_space<vmem_shared>> -> memref<80x128xf32, #tpu.memory_space<vmem_shared>>
      tpu.enqueue_dma source(%arg12 : memref<80x128xf32, #tpu.memory_space<vmem>>) target(%dma_start3A_137 : memref<80x128xf32, #tpu.memory_space<vmem_shared>>) target_semaphore(%run_scoped3A : memref<!tpu.dma_semaphore, #tpu.memory_space<semaphore_mem>>)
      %dma_wait3A = arith.constant 0 : i32
      %dma_wait3A_138 = tpu.memref_slice %arg16[%add3A_8, %dma_wait3A] : memref<10000x128xf32, #tpu.memory_space<vmem_shared>> -> memref<80x128xf32, #tpu.memory_space<vmem_shared>>
      %dma_wait3A_139 = arith.constant 0 : i32
      %dma_wait3A_140 = tpu.memref_slice %arg16[%add3A_8, %dma_wait3A_139] : memref<10000x128xf32, #tpu.memory_space<vmem_shared>> -> memref<80x128xf32, #tpu.memory_space<vmem_shared>>
      tpu.wait_dma2 semaphore(%run_scoped3A : memref<!tpu.dma_semaphore, #tpu.memory_space<semaphore_mem>>) src(%arg12 : memref<80x128xf32, #tpu.memory_space<vmem>>) dst(%dma_wait3A_140 : memref<80x128xf32, #tpu.memory_space<vmem_shared>>)
      tpu.yield
    }) : () -> ()
    %add3A_9 = arith.constant 240 : i32
    %add3A_10 = arith.addi %mul3A_2, %add3A_9 : i32
    "tpu.region"() ({
      %run_scoped3A = tpu.sem_alloc : memref<!tpu.dma_semaphore, #tpu.memory_space<semaphore_mem>>
      %dma_start3A = arith.constant 0 : i32
      %dma_start3A_135 = tpu.memref_slice %arg16[%add3A_10, %dma_start3A] : memref<10000x128xf32, #tpu.memory_space<vmem_shared>> -> memref<80x128xf32, #tpu.memory_space<vmem_shared>>
      %dma_start3A_136 = arith.constant 0 : i32
      %dma_start3A_137 = tpu.memref_slice %arg16[%add3A_10, %dma_start3A_136] : memref<10000x128xf32, #tpu.memory_space<vmem_shared>> -> memref<80x128xf32, #tpu.memory_space<vmem_shared>>
      tpu.enqueue_dma source(%arg12 : memref<80x128xf32, #tpu.memory_space<vmem>>) target(%dma_start3A_137 : memref<80x128xf32, #tpu.memory_space<vmem_shared>>) target_semaphore(%run_scoped3A : memref<!tpu.dma_semaphore, #tpu.memory_space<semaphore_mem>>)
      %dma_wait3A = arith.constant 0 : i32
      %dma_wait3A_138 = tpu.memref_slice %arg16[%add3A_10, %dma_wait3A] : memref<10000x128xf32, #tpu.memory_space<vmem_shared>> -> memref<80x128xf32, #tpu.memory_space<vmem_shared>>
      %dma_wait3A_139 = arith.constant 0 : i32
      %dma_wait3A_140 = tpu.memref_slice %arg16[%add3A_10, %dma_wait3A_139] : memref<10000x128xf32, #tpu.memory_space<vmem_shared>> -> memref<80x128xf32, #tpu.memory_space<vmem_shared>>
      tpu.wait_dma2 semaphore(%run_scoped3A : memref<!tpu.dma_semaphore, #tpu.memory_space<semaphore_mem>>) src(%arg12 : memref<80x128xf32, #tpu.memory_space<vmem>>) dst(%dma_wait3A_140 : memref<80x128xf32, #tpu.memory_space<vmem_shared>>)
      tpu.yield
    }) : () -> ()
    %add3A_11 = arith.constant 320 : i32
    %add3A_12 = arith.addi %mul3A_2, %add3A_11 : i32
    "tpu.region"() ({
      %run_scoped3A = tpu.sem_alloc : memref<!tpu.dma_semaphore, #tpu.memory_space<semaphore_mem>>
      %dma_start3A = arith.constant 0 : i32
      %dma_start3A_135 = tpu.memref_slice %arg16[%add3A_12, %dma_start3A] : memref<10000x128xf32, #tpu.memory_space<vmem_shared>> -> memref<80x128xf32, #tpu.memory_space<vmem_shared>>
      %dma_start3A_136 = arith.constant 0 : i32
      %dma_start3A_137 = tpu.memref_slice %arg16[%add3A_12, %dma_start3A_136] : memref<10000x128xf32, #tpu.memory_space<vmem_shared>> -> memref<80x128xf32, #tpu.memory_space<vmem_shared>>
      tpu.enqueue_dma source(%arg12 : memref<80x128xf32, #tpu.memory_space<vmem>>) target(%dma_start3A_137 : memref<80x128xf32, #tpu.memory_space<vmem_shared>>) target_semaphore(%run_scoped3A : memref<!tpu.dma_semaphore, #tpu.memory_space<semaphore_mem>>)
      %dma_wait3A = arith.constant 0 : i32
      %dma_wait3A_138 = tpu.memref_slice %arg16[%add3A_12, %dma_wait3A] : memref<10000x128xf32, #tpu.memory_space<vmem_shared>> -> memref<80x128xf32, #tpu.memory_space<vmem_shared>>
      %dma_wait3A_139 = arith.constant 0 : i32
      %dma_wait3A_140 = tpu.memref_slice %arg16[%add3A_12, %dma_wait3A_139] : memref<10000x128xf32, #tpu.memory_space<vmem_shared>> -> memref<80x128xf32, #tpu.memory_space<vmem_shared>>
      tpu.wait_dma2 semaphore(%run_scoped3A : memref<!tpu.dma_semaphore, #tpu.memory_space<semaphore_mem>>) src(%arg12 : memref<80x128xf32, #tpu.memory_space<vmem>>) dst(%dma_wait3A_140 : memref<80x128xf32, #tpu.memory_space<vmem_shared>>)
      tpu.yield
    }) : () -> ()
    %add3A_13 = arith.constant 400 : i32
    %add3A_14 = arith.addi %mul3A_2, %add3A_13 : i32
    "tpu.region"() ({
      %run_scoped3A = tpu.sem_alloc : memref<!tpu.dma_semaphore, #tpu.memory_space<semaphore_mem>>
      %dma_start3A = arith.constant 0 : i32
      %dma_start3A_135 = tpu.memref_slice %arg16[%add3A_14, %dma_start3A] : memref<10000x128xf32, #tpu.memory_space<vmem_shared>> -> memref<80x128xf32, #tpu.memory_space<vmem_shared>>
      %dma_start3A_136 = arith.constant 0 : i32
      %dma_start3A_137 = tpu.memref_slice %arg16[%add3A_14, %dma_start3A_136] : memref<10000x128xf32, #tpu.memory_space<vmem_shared>> -> memref<80x128xf32, #tpu.memory_space<vmem_shared>>
      tpu.enqueue_dma source(%arg12 : memref<80x128xf32, #tpu.memory_space<vmem>>) target(%dma_start3A_137 : memref<80x128xf32, #tpu.memory_space<vmem_shared>>) target_semaphore(%run_scoped3A : memref<!tpu.dma_semaphore, #tpu.memory_space<semaphore_mem>>)
      %dma_wait3A = arith.constant 0 : i32
      %dma_wait3A_138 = tpu.memref_slice %arg16[%add3A_14, %dma_wait3A] : memref<10000x128xf32, #tpu.memory_space<vmem_shared>> -> memref<80x128xf32, #tpu.memory_space<vmem_shared>>
      %dma_wait3A_139 = arith.constant 0 : i32
      %dma_wait3A_140 = tpu.memref_slice %arg16[%add3A_14, %dma_wait3A_139] : memref<10000x128xf32, #tpu.memory_space<vmem_shared>> -> memref<80x128xf32, #tpu.memory_space<vmem_shared>>
      tpu.wait_dma2 semaphore(%run_scoped3A : memref<!tpu.dma_semaphore, #tpu.memory_space<semaphore_mem>>) src(%arg12 : memref<80x128xf32, #tpu.memory_space<vmem>>) dst(%dma_wait3A_140 : memref<80x128xf32, #tpu.memory_space<vmem_shared>>)
      tpu.yield
    }) : () -> ()
    %add3A_15 = arith.constant 480 : i32
    %add3A_16 = arith.addi %mul3A_2, %add3A_15 : i32
    "tpu.region"() ({
      %run_scoped3A = tpu.sem_alloc : memref<!tpu.dma_semaphore, #tpu.memory_space<semaphore_mem>>
      %dma_start3A = arith.constant 0 : i32
      %dma_start3A_135 = tpu.memref_slice %arg16[%add3A_16, %dma_start3A] : memref<10000x128xf32, #tpu.memory_space<vmem_shared>> -> memref<80x128xf32, #tpu.memory_space<vmem_shared>>
      %dma_start3A_136 = arith.constant 0 : i32
      %dma_start3A_137 = tpu.memref_slice %arg16[%add3A_16, %dma_start3A_136] : memref<10000x128xf32, #tpu.memory_space<vmem_shared>> -> memref<80x128xf32, #tpu.memory_space<vmem_shared>>
      tpu.enqueue_dma source(%arg12 : memref<80x128xf32, #tpu.memory_space<vmem>>) target(%dma_start3A_137 : memref<80x128xf32, #tpu.memory_space<vmem_shared>>) target_semaphore(%run_scoped3A : memref<!tpu.dma_semaphore, #tpu.memory_space<semaphore_mem>>)
      %dma_wait3A = arith.constant 0 : i32
      %dma_wait3A_138 = tpu.memref_slice %arg16[%add3A_16, %dma_wait3A] : memref<10000x128xf32, #tpu.memory_space<vmem_shared>> -> memref<80x128xf32, #tpu.memory_space<vmem_shared>>
      %dma_wait3A_139 = arith.constant 0 : i32
      %dma_wait3A_140 = tpu.memref_slice %arg16[%add3A_16, %dma_wait3A_139] : memref<10000x128xf32, #tpu.memory_space<vmem_shared>> -> memref<80x128xf32, #tpu.memory_space<vmem_shared>>
      tpu.wait_dma2 semaphore(%run_scoped3A : memref<!tpu.dma_semaphore, #tpu.memory_space<semaphore_mem>>) src(%arg12 : memref<80x128xf32, #tpu.memory_space<vmem>>) dst(%dma_wait3A_140 : memref<80x128xf32, #tpu.memory_space<vmem_shared>>)
      tpu.yield
    }) : () -> ()
    %add3A_17 = arith.constant 560 : i32
    %add3A_18 = arith.addi %mul3A_2, %add3A_17 : i32
    "tpu.region"() ({
      %run_scoped3A = tpu.sem_alloc : memref<!tpu.dma_semaphore, #tpu.memory_space<semaphore_mem>>
      %dma_start3A = arith.constant 0 : i32
      %dma_start3A_135 = tpu.memref_slice %arg16[%add3A_18, %dma_start3A] : memref<10000x128xf32, #tpu.memory_space<vmem_shared>> -> memref<80x128xf32, #tpu.memory_space<vmem_shared>>
      %dma_start3A_136 = arith.constant 0 : i32
      %dma_start3A_137 = tpu.memref_slice %arg16[%add3A_18, %dma_start3A_136] : memref<10000x128xf32, #tpu.memory_space<vmem_shared>> -> memref<80x128xf32, #tpu.memory_space<vmem_shared>>
      tpu.enqueue_dma source(%arg12 : memref<80x128xf32, #tpu.memory_space<vmem>>) target(%dma_start3A_137 : memref<80x128xf32, #tpu.memory_space<vmem_shared>>) target_semaphore(%run_scoped3A : memref<!tpu.dma_semaphore, #tpu.memory_space<semaphore_mem>>)
      %dma_wait3A = arith.constant 0 : i32
      %dma_wait3A_138 = tpu.memref_slice %arg16[%add3A_18, %dma_wait3A] : memref<10000x128xf32, #tpu.memory_space<vmem_shared>> -> memref<80x128xf32, #tpu.memory_space<vmem_shared>>
      %dma_wait3A_139 = arith.constant 0 : i32
      %dma_wait3A_140 = tpu.memref_slice %arg16[%add3A_18, %dma_wait3A_139] : memref<10000x128xf32, #tpu.memory_space<vmem_shared>> -> memref<80x128xf32, #tpu.memory_space<vmem_shared>>
      tpu.wait_dma2 semaphore(%run_scoped3A : memref<!tpu.dma_semaphore, #tpu.memory_space<semaphore_mem>>) src(%arg12 : memref<80x128xf32, #tpu.memory_space<vmem>>) dst(%dma_wait3A_140 : memref<80x128xf32, #tpu.memory_space<vmem_shared>>)
      tpu.yield
    }) : () -> ()
    "tpu.region"() ({
      %run_scoped3A = tpu.sem_alloc : memref<!tpu.dma_semaphore, #tpu.memory_space<semaphore_mem>>
      tpu.enqueue_dma source(%arg7 : memref<8x16xf32, #tpu.memory_space<hbm>>) target(%arg14 : memref<8x16xf32, #tpu.memory_space<vmem>>) target_semaphore(%run_scoped3A : memref<!tpu.dma_semaphore, #tpu.memory_space<semaphore_mem>>)
      tpu.wait_dma2 semaphore(%run_scoped3A : memref<!tpu.dma_semaphore, #tpu.memory_space<semaphore_mem>>) src(%arg7 : memref<8x16xf32, #tpu.memory_space<hbm>>) dst(%arg14 : memref<8x16xf32, #tpu.memory_space<vmem>>)
      tpu.yield
    }) : () -> ()
    "tpu.region"() ({
      %run_scoped3A = tpu.sem_alloc : memref<!tpu.dma_semaphore, #tpu.memory_space<semaphore_mem>>
      tpu.enqueue_dma source(%arg8 : memref<8x16xf32, #tpu.memory_space<hbm>>) target(%arg15 : memref<8x16xf32, #tpu.memory_space<vmem>>) target_semaphore(%run_scoped3A : memref<!tpu.dma_semaphore, #tpu.memory_space<semaphore_mem>>)
      tpu.wait_dma2 semaphore(%run_scoped3A : memref<!tpu.dma_semaphore, #tpu.memory_space<semaphore_mem>>) src(%arg8 : memref<8x16xf32, #tpu.memory_space<hbm>>) dst(%arg15 : memref<8x16xf32, #tpu.memory_space<vmem>>)
      tpu.yield
    }) : () -> ()
    %barrier3A = arith.constant 0 : index
    tpu.barrier barrier_id(%barrier3A)
    %get3A = arith.constant 0 : i32
    %get3A_19 = arith.index_cast %get3A : i32 to index
    %get3A_20 = arith.constant 0 : index
    %get3A_21 = tpu.vector_load %arg14[%get3A_19, %get3A_20] {strides = array<i32>} : memref<8x16xf32, #tpu.memory_space<vmem>>, vector<1x16xf32>,
    %get3A_22 = vector.shape_cast %get3A_21 : vector<1x16xf32> to vector<16xf32>
    %get3A_23 = arith.constant 1 : i32
    %get3A_24 = arith.index_cast %get3A_23 : i32 to index
    %get3A_25 = arith.constant 0 : index
    %get3A_26 = tpu.vector_load %arg14[%get3A_24, %get3A_25] {strides = array<i32>} : memref<8x16xf32, #tpu.memory_space<vmem>>, vector<1x16xf32>,
    %get3A_27 = vector.shape_cast %get3A_26 : vector<1x16xf32> to vector<16xf32>
    %get3A_28 = arith.constant 2 : i32
    %get3A_29 = arith.index_cast %get3A_28 : i32 to index
    %get3A_30 = arith.constant 0 : index
    %get3A_31 = tpu.vector_load %arg14[%get3A_29, %get3A_30] {strides = array<i32>} : memref<8x16xf32, #tpu.memory_space<vmem>>, vector<1x16xf32>,
    %get3A_32 = vector.shape_cast %get3A_31 : vector<1x16xf32> to vector<16xf32>
    %get3A_33 = arith.constant 3 : i32
    %get3A_34 = arith.index_cast %get3A_33 : i32 to index
    %get3A_35 = arith.constant 0 : index
    %get3A_36 = tpu.vector_load %arg14[%get3A_34, %get3A_35] {strides = array<i32>} : memref<8x16xf32, #tpu.memory_space<vmem>>, vector<1x16xf32>,
    %get3A_37 = vector.shape_cast %get3A_36 : vector<1x16xf32> to vector<16xf32>
    %get3A_38 = arith.constant 4 : i32
    %get3A_39 = arith.index_cast %get3A_38 : i32 to index
    %get3A_40 = arith.constant 0 : index
    %get3A_41 = tpu.vector_load %arg14[%get3A_39, %get3A_40] {strides = array<i32>} : memref<8x16xf32, #tpu.memory_space<vmem>>, vector<1x16xf32>,
    %get3A_42 = vector.shape_cast %get3A_41 : vector<1x16xf32> to vector<16xf32>
    %get3A_43 = arith.constant 5 : i32
    %get3A_44 = arith.index_cast %get3A_43 : i32 to index
    %get3A_45 = arith.constant 0 : index
    %get3A_46 = tpu.vector_load %arg14[%get3A_44, %get3A_45] {strides = array<i32>} : memref<8x16xf32, #tpu.memory_space<vmem>>, vector<1x16xf32>,
    %get3A_47 = vector.shape_cast %get3A_46 : vector<1x16xf32> to vector<16xf32>
    %get3A_48 = arith.constant 6 : i32
    %get3A_49 = arith.index_cast %get3A_48 : i32 to index
    %get3A_50 = arith.constant 0 : index
    %get3A_51 = tpu.vector_load %arg14[%get3A_49, %get3A_50] {strides = array<i32>} : memref<8x16xf32, #tpu.memory_space<vmem>>, vector<1x16xf32>,
    %get3A_52 = vector.shape_cast %get3A_51 : vector<1x16xf32> to vector<16xf32>
    %get3A_53 = arith.constant 7 : i32
    %get3A_54 = arith.index_cast %get3A_53 : i32 to index
    %get3A_55 = arith.constant 0 : index
    %get3A_56 = tpu.vector_load %arg14[%get3A_54, %get3A_55] {strides = array<i32>} : memref<8x16xf32, #tpu.memory_space<vmem>>, vector<1x16xf32>,
    %get3A_57 = vector.shape_cast %get3A_56 : vector<1x16xf32> to vector<16xf32>
    %get3A_58 = arith.constant 0 : i32
    %get3A_59 = arith.index_cast %get3A_58 : i32 to index
    %get3A_60 = arith.constant 0 : index
    %get3A_61 = tpu.vector_load %arg15[%get3A_59, %get3A_60] {strides = array<i32>} : memref<8x16xf32, #tpu.memory_space<vmem>>, vector<1x16xf32>,
    %get3A_62 = vector.shape_cast %get3A_61 : vector<1x16xf32> to vector<16xf32>
    %get3A_63 = arith.constant 1 : i32
    %get3A_64 = arith.index_cast %get3A_63 : i32 to index
    %get3A_65 = arith.constant 0 : index
    %get3A_66 = tpu.vector_load %arg15[%get3A_64, %get3A_65] {strides = array<i32>} : memref<8x16xf32, #tpu.memory_space<vmem>>, vector<1x16xf32>,
    %get3A_67 = vector.shape_cast %get3A_66 : vector<1x16xf32> to vector<16xf32>
    %get3A_68 = arith.constant 2 : i32
    %get3A_69 = arith.index_cast %get3A_68 : i32 to index
    %get3A_70 = arith.constant 0 : index
    %get3A_71 = tpu.vector_load %arg15[%get3A_69, %get3A_70] {strides = array<i32>} : memref<8x16xf32, #tpu.memory_space<vmem>>, vector<1x16xf32>,
    %get3A_72 = vector.shape_cast %get3A_71 : vector<1x16xf32> to vector<16xf32>
    %get3A_73 = arith.constant 3 : i32
    %get3A_74 = arith.index_cast %get3A_73 : i32 to index
    %get3A_75 = arith.constant 0 : index
    %get3A_76 = tpu.vector_load %arg15[%get3A_74, %get3A_75] {strides = array<i32>} : memref<8x16xf32, #tpu.memory_space<vmem>>, vector<1x16xf32>,
    %get3A_77 = vector.shape_cast %get3A_76 : vector<1x16xf32> to vector<16xf32>
    %get3A_78 = arith.constant 4 : i32
    %get3A_79 = arith.index_cast %get3A_78 : i32 to index
    %get3A_80 = arith.constant 0 : index
    %get3A_81 = tpu.vector_load %arg15[%get3A_79, %get3A_80] {strides = array<i32>} : memref<8x16xf32, #tpu.memory_space<vmem>>, vector<1x16xf32>,
    %get3A_82 = vector.shape_cast %get3A_81 : vector<1x16xf32> to vector<16xf32>
    %get3A_83 = arith.constant 5 : i32
    %get3A_84 = arith.index_cast %get3A_83 : i32 to index
    %get3A_85 = arith.constant 0 : index
    %get3A_86 = tpu.vector_load %arg15[%get3A_84, %get3A_85] {strides = array<i32>} : memref<8x16xf32, #tpu.memory_space<vmem>>, vector<1x16xf32>,
    %get3A_87 = vector.shape_cast %get3A_86 : vector<1x16xf32> to vector<16xf32>
    %get3A_88 = arith.constant 6 : i32
    %get3A_89 = arith.index_cast %get3A_88 : i32 to index
    %get3A_90 = arith.constant 0 : index
    %get3A_91 = tpu.vector_load %arg15[%get3A_89, %get3A_90] {strides = array<i32>} : memref<8x16xf32, #tpu.memory_space<vmem>>, vector<1x16xf32>,
    %get3A_92 = vector.shape_cast %get3A_91 : vector<1x16xf32> to vector<16xf32>
    %get3A_93 = arith.constant 7 : i32
    %get3A_94 = arith.index_cast %get3A_93 : i32 to index
    %get3A_95 = arith.constant 0 : index
    %get3A_96 = tpu.vector_load %arg15[%get3A_94, %get3A_95] {strides = array<i32>} : memref<8x16xf32, #tpu.memory_space<vmem>>, vector<1x16xf32>,
    %get3A_97 = vector.shape_cast %get3A_96 : vector<1x16xf32> to vector<16xf32>
    %scan3A = arith.constant 0 : i32
    %scan3A_98 = arith.constant 5 : i32
    %scan3A_99 = arith.addi %scan3A, %scan3A_98 : i32
    %scan3A_100 = arith.constant 1 : i32
    scf.for %scan3A_135 = %scan3A to %scan3A_99 step %scan3A_100  : i32 {
      "tpu.region"() ({
        %run_scoped3A = tpu.sem_alloc : memref<!tpu.dma_semaphore, #tpu.memory_space<semaphore_mem>>
        %dma_start3A = arith.constant 0 : i32
        %dma_start3A_141 = arith.constant 0 : i32
        %dma_start3A_142 = tpu.memref_slice %arg4[%add3A, %scan3A_135, %dma_start3A, %dma_start3A_141] : memref<32x5x25x80xi32, #tpu.memory_space<hbm>> -> memref<1x1x25x80xi32, #tpu.memory_space<hbm>>
        %dma_start3A_143 = tpu.memref_squeeze %dma_start3A_142 : memref<1x1x25x80xi32, #tpu.memory_space<hbm>> -> memref<25x80xi32, #tpu.memory_space<hbm>>
        %dma_start3A_144 = arith.constant 0 : i32
        %dma_start3A_145 = arith.constant 0 : i32
        %dma_start3A_146 = tpu.memref_slice %arg4[%add3A, %scan3A_135, %dma_start3A_144, %dma_start3A_145] : memref<32x5x25x80xi32, #tpu.memory_space<hbm>> -> memref<1x1x25x80xi32, #tpu.memory_space<hbm>>
        %dma_start3A_147 = tpu.memref_squeeze %dma_start3A_146 : memref<1x1x25x80xi32, #tpu.memory_space<hbm>> -> memref<25x80xi32, #tpu.memory_space<hbm>>
        tpu.enqueue_dma source(%dma_start3A_147 : memref<25x80xi32, #tpu.memory_space<hbm>>) target(%arg10 : memref<25x80xi32, #tpu.memory_space<vmem>>) target_semaphore(%run_scoped3A : memref<!tpu.dma_semaphore, #tpu.memory_space<semaphore_mem>>)
        %dma_wait3A = arith.constant 0 : i32
        %dma_wait3A_148 = arith.constant 0 : i32
        %dma_wait3A_149 = tpu.memref_slice %arg4[%add3A, %scan3A_135, %dma_wait3A, %dma_wait3A_148] : memref<32x5x25x80xi32, #tpu.memory_space<hbm>> -> memref<1x1x25x80xi32, #tpu.memory_space<hbm>>
        %dma_wait3A_150 = tpu.memref_squeeze %dma_wait3A_149 : memref<1x1x25x80xi32, #tpu.memory_space<hbm>> -> memref<25x80xi32, #tpu.memory_space<hbm>>
        %dma_wait3A_151 = arith.constant 0 : i32
        %dma_wait3A_152 = arith.constant 0 : i32
        %dma_wait3A_153 = tpu.memref_slice %arg4[%add3A, %scan3A_135, %dma_wait3A_151, %dma_wait3A_152] : memref<32x5x25x80xi32, #tpu.memory_space<hbm>> -> memref<1x1x25x80xi32, #tpu.memory_space<hbm>>
        %dma_wait3A_154 = tpu.memref_squeeze %dma_wait3A_153 : memref<1x1x25x80xi32, #tpu.memory_space<hbm>> -> memref<25x80xi32, #tpu.memory_space<hbm>>
        tpu.wait_dma2 semaphore(%run_scoped3A : memref<!tpu.dma_semaphore, #tpu.memory_space<semaphore_mem>>) src(%dma_wait3A_154 : memref<25x80xi32, #tpu.memory_space<hbm>>) dst(%arg10 : memref<25x80xi32, #tpu.memory_space<vmem>>)
        tpu.yield
      }) : () -> ()
      "tpu.region"() ({
        %run_scoped3A = tpu.sem_alloc : memref<!tpu.dma_semaphore, #tpu.memory_space<semaphore_mem>>
        %dma_start3A = arith.constant 0 : i32
        %dma_start3A_141 = arith.constant 0 : i32
        %dma_start3A_142 = tpu.memref_slice %arg5[%add3A, %scan3A_135, %dma_start3A, %dma_start3A_141] : memref<32x5x25x80xi32, #tpu.memory_space<hbm>> -> memref<1x1x25x80xi32, #tpu.memory_space<hbm>>
        %dma_start3A_143 = tpu.memref_squeeze %dma_start3A_142 : memref<1x1x25x80xi32, #tpu.memory_space<hbm>> -> memref<25x80xi32, #tpu.memory_space<hbm>>
        %dma_start3A_144 = arith.constant 0 : i32
        %dma_start3A_145 = arith.constant 0 : i32
        %dma_start3A_146 = tpu.memref_slice %arg5[%add3A, %scan3A_135, %dma_start3A_144, %dma_start3A_145] : memref<32x5x25x80xi32, #tpu.memory_space<hbm>> -> memref<1x1x25x80xi32, #tpu.memory_space<hbm>>
        %dma_start3A_147 = tpu.memref_squeeze %dma_start3A_146 : memref<1x1x25x80xi32, #tpu.memory_space<hbm>> -> memref<25x80xi32, #tpu.memory_space<hbm>>
        tpu.enqueue_dma source(%dma_start3A_147 : memref<25x80xi32, #tpu.memory_space<hbm>>) target(%arg11 : memref<25x80xi32, #tpu.memory_space<vmem>>) target_semaphore(%run_scoped3A : memref<!tpu.dma_semaphore, #tpu.memory_space<semaphore_mem>>)
        %dma_wait3A = arith.constant 0 : i32
        %dma_wait3A_148 = arith.constant 0 : i32
        %dma_wait3A_149 = tpu.memref_slice %arg5[%add3A, %scan3A_135, %dma_wait3A, %dma_wait3A_148] : memref<32x5x25x80xi32, #tpu.memory_space<hbm>> -> memref<1x1x25x80xi32, #tpu.memory_space<hbm>>
        %dma_wait3A_150 = tpu.memref_squeeze %dma_wait3A_149 : memref<1x1x25x80xi32, #tpu.memory_space<hbm>> -> memref<25x80xi32, #tpu.memory_space<hbm>>
        %dma_wait3A_151 = arith.constant 0 : i32
        %dma_wait3A_152 = arith.constant 0 : i32
        %dma_wait3A_153 = tpu.memref_slice %arg5[%add3A, %scan3A_135, %dma_wait3A_151, %dma_wait3A_152] : memref<32x5x25x80xi32, #tpu.memory_space<hbm>> -> memref<1x1x25x80xi32, #tpu.memory_space<hbm>>
        %dma_wait3A_154 = tpu.memref_squeeze %dma_wait3A_153 : memref<1x1x25x80xi32, #tpu.memory_space<hbm>> -> memref<25x80xi32, #tpu.memory_space<hbm>>
        tpu.wait_dma2 semaphore(%run_scoped3A : memref<!tpu.dma_semaphore, #tpu.memory_space<semaphore_mem>>) src(%dma_wait3A_154 : memref<25x80xi32, #tpu.memory_space<hbm>>) dst(%arg11 : memref<25x80xi32, #tpu.memory_space<vmem>>)
        tpu.yield
      }) : () -> ()
      %scan3A_136 = arith.constant 0 : i32
      %scan3A_137 = arith.constant 25 : i32
      %scan3A_138 = arith.addi %scan3A_136, %scan3A_137 : i32
      %scan3A_139 = arith.constant 1 : i32
      scf.for %scan3A_141 = %scan3A_136 to %scan3A_138 step %scan3A_139  : i32 {
        %dma_start3A = arith.constant 0 : i32
        %dma_start3A_142 = tpu.memref_slice %arg10[%scan3A_141, %dma_start3A] : memref<25x80xi32, #tpu.memory_space<vmem>> -> memref<1x80xi32, #tpu.memory_space<vmem>>
        %dma_start3A_143 = tpu.memref_squeeze %dma_start3A_142 : memref<1x80xi32, #tpu.memory_space<vmem>> -> memref<80xi32, #tpu.memory_space<vmem>>
        %dma_start3A_144 = arith.constant 0 : i32
        %dma_start3A_145 = arith.constant 0 : i32
        %dma_start3A_146 = tpu.memref_slice %arg2[%dma_start3A_144, %dma_start3A_145] : memref<10000x128xf32, #tpu.memory_space<hbm>> -> memref<10000x128xf32, #tpu.memory_space<hbm>>
        tpu.enqueue_indirect_dma source(%dma_start3A_146 : memref<10000x128xf32, #tpu.memory_space<hbm>>) target(%arg12 : memref<80x128xf32, #tpu.memory_space<vmem>>) offsets(%dma_start3A_143 : memref<80xi32, #tpu.memory_space<vmem>>) semaphore(%arg17 : memref<!tpu.dma_semaphore, #tpu.memory_space<semaphore_mem>>)
        %dma_start3A_147 = arith.constant 0 : i32
        %dma_start3A_148 = tpu.memref_slice %arg11[%scan3A_141, %dma_start3A_147] : memref<25x80xi32, #tpu.memory_space<vmem>> -> memref<1x80xi32, #tpu.memory_space<vmem>>
        %dma_start3A_149 = tpu.memref_squeeze %dma_start3A_148 : memref<1x80xi32, #tpu.memory_space<vmem>> -> memref<80xi32, #tpu.memory_space<vmem>>
        %dma_start3A_150 = arith.constant 0 : i32
        %dma_start3A_151 = arith.constant 0 : i32
        %dma_start3A_152 = tpu.memref_slice %arg3[%dma_start3A_150, %dma_start3A_151] : memref<10000x128xf32, #tpu.memory_space<hbm>> -> memref<10000x128xf32, #tpu.memory_space<hbm>>
        tpu.enqueue_indirect_dma source(%dma_start3A_152 : memref<10000x128xf32, #tpu.memory_space<hbm>>) target(%arg13 : memref<80x128xf32, #tpu.memory_space<vmem>>) offsets(%dma_start3A_149 : memref<80xi32, #tpu.memory_space<vmem>>) semaphore(%arg18 : memref<!tpu.dma_semaphore, #tpu.memory_space<semaphore_mem>>)
        %dma_wait3A = arith.constant 0 : i32
        %dma_wait3A_153 = tpu.memref_slice %arg10[%scan3A_141, %dma_wait3A] : memref<25x80xi32, #tpu.memory_space<vmem>> -> memref<1x80xi32, #tpu.memory_space<vmem>>
        %dma_wait3A_154 = tpu.memref_squeeze %dma_wait3A_153 : memref<1x80xi32, #tpu.memory_space<vmem>> -> memref<80xi32, #tpu.memory_space<vmem>>
        %dma_wait3A_155 = arith.constant 0 : i32
        %dma_wait3A_156 = arith.constant 0 : i32
        %dma_wait3A_157 = tpu.memref_slice %arg2[%dma_wait3A_155, %dma_wait3A_156] : memref<10000x128xf32, #tpu.memory_space<hbm>> -> memref<10000x128xf32, #tpu.memory_space<hbm>>
        tpu.wait_indirect_dma semaphore(%arg17 : memref<!tpu.dma_semaphore, #tpu.memory_space<semaphore_mem>>) src(%dma_wait3A_157 : memref<10000x128xf32, #tpu.memory_space<hbm>>) dst(%arg12 : memref<80x128xf32, #tpu.memory_space<vmem>>)
        %dma_wait3A_158 = arith.constant 0 : i32
        %dma_wait3A_159 = tpu.memref_slice %arg11[%scan3A_141, %dma_wait3A_158] : memref<25x80xi32, #tpu.memory_space<vmem>> -> memref<1x80xi32, #tpu.memory_space<vmem>>
        %dma_wait3A_160 = tpu.memref_squeeze %dma_wait3A_159 : memref<1x80xi32, #tpu.memory_space<vmem>> -> memref<80xi32, #tpu.memory_space<vmem>>
        %dma_wait3A_161 = arith.constant 0 : i32
        %dma_wait3A_162 = arith.constant 0 : i32
        %dma_wait3A_163 = tpu.memref_slice %arg3[%dma_wait3A_161, %dma_wait3A_162] : memref<10000x128xf32, #tpu.memory_space<hbm>> -> memref<10000x128xf32, #tpu.memory_space<hbm>>
        tpu.wait_indirect_dma semaphore(%arg18 : memref<!tpu.dma_semaphore, #tpu.memory_space<semaphore_mem>>) src(%dma_wait3A_163 : memref<10000x128xf32, #tpu.memory_space<hbm>>) dst(%arg13 : memref<80x128xf32, #tpu.memory_space<vmem>>)
        %scan3A_164 = arith.constant 0 : i32
        %scan3A_165 = arith.constant 80 : i32
        %scan3A_166 = arith.addi %scan3A_164, %scan3A_165 : i32
        %scan3A_167 = arith.constant 1 : i32
        scf.for %scan3A_169 = %scan3A_164 to %scan3A_166 step %scan3A_167  : i32 {
          %broadcast_in_dim3A = arith.constant 0.000000e+00 : f32
          %broadcast_in_dim3A_170 = vector.broadcast %broadcast_in_dim3A : f32 to vector<16xf32>
          %broadcast_in_dim3A_171 = arith.constant 0.000000e+00 : f32
          %broadcast_in_dim3A_172 = vector.broadcast %broadcast_in_dim3A_171 : f32 to vector<16xf32>
          %get3A_173 = arith.index_cast %scan3A_169 : i32 to index
          %get3A_174 = arith.constant 0 : index
          %get3A_175 = tpu.vector_load %arg12[%get3A_173, %get3A_174] {strides = array<i32>} : memref<80x128xf32, #tpu.memory_space<vmem>>, vector<1x16xf32>,
          %get3A_176 = vector.shape_cast %get3A_175 : vector<1x16xf32> to vector<16xf32>
          %get3A_177 = arith.index_cast %scan3A_169 : i32 to index
          %get3A_178 = arith.constant 0 : index
          %get3A_179 = tpu.vector_load %arg13[%get3A_177, %get3A_178] {strides = array<i32>} : memref<80x128xf32, #tpu.memory_space<vmem>>, vector<1x16xf32>,
          %get3A_180 = vector.shape_cast %get3A_179 : vector<1x16xf32> to vector<16xf32>
          %add3A_181 = arith.addf %get3A_176, %get3A_180 : vector<16xf32>
          %max3A = arith.constant 0.000000e+00 : f32
          %max3A_182 = vector.broadcast %max3A : f32 to vector<16xf32>
          %max3A_183 = arith.maximumf %add3A_181, %max3A_182 : vector<16xf32>
          %swap3A = arith.index_cast %scan3A_169 : i32 to index
          %swap3A_184 = arith.constant 0 : index
          %swap3A_185 = tpu.vector_load %arg12[%swap3A, %swap3A_184] {strides = array<i32>} : memref<80x128xf32, #tpu.memory_space<vmem>>, vector<1x16xf32>,
          %swap3A_186 = vector.shape_cast %swap3A_185 : vector<1x16xf32> to vector<16xf32>
          %swap3A_187 = vector.shape_cast %max3A_183 : vector<16xf32> to vector<1x16xf32>
          tpu.vector_store %arg12[%swap3A, %swap3A_184], %swap3A_187 {strides = array<i32>} : memref<80x128xf32, #tpu.memory_space<vmem>>, vector<1x16xf32>,
          %add3A_188 = arith.addf %broadcast_in_dim3A_170, %max3A_183 : vector<16xf32>
          %mul3A_189 = arith.mulf %max3A_183, %max3A_183 : vector<16xf32>
          %add3A_190 = arith.addf %broadcast_in_dim3A_172, %mul3A_189 : vector<16xf32>
          %get3A_191 = arith.index_cast %scan3A_169 : i32 to index
          %get3A_192 = arith.constant 16 : index
          %get3A_193 = tpu.vector_load %arg12[%get3A_191, %get3A_192] {strides = array<i32>} : memref<80x128xf32, #tpu.memory_space<vmem>>, vector<1x16xf32>,
          %get3A_194 = vector.shape_cast %get3A_193 : vector<1x16xf32> to vector<16xf32>
          %get3A_195 = arith.index_cast %scan3A_169 : i32 to index
          %get3A_196 = arith.constant 16 : index
          %get3A_197 = tpu.vector_load %arg13[%get3A_195, %get3A_196] {strides = array<i32>} : memref<80x128xf32, #tpu.memory_space<vmem>>, vector<1x16xf32>,
          %get3A_198 = vector.shape_cast %get3A_197 : vector<1x16xf32> to vector<16xf32>
          %add3A_199 = arith.addf %get3A_194, %get3A_198 : vector<16xf32>
          %max3A_200 = arith.constant 0.000000e+00 : f32
          %max3A_201 = vector.broadcast %max3A_200 : f32 to vector<16xf32>
          %max3A_202 = arith.maximumf %add3A_199, %max3A_201 : vector<16xf32>
          %swap3A_203 = arith.index_cast %scan3A_169 : i32 to index
          %swap3A_204 = arith.constant 16 : index
          %swap3A_205 = tpu.vector_load %arg12[%swap3A_203, %swap3A_204] {strides = array<i32>} : memref<80x128xf32, #tpu.memory_space<vmem>>, vector<1x16xf32>,
          %swap3A_206 = vector.shape_cast %swap3A_205 : vector<1x16xf32> to vector<16xf32>
          %swap3A_207 = vector.shape_cast %max3A_202 : vector<16xf32> to vector<1x16xf32>
          tpu.vector_store %arg12[%swap3A_203, %swap3A_204], %swap3A_207 {strides = array<i32>} : memref<80x128xf32, #tpu.memory_space<vmem>>, vector<1x16xf32>,
          %add3A_208 = arith.addf %add3A_188, %max3A_202 : vector<16xf32>
          %mul3A_209 = arith.mulf %max3A_202, %max3A_202 : vector<16xf32>
          %add3A_210 = arith.addf %add3A_190, %mul3A_209 : vector<16xf32>
          %get3A_211 = arith.index_cast %scan3A_169 : i32 to index
          %get3A_212 = arith.constant 32 : index
          %get3A_213 = tpu.vector_load %arg12[%get3A_211, %get3A_212] {strides = array<i32>} : memref<80x128xf32, #tpu.memory_space<vmem>>, vector<1x16xf32>,
          %get3A_214 = vector.shape_cast %get3A_213 : vector<1x16xf32> to vector<16xf32>
          %get3A_215 = arith.index_cast %scan3A_169 : i32 to index
          %get3A_216 = arith.constant 32 : index
          %get3A_217 = tpu.vector_load %arg13[%get3A_215, %get3A_216] {strides = array<i32>} : memref<80x128xf32, #tpu.memory_space<vmem>>, vector<1x16xf32>,
          %get3A_218 = vector.shape_cast %get3A_217 : vector<1x16xf32> to vector<16xf32>
          %add3A_219 = arith.addf %get3A_214, %get3A_218 : vector<16xf32>
          %max3A_220 = arith.constant 0.000000e+00 : f32
          %max3A_221 = vector.broadcast %max3A_220 : f32 to vector<16xf32>
          %max3A_222 = arith.maximumf %add3A_219, %max3A_221 : vector<16xf32>
          %swap3A_223 = arith.index_cast %scan3A_169 : i32 to index
          %swap3A_224 = arith.constant 32 : index
          %swap3A_225 = tpu.vector_load %arg12[%swap3A_223, %swap3A_224] {strides = array<i32>} : memref<80x128xf32, #tpu.memory_space<vmem>>, vector<1x16xf32>,
          %swap3A_226 = vector.shape_cast %swap3A_225 : vector<1x16xf32> to vector<16xf32>
          %swap3A_227 = vector.shape_cast %max3A_222 : vector<16xf32> to vector<1x16xf32>
          tpu.vector_store %arg12[%swap3A_223, %swap3A_224], %swap3A_227 {strides = array<i32>} : memref<80x128xf32, #tpu.memory_space<vmem>>, vector<1x16xf32>,
          %add3A_228 = arith.addf %add3A_208, %max3A_222 : vector<16xf32>
          %mul3A_229 = arith.mulf %max3A_222, %max3A_222 : vector<16xf32>
          %add3A_230 = arith.addf %add3A_210, %mul3A_229 : vector<16xf32>
          %get3A_231 = arith.index_cast %scan3A_169 : i32 to index
          %get3A_232 = arith.constant 48 : index
          %get3A_233 = tpu.vector_load %arg12[%get3A_231, %get3A_232] {strides = array<i32>} : memref<80x128xf32, #tpu.memory_space<vmem>>, vector<1x16xf32>,
          %get3A_234 = vector.shape_cast %get3A_233 : vector<1x16xf32> to vector<16xf32>
          %get3A_235 = arith.index_cast %scan3A_169 : i32 to index
          %get3A_236 = arith.constant 48 : index
          %get3A_237 = tpu.vector_load %arg13[%get3A_235, %get3A_236] {strides = array<i32>} : memref<80x128xf32, #tpu.memory_space<vmem>>, vector<1x16xf32>,
          %get3A_238 = vector.shape_cast %get3A_237 : vector<1x16xf32> to vector<16xf32>
          %add3A_239 = arith.addf %get3A_234, %get3A_238 : vector<16xf32>
          %max3A_240 = arith.constant 0.000000e+00 : f32
          %max3A_241 = vector.broadcast %max3A_240 : f32 to vector<16xf32>
          %max3A_242 = arith.maximumf %add3A_239, %max3A_241 : vector<16xf32>
          %swap3A_243 = arith.index_cast %scan3A_169 : i32 to index
          %swap3A_244 = arith.constant 48 : index
          %swap3A_245 = tpu.vector_load %arg12[%swap3A_243, %swap3A_244] {strides = array<i32>} : memref<80x128xf32, #tpu.memory_space<vmem>>, vector<1x16xf32>,
          %swap3A_246 = vector.shape_cast %swap3A_245 : vector<1x16xf32> to vector<16xf32>
          %swap3A_247 = vector.shape_cast %max3A_242 : vector<16xf32> to vector<1x16xf32>
          tpu.vector_store %arg12[%swap3A_243, %swap3A_244], %swap3A_247 {strides = array<i32>} : memref<80x128xf32, #tpu.memory_space<vmem>>, vector<1x16xf32>,
          %add3A_248 = arith.addf %add3A_228, %max3A_242 : vector<16xf32>
          %mul3A_249 = arith.mulf %max3A_242, %max3A_242 : vector<16xf32>
          %add3A_250 = arith.addf %add3A_230, %mul3A_249 : vector<16xf32>
          %get3A_251 = arith.index_cast %scan3A_169 : i32 to index
          %get3A_252 = arith.constant 64 : index
          %get3A_253 = tpu.vector_load %arg12[%get3A_251, %get3A_252] {strides = array<i32>} : memref<80x128xf32, #tpu.memory_space<vmem>>, vector<1x16xf32>,
          %get3A_254 = vector.shape_cast %get3A_253 : vector<1x16xf32> to vector<16xf32>
          %get3A_255 = arith.index_cast %scan3A_169 : i32 to index
          %get3A_256 = arith.constant 64 : index
          %get3A_257 = tpu.vector_load %arg13[%get3A_255, %get3A_256] {strides = array<i32>} : memref<80x128xf32, #tpu.memory_space<vmem>>, vector<1x16xf32>,
          %get3A_258 = vector.shape_cast %get3A_257 : vector<1x16xf32> to vector<16xf32>
          %add3A_259 = arith.addf %get3A_254, %get3A_258 : vector<16xf32>
          %max3A_260 = arith.constant 0.000000e+00 : f32
          %max3A_261 = vector.broadcast %max3A_260 : f32 to vector<16xf32>
          %max3A_262 = arith.maximumf %add3A_259, %max3A_261 : vector<16xf32>
          %swap3A_263 = arith.index_cast %scan3A_169 : i32 to index
          %swap3A_264 = arith.constant 64 : index
          %swap3A_265 = tpu.vector_load %arg12[%swap3A_263, %swap3A_264] {strides = array<i32>} : memref<80x128xf32, #tpu.memory_space<vmem>>, vector<1x16xf32>,
          %swap3A_266 = vector.shape_cast %swap3A_265 : vector<1x16xf32> to vector<16xf32>
          %swap3A_267 = vector.shape_cast %max3A_262 : vector<16xf32> to vector<1x16xf32>
          tpu.vector_store %arg12[%swap3A_263, %swap3A_264], %swap3A_267 {strides = array<i32>} : memref<80x128xf32, #tpu.memory_space<vmem>>, vector<1x16xf32>,
          %add3A_268 = arith.addf %add3A_248, %max3A_262 : vector<16xf32>
          %mul3A_269 = arith.mulf %max3A_262, %max3A_262 : vector<16xf32>
          %add3A_270 = arith.addf %add3A_250, %mul3A_269 : vector<16xf32>
          %get3A_271 = arith.index_cast %scan3A_169 : i32 to index
          %get3A_272 = arith.constant 80 : index
          %get3A_273 = tpu.vector_load %arg12[%get3A_271, %get3A_272] {strides = array<i32>} : memref<80x128xf32, #tpu.memory_space<vmem>>, vector<1x16xf32>,
          %get3A_274 = vector.shape_cast %get3A_273 : vector<1x16xf32> to vector<16xf32>
          %get3A_275 = arith.index_cast %scan3A_169 : i32 to index
          %get3A_276 = arith.constant 80 : index
          %get3A_277 = tpu.vector_load %arg13[%get3A_275, %get3A_276] {strides = array<i32>} : memref<80x128xf32, #tpu.memory_space<vmem>>, vector<1x16xf32>,
          %get3A_278 = vector.shape_cast %get3A_277 : vector<1x16xf32> to vector<16xf32>
          %add3A_279 = arith.addf %get3A_274, %get3A_278 : vector<16xf32>
          %max3A_280 = arith.constant 0.000000e+00 : f32
          %max3A_281 = vector.broadcast %max3A_280 : f32 to vector<16xf32>
          %max3A_282 = arith.maximumf %add3A_279, %max3A_281 : vector<16xf32>
          %swap3A_283 = arith.index_cast %scan3A_169 : i32 to index
          %swap3A_284 = arith.constant 80 : index
          %swap3A_285 = tpu.vector_load %arg12[%swap3A_283, %swap3A_284] {strides = array<i32>} : memref<80x128xf32, #tpu.memory_space<vmem>>, vector<1x16xf32>,
          %swap3A_286 = vector.shape_cast %swap3A_285 : vector<1x16xf32> to vector<16xf32>
          %swap3A_287 = vector.shape_cast %max3A_282 : vector<16xf32> to vector<1x16xf32>
          tpu.vector_store %arg12[%swap3A_283, %swap3A_284], %swap3A_287 {strides = array<i32>} : memref<80x128xf32, #tpu.memory_space<vmem>>, vector<1x16xf32>,
          %add3A_288 = arith.addf %add3A_268, %max3A_282 : vector<16xf32>
          %mul3A_289 = arith.mulf %max3A_282, %max3A_282 : vector<16xf32>
          %add3A_290 = arith.addf %add3A_270, %mul3A_289 : vector<16xf32>
          %get3A_291 = arith.index_cast %scan3A_169 : i32 to index
          %get3A_292 = arith.constant 96 : index
          %get3A_293 = tpu.vector_load %arg12[%get3A_291, %get3A_292] {strides = array<i32>} : memref<80x128xf32, #tpu.memory_space<vmem>>, vector<1x16xf32>,
          %get3A_294 = vector.shape_cast %get3A_293 : vector<1x16xf32> to vector<16xf32>
          %get3A_295 = arith.index_cast %scan3A_169 : i32 to index
          %get3A_296 = arith.constant 96 : index
          %get3A_297 = tpu.vector_load %arg13[%get3A_295, %get3A_296] {strides = array<i32>} : memref<80x128xf32, #tpu.memory_space<vmem>>, vector<1x16xf32>,
          %get3A_298 = vector.shape_cast %get3A_297 : vector<1x16xf32> to vector<16xf32>
          %add3A_299 = arith.addf %get3A_294, %get3A_298 : vector<16xf32>
          %max3A_300 = arith.constant 0.000000e+00 : f32
          %max3A_301 = vector.broadcast %max3A_300 : f32 to vector<16xf32>
          %max3A_302 = arith.maximumf %add3A_299, %max3A_301 : vector<16xf32>
          %swap3A_303 = arith.index_cast %scan3A_169 : i32 to index
          %swap3A_304 = arith.constant 96 : index
          %swap3A_305 = tpu.vector_load %arg12[%swap3A_303, %swap3A_304] {strides = array<i32>} : memref<80x128xf32, #tpu.memory_space<vmem>>, vector<1x16xf32>,
          %swap3A_306 = vector.shape_cast %swap3A_305 : vector<1x16xf32> to vector<16xf32>
          %swap3A_307 = vector.shape_cast %max3A_302 : vector<16xf32> to vector<1x16xf32>
          tpu.vector_store %arg12[%swap3A_303, %swap3A_304], %swap3A_307 {strides = array<i32>} : memref<80x128xf32, #tpu.memory_space<vmem>>, vector<1x16xf32>,
          %add3A_308 = arith.addf %add3A_288, %max3A_302 : vector<16xf32>
          %mul3A_309 = arith.mulf %max3A_302, %max3A_302 : vector<16xf32>
          %add3A_310 = arith.addf %add3A_290, %mul3A_309 : vector<16xf32>
          %get3A_311 = arith.index_cast %scan3A_169 : i32 to index
          %get3A_312 = arith.constant 112 : index
          %get3A_313 = tpu.vector_load %arg12[%get3A_311, %get3A_312] {strides = array<i32>} : memref<80x128xf32, #tpu.memory_space<vmem>>, vector<1x16xf32>,
          %get3A_314 = vector.shape_cast %get3A_313 : vector<1x16xf32> to vector<16xf32>
          %get3A_315 = arith.index_cast %scan3A_169 : i32 to index
          %get3A_316 = arith.constant 112 : index
          %get3A_317 = tpu.vector_load %arg13[%get3A_315, %get3A_316] {strides = array<i32>} : memref<80x128xf32, #tpu.memory_space<vmem>>, vector<1x16xf32>,
          %get3A_318 = vector.shape_cast %get3A_317 : vector<1x16xf32> to vector<16xf32>
          %add3A_319 = arith.addf %get3A_314, %get3A_318 : vector<16xf32>
          %max3A_320 = arith.constant 0.000000e+00 : f32
          %max3A_321 = vector.broadcast %max3A_320 : f32 to vector<16xf32>
          %max3A_322 = arith.maximumf %add3A_319, %max3A_321 : vector<16xf32>
          %swap3A_323 = arith.index_cast %scan3A_169 : i32 to index
          %swap3A_324 = arith.constant 112 : index
          %swap3A_325 = tpu.vector_load %arg12[%swap3A_323, %swap3A_324] {strides = array<i32>} : memref<80x128xf32, #tpu.memory_space<vmem>>, vector<1x16xf32>,
          %swap3A_326 = vector.shape_cast %swap3A_325 : vector<1x16xf32> to vector<16xf32>
          %swap3A_327 = vector.shape_cast %max3A_322 : vector<16xf32> to vector<1x16xf32>
          tpu.vector_store %arg12[%swap3A_323, %swap3A_324], %swap3A_327 {strides = array<i32>} : memref<80x128xf32, #tpu.memory_space<vmem>>, vector<1x16xf32>,
          %add3A_328 = arith.addf %add3A_308, %max3A_322 : vector<16xf32>
          %mul3A_329 = arith.mulf %max3A_322, %max3A_322 : vector<16xf32>
          %add3A_330 = arith.addf %add3A_310, %mul3A_329 : vector<16xf32>
          %iota3A = tpu.iota {dimensions = array<i32: 0>} : vector<16xi32>
          %xor3A = arith.constant 8 : i32
          %xor3A_331 = vector.broadcast %xor3A : i32 to vector<16xi32>
          %xor3A_332 = arith.xori %iota3A, %xor3A_331 : vector<16xi32>
          %reshape3A = vector.shape_cast %xor3A_332 : vector<16xi32> to vector<16x1xi32>
          %gather3A = vector.shape_cast %reshape3A : vector<16x1xi32> to vector<16xi32>
          %gather3A_333 = tpu.dynamic_gather %add3A_328[%gather3A] in [0] : vector<16xf32>, vector<16xi32> -> vector<16xf32>
          %add3A_334 = arith.addf %add3A_328, %gather3A_333 : vector<16xf32>
          %xor3A_335 = arith.constant 4 : i32
          %xor3A_336 = vector.broadcast %xor3A_335 : i32 to vector<16xi32>
          %xor3A_337 = arith.xori %iota3A, %xor3A_336 : vector<16xi32>
          %reshape3A_338 = vector.shape_cast %xor3A_337 : vector<16xi32> to vector<16x1xi32>
          %gather3A_339 = vector.shape_cast %reshape3A_338 : vector<16x1xi32> to vector<16xi32>
          %gather3A_340 = tpu.dynamic_gather %add3A_334[%gather3A_339] in [0] : vector<16xf32>, vector<16xi32> -> vector<16xf32>
          %add3A_341 = arith.addf %add3A_334, %gather3A_340 : vector<16xf32>
          %xor3A_342 = arith.constant 2 : i32
          %xor3A_343 = vector.broadcast %xor3A_342 : i32 to vector<16xi32>
          %xor3A_344 = arith.xori %iota3A, %xor3A_343 : vector<16xi32>
          %reshape3A_345 = vector.shape_cast %xor3A_344 : vector<16xi32> to vector<16x1xi32>
          %gather3A_346 = vector.shape_cast %reshape3A_345 : vector<16x1xi32> to vector<16xi32>
          %gather3A_347 = tpu.dynamic_gather %add3A_341[%gather3A_346] in [0] : vector<16xf32>, vector<16xi32> -> vector<16xf32>
          %add3A_348 = arith.addf %add3A_341, %gather3A_347 : vector<16xf32>
          %xor3A_349 = arith.constant 1 : i32
          %xor3A_350 = vector.broadcast %xor3A_349 : i32 to vector<16xi32>
          %xor3A_351 = arith.xori %iota3A, %xor3A_350 : vector<16xi32>
          %reshape3A_352 = vector.shape_cast %xor3A_351 : vector<16xi32> to vector<16x1xi32>
          %gather3A_353 = vector.shape_cast %reshape3A_352 : vector<16x1xi32> to vector<16xi32>
          %gather3A_354 = tpu.dynamic_gather %add3A_348[%gather3A_353] in [0] : vector<16xf32>, vector<16xi32> -> vector<16xf32>
          %add3A_355 = arith.addf %add3A_348, %gather3A_354 : vector<16xf32>
          %mul3A_356 = arith.constant 7.812500e-03 : f32
          %mul3A_357 = vector.broadcast %mul3A_356 : f32 to vector<16xf32>
          %mul3A_358 = arith.mulf %add3A_355, %mul3A_357 : vector<16xf32>
          %iota3A_359 = tpu.iota {dimensions = array<i32: 0>} : vector<16xi32>
          %xor3A_360 = arith.constant 8 : i32
          %xor3A_361 = vector.broadcast %xor3A_360 : i32 to vector<16xi32>
          %xor3A_362 = arith.xori %iota3A_359, %xor3A_361 : vector<16xi32>
          %reshape3A_363 = vector.shape_cast %xor3A_362 : vector<16xi32> to vector<16x1xi32>
          %gather3A_364 = vector.shape_cast %reshape3A_363 : vector<16x1xi32> to vector<16xi32>
          %gather3A_365 = tpu.dynamic_gather %add3A_330[%gather3A_364] in [0] : vector<16xf32>, vector<16xi32> -> vector<16xf32>
          %add3A_366 = arith.addf %add3A_330, %gather3A_365 : vector<16xf32>
          %xor3A_367 = arith.constant 4 : i32
          %xor3A_368 = vector.broadcast %xor3A_367 : i32 to vector<16xi32>
          %xor3A_369 = arith.xori %iota3A_359, %xor3A_368 : vector<16xi32>
          %reshape3A_370 = vector.shape_cast %xor3A_369 : vector<16xi32> to vector<16x1xi32>
          %gather3A_371 = vector.shape_cast %reshape3A_370 : vector<16x1xi32> to vector<16xi32>
          %gather3A_372 = tpu.dynamic_gather %add3A_366[%gather3A_371] in [0] : vector<16xf32>, vector<16xi32> -> vector<16xf32>
          %add3A_373 = arith.addf %add3A_366, %gather3A_372 : vector<16xf32>
          %xor3A_374 = arith.constant 2 : i32
          %xor3A_375 = vector.broadcast %xor3A_374 : i32 to vector<16xi32>
          %xor3A_376 = arith.xori %iota3A_359, %xor3A_375 : vector<16xi32>
          %reshape3A_377 = vector.shape_cast %xor3A_376 : vector<16xi32> to vector<16x1xi32>
          %gather3A_378 = vector.shape_cast %reshape3A_377 : vector<16x1xi32> to vector<16xi32>
          %gather3A_379 = tpu.dynamic_gather %add3A_373[%gather3A_378] in [0] : vector<16xf32>, vector<16xi32> -> vector<16xf32>
          %add3A_380 = arith.addf %add3A_373, %gather3A_379 : vector<16xf32>
          %xor3A_381 = arith.constant 1 : i32
          %xor3A_382 = vector.broadcast %xor3A_381 : i32 to vector<16xi32>
          %xor3A_383 = arith.xori %iota3A_359, %xor3A_382 : vector<16xi32>
          %reshape3A_384 = vector.shape_cast %xor3A_383 : vector<16xi32> to vector<16x1xi32>
          %gather3A_385 = vector.shape_cast %reshape3A_384 : vector<16x1xi32> to vector<16xi32>
          %gather3A_386 = tpu.dynamic_gather %add3A_380[%gather3A_385] in [0] : vector<16xf32>, vector<16xi32> -> vector<16xf32>
          %add3A_387 = arith.addf %add3A_380, %gather3A_386 : vector<16xf32>
          %mul3A_388 = arith.constant 7.812500e-03 : f32
          %mul3A_389 = vector.broadcast %mul3A_388 : f32 to vector<16xf32>
          %mul3A_390 = arith.mulf %add3A_387, %mul3A_389 : vector<16xf32>
          %mul3A_391 = arith.mulf %mul3A_358, %mul3A_358 : vector<16xf32>
          %sub3A = arith.subf %mul3A_390, %mul3A_391 : vector<16xf32>
          %add3A_392 = arith.constant 9.99999974E-6 : f32
          %add3A_393 = vector.broadcast %add3A_392 : f32 to vector<16xf32>
          %add3A_394 = arith.addf %sub3A, %add3A_393 : vector<16xf32>
          %broadcast_in_dim3A_395 = arith.constant 1.000000e+00 : f32
          %broadcast_in_dim3A_396 = vector.broadcast %broadcast_in_dim3A_395 : f32 to vector<16xf32>
          %ge3A = arith.constant 4.2949673E+9 : f32
          %ge3A_397 = vector.broadcast %ge3A : f32 to vector<16xf32>
          %ge3A_398 = arith.cmpf oge, %add3A_394, %ge3A_397 : vector<16xf32>
          %mul3A_399 = arith.constant 2.32830644E-10 : f32
          %mul3A_400 = vector.broadcast %mul3A_399 : f32 to vector<16xf32>
          %mul3A_401 = arith.mulf %add3A_394, %mul3A_400 : vector<16xf32>
          %select_n3A = arith.select %ge3A_398, %mul3A_401, %add3A_394 : vector<16xi1>, vector<16xf32>
          %mul3A_402 = arith.constant 1.52587891E-5 : f32
          %mul3A_403 = vector.broadcast %mul3A_402 : f32 to vector<16xf32>
          %mul3A_404 = arith.mulf %broadcast_in_dim3A_396, %mul3A_403 : vector<16xf32>
          %select_n3A_405 = arith.select %ge3A_398, %mul3A_404, %broadcast_in_dim3A_396 : vector<16xi1>, vector<16xf32>
          %lt3A = arith.constant 1.000000e+00 : f32
          %lt3A_406 = vector.broadcast %lt3A : f32 to vector<16xf32>
          %lt3A_407 = arith.cmpf olt, %select_n3A, %lt3A_406 : vector<16xf32>
          %mul3A_408 = arith.constant 4.2949673E+9 : f32
          %mul3A_409 = vector.broadcast %mul3A_408 : f32 to vector<16xf32>
          %mul3A_410 = arith.mulf %select_n3A, %mul3A_409 : vector<16xf32>
          %select_n3A_411 = arith.select %lt3A_407, %mul3A_410, %select_n3A : vector<16xi1>, vector<16xf32>
          %mul3A_412 = arith.constant 6.553600e+04 : f32
          %mul3A_413 = vector.broadcast %mul3A_412 : f32 to vector<16xf32>
          %mul3A_414 = arith.mulf %select_n3A_405, %mul3A_413 : vector<16xf32>
          %select_n3A_415 = arith.select %lt3A_407, %mul3A_414, %select_n3A_405 : vector<16xi1>, vector<16xf32>
          %ge3A_416 = arith.constant 6.553600e+04 : f32
          %ge3A_417 = vector.broadcast %ge3A_416 : f32 to vector<16xf32>
          %ge3A_418 = arith.cmpf oge, %select_n3A_411, %ge3A_417 : vector<16xf32>
          %mul3A_419 = arith.constant 1.52587891E-5 : f32
          %mul3A_420 = vector.broadcast %mul3A_419 : f32 to vector<16xf32>
          %mul3A_421 = arith.mulf %select_n3A_411, %mul3A_420 : vector<16xf32>
          %select_n3A_422 = arith.select %ge3A_418, %mul3A_421, %select_n3A_411 : vector<16xi1>, vector<16xf32>
          %mul3A_423 = arith.constant 3.906250e-03 : f32
          %mul3A_424 = vector.broadcast %mul3A_423 : f32 to vector<16xf32>
          %mul3A_425 = arith.mulf %select_n3A_415, %mul3A_424 : vector<16xf32>
          %select_n3A_426 = arith.select %ge3A_418, %mul3A_425, %select_n3A_415 : vector<16xi1>, vector<16xf32>
          %lt3A_427 = arith.constant 1.000000e+00 : f32
          %lt3A_428 = vector.broadcast %lt3A_427 : f32 to vector<16xf32>
          %lt3A_429 = arith.cmpf olt, %select_n3A_422, %lt3A_428 : vector<16xf32>
          %mul3A_430 = arith.constant 6.553600e+04 : f32
          %mul3A_431 = vector.broadcast %mul3A_430 : f32 to vector<16xf32>
          %mul3A_432 = arith.mulf %select_n3A_422, %mul3A_431 : vector<16xf32>
          %select_n3A_433 = arith.select %lt3A_429, %mul3A_432, %select_n3A_422 : vector<16xi1>, vector<16xf32>
          %mul3A_434 = arith.constant 2.560000e+02 : f32
          %mul3A_435 = vector.broadcast %mul3A_434 : f32 to vector<16xf32>
          %mul3A_436 = arith.mulf %select_n3A_426, %mul3A_435 : vector<16xf32>
          %select_n3A_437 = arith.select %lt3A_429, %mul3A_436, %select_n3A_426 : vector<16xi1>, vector<16xf32>
          %ge3A_438 = arith.constant 2.560000e+02 : f32
          %ge3A_439 = vector.broadcast %ge3A_438 : f32 to vector<16xf32>
          %ge3A_440 = arith.cmpf oge, %select_n3A_433, %ge3A_439 : vector<16xf32>
          %mul3A_441 = arith.constant 3.906250e-03 : f32
          %mul3A_442 = vector.broadcast %mul3A_441 : f32 to vector<16xf32>
          %mul3A_443 = arith.mulf %select_n3A_433, %mul3A_442 : vector<16xf32>
          %select_n3A_444 = arith.select %ge3A_440, %mul3A_443, %select_n3A_433 : vector<16xi1>, vector<16xf32>
          %mul3A_445 = arith.constant 6.250000e-02 : f32
          %mul3A_446 = vector.broadcast %mul3A_445 : f32 to vector<16xf32>
          %mul3A_447 = arith.mulf %select_n3A_437, %mul3A_446 : vector<16xf32>
          %select_n3A_448 = arith.select %ge3A_440, %mul3A_447, %select_n3A_437 : vector<16xi1>, vector<16xf32>
          %lt3A_449 = arith.constant 1.000000e+00 : f32
          %lt3A_450 = vector.broadcast %lt3A_449 : f32 to vector<16xf32>
          %lt3A_451 = arith.cmpf olt, %select_n3A_444, %lt3A_450 : vector<16xf32>
          %mul3A_452 = arith.constant 2.560000e+02 : f32
          %mul3A_453 = vector.broadcast %mul3A_452 : f32 to vector<16xf32>
          %mul3A_454 = arith.mulf %select_n3A_444, %mul3A_453 : vector<16xf32>
          %select_n3A_455 = arith.select %lt3A_451, %mul3A_454, %select_n3A_444 : vector<16xi1>, vector<16xf32>
          %mul3A_456 = arith.constant 1.600000e+01 : f32
          %mul3A_457 = vector.broadcast %mul3A_456 : f32 to vector<16xf32>
          %mul3A_458 = arith.mulf %select_n3A_448, %mul3A_457 : vector<16xf32>
          %select_n3A_459 = arith.select %lt3A_451, %mul3A_458, %select_n3A_448 : vector<16xi1>, vector<16xf32>
          %ge3A_460 = arith.constant 1.600000e+01 : f32
          %ge3A_461 = vector.broadcast %ge3A_460 : f32 to vector<16xf32>
          %ge3A_462 = arith.cmpf oge, %select_n3A_455, %ge3A_461 : vector<16xf32>
          %mul3A_463 = arith.constant 6.250000e-02 : f32
          %mul3A_464 = vector.broadcast %mul3A_463 : f32 to vector<16xf32>
          %mul3A_465 = arith.mulf %select_n3A_455, %mul3A_464 : vector<16xf32>
          %select_n3A_466 = arith.select %ge3A_462, %mul3A_465, %select_n3A_455 : vector<16xi1>, vector<16xf32>
          %mul3A_467 = arith.constant 2.500000e-01 : f32
          %mul3A_468 = vector.broadcast %mul3A_467 : f32 to vector<16xf32>
          %mul3A_469 = arith.mulf %select_n3A_459, %mul3A_468 : vector<16xf32>
          %select_n3A_470 = arith.select %ge3A_462, %mul3A_469, %select_n3A_459 : vector<16xi1>, vector<16xf32>
          %lt3A_471 = arith.constant 1.000000e+00 : f32
          %lt3A_472 = vector.broadcast %lt3A_471 : f32 to vector<16xf32>
          %lt3A_473 = arith.cmpf olt, %select_n3A_466, %lt3A_472 : vector<16xf32>
          %mul3A_474 = arith.constant 1.600000e+01 : f32
          %mul3A_475 = vector.broadcast %mul3A_474 : f32 to vector<16xf32>
          %mul3A_476 = arith.mulf %select_n3A_466, %mul3A_475 : vector<16xf32>
          %select_n3A_477 = arith.select %lt3A_473, %mul3A_476, %select_n3A_466 : vector<16xi1>, vector<16xf32>
          %mul3A_478 = arith.constant 4.000000e+00 : f32
          %mul3A_479 = vector.broadcast %mul3A_478 : f32 to vector<16xf32>
          %mul3A_480 = arith.mulf %select_n3A_470, %mul3A_479 : vector<16xf32>
          %select_n3A_481 = arith.select %lt3A_473, %mul3A_480, %select_n3A_470 : vector<16xi1>, vector<16xf32>
          %ge3A_482 = arith.constant 4.000000e+00 : f32
          %ge3A_483 = vector.broadcast %ge3A_482 : f32 to vector<16xf32>
          %ge3A_484 = arith.cmpf oge, %select_n3A_477, %ge3A_483 : vector<16xf32>
          %mul3A_485 = arith.constant 2.500000e-01 : f32
          %mul3A_486 = vector.broadcast %mul3A_485 : f32 to vector<16xf32>
          %mul3A_487 = arith.mulf %select_n3A_477, %mul3A_486 : vector<16xf32>
          %select_n3A_488 = arith.select %ge3A_484, %mul3A_487, %select_n3A_477 : vector<16xi1>, vector<16xf32>
          %mul3A_489 = arith.constant 5.000000e-01 : f32
          %mul3A_490 = vector.broadcast %mul3A_489 : f32 to vector<16xf32>
          %mul3A_491 = arith.mulf %select_n3A_481, %mul3A_490 : vector<16xf32>
          %select_n3A_492 = arith.select %ge3A_484, %mul3A_491, %select_n3A_481 : vector<16xi1>, vector<16xf32>
          %lt3A_493 = arith.constant 1.000000e+00 : f32
          %lt3A_494 = vector.broadcast %lt3A_493 : f32 to vector<16xf32>
          %lt3A_495 = arith.cmpf olt, %select_n3A_488, %lt3A_494 : vector<16xf32>
          %mul3A_496 = arith.constant 4.000000e+00 : f32
          %mul3A_497 = vector.broadcast %mul3A_496 : f32 to vector<16xf32>
          %mul3A_498 = arith.mulf %select_n3A_488, %mul3A_497 : vector<16xf32>
          %select_n3A_499 = arith.select %lt3A_495, %mul3A_498, %select_n3A_488 : vector<16xi1>, vector<16xf32>
          %mul3A_500 = arith.constant 2.000000e+00 : f32
          %mul3A_501 = vector.broadcast %mul3A_500 : f32 to vector<16xf32>
          %mul3A_502 = arith.mulf %select_n3A_492, %mul3A_501 : vector<16xf32>
          %select_n3A_503 = arith.select %lt3A_495, %mul3A_502, %select_n3A_492 : vector<16xi1>, vector<16xf32>
          %mul3A_504 = arith.constant 1.550000e-01 : f32
          %mul3A_505 = vector.broadcast %mul3A_504 : f32 to vector<16xf32>
          %mul3A_506 = arith.mulf %mul3A_505, %select_n3A_499 : vector<16xf32>
          %sub3A_507 = arith.constant 1.120000e+00 : f32
          %sub3A_508 = vector.broadcast %sub3A_507 : f32 to vector<16xf32>
          %sub3A_509 = arith.subf %sub3A_508, %mul3A_506 : vector<16xf32>
          %mul3A_510 = arith.constant 5.000000e-01 : f32
          %mul3A_511 = vector.broadcast %mul3A_510 : f32 to vector<16xf32>
          %mul3A_512 = arith.mulf %mul3A_511, %select_n3A_499 : vector<16xf32>
          %mul3A_513 = arith.mulf %mul3A_512, %sub3A_509 : vector<16xf32>
          %mul3A_514 = arith.mulf %mul3A_513, %sub3A_509 : vector<16xf32>
          %sub3A_515 = arith.constant 1.500000e+00 : f32
          %sub3A_516 = vector.broadcast %sub3A_515 : f32 to vector<16xf32>
          %sub3A_517 = arith.subf %sub3A_516, %mul3A_514 : vector<16xf32>
          %mul3A_518 = arith.mulf %sub3A_509, %sub3A_517 : vector<16xf32>
          %mul3A_519 = arith.constant 5.000000e-01 : f32
          %mul3A_520 = vector.broadcast %mul3A_519 : f32 to vector<16xf32>
          %mul3A_521 = arith.mulf %mul3A_520, %select_n3A_499 : vector<16xf32>
          %mul3A_522 = arith.mulf %mul3A_521, %mul3A_518 : vector<16xf32>
          %mul3A_523 = arith.mulf %mul3A_522, %mul3A_518 : vector<16xf32>
          %sub3A_524 = arith.constant 1.500000e+00 : f32
          %sub3A_525 = vector.broadcast %sub3A_524 : f32 to vector<16xf32>
          %sub3A_526 = arith.subf %sub3A_525, %mul3A_523 : vector<16xf32>
          %mul3A_527 = arith.mulf %mul3A_518, %sub3A_526 : vector<16xf32>
          %mul3A_528 = arith.constant 5.000000e-01 : f32
          %mul3A_529 = vector.broadcast %mul3A_528 : f32 to vector<16xf32>
          %mul3A_530 = arith.mulf %mul3A_529, %select_n3A_499 : vector<16xf32>
          %mul3A_531 = arith.mulf %mul3A_530, %mul3A_527 : vector<16xf32>
          %mul3A_532 = arith.mulf %mul3A_531, %mul3A_527 : vector<16xf32>
          %sub3A_533 = arith.constant 1.500000e+00 : f32
          %sub3A_534 = vector.broadcast %sub3A_533 : f32 to vector<16xf32>
          %sub3A_535 = arith.subf %sub3A_534, %mul3A_532 : vector<16xf32>
          %mul3A_536 = arith.mulf %mul3A_527, %sub3A_535 : vector<16xf32>
          %mul3A_537 = arith.constant 5.000000e-01 : f32
          %mul3A_538 = vector.broadcast %mul3A_537 : f32 to vector<16xf32>
          %mul3A_539 = arith.mulf %mul3A_538, %select_n3A_499 : vector<16xf32>
          %mul3A_540 = arith.mulf %mul3A_539, %mul3A_536 : vector<16xf32>
          %mul3A_541 = arith.mulf %mul3A_540, %mul3A_536 : vector<16xf32>
          %sub3A_542 = arith.constant 1.500000e+00 : f32
          %sub3A_543 = vector.broadcast %sub3A_542 : f32 to vector<16xf32>
          %sub3A_544 = arith.subf %sub3A_543, %mul3A_541 : vector<16xf32>
          %mul3A_545 = arith.mulf %mul3A_536, %sub3A_544 : vector<16xf32>
          %mul3A_546 = arith.mulf %mul3A_545, %select_n3A_503 : vector<16xf32>
          %get3A_547 = arith.index_cast %scan3A_169 : i32 to index
          %get3A_548 = arith.constant 0 : index
          %get3A_549 = tpu.vector_load %arg12[%get3A_547, %get3A_548] {strides = array<i32>} : memref<80x128xf32, #tpu.memory_space<vmem>>, vector<1x16xf32>,
          %get3A_550 = vector.shape_cast %get3A_549 : vector<1x16xf32> to vector<16xf32>
          %sub3A_551 = arith.subf %get3A_550, %mul3A_358 : vector<16xf32>
          %mul3A_552 = arith.mulf %sub3A_551, %mul3A_546 : vector<16xf32>
          %mul3A_553 = arith.mulf %mul3A_552, %get3A_22 : vector<16xf32>
          %add3A_554 = arith.addf %mul3A_553, %get3A_62 : vector<16xf32>
          %swap3A_555 = arith.index_cast %scan3A_169 : i32 to index
          %swap3A_556 = arith.constant 0 : index
          %swap3A_557 = tpu.vector_load %arg12[%swap3A_555, %swap3A_556] {strides = array<i32>} : memref<80x128xf32, #tpu.memory_space<vmem>>, vector<1x16xf32>,
          %swap3A_558 = vector.shape_cast %swap3A_557 : vector<1x16xf32> to vector<16xf32>
          %swap3A_559 = vector.shape_cast %add3A_554 : vector<16xf32> to vector<1x16xf32>
          tpu.vector_store %arg12[%swap3A_555, %swap3A_556], %swap3A_559 {strides = array<i32>} : memref<80x128xf32, #tpu.memory_space<vmem>>, vector<1x16xf32>,
          %get3A_560 = arith.index_cast %scan3A_169 : i32 to index
          %get3A_561 = arith.constant 16 : index
          %get3A_562 = tpu.vector_load %arg12[%get3A_560, %get3A_561] {strides = array<i32>} : memref<80x128xf32, #tpu.memory_space<vmem>>, vector<1x16xf32>,
          %get3A_563 = vector.shape_cast %get3A_562 : vector<1x16xf32> to vector<16xf32>
          %sub3A_564 = arith.subf %get3A_563, %mul3A_358 : vector<16xf32>
          %mul3A_565 = arith.mulf %sub3A_564, %mul3A_546 : vector<16xf32>
          %mul3A_566 = arith.mulf %mul3A_565, %get3A_27 : vector<16xf32>
          %add3A_567 = arith.addf %mul3A_566, %get3A_67 : vector<16xf32>
          %swap3A_568 = arith.index_cast %scan3A_169 : i32 to index
          %swap3A_569 = arith.constant 16 : index
          %swap3A_570 = tpu.vector_load %arg12[%swap3A_568, %swap3A_569] {strides = array<i32>} : memref<80x128xf32, #tpu.memory_space<vmem>>, vector<1x16xf32>,
          %swap3A_571 = vector.shape_cast %swap3A_570 : vector<1x16xf32> to vector<16xf32>
          %swap3A_572 = vector.shape_cast %add3A_567 : vector<16xf32> to vector<1x16xf32>
          tpu.vector_store %arg12[%swap3A_568, %swap3A_569], %swap3A_572 {strides = array<i32>} : memref<80x128xf32, #tpu.memory_space<vmem>>, vector<1x16xf32>,
          %get3A_573 = arith.index_cast %scan3A_169 : i32 to index
          %get3A_574 = arith.constant 32 : index
          %get3A_575 = tpu.vector_load %arg12[%get3A_573, %get3A_574] {strides = array<i32>} : memref<80x128xf32, #tpu.memory_space<vmem>>, vector<1x16xf32>,
          %get3A_576 = vector.shape_cast %get3A_575 : vector<1x16xf32> to vector<16xf32>
          %sub3A_577 = arith.subf %get3A_576, %mul3A_358 : vector<16xf32>
          %mul3A_578 = arith.mulf %sub3A_577, %mul3A_546 : vector<16xf32>
          %mul3A_579 = arith.mulf %mul3A_578, %get3A_32 : vector<16xf32>
          %add3A_580 = arith.addf %mul3A_579, %get3A_72 : vector<16xf32>
          %swap3A_581 = arith.index_cast %scan3A_169 : i32 to index
          %swap3A_582 = arith.constant 32 : index
          %swap3A_583 = tpu.vector_load %arg12[%swap3A_581, %swap3A_582] {strides = array<i32>} : memref<80x128xf32, #tpu.memory_space<vmem>>, vector<1x16xf32>,
          %swap3A_584 = vector.shape_cast %swap3A_583 : vector<1x16xf32> to vector<16xf32>
          %swap3A_585 = vector.shape_cast %add3A_580 : vector<16xf32> to vector<1x16xf32>
          tpu.vector_store %arg12[%swap3A_581, %swap3A_582], %swap3A_585 {strides = array<i32>} : memref<80x128xf32, #tpu.memory_space<vmem>>, vector<1x16xf32>,
          %get3A_586 = arith.index_cast %scan3A_169 : i32 to index
          %get3A_587 = arith.constant 48 : index
          %get3A_588 = tpu.vector_load %arg12[%get3A_586, %get3A_587] {strides = array<i32>} : memref<80x128xf32, #tpu.memory_space<vmem>>, vector<1x16xf32>,
          %get3A_589 = vector.shape_cast %get3A_588 : vector<1x16xf32> to vector<16xf32>
          %sub3A_590 = arith.subf %get3A_589, %mul3A_358 : vector<16xf32>
          %mul3A_591 = arith.mulf %sub3A_590, %mul3A_546 : vector<16xf32>
          %mul3A_592 = arith.mulf %mul3A_591, %get3A_37 : vector<16xf32>
          %add3A_593 = arith.addf %mul3A_592, %get3A_77 : vector<16xf32>
          %swap3A_594 = arith.index_cast %scan3A_169 : i32 to index
          %swap3A_595 = arith.constant 48 : index
          %swap3A_596 = tpu.vector_load %arg12[%swap3A_594, %swap3A_595] {strides = array<i32>} : memref<80x128xf32, #tpu.memory_space<vmem>>, vector<1x16xf32>,
          %swap3A_597 = vector.shape_cast %swap3A_596 : vector<1x16xf32> to vector<16xf32>
          %swap3A_598 = vector.shape_cast %add3A_593 : vector<16xf32> to vector<1x16xf32>
          tpu.vector_store %arg12[%swap3A_594, %swap3A_595], %swap3A_598 {strides = array<i32>} : memref<80x128xf32, #tpu.memory_space<vmem>>, vector<1x16xf32>,
          %get3A_599 = arith.index_cast %scan3A_169 : i32 to index
          %get3A_600 = arith.constant 64 : index
          %get3A_601 = tpu.vector_load %arg12[%get3A_599, %get3A_600] {strides = array<i32>} : memref<80x128xf32, #tpu.memory_space<vmem>>, vector<1x16xf32>,
          %get3A_602 = vector.shape_cast %get3A_601 : vector<1x16xf32> to vector<16xf32>
          %sub3A_603 = arith.subf %get3A_602, %mul3A_358 : vector<16xf32>
          %mul3A_604 = arith.mulf %sub3A_603, %mul3A_546 : vector<16xf32>
          %mul3A_605 = arith.mulf %mul3A_604, %get3A_42 : vector<16xf32>
          %add3A_606 = arith.addf %mul3A_605, %get3A_82 : vector<16xf32>
          %swap3A_607 = arith.index_cast %scan3A_169 : i32 to index
          %swap3A_608 = arith.constant 64 : index
          %swap3A_609 = tpu.vector_load %arg12[%swap3A_607, %swap3A_608] {strides = array<i32>} : memref<80x128xf32, #tpu.memory_space<vmem>>, vector<1x16xf32>,
          %swap3A_610 = vector.shape_cast %swap3A_609 : vector<1x16xf32> to vector<16xf32>
          %swap3A_611 = vector.shape_cast %add3A_606 : vector<16xf32> to vector<1x16xf32>
          tpu.vector_store %arg12[%swap3A_607, %swap3A_608], %swap3A_611 {strides = array<i32>} : memref<80x128xf32, #tpu.memory_space<vmem>>, vector<1x16xf32>,
          %get3A_612 = arith.index_cast %scan3A_169 : i32 to index
          %get3A_613 = arith.constant 80 : index
          %get3A_614 = tpu.vector_load %arg12[%get3A_612, %get3A_613] {strides = array<i32>} : memref<80x128xf32, #tpu.memory_space<vmem>>, vector<1x16xf32>,
          %get3A_615 = vector.shape_cast %get3A_614 : vector<1x16xf32> to vector<16xf32>
          %sub3A_616 = arith.subf %get3A_615, %mul3A_358 : vector<16xf32>
          %mul3A_617 = arith.mulf %sub3A_616, %mul3A_546 : vector<16xf32>
          %mul3A_618 = arith.mulf %mul3A_617, %get3A_47 : vector<16xf32>
          %add3A_619 = arith.addf %mul3A_618, %get3A_87 : vector<16xf32>
          %swap3A_620 = arith.index_cast %scan3A_169 : i32 to index
          %swap3A_621 = arith.constant 80 : index
          %swap3A_622 = tpu.vector_load %arg12[%swap3A_620, %swap3A_621] {strides = array<i32>} : memref<80x128xf32, #tpu.memory_space<vmem>>, vector<1x16xf32>,
          %swap3A_623 = vector.shape_cast %swap3A_622 : vector<1x16xf32> to vector<16xf32>
          %swap3A_624 = vector.shape_cast %add3A_619 : vector<16xf32> to vector<1x16xf32>
          tpu.vector_store %arg12[%swap3A_620, %swap3A_621], %swap3A_624 {strides = array<i32>} : memref<80x128xf32, #tpu.memory_space<vmem>>, vector<1x16xf32>,
          %get3A_625 = arith.index_cast %scan3A_169 : i32 to index
          %get3A_626 = arith.constant 96 : index
          %get3A_627 = tpu.vector_load %arg12[%get3A_625, %get3A_626] {strides = array<i32>} : memref<80x128xf32, #tpu.memory_space<vmem>>, vector<1x16xf32>,
          %get3A_628 = vector.shape_cast %get3A_627 : vector<1x16xf32> to vector<16xf32>
          %sub3A_629 = arith.subf %get3A_628, %mul3A_358 : vector<16xf32>
          %mul3A_630 = arith.mulf %sub3A_629, %mul3A_546 : vector<16xf32>
          %mul3A_631 = arith.mulf %mul3A_630, %get3A_52 : vector<16xf32>
          %add3A_632 = arith.addf %mul3A_631, %get3A_92 : vector<16xf32>
          %swap3A_633 = arith.index_cast %scan3A_169 : i32 to index
          %swap3A_634 = arith.constant 96 : index
          %swap3A_635 = tpu.vector_load %arg12[%swap3A_633, %swap3A_634] {strides = array<i32>} : memref<80x128xf32, #tpu.memory_space<vmem>>, vector<1x16xf32>,
          %swap3A_636 = vector.shape_cast %swap3A_635 : vector<1x16xf32> to vector<16xf32>
          %swap3A_637 = vector.shape_cast %add3A_632 : vector<16xf32> to vector<1x16xf32>
          tpu.vector_store %arg12[%swap3A_633, %swap3A_634], %swap3A_637 {strides = array<i32>} : memref<80x128xf32, #tpu.memory_space<vmem>>, vector<1x16xf32>,
          %get3A_638 = arith.index_cast %scan3A_169 : i32 to index
          %get3A_639 = arith.constant 112 : index
          %get3A_640 = tpu.vector_load %arg12[%get3A_638, %get3A_639] {strides = array<i32>} : memref<80x128xf32, #tpu.memory_space<vmem>>, vector<1x16xf32>,
          %get3A_641 = vector.shape_cast %get3A_640 : vector<1x16xf32> to vector<16xf32>
          %sub3A_642 = arith.subf %get3A_641, %mul3A_358 : vector<16xf32>
          %mul3A_643 = arith.mulf %sub3A_642, %mul3A_546 : vector<16xf32>
          %mul3A_644 = arith.mulf %mul3A_643, %get3A_57 : vector<16xf32>
          %add3A_645 = arith.addf %mul3A_644, %get3A_97 : vector<16xf32>
          %swap3A_646 = arith.index_cast %scan3A_169 : i32 to index
          %swap3A_647 = arith.constant 112 : index
          %swap3A_648 = tpu.vector_load %arg12[%swap3A_646, %swap3A_647] {strides = array<i32>} : memref<80x128xf32, #tpu.memory_space<vmem>>, vector<1x16xf32>,
          %swap3A_649 = vector.shape_cast %swap3A_648 : vector<1x16xf32> to vector<16xf32>
          %swap3A_650 = vector.shape_cast %add3A_645 : vector<16xf32> to vector<1x16xf32>
          tpu.vector_store %arg12[%swap3A_646, %swap3A_647], %swap3A_650 {strides = array<i32>} : memref<80x128xf32, #tpu.memory_space<vmem>>, vector<1x16xf32>,
        }
        %scan3A_168 = arith.constant 80 : i32
        "tpu.region"() ({
          %run_scoped3A = tpu.sem_alloc : memref<!tpu.dma_semaphore, #tpu.memory_space<semaphore_mem>>
          %dma_start3A_169 = arith.constant 0 : i32
          %dma_start3A_170 = tpu.memref_slice %arg10[%scan3A_141, %dma_start3A_169] : memref<25x80xi32, #tpu.memory_space<vmem>> -> memref<1x80xi32, #tpu.memory_space<vmem>>
          %dma_start3A_171 = tpu.memref_squeeze %dma_start3A_170 : memref<1x80xi32, #tpu.memory_space<vmem>> -> memref<80xi32, #tpu.memory_space<vmem>>
          %dma_start3A_172 = arith.constant 0 : i32
          %dma_start3A_173 = arith.constant 0 : i32
          %dma_start3A_174 = tpu.memref_slice %arg16[%dma_start3A_172, %dma_start3A_173] : memref<10000x128xf32, #tpu.memory_space<vmem_shared>> -> memref<10000x128xf32, #tpu.memory_space<vmem_shared>>
          tpu.enqueue_indirect_dma source(%arg12 : memref<80x128xf32, #tpu.memory_space<vmem>>) target(%dma_start3A_174 : memref<10000x128xf32, #tpu.memory_space<vmem_shared>>) offsets(%dma_start3A_171 : memref<80xi32, #tpu.memory_space<vmem>>) semaphore(%run_scoped3A : memref<!tpu.dma_semaphore, #tpu.memory_space<semaphore_mem>>) {add = true}
          %dma_wait3A_175 = arith.constant 0 : i32
          %dma_wait3A_176 = tpu.memref_slice %arg10[%scan3A_141, %dma_wait3A_175] : memref<25x80xi32, #tpu.memory_space<vmem>> -> memref<1x80xi32, #tpu.memory_space<vmem>>
          %dma_wait3A_177 = tpu.memref_squeeze %dma_wait3A_176 : memref<1x80xi32, #tpu.memory_space<vmem>> -> memref<80xi32, #tpu.memory_space<vmem>>
          %dma_wait3A_178 = arith.constant 0 : i32
          %dma_wait3A_179 = arith.constant 0 : i32
          %dma_wait3A_180 = tpu.memref_slice %arg16[%dma_wait3A_178, %dma_wait3A_179] : memref<10000x128xf32, #tpu.memory_space<vmem_shared>> -> memref<10000x128xf32, #tpu.memory_space<vmem_shared>>
          tpu.wait_indirect_dma semaphore(%run_scoped3A : memref<!tpu.dma_semaphore, #tpu.memory_space<semaphore_mem>>) src(%arg12 : memref<80x128xf32, #tpu.memory_space<vmem>>) dst(%dma_wait3A_180 : memref<10000x128xf32, #tpu.memory_space<vmem_shared>>)
          tpu.yield
        }) : () -> ()
      }
      %scan3A_140 = arith.constant 25 : i32
    }
    %scan3A_101 = arith.constant 5 : i32
    %barrier3A_102 = arith.constant 0 : index
    tpu.barrier barrier_id(%barrier3A_102)
    %add3A_103 = arith.constant 0 : i32
    %add3A_104 = arith.addi %mul3A_2, %add3A_103 : i32
    "tpu.region"() ({
      %run_scoped3A = tpu.sem_alloc : memref<!tpu.dma_semaphore, #tpu.memory_space<semaphore_mem>>
      %dma_start3A = arith.constant 0 : i32
      %dma_start3A_135 = tpu.memref_slice %arg16[%add3A_104, %dma_start3A] : memref<10000x128xf32, #tpu.memory_space<vmem_shared>> -> memref<80x128xf32, #tpu.memory_space<vmem_shared>>
      %dma_start3A_136 = arith.constant 0 : i32
      %dma_start3A_137 = tpu.memref_slice %arg16[%add3A_104, %dma_start3A_136] : memref<10000x128xf32, #tpu.memory_space<vmem_shared>> -> memref<80x128xf32, #tpu.memory_space<vmem_shared>>
      tpu.enqueue_dma source(%dma_start3A_137 : memref<80x128xf32, #tpu.memory_space<vmem_shared>>) target(%arg12 : memref<80x128xf32, #tpu.memory_space<vmem>>) target_semaphore(%run_scoped3A : memref<!tpu.dma_semaphore, #tpu.memory_space<semaphore_mem>>)
      %dma_wait3A = arith.constant 0 : i32
      %dma_wait3A_138 = tpu.memref_slice %arg16[%add3A_104, %dma_wait3A] : memref<10000x128xf32, #tpu.memory_space<vmem_shared>> -> memref<80x128xf32, #tpu.memory_space<vmem_shared>>
      %dma_wait3A_139 = arith.constant 0 : i32
      %dma_wait3A_140 = tpu.memref_slice %arg16[%add3A_104, %dma_wait3A_139] : memref<10000x128xf32, #tpu.memory_space<vmem_shared>> -> memref<80x128xf32, #tpu.memory_space<vmem_shared>>
      tpu.wait_dma2 semaphore(%run_scoped3A : memref<!tpu.dma_semaphore, #tpu.memory_space<semaphore_mem>>) src(%dma_wait3A_140 : memref<80x128xf32, #tpu.memory_space<vmem_shared>>) dst(%arg12 : memref<80x128xf32, #tpu.memory_space<vmem>>)
      tpu.yield
    }) : () -> ()
    %add3A_105 = arith.constant 0 : i32
    %add3A_106 = arith.addi %mul3A_2, %add3A_105 : i32
    "tpu.region"() ({
      %run_scoped3A = tpu.sem_alloc : memref<!tpu.dma_semaphore, #tpu.memory_space<semaphore_mem>>
      %dma_start3A = arith.constant 0 : i32
      %dma_start3A_135 = tpu.memref_slice %arg9[%arg0, %add3A_106, %dma_start3A] : memref<2x10000x128xf32, #tpu.memory_space<hbm>> -> memref<1x80x128xf32, #tpu.memory_space<hbm>>
      %dma_start3A_136 = tpu.memref_squeeze %dma_start3A_135 : memref<1x80x128xf32, #tpu.memory_space<hbm>> -> memref<80x128xf32, #tpu.memory_space<hbm>>
      %dma_start3A_137 = arith.constant 0 : i32
      %dma_start3A_138 = tpu.memref_slice %arg9[%arg0, %add3A_106, %dma_start3A_137] : memref<2x10000x128xf32, #tpu.memory_space<hbm>> -> memref<1x80x128xf32, #tpu.memory_space<hbm>>
      %dma_start3A_139 = tpu.memref_squeeze %dma_start3A_138 : memref<1x80x128xf32, #tpu.memory_space<hbm>> -> memref<80x128xf32, #tpu.memory_space<hbm>>
      tpu.enqueue_dma source(%arg12 : memref<80x128xf32, #tpu.memory_space<vmem>>) target(%dma_start3A_139 : memref<80x128xf32, #tpu.memory_space<hbm>>) target_semaphore(%run_scoped3A : memref<!tpu.dma_semaphore, #tpu.memory_space<semaphore_mem>>)
      %dma_wait3A = arith.constant 0 : i32
      %dma_wait3A_140 = tpu.memref_slice %arg9[%arg0, %add3A_106, %dma_wait3A] : memref<2x10000x128xf32, #tpu.memory_space<hbm>> -> memref<1x80x128xf32, #tpu.memory_space<hbm>>
      %dma_wait3A_141 = tpu.memref_squeeze %dma_wait3A_140 : memref<1x80x128xf32, #tpu.memory_space<hbm>> -> memref<80x128xf32, #tpu.memory_space<hbm>>
      %dma_wait3A_142 = arith.constant 0 : i32
      %dma_wait3A_143 = tpu.memref_slice %arg9[%arg0, %add3A_106, %dma_wait3A_142] : memref<2x10000x128xf32, #tpu.memory_space<hbm>> -> memref<1x80x128xf32, #tpu.memory_space<hbm>>
      %dma_wait3A_144 = tpu.memref_squeeze %dma_wait3A_143 : memref<1x80x128xf32, #tpu.memory_space<hbm>> -> memref<80x128xf32, #tpu.memory_space<hbm>>
      tpu.wait_dma2 semaphore(%run_scoped3A : memref<!tpu.dma_semaphore, #tpu.memory_space<semaphore_mem>>) src(%arg12 : memref<80x128xf32, #tpu.memory_space<vmem>>) dst(%dma_wait3A_144 : memref<80x128xf32, #tpu.memory_space<hbm>>)
      tpu.yield
    }) : () -> ()
    %add3A_107 = arith.constant 80 : i32
    %add3A_108 = arith.addi %mul3A_2, %add3A_107 : i32
    "tpu.region"() ({
      %run_scoped3A = tpu.sem_alloc : memref<!tpu.dma_semaphore, #tpu.memory_space<semaphore_mem>>
      %dma_start3A = arith.constant 0 : i32
      %dma_start3A_135 = tpu.memref_slice %arg16[%add3A_108, %dma_start3A] : memref<10000x128xf32, #tpu.memory_space<vmem_shared>> -> memref<80x128xf32, #tpu.memory_space<vmem_shared>>
      %dma_start3A_136 = arith.constant 0 : i32
      %dma_start3A_137 = tpu.memref_slice %arg16[%add3A_108, %dma_start3A_136] : memref<10000x128xf32, #tpu.memory_space<vmem_shared>> -> memref<80x128xf32, #tpu.memory_space<vmem_shared>>
      tpu.enqueue_dma source(%dma_start3A_137 : memref<80x128xf32, #tpu.memory_space<vmem_shared>>) target(%arg12 : memref<80x128xf32, #tpu.memory_space<vmem>>) target_semaphore(%run_scoped3A : memref<!tpu.dma_semaphore, #tpu.memory_space<semaphore_mem>>)
      %dma_wait3A = arith.constant 0 : i32
      %dma_wait3A_138 = tpu.memref_slice %arg16[%add3A_108, %dma_wait3A] : memref<10000x128xf32, #tpu.memory_space<vmem_shared>> -> memref<80x128xf32, #tpu.memory_space<vmem_shared>>
      %dma_wait3A_139 = arith.constant 0 : i32
      %dma_wait3A_140 = tpu.memref_slice %arg16[%add3A_108, %dma_wait3A_139] : memref<10000x128xf32, #tpu.memory_space<vmem_shared>> -> memref<80x128xf32, #tpu.memory_space<vmem_shared>>
      tpu.wait_dma2 semaphore(%run_scoped3A : memref<!tpu.dma_semaphore, #tpu.memory_space<semaphore_mem>>) src(%dma_wait3A_140 : memref<80x128xf32, #tpu.memory_space<vmem_shared>>) dst(%arg12 : memref<80x128xf32, #tpu.memory_space<vmem>>)
      tpu.yield
    }) : () -> ()
    %add3A_109 = arith.constant 80 : i32
    %add3A_110 = arith.addi %mul3A_2, %add3A_109 : i32
    "tpu.region"() ({
      %run_scoped3A = tpu.sem_alloc : memref<!tpu.dma_semaphore, #tpu.memory_space<semaphore_mem>>
      %dma_start3A = arith.constant 0 : i32
      %dma_start3A_135 = tpu.memref_slice %arg9[%arg0, %add3A_110, %dma_start3A] : memref<2x10000x128xf32, #tpu.memory_space<hbm>> -> memref<1x80x128xf32, #tpu.memory_space<hbm>>
      %dma_start3A_136 = tpu.memref_squeeze %dma_start3A_135 : memref<1x80x128xf32, #tpu.memory_space<hbm>> -> memref<80x128xf32, #tpu.memory_space<hbm>>
      %dma_start3A_137 = arith.constant 0 : i32
      %dma_start3A_138 = tpu.memref_slice %arg9[%arg0, %add3A_110, %dma_start3A_137] : memref<2x10000x128xf32, #tpu.memory_space<hbm>> -> memref<1x80x128xf32, #tpu.memory_space<hbm>>
      %dma_start3A_139 = tpu.memref_squeeze %dma_start3A_138 : memref<1x80x128xf32, #tpu.memory_space<hbm>> -> memref<80x128xf32, #tpu.memory_space<hbm>>
      tpu.enqueue_dma source(%arg12 : memref<80x128xf32, #tpu.memory_space<vmem>>) target(%dma_start3A_139 : memref<80x128xf32, #tpu.memory_space<hbm>>) target_semaphore(%run_scoped3A : memref<!tpu.dma_semaphore, #tpu.memory_space<semaphore_mem>>)
      %dma_wait3A = arith.constant 0 : i32
      %dma_wait3A_140 = tpu.memref_slice %arg9[%arg0, %add3A_110, %dma_wait3A] : memref<2x10000x128xf32, #tpu.memory_space<hbm>> -> memref<1x80x128xf32, #tpu.memory_space<hbm>>
      %dma_wait3A_141 = tpu.memref_squeeze %dma_wait3A_140 : memref<1x80x128xf32, #tpu.memory_space<hbm>> -> memref<80x128xf32, #tpu.memory_space<hbm>>
      %dma_wait3A_142 = arith.constant 0 : i32
      %dma_wait3A_143 = tpu.memref_slice %arg9[%arg0, %add3A_110, %dma_wait3A_142] : memref<2x10000x128xf32, #tpu.memory_space<hbm>> -> memref<1x80x128xf32, #tpu.memory_space<hbm>>
      %dma_wait3A_144 = tpu.memref_squeeze %dma_wait3A_143 : memref<1x80x128xf32, #tpu.memory_space<hbm>> -> memref<80x128xf32, #tpu.memory_space<hbm>>
      tpu.wait_dma2 semaphore(%run_scoped3A : memref<!tpu.dma_semaphore, #tpu.memory_space<semaphore_mem>>) src(%arg12 : memref<80x128xf32, #tpu.memory_space<vmem>>) dst(%dma_wait3A_144 : memref<80x128xf32, #tpu.memory_space<hbm>>)
      tpu.yield
    }) : () -> ()
    %add3A_111 = arith.constant 160 : i32
    %add3A_112 = arith.addi %mul3A_2, %add3A_111 : i32
    "tpu.region"() ({
      %run_scoped3A = tpu.sem_alloc : memref<!tpu.dma_semaphore, #tpu.memory_space<semaphore_mem>>
      %dma_start3A = arith.constant 0 : i32
      %dma_start3A_135 = tpu.memref_slice %arg16[%add3A_112, %dma_start3A] : memref<10000x128xf32, #tpu.memory_space<vmem_shared>> -> memref<80x128xf32, #tpu.memory_space<vmem_shared>>
      %dma_start3A_136 = arith.constant 0 : i32
      %dma_start3A_137 = tpu.memref_slice %arg16[%add3A_112, %dma_start3A_136] : memref<10000x128xf32, #tpu.memory_space<vmem_shared>> -> memref<80x128xf32, #tpu.memory_space<vmem_shared>>
      tpu.enqueue_dma source(%dma_start3A_137 : memref<80x128xf32, #tpu.memory_space<vmem_shared>>) target(%arg12 : memref<80x128xf32, #tpu.memory_space<vmem>>) target_semaphore(%run_scoped3A : memref<!tpu.dma_semaphore, #tpu.memory_space<semaphore_mem>>)
      %dma_wait3A = arith.constant 0 : i32
      %dma_wait3A_138 = tpu.memref_slice %arg16[%add3A_112, %dma_wait3A] : memref<10000x128xf32, #tpu.memory_space<vmem_shared>> -> memref<80x128xf32, #tpu.memory_space<vmem_shared>>
      %dma_wait3A_139 = arith.constant 0 : i32
      %dma_wait3A_140 = tpu.memref_slice %arg16[%add3A_112, %dma_wait3A_139] : memref<10000x128xf32, #tpu.memory_space<vmem_shared>> -> memref<80x128xf32, #tpu.memory_space<vmem_shared>>
      tpu.wait_dma2 semaphore(%run_scoped3A : memref<!tpu.dma_semaphore, #tpu.memory_space<semaphore_mem>>) src(%dma_wait3A_140 : memref<80x128xf32, #tpu.memory_space<vmem_shared>>) dst(%arg12 : memref<80x128xf32, #tpu.memory_space<vmem>>)
      tpu.yield
    }) : () -> ()
    %add3A_113 = arith.constant 160 : i32
    %add3A_114 = arith.addi %mul3A_2, %add3A_113 : i32
    "tpu.region"() ({
      %run_scoped3A = tpu.sem_alloc : memref<!tpu.dma_semaphore, #tpu.memory_space<semaphore_mem>>
      %dma_start3A = arith.constant 0 : i32
      %dma_start3A_135 = tpu.memref_slice %arg9[%arg0, %add3A_114, %dma_start3A] : memref<2x10000x128xf32, #tpu.memory_space<hbm>> -> memref<1x80x128xf32, #tpu.memory_space<hbm>>
      %dma_start3A_136 = tpu.memref_squeeze %dma_start3A_135 : memref<1x80x128xf32, #tpu.memory_space<hbm>> -> memref<80x128xf32, #tpu.memory_space<hbm>>
      %dma_start3A_137 = arith.constant 0 : i32
      %dma_start3A_138 = tpu.memref_slice %arg9[%arg0, %add3A_114, %dma_start3A_137] : memref<2x10000x128xf32, #tpu.memory_space<hbm>> -> memref<1x80x128xf32, #tpu.memory_space<hbm>>
      %dma_start3A_139 = tpu.memref_squeeze %dma_start3A_138 : memref<1x80x128xf32, #tpu.memory_space<hbm>> -> memref<80x128xf32, #tpu.memory_space<hbm>>
      tpu.enqueue_dma source(%arg12 : memref<80x128xf32, #tpu.memory_space<vmem>>) target(%dma_start3A_139 : memref<80x128xf32, #tpu.memory_space<hbm>>) target_semaphore(%run_scoped3A : memref<!tpu.dma_semaphore, #tpu.memory_space<semaphore_mem>>)
      %dma_wait3A = arith.constant 0 : i32
      %dma_wait3A_140 = tpu.memref_slice %arg9[%arg0, %add3A_114, %dma_wait3A] : memref<2x10000x128xf32, #tpu.memory_space<hbm>> -> memref<1x80x128xf32, #tpu.memory_space<hbm>>
      %dma_wait3A_141 = tpu.memref_squeeze %dma_wait3A_140 : memref<1x80x128xf32, #tpu.memory_space<hbm>> -> memref<80x128xf32, #tpu.memory_space<hbm>>
      %dma_wait3A_142 = arith.constant 0 : i32
      %dma_wait3A_143 = tpu.memref_slice %arg9[%arg0, %add3A_114, %dma_wait3A_142] : memref<2x10000x128xf32, #tpu.memory_space<hbm>> -> memref<1x80x128xf32, #tpu.memory_space<hbm>>
      %dma_wait3A_144 = tpu.memref_squeeze %dma_wait3A_143 : memref<1x80x128xf32, #tpu.memory_space<hbm>> -> memref<80x128xf32, #tpu.memory_space<hbm>>
      tpu.wait_dma2 semaphore(%run_scoped3A : memref<!tpu.dma_semaphore, #tpu.memory_space<semaphore_mem>>) src(%arg12 : memref<80x128xf32, #tpu.memory_space<vmem>>) dst(%dma_wait3A_144 : memref<80x128xf32, #tpu.memory_space<hbm>>)
      tpu.yield
    }) : () -> ()
    %add3A_115 = arith.constant 240 : i32
    %add3A_116 = arith.addi %mul3A_2, %add3A_115 : i32
    "tpu.region"() ({
      %run_scoped3A = tpu.sem_alloc : memref<!tpu.dma_semaphore, #tpu.memory_space<semaphore_mem>>
      %dma_start3A = arith.constant 0 : i32
      %dma_start3A_135 = tpu.memref_slice %arg16[%add3A_116, %dma_start3A] : memref<10000x128xf32, #tpu.memory_space<vmem_shared>> -> memref<80x128xf32, #tpu.memory_space<vmem_shared>>
      %dma_start3A_136 = arith.constant 0 : i32
      %dma_start3A_137 = tpu.memref_slice %arg16[%add3A_116, %dma_start3A_136] : memref<10000x128xf32, #tpu.memory_space<vmem_shared>> -> memref<80x128xf32, #tpu.memory_space<vmem_shared>>
      tpu.enqueue_dma source(%dma_start3A_137 : memref<80x128xf32, #tpu.memory_space<vmem_shared>>) target(%arg12 : memref<80x128xf32, #tpu.memory_space<vmem>>) target_semaphore(%run_scoped3A : memref<!tpu.dma_semaphore, #tpu.memory_space<semaphore_mem>>)
      %dma_wait3A = arith.constant 0 : i32
      %dma_wait3A_138 = tpu.memref_slice %arg16[%add3A_116, %dma_wait3A] : memref<10000x128xf32, #tpu.memory_space<vmem_shared>> -> memref<80x128xf32, #tpu.memory_space<vmem_shared>>
      %dma_wait3A_139 = arith.constant 0 : i32
      %dma_wait3A_140 = tpu.memref_slice %arg16[%add3A_116, %dma_wait3A_139] : memref<10000x128xf32, #tpu.memory_space<vmem_shared>> -> memref<80x128xf32, #tpu.memory_space<vmem_shared>>
      tpu.wait_dma2 semaphore(%run_scoped3A : memref<!tpu.dma_semaphore, #tpu.memory_space<semaphore_mem>>) src(%dma_wait3A_140 : memref<80x128xf32, #tpu.memory_space<vmem_shared>>) dst(%arg12 : memref<80x128xf32, #tpu.memory_space<vmem>>)
      tpu.yield
    }) : () -> ()
    %add3A_117 = arith.constant 240 : i32
    %add3A_118 = arith.addi %mul3A_2, %add3A_117 : i32
    "tpu.region"() ({
      %run_scoped3A = tpu.sem_alloc : memref<!tpu.dma_semaphore, #tpu.memory_space<semaphore_mem>>
      %dma_start3A = arith.constant 0 : i32
      %dma_start3A_135 = tpu.memref_slice %arg9[%arg0, %add3A_118, %dma_start3A] : memref<2x10000x128xf32, #tpu.memory_space<hbm>> -> memref<1x80x128xf32, #tpu.memory_space<hbm>>
      %dma_start3A_136 = tpu.memref_squeeze %dma_start3A_135 : memref<1x80x128xf32, #tpu.memory_space<hbm>> -> memref<80x128xf32, #tpu.memory_space<hbm>>
      %dma_start3A_137 = arith.constant 0 : i32
      %dma_start3A_138 = tpu.memref_slice %arg9[%arg0, %add3A_118, %dma_start3A_137] : memref<2x10000x128xf32, #tpu.memory_space<hbm>> -> memref<1x80x128xf32, #tpu.memory_space<hbm>>
      %dma_start3A_139 = tpu.memref_squeeze %dma_start3A_138 : memref<1x80x128xf32, #tpu.memory_space<hbm>> -> memref<80x128xf32, #tpu.memory_space<hbm>>
      tpu.enqueue_dma source(%arg12 : memref<80x128xf32, #tpu.memory_space<vmem>>) target(%dma_start3A_139 : memref<80x128xf32, #tpu.memory_space<hbm>>) target_semaphore(%run_scoped3A : memref<!tpu.dma_semaphore, #tpu.memory_space<semaphore_mem>>)
      %dma_wait3A = arith.constant 0 : i32
      %dma_wait3A_140 = tpu.memref_slice %arg9[%arg0, %add3A_118, %dma_wait3A] : memref<2x10000x128xf32, #tpu.memory_space<hbm>> -> memref<1x80x128xf32, #tpu.memory_space<hbm>>
      %dma_wait3A_141 = tpu.memref_squeeze %dma_wait3A_140 : memref<1x80x128xf32, #tpu.memory_space<hbm>> -> memref<80x128xf32, #tpu.memory_space<hbm>>
      %dma_wait3A_142 = arith.constant 0 : i32
      %dma_wait3A_143 = tpu.memref_slice %arg9[%arg0, %add3A_118, %dma_wait3A_142] : memref<2x10000x128xf32, #tpu.memory_space<hbm>> -> memref<1x80x128xf32, #tpu.memory_space<hbm>>
      %dma_wait3A_144 = tpu.memref_squeeze %dma_wait3A_143 : memref<1x80x128xf32, #tpu.memory_space<hbm>> -> memref<80x128xf32, #tpu.memory_space<hbm>>
      tpu.wait_dma2 semaphore(%run_scoped3A : memref<!tpu.dma_semaphore, #tpu.memory_space<semaphore_mem>>) src(%arg12 : memref<80x128xf32, #tpu.memory_space<vmem>>) dst(%dma_wait3A_144 : memref<80x128xf32, #tpu.memory_space<hbm>>)
      tpu.yield
    }) : () -> ()
    %add3A_119 = arith.constant 320 : i32
    %add3A_120 = arith.addi %mul3A_2, %add3A_119 : i32
    "tpu.region"() ({
      %run_scoped3A = tpu.sem_alloc : memref<!tpu.dma_semaphore, #tpu.memory_space<semaphore_mem>>
      %dma_start3A = arith.constant 0 : i32
      %dma_start3A_135 = tpu.memref_slice %arg16[%add3A_120, %dma_start3A] : memref<10000x128xf32, #tpu.memory_space<vmem_shared>> -> memref<80x128xf32, #tpu.memory_space<vmem_shared>>
      %dma_start3A_136 = arith.constant 0 : i32
      %dma_start3A_137 = tpu.memref_slice %arg16[%add3A_120, %dma_start3A_136] : memref<10000x128xf32, #tpu.memory_space<vmem_shared>> -> memref<80x128xf32, #tpu.memory_space<vmem_shared>>
      tpu.enqueue_dma source(%dma_start3A_137 : memref<80x128xf32, #tpu.memory_space<vmem_shared>>) target(%arg12 : memref<80x128xf32, #tpu.memory_space<vmem>>) target_semaphore(%run_scoped3A : memref<!tpu.dma_semaphore, #tpu.memory_space<semaphore_mem>>)
      %dma_wait3A = arith.constant 0 : i32
      %dma_wait3A_138 = tpu.memref_slice %arg16[%add3A_120, %dma_wait3A] : memref<10000x128xf32, #tpu.memory_space<vmem_shared>> -> memref<80x128xf32, #tpu.memory_space<vmem_shared>>
      %dma_wait3A_139 = arith.constant 0 : i32
      %dma_wait3A_140 = tpu.memref_slice %arg16[%add3A_120, %dma_wait3A_139] : memref<10000x128xf32, #tpu.memory_space<vmem_shared>> -> memref<80x128xf32, #tpu.memory_space<vmem_shared>>
      tpu.wait_dma2 semaphore(%run_scoped3A : memref<!tpu.dma_semaphore, #tpu.memory_space<semaphore_mem>>) src(%dma_wait3A_140 : memref<80x128xf32, #tpu.memory_space<vmem_shared>>) dst(%arg12 : memref<80x128xf32, #tpu.memory_space<vmem>>)
      tpu.yield
    }) : () -> ()
    %add3A_121 = arith.constant 320 : i32
    %add3A_122 = arith.addi %mul3A_2, %add3A_121 : i32
    "tpu.region"() ({
      %run_scoped3A = tpu.sem_alloc : memref<!tpu.dma_semaphore, #tpu.memory_space<semaphore_mem>>
      %dma_start3A = arith.constant 0 : i32
      %dma_start3A_135 = tpu.memref_slice %arg9[%arg0, %add3A_122, %dma_start3A] : memref<2x10000x128xf32, #tpu.memory_space<hbm>> -> memref<1x80x128xf32, #tpu.memory_space<hbm>>
      %dma_start3A_136 = tpu.memref_squeeze %dma_start3A_135 : memref<1x80x128xf32, #tpu.memory_space<hbm>> -> memref<80x128xf32, #tpu.memory_space<hbm>>
      %dma_start3A_137 = arith.constant 0 : i32
      %dma_start3A_138 = tpu.memref_slice %arg9[%arg0, %add3A_122, %dma_start3A_137] : memref<2x10000x128xf32, #tpu.memory_space<hbm>> -> memref<1x80x128xf32, #tpu.memory_space<hbm>>
      %dma_start3A_139 = tpu.memref_squeeze %dma_start3A_138 : memref<1x80x128xf32, #tpu.memory_space<hbm>> -> memref<80x128xf32, #tpu.memory_space<hbm>>
      tpu.enqueue_dma source(%arg12 : memref<80x128xf32, #tpu.memory_space<vmem>>) target(%dma_start3A_139 : memref<80x128xf32, #tpu.memory_space<hbm>>) target_semaphore(%run_scoped3A : memref<!tpu.dma_semaphore, #tpu.memory_space<semaphore_mem>>)
      %dma_wait3A = arith.constant 0 : i32
      %dma_wait3A_140 = tpu.memref_slice %arg9[%arg0, %add3A_122, %dma_wait3A] : memref<2x10000x128xf32, #tpu.memory_space<hbm>> -> memref<1x80x128xf32, #tpu.memory_space<hbm>>
      %dma_wait3A_141 = tpu.memref_squeeze %dma_wait3A_140 : memref<1x80x128xf32, #tpu.memory_space<hbm>> -> memref<80x128xf32, #tpu.memory_space<hbm>>
      %dma_wait3A_142 = arith.constant 0 : i32
      %dma_wait3A_143 = tpu.memref_slice %arg9[%arg0, %add3A_122, %dma_wait3A_142] : memref<2x10000x128xf32, #tpu.memory_space<hbm>> -> memref<1x80x128xf32, #tpu.memory_space<hbm>>
      %dma_wait3A_144 = tpu.memref_squeeze %dma_wait3A_143 : memref<1x80x128xf32, #tpu.memory_space<hbm>> -> memref<80x128xf32, #tpu.memory_space<hbm>>
      tpu.wait_dma2 semaphore(%run_scoped3A : memref<!tpu.dma_semaphore, #tpu.memory_space<semaphore_mem>>) src(%arg12 : memref<80x128xf32, #tpu.memory_space<vmem>>) dst(%dma_wait3A_144 : memref<80x128xf32, #tpu.memory_space<hbm>>)
      tpu.yield
    }) : () -> ()
    %add3A_123 = arith.constant 400 : i32
    %add3A_124 = arith.addi %mul3A_2, %add3A_123 : i32
    "tpu.region"() ({
      %run_scoped3A = tpu.sem_alloc : memref<!tpu.dma_semaphore, #tpu.memory_space<semaphore_mem>>
      %dma_start3A = arith.constant 0 : i32
      %dma_start3A_135 = tpu.memref_slice %arg16[%add3A_124, %dma_start3A] : memref<10000x128xf32, #tpu.memory_space<vmem_shared>> -> memref<80x128xf32, #tpu.memory_space<vmem_shared>>
      %dma_start3A_136 = arith.constant 0 : i32
      %dma_start3A_137 = tpu.memref_slice %arg16[%add3A_124, %dma_start3A_136] : memref<10000x128xf32, #tpu.memory_space<vmem_shared>> -> memref<80x128xf32, #tpu.memory_space<vmem_shared>>
      tpu.enqueue_dma source(%dma_start3A_137 : memref<80x128xf32, #tpu.memory_space<vmem_shared>>) target(%arg12 : memref<80x128xf32, #tpu.memory_space<vmem>>) target_semaphore(%run_scoped3A : memref<!tpu.dma_semaphore, #tpu.memory_space<semaphore_mem>>)
      %dma_wait3A = arith.constant 0 : i32
      %dma_wait3A_138 = tpu.memref_slice %arg16[%add3A_124, %dma_wait3A] : memref<10000x128xf32, #tpu.memory_space<vmem_shared>> -> memref<80x128xf32, #tpu.memory_space<vmem_shared>>
      %dma_wait3A_139 = arith.constant 0 : i32
      %dma_wait3A_140 = tpu.memref_slice %arg16[%add3A_124, %dma_wait3A_139] : memref<10000x128xf32, #tpu.memory_space<vmem_shared>> -> memref<80x128xf32, #tpu.memory_space<vmem_shared>>
      tpu.wait_dma2 semaphore(%run_scoped3A : memref<!tpu.dma_semaphore, #tpu.memory_space<semaphore_mem>>) src(%dma_wait3A_140 : memref<80x128xf32, #tpu.memory_space<vmem_shared>>) dst(%arg12 : memref<80x128xf32, #tpu.memory_space<vmem>>)
      tpu.yield
    }) : () -> ()
    %add3A_125 = arith.constant 400 : i32
    %add3A_126 = arith.addi %mul3A_2, %add3A_125 : i32
    "tpu.region"() ({
      %run_scoped3A = tpu.sem_alloc : memref<!tpu.dma_semaphore, #tpu.memory_space<semaphore_mem>>
      %dma_start3A = arith.constant 0 : i32
      %dma_start3A_135 = tpu.memref_slice %arg9[%arg0, %add3A_126, %dma_start3A] : memref<2x10000x128xf32, #tpu.memory_space<hbm>> -> memref<1x80x128xf32, #tpu.memory_space<hbm>>
      %dma_start3A_136 = tpu.memref_squeeze %dma_start3A_135 : memref<1x80x128xf32, #tpu.memory_space<hbm>> -> memref<80x128xf32, #tpu.memory_space<hbm>>
      %dma_start3A_137 = arith.constant 0 : i32
      %dma_start3A_138 = tpu.memref_slice %arg9[%arg0, %add3A_126, %dma_start3A_137] : memref<2x10000x128xf32, #tpu.memory_space<hbm>> -> memref<1x80x128xf32, #tpu.memory_space<hbm>>
      %dma_start3A_139 = tpu.memref_squeeze %dma_start3A_138 : memref<1x80x128xf32, #tpu.memory_space<hbm>> -> memref<80x128xf32, #tpu.memory_space<hbm>>
      tpu.enqueue_dma source(%arg12 : memref<80x128xf32, #tpu.memory_space<vmem>>) target(%dma_start3A_139 : memref<80x128xf32, #tpu.memory_space<hbm>>) target_semaphore(%run_scoped3A : memref<!tpu.dma_semaphore, #tpu.memory_space<semaphore_mem>>)
      %dma_wait3A = arith.constant 0 : i32
      %dma_wait3A_140 = tpu.memref_slice %arg9[%arg0, %add3A_126, %dma_wait3A] : memref<2x10000x128xf32, #tpu.memory_space<hbm>> -> memref<1x80x128xf32, #tpu.memory_space<hbm>>
      %dma_wait3A_141 = tpu.memref_squeeze %dma_wait3A_140 : memref<1x80x128xf32, #tpu.memory_space<hbm>> -> memref<80x128xf32, #tpu.memory_space<hbm>>
      %dma_wait3A_142 = arith.constant 0 : i32
      %dma_wait3A_143 = tpu.memref_slice %arg9[%arg0, %add3A_126, %dma_wait3A_142] : memref<2x10000x128xf32, #tpu.memory_space<hbm>> -> memref<1x80x128xf32, #tpu.memory_space<hbm>>
      %dma_wait3A_144 = tpu.memref_squeeze %dma_wait3A_143 : memref<1x80x128xf32, #tpu.memory_space<hbm>> -> memref<80x128xf32, #tpu.memory_space<hbm>>
      tpu.wait_dma2 semaphore(%run_scoped3A : memref<!tpu.dma_semaphore, #tpu.memory_space<semaphore_mem>>) src(%arg12 : memref<80x128xf32, #tpu.memory_space<vmem>>) dst(%dma_wait3A_144 : memref<80x128xf32, #tpu.memory_space<hbm>>)
      tpu.yield
    }) : () -> ()
    %add3A_127 = arith.constant 480 : i32
    %add3A_128 = arith.addi %mul3A_2, %add3A_127 : i32
    "tpu.region"() ({
      %run_scoped3A = tpu.sem_alloc : memref<!tpu.dma_semaphore, #tpu.memory_space<semaphore_mem>>
      %dma_start3A = arith.constant 0 : i32
      %dma_start3A_135 = tpu.memref_slice %arg16[%add3A_128, %dma_start3A] : memref<10000x128xf32, #tpu.memory_space<vmem_shared>> -> memref<80x128xf32, #tpu.memory_space<vmem_shared>>
      %dma_start3A_136 = arith.constant 0 : i32
      %dma_start3A_137 = tpu.memref_slice %arg16[%add3A_128, %dma_start3A_136] : memref<10000x128xf32, #tpu.memory_space<vmem_shared>> -> memref<80x128xf32, #tpu.memory_space<vmem_shared>>
      tpu.enqueue_dma source(%dma_start3A_137 : memref<80x128xf32, #tpu.memory_space<vmem_shared>>) target(%arg12 : memref<80x128xf32, #tpu.memory_space<vmem>>) target_semaphore(%run_scoped3A : memref<!tpu.dma_semaphore, #tpu.memory_space<semaphore_mem>>)
      %dma_wait3A = arith.constant 0 : i32
      %dma_wait3A_138 = tpu.memref_slice %arg16[%add3A_128, %dma_wait3A] : memref<10000x128xf32, #tpu.memory_space<vmem_shared>> -> memref<80x128xf32, #tpu.memory_space<vmem_shared>>
      %dma_wait3A_139 = arith.constant 0 : i32
      %dma_wait3A_140 = tpu.memref_slice %arg16[%add3A_128, %dma_wait3A_139] : memref<10000x128xf32, #tpu.memory_space<vmem_shared>> -> memref<80x128xf32, #tpu.memory_space<vmem_shared>>
      tpu.wait_dma2 semaphore(%run_scoped3A : memref<!tpu.dma_semaphore, #tpu.memory_space<semaphore_mem>>) src(%dma_wait3A_140 : memref<80x128xf32, #tpu.memory_space<vmem_shared>>) dst(%arg12 : memref<80x128xf32, #tpu.memory_space<vmem>>)
      tpu.yield
    }) : () -> ()
    %add3A_129 = arith.constant 480 : i32
    %add3A_130 = arith.addi %mul3A_2, %add3A_129 : i32
    "tpu.region"() ({
      %run_scoped3A = tpu.sem_alloc : memref<!tpu.dma_semaphore, #tpu.memory_space<semaphore_mem>>
      %dma_start3A = arith.constant 0 : i32
      %dma_start3A_135 = tpu.memref_slice %arg9[%arg0, %add3A_130, %dma_start3A] : memref<2x10000x128xf32, #tpu.memory_space<hbm>> -> memref<1x80x128xf32, #tpu.memory_space<hbm>>
      %dma_start3A_136 = tpu.memref_squeeze %dma_start3A_135 : memref<1x80x128xf32, #tpu.memory_space<hbm>> -> memref<80x128xf32, #tpu.memory_space<hbm>>
      %dma_start3A_137 = arith.constant 0 : i32
      %dma_start3A_138 = tpu.memref_slice %arg9[%arg0, %add3A_130, %dma_start3A_137] : memref<2x10000x128xf32, #tpu.memory_space<hbm>> -> memref<1x80x128xf32, #tpu.memory_space<hbm>>
      %dma_start3A_139 = tpu.memref_squeeze %dma_start3A_138 : memref<1x80x128xf32, #tpu.memory_space<hbm>> -> memref<80x128xf32, #tpu.memory_space<hbm>>
      tpu.enqueue_dma source(%arg12 : memref<80x128xf32, #tpu.memory_space<vmem>>) target(%dma_start3A_139 : memref<80x128xf32, #tpu.memory_space<hbm>>) target_semaphore(%run_scoped3A : memref<!tpu.dma_semaphore, #tpu.memory_space<semaphore_mem>>)
      %dma_wait3A = arith.constant 0 : i32
      %dma_wait3A_140 = tpu.memref_slice %arg9[%arg0, %add3A_130, %dma_wait3A] : memref<2x10000x128xf32, #tpu.memory_space<hbm>> -> memref<1x80x128xf32, #tpu.memory_space<hbm>>
      %dma_wait3A_141 = tpu.memref_squeeze %dma_wait3A_140 : memref<1x80x128xf32, #tpu.memory_space<hbm>> -> memref<80x128xf32, #tpu.memory_space<hbm>>
      %dma_wait3A_142 = arith.constant 0 : i32
      %dma_wait3A_143 = tpu.memref_slice %arg9[%arg0, %add3A_130, %dma_wait3A_142] : memref<2x10000x128xf32, #tpu.memory_space<hbm>> -> memref<1x80x128xf32, #tpu.memory_space<hbm>>
      %dma_wait3A_144 = tpu.memref_squeeze %dma_wait3A_143 : memref<1x80x128xf32, #tpu.memory_space<hbm>> -> memref<80x128xf32, #tpu.memory_space<hbm>>
      tpu.wait_dma2 semaphore(%run_scoped3A : memref<!tpu.dma_semaphore, #tpu.memory_space<semaphore_mem>>) src(%arg12 : memref<80x128xf32, #tpu.memory_space<vmem>>) dst(%dma_wait3A_144 : memref<80x128xf32, #tpu.memory_space<hbm>>)
      tpu.yield
    }) : () -> ()
    %add3A_131 = arith.constant 560 : i32
    %add3A_132 = arith.addi %mul3A_2, %add3A_131 : i32
    "tpu.region"() ({
      %run_scoped3A = tpu.sem_alloc : memref<!tpu.dma_semaphore, #tpu.memory_space<semaphore_mem>>
      %dma_start3A = arith.constant 0 : i32
      %dma_start3A_135 = tpu.memref_slice %arg16[%add3A_132, %dma_start3A] : memref<10000x128xf32, #tpu.memory_space<vmem_shared>> -> memref<80x128xf32, #tpu.memory_space<vmem_shared>>
      %dma_start3A_136 = arith.constant 0 : i32
      %dma_start3A_137 = tpu.memref_slice %arg16[%add3A_132, %dma_start3A_136] : memref<10000x128xf32, #tpu.memory_space<vmem_shared>> -> memref<80x128xf32, #tpu.memory_space<vmem_shared>>
      tpu.enqueue_dma source(%dma_start3A_137 : memref<80x128xf32, #tpu.memory_space<vmem_shared>>) target(%arg12 : memref<80x128xf32, #tpu.memory_space<vmem>>) target_semaphore(%run_scoped3A : memref<!tpu.dma_semaphore, #tpu.memory_space<semaphore_mem>>)
      %dma_wait3A = arith.constant 0 : i32
      %dma_wait3A_138 = tpu.memref_slice %arg16[%add3A_132, %dma_wait3A] : memref<10000x128xf32, #tpu.memory_space<vmem_shared>> -> memref<80x128xf32, #tpu.memory_space<vmem_shared>>
      %dma_wait3A_139 = arith.constant 0 : i32
      %dma_wait3A_140 = tpu.memref_slice %arg16[%add3A_132, %dma_wait3A_139] : memref<10000x128xf32, #tpu.memory_space<vmem_shared>> -> memref<80x128xf32, #tpu.memory_space<vmem_shared>>
      tpu.wait_dma2 semaphore(%run_scoped3A : memref<!tpu.dma_semaphore, #tpu.memory_space<semaphore_mem>>) src(%dma_wait3A_140 : memref<80x128xf32, #tpu.memory_space<vmem_shared>>) dst(%arg12 : memref<80x128xf32, #tpu.memory_space<vmem>>)
      tpu.yield
    }) : () -> ()
    %add3A_133 = arith.constant 560 : i32
    %add3A_134 = arith.addi %mul3A_2, %add3A_133 : i32
    "tpu.region"() ({
      %run_scoped3A = tpu.sem_alloc : memref<!tpu.dma_semaphore, #tpu.memory_space<semaphore_mem>>
      %dma_start3A = arith.constant 0 : i32
      %dma_start3A_135 = tpu.memref_slice %arg9[%arg0, %add3A_134, %dma_start3A] : memref<2x10000x128xf32, #tpu.memory_space<hbm>> -> memref<1x80x128xf32, #tpu.memory_space<hbm>>
      %dma_start3A_136 = tpu.memref_squeeze %dma_start3A_135 : memref<1x80x128xf32, #tpu.memory_space<hbm>> -> memref<80x128xf32, #tpu.memory_space<hbm>>
      %dma_start3A_137 = arith.constant 0 : i32
      %dma_start3A_138 = tpu.memref_slice %arg9[%arg0, %add3A_134, %dma_start3A_137] : memref<2x10000x128xf32, #tpu.memory_space<hbm>> -> memref<1x80x128xf32, #tpu.memory_space<hbm>>
      %dma_start3A_139 = tpu.memref_squeeze %dma_start3A_138 : memref<1x80x128xf32, #tpu.memory_space<hbm>> -> memref<80x128xf32, #tpu.memory_space<hbm>>
      tpu.enqueue_dma source(%arg12 : memref<80x128xf32, #tpu.memory_space<vmem>>) target(%dma_start3A_139 : memref<80x128xf32, #tpu.memory_space<hbm>>) target_semaphore(%run_scoped3A : memref<!tpu.dma_semaphore, #tpu.memory_space<semaphore_mem>>)
      %dma_wait3A = arith.constant 0 : i32
      %dma_wait3A_140 = tpu.memref_slice %arg9[%arg0, %add3A_134, %dma_wait3A] : memref<2x10000x128xf32, #tpu.memory_space<hbm>> -> memref<1x80x128xf32, #tpu.memory_space<hbm>>
      %dma_wait3A_141 = tpu.memref_squeeze %dma_wait3A_140 : memref<1x80x128xf32, #tpu.memory_space<hbm>> -> memref<80x128xf32, #tpu.memory_space<hbm>>
      %dma_wait3A_142 = arith.constant 0 : i32
      %dma_wait3A_143 = tpu.memref_slice %arg9[%arg0, %add3A_134, %dma_wait3A_142] : memref<2x10000x128xf32, #tpu.memory_space<hbm>> -> memref<1x80x128xf32, #tpu.memory_space<hbm>>
      %dma_wait3A_144 = tpu.memref_squeeze %dma_wait3A_143 : memref<1x80x128xf32, #tpu.memory_space<hbm>> -> memref<80x128xf32, #tpu.memory_space<hbm>>
      tpu.wait_dma2 semaphore(%run_scoped3A : memref<!tpu.dma_semaphore, #tpu.memory_space<semaphore_mem>>) src(%arg12 : memref<80x128xf32, #tpu.memory_space<vmem>>) dst(%dma_wait3A_144 : memref<80x128xf32, #tpu.memory_space<hbm>>)
      tpu.yield
    }) : () -> ()
    return
  }
}

#map = affine_map<(d0, d1) -> (0, 0)>
#map1 = affine_map<(d0, d1) -> (0, 0, 0, 0)>
#map2 = affine_map<(d0, d1) -> (0, 0, 0)>
module attributes {stable_mosaic.version = 14 : i64} {
  func.func @_sc_phase_body(%arg0: i32, %arg1: i32, %arg2: memref<10000x128xf32, #tpu.memory_space<hbm>>, %arg3: memref<10000x128xf32, #tpu.memory_space<hbm>>, %arg4: memref<32x5x25x80xi32, #tpu.memory_space<hbm>>, %arg5: memref<32x5x25x80xi32, #tpu.memory_space<hbm>>, %arg6: memref<80x128xf32, #tpu.memory_space<hbm>>, %arg7: memref<8x16xf32, #tpu.memory_space<hbm>>, %arg8: memref<8x16xf32, #tpu.memory_space<hbm>>, %arg9: memref<2x10000x128xf32, #tpu.memory_space<hbm>>, %arg10: memref<25x80xi32, #tpu.memory_space<vmem>>, %arg11: memref<25x80xi32, #tpu.memory_space<vmem>>, %arg12: memref<80x128xf32, #tpu.memory_space<vmem>>, %arg13: memref<80x128xf32, #tpu.memory_space<vmem>>, %arg14: memref<8x16xf32, #tpu.memory_space<vmem>>, %arg15: memref<8x16xf32, #tpu.memory_space<vmem>>, %arg16: memref<10000x128xf32, #tpu.memory_space<vmem_shared>>, %arg17: memref<!tpu.dma_semaphore, #tpu.memory_space<semaphore_mem>>, %arg18: memref<!tpu.dma_semaphore, #tpu.memory_space<semaphore_mem>>) attributes {dimension_semantics = [#tpu.dimension_semantics<core_parallel>, #tpu.dimension_semantics<subcore_parallel>], iteration_bounds = array<i64: 2, 16>, scalar_prefetch = 0 : i64, scratch_operands = 9 : i64, tpu.core_type = #tpu.core_type<sc_vector_subcore>, window_params = [{transform_indices = #map}, {transform_indices = #map}, {transform_indices = #map1}, {transform_indices = #map1}, {transform_indices = #map}, {transform_indices = #map}, {transform_indices = #map}, {transform_indices = #map2}]} {
    %mul3A = arith.constant 2 : i32
    %mul3A_0 = arith.muli %arg1, %mul3A : i32
    %add3A = arith.addi %mul3A_0, %arg0 : i32
    %mul3A_1 = arith.constant 624 : i32
    %mul3A_2 = arith.muli %arg1, %mul3A_1 : i32
    "tpu.region"() ({
      %run_scoped3A = tpu.sem_alloc : memref<!tpu.dma_semaphore, #tpu.memory_space<semaphore_mem>>
      tpu.enqueue_dma source(%arg6 : memref<80x128xf32, #tpu.memory_space<hbm>>) target(%arg12 : memref<80x128xf32, #tpu.memory_space<vmem>>) target_semaphore(%run_scoped3A : memref<!tpu.dma_semaphore, #tpu.memory_space<semaphore_mem>>)
      tpu.wait_dma2 semaphore(%run_scoped3A : memref<!tpu.dma_semaphore, #tpu.memory_space<semaphore_mem>>) src(%arg6 : memref<80x128xf32, #tpu.memory_space<hbm>>) dst(%arg12 : memref<80x128xf32, #tpu.memory_space<vmem>>)
      tpu.yield
    }) : () -> ()
    %add3A_3 = arith.constant 0 : i32
    %add3A_4 = arith.addi %mul3A_2, %add3A_3 : i32
    "tpu.region"() ({
      %run_scoped3A = tpu.sem_alloc : memref<!tpu.dma_semaphore, #tpu.memory_space<semaphore_mem>>
      %dma_start3A = arith.constant 0 : i32
      %dma_start3A_135 = tpu.memref_slice %arg16[%add3A_4, %dma_start3A] : memref<10000x128xf32, #tpu.memory_space<vmem_shared>> -> memref<80x128xf32, #tpu.memory_space<vmem_shared>>
      %dma_start3A_136 = arith.constant 0 : i32
      %dma_start3A_137 = tpu.memref_slice %arg16[%add3A_4, %dma_start3A_136] : memref<10000x128xf32, #tpu.memory_space<vmem_shared>> -> memref<80x128xf32, #tpu.memory_space<vmem_shared>>
      tpu.enqueue_dma source(%arg12 : memref<80x128xf32, #tpu.memory_space<vmem>>) target(%dma_start3A_137 : memref<80x128xf32, #tpu.memory_space<vmem_shared>>) target_semaphore(%run_scoped3A : memref<!tpu.dma_semaphore, #tpu.memory_space<semaphore_mem>>)
      %dma_wait3A = arith.constant 0 : i32
      %dma_wait3A_138 = tpu.memref_slice %arg16[%add3A_4, %dma_wait3A] : memref<10000x128xf32, #tpu.memory_space<vmem_shared>> -> memref<80x128xf32, #tpu.memory_space<vmem_shared>>
      %dma_wait3A_139 = arith.constant 0 : i32
      %dma_wait3A_140 = tpu.memref_slice %arg16[%add3A_4, %dma_wait3A_139] : memref<10000x128xf32, #tpu.memory_space<vmem_shared>> -> memref<80x128xf32, #tpu.memory_space<vmem_shared>>
      tpu.wait_dma2 semaphore(%run_scoped3A : memref<!tpu.dma_semaphore, #tpu.memory_space<semaphore_mem>>) src(%arg12 : memref<80x128xf32, #tpu.memory_space<vmem>>) dst(%dma_wait3A_140 : memref<80x128xf32, #tpu.memory_space<vmem_shared>>)
      tpu.yield
    }) : () -> ()
    %add3A_5 = arith.constant 80 : i32
    %add3A_6 = arith.addi %mul3A_2, %add3A_5 : i32
    "tpu.region"() ({
      %run_scoped3A = tpu.sem_alloc : memref<!tpu.dma_semaphore, #tpu.memory_space<semaphore_mem>>
      %dma_start3A = arith.constant 0 : i32
      %dma_start3A_135 = tpu.memref_slice %arg16[%add3A_6, %dma_start3A] : memref<10000x128xf32, #tpu.memory_space<vmem_shared>> -> memref<80x128xf32, #tpu.memory_space<vmem_shared>>
      %dma_start3A_136 = arith.constant 0 : i32
      %dma_start3A_137 = tpu.memref_slice %arg16[%add3A_6, %dma_start3A_136] : memref<10000x128xf32, #tpu.memory_space<vmem_shared>> -> memref<80x128xf32, #tpu.memory_space<vmem_shared>>
      tpu.enqueue_dma source(%arg12 : memref<80x128xf32, #tpu.memory_space<vmem>>) target(%dma_start3A_137 : memref<80x128xf32, #tpu.memory_space<vmem_shared>>) target_semaphore(%run_scoped3A : memref<!tpu.dma_semaphore, #tpu.memory_space<semaphore_mem>>)
      %dma_wait3A = arith.constant 0 : i32
      %dma_wait3A_138 = tpu.memref_slice %arg16[%add3A_6, %dma_wait3A] : memref<10000x128xf32, #tpu.memory_space<vmem_shared>> -> memref<80x128xf32, #tpu.memory_space<vmem_shared>>
      %dma_wait3A_139 = arith.constant 0 : i32
      %dma_wait3A_140 = tpu.memref_slice %arg16[%add3A_6, %dma_wait3A_139] : memref<10000x128xf32, #tpu.memory_space<vmem_shared>> -> memref<80x128xf32, #tpu.memory_space<vmem_shared>>
      tpu.wait_dma2 semaphore(%run_scoped3A : memref<!tpu.dma_semaphore, #tpu.memory_space<semaphore_mem>>) src(%arg12 : memref<80x128xf32, #tpu.memory_space<vmem>>) dst(%dma_wait3A_140 : memref<80x128xf32, #tpu.memory_space<vmem_shared>>)
      tpu.yield
    }) : () -> ()
    %add3A_7 = arith.constant 160 : i32
    %add3A_8 = arith.addi %mul3A_2, %add3A_7 : i32
    "tpu.region"() ({
      %run_scoped3A = tpu.sem_alloc : memref<!tpu.dma_semaphore, #tpu.memory_space<semaphore_mem>>
      %dma_start3A = arith.constant 0 : i32
      %dma_start3A_135 = tpu.memref_slice %arg16[%add3A_8, %dma_start3A] : memref<10000x128xf32, #tpu.memory_space<vmem_shared>> -> memref<80x128xf32, #tpu.memory_space<vmem_shared>>
      %dma_start3A_136 = arith.constant 0 : i32
      %dma_start3A_137 = tpu.memref_slice %arg16[%add3A_8, %dma_start3A_136] : memref<10000x128xf32, #tpu.memory_space<vmem_shared>> -> memref<80x128xf32, #tpu.memory_space<vmem_shared>>
      tpu.enqueue_dma source(%arg12 : memref<80x128xf32, #tpu.memory_space<vmem>>) target(%dma_start3A_137 : memref<80x128xf32, #tpu.memory_space<vmem_shared>>) target_semaphore(%run_scoped3A : memref<!tpu.dma_semaphore, #tpu.memory_space<semaphore_mem>>)
      %dma_wait3A = arith.constant 0 : i32
      %dma_wait3A_138 = tpu.memref_slice %arg16[%add3A_8, %dma_wait3A] : memref<10000x128xf32, #tpu.memory_space<vmem_shared>> -> memref<80x128xf32, #tpu.memory_space<vmem_shared>>
      %dma_wait3A_139 = arith.constant 0 : i32
      %dma_wait3A_140 = tpu.memref_slice %arg16[%add3A_8, %dma_wait3A_139] : memref<10000x128xf32, #tpu.memory_space<vmem_shared>> -> memref<80x128xf32, #tpu.memory_space<vmem_shared>>
      tpu.wait_dma2 semaphore(%run_scoped3A : memref<!tpu.dma_semaphore, #tpu.memory_space<semaphore_mem>>) src(%arg12 : memref<80x128xf32, #tpu.memory_space<vmem>>) dst(%dma_wait3A_140 : memref<80x128xf32, #tpu.memory_space<vmem_shared>>)
      tpu.yield
    }) : () -> ()
    %add3A_9 = arith.constant 240 : i32
    %add3A_10 = arith.addi %mul3A_2, %add3A_9 : i32
    "tpu.region"() ({
      %run_scoped3A = tpu.sem_alloc : memref<!tpu.dma_semaphore, #tpu.memory_space<semaphore_mem>>
      %dma_start3A = arith.constant 0 : i32
      %dma_start3A_135 = tpu.memref_slice %arg16[%add3A_10, %dma_start3A] : memref<10000x128xf32, #tpu.memory_space<vmem_shared>> -> memref<80x128xf32, #tpu.memory_space<vmem_shared>>
      %dma_start3A_136 = arith.constant 0 : i32
      %dma_start3A_137 = tpu.memref_slice %arg16[%add3A_10, %dma_start3A_136] : memref<10000x128xf32, #tpu.memory_space<vmem_shared>> -> memref<80x128xf32, #tpu.memory_space<vmem_shared>>
      tpu.enqueue_dma source(%arg12 : memref<80x128xf32, #tpu.memory_space<vmem>>) target(%dma_start3A_137 : memref<80x128xf32, #tpu.memory_space<vmem_shared>>) target_semaphore(%run_scoped3A : memref<!tpu.dma_semaphore, #tpu.memory_space<semaphore_mem>>)
      %dma_wait3A = arith.constant 0 : i32
      %dma_wait3A_138 = tpu.memref_slice %arg16[%add3A_10, %dma_wait3A] : memref<10000x128xf32, #tpu.memory_space<vmem_shared>> -> memref<80x128xf32, #tpu.memory_space<vmem_shared>>
      %dma_wait3A_139 = arith.constant 0 : i32
      %dma_wait3A_140 = tpu.memref_slice %arg16[%add3A_10, %dma_wait3A_139] : memref<10000x128xf32, #tpu.memory_space<vmem_shared>> -> memref<80x128xf32, #tpu.memory_space<vmem_shared>>
      tpu.wait_dma2 semaphore(%run_scoped3A : memref<!tpu.dma_semaphore, #tpu.memory_space<semaphore_mem>>) src(%arg12 : memref<80x128xf32, #tpu.memory_space<vmem>>) dst(%dma_wait3A_140 : memref<80x128xf32, #tpu.memory_space<vmem_shared>>)
      tpu.yield
    }) : () -> ()
    %add3A_11 = arith.constant 320 : i32
    %add3A_12 = arith.addi %mul3A_2, %add3A_11 : i32
    "tpu.region"() ({
      %run_scoped3A = tpu.sem_alloc : memref<!tpu.dma_semaphore, #tpu.memory_space<semaphore_mem>>
      %dma_start3A = arith.constant 0 : i32
      %dma_start3A_135 = tpu.memref_slice %arg16[%add3A_12, %dma_start3A] : memref<10000x128xf32, #tpu.memory_space<vmem_shared>> -> memref<80x128xf32, #tpu.memory_space<vmem_shared>>
      %dma_start3A_136 = arith.constant 0 : i32
      %dma_start3A_137 = tpu.memref_slice %arg16[%add3A_12, %dma_start3A_136] : memref<10000x128xf32, #tpu.memory_space<vmem_shared>> -> memref<80x128xf32, #tpu.memory_space<vmem_shared>>
      tpu.enqueue_dma source(%arg12 : memref<80x128xf32, #tpu.memory_space<vmem>>) target(%dma_start3A_137 : memref<80x128xf32, #tpu.memory_space<vmem_shared>>) target_semaphore(%run_scoped3A : memref<!tpu.dma_semaphore, #tpu.memory_space<semaphore_mem>>)
      %dma_wait3A = arith.constant 0 : i32
      %dma_wait3A_138 = tpu.memref_slice %arg16[%add3A_12, %dma_wait3A] : memref<10000x128xf32, #tpu.memory_space<vmem_shared>> -> memref<80x128xf32, #tpu.memory_space<vmem_shared>>
      %dma_wait3A_139 = arith.constant 0 : i32
      %dma_wait3A_140 = tpu.memref_slice %arg16[%add3A_12, %dma_wait3A_139] : memref<10000x128xf32, #tpu.memory_space<vmem_shared>> -> memref<80x128xf32, #tpu.memory_space<vmem_shared>>
      tpu.wait_dma2 semaphore(%run_scoped3A : memref<!tpu.dma_semaphore, #tpu.memory_space<semaphore_mem>>) src(%arg12 : memref<80x128xf32, #tpu.memory_space<vmem>>) dst(%dma_wait3A_140 : memref<80x128xf32, #tpu.memory_space<vmem_shared>>)
      tpu.yield
    }) : () -> ()
    %add3A_13 = arith.constant 400 : i32
    %add3A_14 = arith.addi %mul3A_2, %add3A_13 : i32
    "tpu.region"() ({
      %run_scoped3A = tpu.sem_alloc : memref<!tpu.dma_semaphore, #tpu.memory_space<semaphore_mem>>
      %dma_start3A = arith.constant 0 : i32
      %dma_start3A_135 = tpu.memref_slice %arg16[%add3A_14, %dma_start3A] : memref<10000x128xf32, #tpu.memory_space<vmem_shared>> -> memref<80x128xf32, #tpu.memory_space<vmem_shared>>
      %dma_start3A_136 = arith.constant 0 : i32
      %dma_start3A_137 = tpu.memref_slice %arg16[%add3A_14, %dma_start3A_136] : memref<10000x128xf32, #tpu.memory_space<vmem_shared>> -> memref<80x128xf32, #tpu.memory_space<vmem_shared>>
      tpu.enqueue_dma source(%arg12 : memref<80x128xf32, #tpu.memory_space<vmem>>) target(%dma_start3A_137 : memref<80x128xf32, #tpu.memory_space<vmem_shared>>) target_semaphore(%run_scoped3A : memref<!tpu.dma_semaphore, #tpu.memory_space<semaphore_mem>>)
      %dma_wait3A = arith.constant 0 : i32
      %dma_wait3A_138 = tpu.memref_slice %arg16[%add3A_14, %dma_wait3A] : memref<10000x128xf32, #tpu.memory_space<vmem_shared>> -> memref<80x128xf32, #tpu.memory_space<vmem_shared>>
      %dma_wait3A_139 = arith.constant 0 : i32
      %dma_wait3A_140 = tpu.memref_slice %arg16[%add3A_14, %dma_wait3A_139] : memref<10000x128xf32, #tpu.memory_space<vmem_shared>> -> memref<80x128xf32, #tpu.memory_space<vmem_shared>>
      tpu.wait_dma2 semaphore(%run_scoped3A : memref<!tpu.dma_semaphore, #tpu.memory_space<semaphore_mem>>) src(%arg12 : memref<80x128xf32, #tpu.memory_space<vmem>>) dst(%dma_wait3A_140 : memref<80x128xf32, #tpu.memory_space<vmem_shared>>)
      tpu.yield
    }) : () -> ()
    %add3A_15 = arith.constant 480 : i32
    %add3A_16 = arith.addi %mul3A_2, %add3A_15 : i32
    "tpu.region"() ({
      %run_scoped3A = tpu.sem_alloc : memref<!tpu.dma_semaphore, #tpu.memory_space<semaphore_mem>>
      %dma_start3A = arith.constant 0 : i32
      %dma_start3A_135 = tpu.memref_slice %arg16[%add3A_16, %dma_start3A] : memref<10000x128xf32, #tpu.memory_space<vmem_shared>> -> memref<80x128xf32, #tpu.memory_space<vmem_shared>>
      %dma_start3A_136 = arith.constant 0 : i32
      %dma_start3A_137 = tpu.memref_slice %arg16[%add3A_16, %dma_start3A_136] : memref<10000x128xf32, #tpu.memory_space<vmem_shared>> -> memref<80x128xf32, #tpu.memory_space<vmem_shared>>
      tpu.enqueue_dma source(%arg12 : memref<80x128xf32, #tpu.memory_space<vmem>>) target(%dma_start3A_137 : memref<80x128xf32, #tpu.memory_space<vmem_shared>>) target_semaphore(%run_scoped3A : memref<!tpu.dma_semaphore, #tpu.memory_space<semaphore_mem>>)
      %dma_wait3A = arith.constant 0 : i32
      %dma_wait3A_138 = tpu.memref_slice %arg16[%add3A_16, %dma_wait3A] : memref<10000x128xf32, #tpu.memory_space<vmem_shared>> -> memref<80x128xf32, #tpu.memory_space<vmem_shared>>
      %dma_wait3A_139 = arith.constant 0 : i32
      %dma_wait3A_140 = tpu.memref_slice %arg16[%add3A_16, %dma_wait3A_139] : memref<10000x128xf32, #tpu.memory_space<vmem_shared>> -> memref<80x128xf32, #tpu.memory_space<vmem_shared>>
      tpu.wait_dma2 semaphore(%run_scoped3A : memref<!tpu.dma_semaphore, #tpu.memory_space<semaphore_mem>>) src(%arg12 : memref<80x128xf32, #tpu.memory_space<vmem>>) dst(%dma_wait3A_140 : memref<80x128xf32, #tpu.memory_space<vmem_shared>>)
      tpu.yield
    }) : () -> ()
    %add3A_17 = arith.constant 560 : i32
    %add3A_18 = arith.addi %mul3A_2, %add3A_17 : i32
    "tpu.region"() ({
      %run_scoped3A = tpu.sem_alloc : memref<!tpu.dma_semaphore, #tpu.memory_space<semaphore_mem>>
      %dma_start3A = arith.constant 0 : i32
      %dma_start3A_135 = tpu.memref_slice %arg16[%add3A_18, %dma_start3A] : memref<10000x128xf32, #tpu.memory_space<vmem_shared>> -> memref<80x128xf32, #tpu.memory_space<vmem_shared>>
      %dma_start3A_136 = arith.constant 0 : i32
      %dma_start3A_137 = tpu.memref_slice %arg16[%add3A_18, %dma_start3A_136] : memref<10000x128xf32, #tpu.memory_space<vmem_shared>> -> memref<80x128xf32, #tpu.memory_space<vmem_shared>>
      tpu.enqueue_dma source(%arg12 : memref<80x128xf32, #tpu.memory_space<vmem>>) target(%dma_start3A_137 : memref<80x128xf32, #tpu.memory_space<vmem_shared>>) target_semaphore(%run_scoped3A : memref<!tpu.dma_semaphore, #tpu.memory_space<semaphore_mem>>)
      %dma_wait3A = arith.constant 0 : i32
      %dma_wait3A_138 = tpu.memref_slice %arg16[%add3A_18, %dma_wait3A] : memref<10000x128xf32, #tpu.memory_space<vmem_shared>> -> memref<80x128xf32, #tpu.memory_space<vmem_shared>>
      %dma_wait3A_139 = arith.constant 0 : i32
      %dma_wait3A_140 = tpu.memref_slice %arg16[%add3A_18, %dma_wait3A_139] : memref<10000x128xf32, #tpu.memory_space<vmem_shared>> -> memref<80x128xf32, #tpu.memory_space<vmem_shared>>
      tpu.wait_dma2 semaphore(%run_scoped3A : memref<!tpu.dma_semaphore, #tpu.memory_space<semaphore_mem>>) src(%arg12 : memref<80x128xf32, #tpu.memory_space<vmem>>) dst(%dma_wait3A_140 : memref<80x128xf32, #tpu.memory_space<vmem_shared>>)
      tpu.yield
    }) : () -> ()
    "tpu.region"() ({
      %run_scoped3A = tpu.sem_alloc : memref<!tpu.dma_semaphore, #tpu.memory_space<semaphore_mem>>
      tpu.enqueue_dma source(%arg7 : memref<8x16xf32, #tpu.memory_space<hbm>>) target(%arg14 : memref<8x16xf32, #tpu.memory_space<vmem>>) target_semaphore(%run_scoped3A : memref<!tpu.dma_semaphore, #tpu.memory_space<semaphore_mem>>)
      tpu.wait_dma2 semaphore(%run_scoped3A : memref<!tpu.dma_semaphore, #tpu.memory_space<semaphore_mem>>) src(%arg7 : memref<8x16xf32, #tpu.memory_space<hbm>>) dst(%arg14 : memref<8x16xf32, #tpu.memory_space<vmem>>)
      tpu.yield
    }) : () -> ()
    "tpu.region"() ({
      %run_scoped3A = tpu.sem_alloc : memref<!tpu.dma_semaphore, #tpu.memory_space<semaphore_mem>>
      tpu.enqueue_dma source(%arg8 : memref<8x16xf32, #tpu.memory_space<hbm>>) target(%arg15 : memref<8x16xf32, #tpu.memory_space<vmem>>) target_semaphore(%run_scoped3A : memref<!tpu.dma_semaphore, #tpu.memory_space<semaphore_mem>>)
      tpu.wait_dma2 semaphore(%run_scoped3A : memref<!tpu.dma_semaphore, #tpu.memory_space<semaphore_mem>>) src(%arg8 : memref<8x16xf32, #tpu.memory_space<hbm>>) dst(%arg15 : memref<8x16xf32, #tpu.memory_space<vmem>>)
      tpu.yield
    }) : () -> ()
    %barrier3A = arith.constant 0 : index
    tpu.barrier barrier_id(%barrier3A)
    %get3A = arith.constant 0 : i32
    %get3A_19 = arith.index_cast %get3A : i32 to index
    %get3A_20 = arith.constant 0 : index
    %get3A_21 = tpu.vector_load %arg14[%get3A_19, %get3A_20] {strides = array<i32>} : memref<8x16xf32, #tpu.memory_space<vmem>>, vector<1x16xf32>,
    %get3A_22 = vector.shape_cast %get3A_21 : vector<1x16xf32> to vector<16xf32>
    %get3A_23 = arith.constant 1 : i32
    %get3A_24 = arith.index_cast %get3A_23 : i32 to index
    %get3A_25 = arith.constant 0 : index
    %get3A_26 = tpu.vector_load %arg14[%get3A_24, %get3A_25] {strides = array<i32>} : memref<8x16xf32, #tpu.memory_space<vmem>>, vector<1x16xf32>,
    %get3A_27 = vector.shape_cast %get3A_26 : vector<1x16xf32> to vector<16xf32>
    %get3A_28 = arith.constant 2 : i32
    %get3A_29 = arith.index_cast %get3A_28 : i32 to index
    %get3A_30 = arith.constant 0 : index
    %get3A_31 = tpu.vector_load %arg14[%get3A_29, %get3A_30] {strides = array<i32>} : memref<8x16xf32, #tpu.memory_space<vmem>>, vector<1x16xf32>,
    %get3A_32 = vector.shape_cast %get3A_31 : vector<1x16xf32> to vector<16xf32>
    %get3A_33 = arith.constant 3 : i32
    %get3A_34 = arith.index_cast %get3A_33 : i32 to index
    %get3A_35 = arith.constant 0 : index
    %get3A_36 = tpu.vector_load %arg14[%get3A_34, %get3A_35] {strides = array<i32>} : memref<8x16xf32, #tpu.memory_space<vmem>>, vector<1x16xf32>,
    %get3A_37 = vector.shape_cast %get3A_36 : vector<1x16xf32> to vector<16xf32>
    %get3A_38 = arith.constant 4 : i32
    %get3A_39 = arith.index_cast %get3A_38 : i32 to index
    %get3A_40 = arith.constant 0 : index
    %get3A_41 = tpu.vector_load %arg14[%get3A_39, %get3A_40] {strides = array<i32>} : memref<8x16xf32, #tpu.memory_space<vmem>>, vector<1x16xf32>,
    %get3A_42 = vector.shape_cast %get3A_41 : vector<1x16xf32> to vector<16xf32>
    %get3A_43 = arith.constant 5 : i32
    %get3A_44 = arith.index_cast %get3A_43 : i32 to index
    %get3A_45 = arith.constant 0 : index
    %get3A_46 = tpu.vector_load %arg14[%get3A_44, %get3A_45] {strides = array<i32>} : memref<8x16xf32, #tpu.memory_space<vmem>>, vector<1x16xf32>,
    %get3A_47 = vector.shape_cast %get3A_46 : vector<1x16xf32> to vector<16xf32>
    %get3A_48 = arith.constant 6 : i32
    %get3A_49 = arith.index_cast %get3A_48 : i32 to index
    %get3A_50 = arith.constant 0 : index
    %get3A_51 = tpu.vector_load %arg14[%get3A_49, %get3A_50] {strides = array<i32>} : memref<8x16xf32, #tpu.memory_space<vmem>>, vector<1x16xf32>,
    %get3A_52 = vector.shape_cast %get3A_51 : vector<1x16xf32> to vector<16xf32>
    %get3A_53 = arith.constant 7 : i32
    %get3A_54 = arith.index_cast %get3A_53 : i32 to index
    %get3A_55 = arith.constant 0 : index
    %get3A_56 = tpu.vector_load %arg14[%get3A_54, %get3A_55] {strides = array<i32>} : memref<8x16xf32, #tpu.memory_space<vmem>>, vector<1x16xf32>,
    %get3A_57 = vector.shape_cast %get3A_56 : vector<1x16xf32> to vector<16xf32>
    %get3A_58 = arith.constant 0 : i32
    %get3A_59 = arith.index_cast %get3A_58 : i32 to index
    %get3A_60 = arith.constant 0 : index
    %get3A_61 = tpu.vector_load %arg15[%get3A_59, %get3A_60] {strides = array<i32>} : memref<8x16xf32, #tpu.memory_space<vmem>>, vector<1x16xf32>,
    %get3A_62 = vector.shape_cast %get3A_61 : vector<1x16xf32> to vector<16xf32>
    %get3A_63 = arith.constant 1 : i32
    %get3A_64 = arith.index_cast %get3A_63 : i32 to index
    %get3A_65 = arith.constant 0 : index
    %get3A_66 = tpu.vector_load %arg15[%get3A_64, %get3A_65] {strides = array<i32>} : memref<8x16xf32, #tpu.memory_space<vmem>>, vector<1x16xf32>,
    %get3A_67 = vector.shape_cast %get3A_66 : vector<1x16xf32> to vector<16xf32>
    %get3A_68 = arith.constant 2 : i32
    %get3A_69 = arith.index_cast %get3A_68 : i32 to index
    %get3A_70 = arith.constant 0 : index
    %get3A_71 = tpu.vector_load %arg15[%get3A_69, %get3A_70] {strides = array<i32>} : memref<8x16xf32, #tpu.memory_space<vmem>>, vector<1x16xf32>,
    %get3A_72 = vector.shape_cast %get3A_71 : vector<1x16xf32> to vector<16xf32>
    %get3A_73 = arith.constant 3 : i32
    %get3A_74 = arith.index_cast %get3A_73 : i32 to index
    %get3A_75 = arith.constant 0 : index
    %get3A_76 = tpu.vector_load %arg15[%get3A_74, %get3A_75] {strides = array<i32>} : memref<8x16xf32, #tpu.memory_space<vmem>>, vector<1x16xf32>,
    %get3A_77 = vector.shape_cast %get3A_76 : vector<1x16xf32> to vector<16xf32>
    %get3A_78 = arith.constant 4 : i32
    %get3A_79 = arith.index_cast %get3A_78 : i32 to index
    %get3A_80 = arith.constant 0 : index
    %get3A_81 = tpu.vector_load %arg15[%get3A_79, %get3A_80] {strides = array<i32>} : memref<8x16xf32, #tpu.memory_space<vmem>>, vector<1x16xf32>,
    %get3A_82 = vector.shape_cast %get3A_81 : vector<1x16xf32> to vector<16xf32>
    %get3A_83 = arith.constant 5 : i32
    %get3A_84 = arith.index_cast %get3A_83 : i32 to index
    %get3A_85 = arith.constant 0 : index
    %get3A_86 = tpu.vector_load %arg15[%get3A_84, %get3A_85] {strides = array<i32>} : memref<8x16xf32, #tpu.memory_space<vmem>>, vector<1x16xf32>,
    %get3A_87 = vector.shape_cast %get3A_86 : vector<1x16xf32> to vector<16xf32>
    %get3A_88 = arith.constant 6 : i32
    %get3A_89 = arith.index_cast %get3A_88 : i32 to index
    %get3A_90 = arith.constant 0 : index
    %get3A_91 = tpu.vector_load %arg15[%get3A_89, %get3A_90] {strides = array<i32>} : memref<8x16xf32, #tpu.memory_space<vmem>>, vector<1x16xf32>,
    %get3A_92 = vector.shape_cast %get3A_91 : vector<1x16xf32> to vector<16xf32>
    %get3A_93 = arith.constant 7 : i32
    %get3A_94 = arith.index_cast %get3A_93 : i32 to index
    %get3A_95 = arith.constant 0 : index
    %get3A_96 = tpu.vector_load %arg15[%get3A_94, %get3A_95] {strides = array<i32>} : memref<8x16xf32, #tpu.memory_space<vmem>>, vector<1x16xf32>,
    %get3A_97 = vector.shape_cast %get3A_96 : vector<1x16xf32> to vector<16xf32>
    %scan3A = arith.constant 0 : i32
    %scan3A_98 = arith.constant 5 : i32
    %scan3A_99 = arith.addi %scan3A, %scan3A_98 : i32
    %scan3A_100 = arith.constant 1 : i32
    scf.for %scan3A_135 = %scan3A to %scan3A_99 step %scan3A_100  : i32 {
      "tpu.region"() ({
        %run_scoped3A = tpu.sem_alloc : memref<!tpu.dma_semaphore, #tpu.memory_space<semaphore_mem>>
        %dma_start3A = arith.constant 0 : i32
        %dma_start3A_141 = arith.constant 0 : i32
        %dma_start3A_142 = tpu.memref_slice %arg4[%add3A, %scan3A_135, %dma_start3A, %dma_start3A_141] : memref<32x5x25x80xi32, #tpu.memory_space<hbm>> -> memref<1x1x25x80xi32, #tpu.memory_space<hbm>>
        %dma_start3A_143 = tpu.memref_squeeze %dma_start3A_142 : memref<1x1x25x80xi32, #tpu.memory_space<hbm>> -> memref<25x80xi32, #tpu.memory_space<hbm>>
        %dma_start3A_144 = arith.constant 0 : i32
        %dma_start3A_145 = arith.constant 0 : i32
        %dma_start3A_146 = tpu.memref_slice %arg4[%add3A, %scan3A_135, %dma_start3A_144, %dma_start3A_145] : memref<32x5x25x80xi32, #tpu.memory_space<hbm>> -> memref<1x1x25x80xi32, #tpu.memory_space<hbm>>
        %dma_start3A_147 = tpu.memref_squeeze %dma_start3A_146 : memref<1x1x25x80xi32, #tpu.memory_space<hbm>> -> memref<25x80xi32, #tpu.memory_space<hbm>>
        tpu.enqueue_dma source(%dma_start3A_147 : memref<25x80xi32, #tpu.memory_space<hbm>>) target(%arg10 : memref<25x80xi32, #tpu.memory_space<vmem>>) target_semaphore(%run_scoped3A : memref<!tpu.dma_semaphore, #tpu.memory_space<semaphore_mem>>)
        %dma_wait3A = arith.constant 0 : i32
        %dma_wait3A_148 = arith.constant 0 : i32
        %dma_wait3A_149 = tpu.memref_slice %arg4[%add3A, %scan3A_135, %dma_wait3A, %dma_wait3A_148] : memref<32x5x25x80xi32, #tpu.memory_space<hbm>> -> memref<1x1x25x80xi32, #tpu.memory_space<hbm>>
        %dma_wait3A_150 = tpu.memref_squeeze %dma_wait3A_149 : memref<1x1x25x80xi32, #tpu.memory_space<hbm>> -> memref<25x80xi32, #tpu.memory_space<hbm>>
        %dma_wait3A_151 = arith.constant 0 : i32
        %dma_wait3A_152 = arith.constant 0 : i32
        %dma_wait3A_153 = tpu.memref_slice %arg4[%add3A, %scan3A_135, %dma_wait3A_151, %dma_wait3A_152] : memref<32x5x25x80xi32, #tpu.memory_space<hbm>> -> memref<1x1x25x80xi32, #tpu.memory_space<hbm>>
        %dma_wait3A_154 = tpu.memref_squeeze %dma_wait3A_153 : memref<1x1x25x80xi32, #tpu.memory_space<hbm>> -> memref<25x80xi32, #tpu.memory_space<hbm>>
        tpu.wait_dma2 semaphore(%run_scoped3A : memref<!tpu.dma_semaphore, #tpu.memory_space<semaphore_mem>>) src(%dma_wait3A_154 : memref<25x80xi32, #tpu.memory_space<hbm>>) dst(%arg10 : memref<25x80xi32, #tpu.memory_space<vmem>>)
        tpu.yield
      }) : () -> ()
      "tpu.region"() ({
        %run_scoped3A = tpu.sem_alloc : memref<!tpu.dma_semaphore, #tpu.memory_space<semaphore_mem>>
        %dma_start3A = arith.constant 0 : i32
        %dma_start3A_141 = arith.constant 0 : i32
        %dma_start3A_142 = tpu.memref_slice %arg5[%add3A, %scan3A_135, %dma_start3A, %dma_start3A_141] : memref<32x5x25x80xi32, #tpu.memory_space<hbm>> -> memref<1x1x25x80xi32, #tpu.memory_space<hbm>>
        %dma_start3A_143 = tpu.memref_squeeze %dma_start3A_142 : memref<1x1x25x80xi32, #tpu.memory_space<hbm>> -> memref<25x80xi32, #tpu.memory_space<hbm>>
        %dma_start3A_144 = arith.constant 0 : i32
        %dma_start3A_145 = arith.constant 0 : i32
        %dma_start3A_146 = tpu.memref_slice %arg5[%add3A, %scan3A_135, %dma_start3A_144, %dma_start3A_145] : memref<32x5x25x80xi32, #tpu.memory_space<hbm>> -> memref<1x1x25x80xi32, #tpu.memory_space<hbm>>
        %dma_start3A_147 = tpu.memref_squeeze %dma_start3A_146 : memref<1x1x25x80xi32, #tpu.memory_space<hbm>> -> memref<25x80xi32, #tpu.memory_space<hbm>>
        tpu.enqueue_dma source(%dma_start3A_147 : memref<25x80xi32, #tpu.memory_space<hbm>>) target(%arg11 : memref<25x80xi32, #tpu.memory_space<vmem>>) target_semaphore(%run_scoped3A : memref<!tpu.dma_semaphore, #tpu.memory_space<semaphore_mem>>)
        %dma_wait3A = arith.constant 0 : i32
        %dma_wait3A_148 = arith.constant 0 : i32
        %dma_wait3A_149 = tpu.memref_slice %arg5[%add3A, %scan3A_135, %dma_wait3A, %dma_wait3A_148] : memref<32x5x25x80xi32, #tpu.memory_space<hbm>> -> memref<1x1x25x80xi32, #tpu.memory_space<hbm>>
        %dma_wait3A_150 = tpu.memref_squeeze %dma_wait3A_149 : memref<1x1x25x80xi32, #tpu.memory_space<hbm>> -> memref<25x80xi32, #tpu.memory_space<hbm>>
        %dma_wait3A_151 = arith.constant 0 : i32
        %dma_wait3A_152 = arith.constant 0 : i32
        %dma_wait3A_153 = tpu.memref_slice %arg5[%add3A, %scan3A_135, %dma_wait3A_151, %dma_wait3A_152] : memref<32x5x25x80xi32, #tpu.memory_space<hbm>> -> memref<1x1x25x80xi32, #tpu.memory_space<hbm>>
        %dma_wait3A_154 = tpu.memref_squeeze %dma_wait3A_153 : memref<1x1x25x80xi32, #tpu.memory_space<hbm>> -> memref<25x80xi32, #tpu.memory_space<hbm>>
        tpu.wait_dma2 semaphore(%run_scoped3A : memref<!tpu.dma_semaphore, #tpu.memory_space<semaphore_mem>>) src(%dma_wait3A_154 : memref<25x80xi32, #tpu.memory_space<hbm>>) dst(%arg11 : memref<25x80xi32, #tpu.memory_space<vmem>>)
        tpu.yield
      }) : () -> ()
      %scan3A_136 = arith.constant 0 : i32
      %scan3A_137 = arith.constant 25 : i32
      %scan3A_138 = arith.addi %scan3A_136, %scan3A_137 : i32
      %scan3A_139 = arith.constant 1 : i32
      scf.for %scan3A_141 = %scan3A_136 to %scan3A_138 step %scan3A_139  : i32 {
        %dma_start3A = arith.constant 0 : i32
        %dma_start3A_142 = tpu.memref_slice %arg10[%scan3A_141, %dma_start3A] : memref<25x80xi32, #tpu.memory_space<vmem>> -> memref<1x80xi32, #tpu.memory_space<vmem>>
        %dma_start3A_143 = tpu.memref_squeeze %dma_start3A_142 : memref<1x80xi32, #tpu.memory_space<vmem>> -> memref<80xi32, #tpu.memory_space<vmem>>
        %dma_start3A_144 = arith.constant 0 : i32
        %dma_start3A_145 = arith.constant 0 : i32
        %dma_start3A_146 = tpu.memref_slice %arg2[%dma_start3A_144, %dma_start3A_145] : memref<10000x128xf32, #tpu.memory_space<hbm>> -> memref<10000x128xf32, #tpu.memory_space<hbm>>
        tpu.enqueue_indirect_dma source(%dma_start3A_146 : memref<10000x128xf32, #tpu.memory_space<hbm>>) target(%arg12 : memref<80x128xf32, #tpu.memory_space<vmem>>) offsets(%dma_start3A_143 : memref<80xi32, #tpu.memory_space<vmem>>) semaphore(%arg17 : memref<!tpu.dma_semaphore, #tpu.memory_space<semaphore_mem>>)
        %dma_wait3A = arith.constant 0 : i32
        %dma_wait3A_147 = tpu.memref_slice %arg10[%scan3A_141, %dma_wait3A] : memref<25x80xi32, #tpu.memory_space<vmem>> -> memref<1x80xi32, #tpu.memory_space<vmem>>
        %dma_wait3A_148 = tpu.memref_squeeze %dma_wait3A_147 : memref<1x80xi32, #tpu.memory_space<vmem>> -> memref<80xi32, #tpu.memory_space<vmem>>
        %dma_wait3A_149 = arith.constant 0 : i32
        %dma_wait3A_150 = arith.constant 0 : i32
        %dma_wait3A_151 = tpu.memref_slice %arg2[%dma_wait3A_149, %dma_wait3A_150] : memref<10000x128xf32, #tpu.memory_space<hbm>> -> memref<10000x128xf32, #tpu.memory_space<hbm>>
        tpu.wait_indirect_dma semaphore(%arg17 : memref<!tpu.dma_semaphore, #tpu.memory_space<semaphore_mem>>) src(%dma_wait3A_151 : memref<10000x128xf32, #tpu.memory_space<hbm>>) dst(%arg12 : memref<80x128xf32, #tpu.memory_space<vmem>>)
        "tpu.region"() ({
          %run_scoped3A = tpu.sem_alloc : memref<!tpu.dma_semaphore, #tpu.memory_space<semaphore_mem>>
          %dma_start3A_152 = arith.constant 0 : i32
          %dma_start3A_153 = tpu.memref_slice %arg11[%scan3A_141, %dma_start3A_152] : memref<25x80xi32, #tpu.memory_space<vmem>> -> memref<1x80xi32, #tpu.memory_space<vmem>>
          %dma_start3A_154 = tpu.memref_squeeze %dma_start3A_153 : memref<1x80xi32, #tpu.memory_space<vmem>> -> memref<80xi32, #tpu.memory_space<vmem>>
          %dma_start3A_155 = arith.constant 0 : i32
          %dma_start3A_156 = arith.constant 0 : i32
          %dma_start3A_157 = tpu.memref_slice %arg16[%dma_start3A_155, %dma_start3A_156] : memref<10000x128xf32, #tpu.memory_space<vmem_shared>> -> memref<10000x128xf32, #tpu.memory_space<vmem_shared>>
          tpu.enqueue_indirect_dma source(%arg12 : memref<80x128xf32, #tpu.memory_space<vmem>>) target(%dma_start3A_157 : memref<10000x128xf32, #tpu.memory_space<vmem_shared>>) offsets(%dma_start3A_154 : memref<80xi32, #tpu.memory_space<vmem>>) semaphore(%run_scoped3A : memref<!tpu.dma_semaphore, #tpu.memory_space<semaphore_mem>>) {add = true}
          %dma_wait3A_158 = arith.constant 0 : i32
          %dma_wait3A_159 = tpu.memref_slice %arg11[%scan3A_141, %dma_wait3A_158] : memref<25x80xi32, #tpu.memory_space<vmem>> -> memref<1x80xi32, #tpu.memory_space<vmem>>
          %dma_wait3A_160 = tpu.memref_squeeze %dma_wait3A_159 : memref<1x80xi32, #tpu.memory_space<vmem>> -> memref<80xi32, #tpu.memory_space<vmem>>
          %dma_wait3A_161 = arith.constant 0 : i32
          %dma_wait3A_162 = arith.constant 0 : i32
          %dma_wait3A_163 = tpu.memref_slice %arg16[%dma_wait3A_161, %dma_wait3A_162] : memref<10000x128xf32, #tpu.memory_space<vmem_shared>> -> memref<10000x128xf32, #tpu.memory_space<vmem_shared>>
          tpu.wait_indirect_dma semaphore(%run_scoped3A : memref<!tpu.dma_semaphore, #tpu.memory_space<semaphore_mem>>) src(%arg12 : memref<80x128xf32, #tpu.memory_space<vmem>>) dst(%dma_wait3A_163 : memref<10000x128xf32, #tpu.memory_space<vmem_shared>>)
          tpu.yield
        }) : () -> ()
      }
      %scan3A_140 = arith.constant 25 : i32
    }
    %scan3A_101 = arith.constant 5 : i32
    %barrier3A_102 = arith.constant 0 : index
    tpu.barrier barrier_id(%barrier3A_102)
    %add3A_103 = arith.constant 0 : i32
    %add3A_104 = arith.addi %mul3A_2, %add3A_103 : i32
    "tpu.region"() ({
      %run_scoped3A = tpu.sem_alloc : memref<!tpu.dma_semaphore, #tpu.memory_space<semaphore_mem>>
      %dma_start3A = arith.constant 0 : i32
      %dma_start3A_135 = tpu.memref_slice %arg16[%add3A_104, %dma_start3A] : memref<10000x128xf32, #tpu.memory_space<vmem_shared>> -> memref<80x128xf32, #tpu.memory_space<vmem_shared>>
      %dma_start3A_136 = arith.constant 0 : i32
      %dma_start3A_137 = tpu.memref_slice %arg16[%add3A_104, %dma_start3A_136] : memref<10000x128xf32, #tpu.memory_space<vmem_shared>> -> memref<80x128xf32, #tpu.memory_space<vmem_shared>>
      tpu.enqueue_dma source(%dma_start3A_137 : memref<80x128xf32, #tpu.memory_space<vmem_shared>>) target(%arg12 : memref<80x128xf32, #tpu.memory_space<vmem>>) target_semaphore(%run_scoped3A : memref<!tpu.dma_semaphore, #tpu.memory_space<semaphore_mem>>)
      %dma_wait3A = arith.constant 0 : i32
      %dma_wait3A_138 = tpu.memref_slice %arg16[%add3A_104, %dma_wait3A] : memref<10000x128xf32, #tpu.memory_space<vmem_shared>> -> memref<80x128xf32, #tpu.memory_space<vmem_shared>>
      %dma_wait3A_139 = arith.constant 0 : i32
      %dma_wait3A_140 = tpu.memref_slice %arg16[%add3A_104, %dma_wait3A_139] : memref<10000x128xf32, #tpu.memory_space<vmem_shared>> -> memref<80x128xf32, #tpu.memory_space<vmem_shared>>
      tpu.wait_dma2 semaphore(%run_scoped3A : memref<!tpu.dma_semaphore, #tpu.memory_space<semaphore_mem>>) src(%dma_wait3A_140 : memref<80x128xf32, #tpu.memory_space<vmem_shared>>) dst(%arg12 : memref<80x128xf32, #tpu.memory_space<vmem>>)
      tpu.yield
    }) : () -> ()
    %add3A_105 = arith.constant 0 : i32
    %add3A_106 = arith.addi %mul3A_2, %add3A_105 : i32
    "tpu.region"() ({
      %run_scoped3A = tpu.sem_alloc : memref<!tpu.dma_semaphore, #tpu.memory_space<semaphore_mem>>
      %dma_start3A = arith.constant 0 : i32
      %dma_start3A_135 = tpu.memref_slice %arg9[%arg0, %add3A_106, %dma_start3A] : memref<2x10000x128xf32, #tpu.memory_space<hbm>> -> memref<1x80x128xf32, #tpu.memory_space<hbm>>
      %dma_start3A_136 = tpu.memref_squeeze %dma_start3A_135 : memref<1x80x128xf32, #tpu.memory_space<hbm>> -> memref<80x128xf32, #tpu.memory_space<hbm>>
      %dma_start3A_137 = arith.constant 0 : i32
      %dma_start3A_138 = tpu.memref_slice %arg9[%arg0, %add3A_106, %dma_start3A_137] : memref<2x10000x128xf32, #tpu.memory_space<hbm>> -> memref<1x80x128xf32, #tpu.memory_space<hbm>>
      %dma_start3A_139 = tpu.memref_squeeze %dma_start3A_138 : memref<1x80x128xf32, #tpu.memory_space<hbm>> -> memref<80x128xf32, #tpu.memory_space<hbm>>
      tpu.enqueue_dma source(%arg12 : memref<80x128xf32, #tpu.memory_space<vmem>>) target(%dma_start3A_139 : memref<80x128xf32, #tpu.memory_space<hbm>>) target_semaphore(%run_scoped3A : memref<!tpu.dma_semaphore, #tpu.memory_space<semaphore_mem>>)
      %dma_wait3A = arith.constant 0 : i32
      %dma_wait3A_140 = tpu.memref_slice %arg9[%arg0, %add3A_106, %dma_wait3A] : memref<2x10000x128xf32, #tpu.memory_space<hbm>> -> memref<1x80x128xf32, #tpu.memory_space<hbm>>
      %dma_wait3A_141 = tpu.memref_squeeze %dma_wait3A_140 : memref<1x80x128xf32, #tpu.memory_space<hbm>> -> memref<80x128xf32, #tpu.memory_space<hbm>>
      %dma_wait3A_142 = arith.constant 0 : i32
      %dma_wait3A_143 = tpu.memref_slice %arg9[%arg0, %add3A_106, %dma_wait3A_142] : memref<2x10000x128xf32, #tpu.memory_space<hbm>> -> memref<1x80x128xf32, #tpu.memory_space<hbm>>
      %dma_wait3A_144 = tpu.memref_squeeze %dma_wait3A_143 : memref<1x80x128xf32, #tpu.memory_space<hbm>> -> memref<80x128xf32, #tpu.memory_space<hbm>>
      tpu.wait_dma2 semaphore(%run_scoped3A : memref<!tpu.dma_semaphore, #tpu.memory_space<semaphore_mem>>) src(%arg12 : memref<80x128xf32, #tpu.memory_space<vmem>>) dst(%dma_wait3A_144 : memref<80x128xf32, #tpu.memory_space<hbm>>)
      tpu.yield
    }) : () -> ()
    %add3A_107 = arith.constant 80 : i32
    %add3A_108 = arith.addi %mul3A_2, %add3A_107 : i32
    "tpu.region"() ({
      %run_scoped3A = tpu.sem_alloc : memref<!tpu.dma_semaphore, #tpu.memory_space<semaphore_mem>>
      %dma_start3A = arith.constant 0 : i32
      %dma_start3A_135 = tpu.memref_slice %arg16[%add3A_108, %dma_start3A] : memref<10000x128xf32, #tpu.memory_space<vmem_shared>> -> memref<80x128xf32, #tpu.memory_space<vmem_shared>>
      %dma_start3A_136 = arith.constant 0 : i32
      %dma_start3A_137 = tpu.memref_slice %arg16[%add3A_108, %dma_start3A_136] : memref<10000x128xf32, #tpu.memory_space<vmem_shared>> -> memref<80x128xf32, #tpu.memory_space<vmem_shared>>
      tpu.enqueue_dma source(%dma_start3A_137 : memref<80x128xf32, #tpu.memory_space<vmem_shared>>) target(%arg12 : memref<80x128xf32, #tpu.memory_space<vmem>>) target_semaphore(%run_scoped3A : memref<!tpu.dma_semaphore, #tpu.memory_space<semaphore_mem>>)
      %dma_wait3A = arith.constant 0 : i32
      %dma_wait3A_138 = tpu.memref_slice %arg16[%add3A_108, %dma_wait3A] : memref<10000x128xf32, #tpu.memory_space<vmem_shared>> -> memref<80x128xf32, #tpu.memory_space<vmem_shared>>
      %dma_wait3A_139 = arith.constant 0 : i32
      %dma_wait3A_140 = tpu.memref_slice %arg16[%add3A_108, %dma_wait3A_139] : memref<10000x128xf32, #tpu.memory_space<vmem_shared>> -> memref<80x128xf32, #tpu.memory_space<vmem_shared>>
      tpu.wait_dma2 semaphore(%run_scoped3A : memref<!tpu.dma_semaphore, #tpu.memory_space<semaphore_mem>>) src(%dma_wait3A_140 : memref<80x128xf32, #tpu.memory_space<vmem_shared>>) dst(%arg12 : memref<80x128xf32, #tpu.memory_space<vmem>>)
      tpu.yield
    }) : () -> ()
    %add3A_109 = arith.constant 80 : i32
    %add3A_110 = arith.addi %mul3A_2, %add3A_109 : i32
    "tpu.region"() ({
      %run_scoped3A = tpu.sem_alloc : memref<!tpu.dma_semaphore, #tpu.memory_space<semaphore_mem>>
      %dma_start3A = arith.constant 0 : i32
      %dma_start3A_135 = tpu.memref_slice %arg9[%arg0, %add3A_110, %dma_start3A] : memref<2x10000x128xf32, #tpu.memory_space<hbm>> -> memref<1x80x128xf32, #tpu.memory_space<hbm>>
      %dma_start3A_136 = tpu.memref_squeeze %dma_start3A_135 : memref<1x80x128xf32, #tpu.memory_space<hbm>> -> memref<80x128xf32, #tpu.memory_space<hbm>>
      %dma_start3A_137 = arith.constant 0 : i32
      %dma_start3A_138 = tpu.memref_slice %arg9[%arg0, %add3A_110, %dma_start3A_137] : memref<2x10000x128xf32, #tpu.memory_space<hbm>> -> memref<1x80x128xf32, #tpu.memory_space<hbm>>
      %dma_start3A_139 = tpu.memref_squeeze %dma_start3A_138 : memref<1x80x128xf32, #tpu.memory_space<hbm>> -> memref<80x128xf32, #tpu.memory_space<hbm>>
      tpu.enqueue_dma source(%arg12 : memref<80x128xf32, #tpu.memory_space<vmem>>) target(%dma_start3A_139 : memref<80x128xf32, #tpu.memory_space<hbm>>) target_semaphore(%run_scoped3A : memref<!tpu.dma_semaphore, #tpu.memory_space<semaphore_mem>>)
      %dma_wait3A = arith.constant 0 : i32
      %dma_wait3A_140 = tpu.memref_slice %arg9[%arg0, %add3A_110, %dma_wait3A] : memref<2x10000x128xf32, #tpu.memory_space<hbm>> -> memref<1x80x128xf32, #tpu.memory_space<hbm>>
      %dma_wait3A_141 = tpu.memref_squeeze %dma_wait3A_140 : memref<1x80x128xf32, #tpu.memory_space<hbm>> -> memref<80x128xf32, #tpu.memory_space<hbm>>
      %dma_wait3A_142 = arith.constant 0 : i32
      %dma_wait3A_143 = tpu.memref_slice %arg9[%arg0, %add3A_110, %dma_wait3A_142] : memref<2x10000x128xf32, #tpu.memory_space<hbm>> -> memref<1x80x128xf32, #tpu.memory_space<hbm>>
      %dma_wait3A_144 = tpu.memref_squeeze %dma_wait3A_143 : memref<1x80x128xf32, #tpu.memory_space<hbm>> -> memref<80x128xf32, #tpu.memory_space<hbm>>
      tpu.wait_dma2 semaphore(%run_scoped3A : memref<!tpu.dma_semaphore, #tpu.memory_space<semaphore_mem>>) src(%arg12 : memref<80x128xf32, #tpu.memory_space<vmem>>) dst(%dma_wait3A_144 : memref<80x128xf32, #tpu.memory_space<hbm>>)
      tpu.yield
    }) : () -> ()
    %add3A_111 = arith.constant 160 : i32
    %add3A_112 = arith.addi %mul3A_2, %add3A_111 : i32
    "tpu.region"() ({
      %run_scoped3A = tpu.sem_alloc : memref<!tpu.dma_semaphore, #tpu.memory_space<semaphore_mem>>
      %dma_start3A = arith.constant 0 : i32
      %dma_start3A_135 = tpu.memref_slice %arg16[%add3A_112, %dma_start3A] : memref<10000x128xf32, #tpu.memory_space<vmem_shared>> -> memref<80x128xf32, #tpu.memory_space<vmem_shared>>
      %dma_start3A_136 = arith.constant 0 : i32
      %dma_start3A_137 = tpu.memref_slice %arg16[%add3A_112, %dma_start3A_136] : memref<10000x128xf32, #tpu.memory_space<vmem_shared>> -> memref<80x128xf32, #tpu.memory_space<vmem_shared>>
      tpu.enqueue_dma source(%dma_start3A_137 : memref<80x128xf32, #tpu.memory_space<vmem_shared>>) target(%arg12 : memref<80x128xf32, #tpu.memory_space<vmem>>) target_semaphore(%run_scoped3A : memref<!tpu.dma_semaphore, #tpu.memory_space<semaphore_mem>>)
      %dma_wait3A = arith.constant 0 : i32
      %dma_wait3A_138 = tpu.memref_slice %arg16[%add3A_112, %dma_wait3A] : memref<10000x128xf32, #tpu.memory_space<vmem_shared>> -> memref<80x128xf32, #tpu.memory_space<vmem_shared>>
      %dma_wait3A_139 = arith.constant 0 : i32
      %dma_wait3A_140 = tpu.memref_slice %arg16[%add3A_112, %dma_wait3A_139] : memref<10000x128xf32, #tpu.memory_space<vmem_shared>> -> memref<80x128xf32, #tpu.memory_space<vmem_shared>>
      tpu.wait_dma2 semaphore(%run_scoped3A : memref<!tpu.dma_semaphore, #tpu.memory_space<semaphore_mem>>) src(%dma_wait3A_140 : memref<80x128xf32, #tpu.memory_space<vmem_shared>>) dst(%arg12 : memref<80x128xf32, #tpu.memory_space<vmem>>)
      tpu.yield
    }) : () -> ()
    %add3A_113 = arith.constant 160 : i32
    %add3A_114 = arith.addi %mul3A_2, %add3A_113 : i32
    "tpu.region"() ({
      %run_scoped3A = tpu.sem_alloc : memref<!tpu.dma_semaphore, #tpu.memory_space<semaphore_mem>>
      %dma_start3A = arith.constant 0 : i32
      %dma_start3A_135 = tpu.memref_slice %arg9[%arg0, %add3A_114, %dma_start3A] : memref<2x10000x128xf32, #tpu.memory_space<hbm>> -> memref<1x80x128xf32, #tpu.memory_space<hbm>>
      %dma_start3A_136 = tpu.memref_squeeze %dma_start3A_135 : memref<1x80x128xf32, #tpu.memory_space<hbm>> -> memref<80x128xf32, #tpu.memory_space<hbm>>
      %dma_start3A_137 = arith.constant 0 : i32
      %dma_start3A_138 = tpu.memref_slice %arg9[%arg0, %add3A_114, %dma_start3A_137] : memref<2x10000x128xf32, #tpu.memory_space<hbm>> -> memref<1x80x128xf32, #tpu.memory_space<hbm>>
      %dma_start3A_139 = tpu.memref_squeeze %dma_start3A_138 : memref<1x80x128xf32, #tpu.memory_space<hbm>> -> memref<80x128xf32, #tpu.memory_space<hbm>>
      tpu.enqueue_dma source(%arg12 : memref<80x128xf32, #tpu.memory_space<vmem>>) target(%dma_start3A_139 : memref<80x128xf32, #tpu.memory_space<hbm>>) target_semaphore(%run_scoped3A : memref<!tpu.dma_semaphore, #tpu.memory_space<semaphore_mem>>)
      %dma_wait3A = arith.constant 0 : i32
      %dma_wait3A_140 = tpu.memref_slice %arg9[%arg0, %add3A_114, %dma_wait3A] : memref<2x10000x128xf32, #tpu.memory_space<hbm>> -> memref<1x80x128xf32, #tpu.memory_space<hbm>>
      %dma_wait3A_141 = tpu.memref_squeeze %dma_wait3A_140 : memref<1x80x128xf32, #tpu.memory_space<hbm>> -> memref<80x128xf32, #tpu.memory_space<hbm>>
      %dma_wait3A_142 = arith.constant 0 : i32
      %dma_wait3A_143 = tpu.memref_slice %arg9[%arg0, %add3A_114, %dma_wait3A_142] : memref<2x10000x128xf32, #tpu.memory_space<hbm>> -> memref<1x80x128xf32, #tpu.memory_space<hbm>>
      %dma_wait3A_144 = tpu.memref_squeeze %dma_wait3A_143 : memref<1x80x128xf32, #tpu.memory_space<hbm>> -> memref<80x128xf32, #tpu.memory_space<hbm>>
      tpu.wait_dma2 semaphore(%run_scoped3A : memref<!tpu.dma_semaphore, #tpu.memory_space<semaphore_mem>>) src(%arg12 : memref<80x128xf32, #tpu.memory_space<vmem>>) dst(%dma_wait3A_144 : memref<80x128xf32, #tpu.memory_space<hbm>>)
      tpu.yield
    }) : () -> ()
    %add3A_115 = arith.constant 240 : i32
    %add3A_116 = arith.addi %mul3A_2, %add3A_115 : i32
    "tpu.region"() ({
      %run_scoped3A = tpu.sem_alloc : memref<!tpu.dma_semaphore, #tpu.memory_space<semaphore_mem>>
      %dma_start3A = arith.constant 0 : i32
      %dma_start3A_135 = tpu.memref_slice %arg16[%add3A_116, %dma_start3A] : memref<10000x128xf32, #tpu.memory_space<vmem_shared>> -> memref<80x128xf32, #tpu.memory_space<vmem_shared>>
      %dma_start3A_136 = arith.constant 0 : i32
      %dma_start3A_137 = tpu.memref_slice %arg16[%add3A_116, %dma_start3A_136] : memref<10000x128xf32, #tpu.memory_space<vmem_shared>> -> memref<80x128xf32, #tpu.memory_space<vmem_shared>>
      tpu.enqueue_dma source(%dma_start3A_137 : memref<80x128xf32, #tpu.memory_space<vmem_shared>>) target(%arg12 : memref<80x128xf32, #tpu.memory_space<vmem>>) target_semaphore(%run_scoped3A : memref<!tpu.dma_semaphore, #tpu.memory_space<semaphore_mem>>)
      %dma_wait3A = arith.constant 0 : i32
      %dma_wait3A_138 = tpu.memref_slice %arg16[%add3A_116, %dma_wait3A] : memref<10000x128xf32, #tpu.memory_space<vmem_shared>> -> memref<80x128xf32, #tpu.memory_space<vmem_shared>>
      %dma_wait3A_139 = arith.constant 0 : i32
      %dma_wait3A_140 = tpu.memref_slice %arg16[%add3A_116, %dma_wait3A_139] : memref<10000x128xf32, #tpu.memory_space<vmem_shared>> -> memref<80x128xf32, #tpu.memory_space<vmem_shared>>
      tpu.wait_dma2 semaphore(%run_scoped3A : memref<!tpu.dma_semaphore, #tpu.memory_space<semaphore_mem>>) src(%dma_wait3A_140 : memref<80x128xf32, #tpu.memory_space<vmem_shared>>) dst(%arg12 : memref<80x128xf32, #tpu.memory_space<vmem>>)
      tpu.yield
    }) : () -> ()
    %add3A_117 = arith.constant 240 : i32
    %add3A_118 = arith.addi %mul3A_2, %add3A_117 : i32
    "tpu.region"() ({
      %run_scoped3A = tpu.sem_alloc : memref<!tpu.dma_semaphore, #tpu.memory_space<semaphore_mem>>
      %dma_start3A = arith.constant 0 : i32
      %dma_start3A_135 = tpu.memref_slice %arg9[%arg0, %add3A_118, %dma_start3A] : memref<2x10000x128xf32, #tpu.memory_space<hbm>> -> memref<1x80x128xf32, #tpu.memory_space<hbm>>
      %dma_start3A_136 = tpu.memref_squeeze %dma_start3A_135 : memref<1x80x128xf32, #tpu.memory_space<hbm>> -> memref<80x128xf32, #tpu.memory_space<hbm>>
      %dma_start3A_137 = arith.constant 0 : i32
      %dma_start3A_138 = tpu.memref_slice %arg9[%arg0, %add3A_118, %dma_start3A_137] : memref<2x10000x128xf32, #tpu.memory_space<hbm>> -> memref<1x80x128xf32, #tpu.memory_space<hbm>>
      %dma_start3A_139 = tpu.memref_squeeze %dma_start3A_138 : memref<1x80x128xf32, #tpu.memory_space<hbm>> -> memref<80x128xf32, #tpu.memory_space<hbm>>
      tpu.enqueue_dma source(%arg12 : memref<80x128xf32, #tpu.memory_space<vmem>>) target(%dma_start3A_139 : memref<80x128xf32, #tpu.memory_space<hbm>>) target_semaphore(%run_scoped3A : memref<!tpu.dma_semaphore, #tpu.memory_space<semaphore_mem>>)
      %dma_wait3A = arith.constant 0 : i32
      %dma_wait3A_140 = tpu.memref_slice %arg9[%arg0, %add3A_118, %dma_wait3A] : memref<2x10000x128xf32, #tpu.memory_space<hbm>> -> memref<1x80x128xf32, #tpu.memory_space<hbm>>
      %dma_wait3A_141 = tpu.memref_squeeze %dma_wait3A_140 : memref<1x80x128xf32, #tpu.memory_space<hbm>> -> memref<80x128xf32, #tpu.memory_space<hbm>>
      %dma_wait3A_142 = arith.constant 0 : i32
      %dma_wait3A_143 = tpu.memref_slice %arg9[%arg0, %add3A_118, %dma_wait3A_142] : memref<2x10000x128xf32, #tpu.memory_space<hbm>> -> memref<1x80x128xf32, #tpu.memory_space<hbm>>
      %dma_wait3A_144 = tpu.memref_squeeze %dma_wait3A_143 : memref<1x80x128xf32, #tpu.memory_space<hbm>> -> memref<80x128xf32, #tpu.memory_space<hbm>>
      tpu.wait_dma2 semaphore(%run_scoped3A : memref<!tpu.dma_semaphore, #tpu.memory_space<semaphore_mem>>) src(%arg12 : memref<80x128xf32, #tpu.memory_space<vmem>>) dst(%dma_wait3A_144 : memref<80x128xf32, #tpu.memory_space<hbm>>)
      tpu.yield
    }) : () -> ()
    %add3A_119 = arith.constant 320 : i32
    %add3A_120 = arith.addi %mul3A_2, %add3A_119 : i32
    "tpu.region"() ({
      %run_scoped3A = tpu.sem_alloc : memref<!tpu.dma_semaphore, #tpu.memory_space<semaphore_mem>>
      %dma_start3A = arith.constant 0 : i32
      %dma_start3A_135 = tpu.memref_slice %arg16[%add3A_120, %dma_start3A] : memref<10000x128xf32, #tpu.memory_space<vmem_shared>> -> memref<80x128xf32, #tpu.memory_space<vmem_shared>>
      %dma_start3A_136 = arith.constant 0 : i32
      %dma_start3A_137 = tpu.memref_slice %arg16[%add3A_120, %dma_start3A_136] : memref<10000x128xf32, #tpu.memory_space<vmem_shared>> -> memref<80x128xf32, #tpu.memory_space<vmem_shared>>
      tpu.enqueue_dma source(%dma_start3A_137 : memref<80x128xf32, #tpu.memory_space<vmem_shared>>) target(%arg12 : memref<80x128xf32, #tpu.memory_space<vmem>>) target_semaphore(%run_scoped3A : memref<!tpu.dma_semaphore, #tpu.memory_space<semaphore_mem>>)
      %dma_wait3A = arith.constant 0 : i32
      %dma_wait3A_138 = tpu.memref_slice %arg16[%add3A_120, %dma_wait3A] : memref<10000x128xf32, #tpu.memory_space<vmem_shared>> -> memref<80x128xf32, #tpu.memory_space<vmem_shared>>
      %dma_wait3A_139 = arith.constant 0 : i32
      %dma_wait3A_140 = tpu.memref_slice %arg16[%add3A_120, %dma_wait3A_139] : memref<10000x128xf32, #tpu.memory_space<vmem_shared>> -> memref<80x128xf32, #tpu.memory_space<vmem_shared>>
      tpu.wait_dma2 semaphore(%run_scoped3A : memref<!tpu.dma_semaphore, #tpu.memory_space<semaphore_mem>>) src(%dma_wait3A_140 : memref<80x128xf32, #tpu.memory_space<vmem_shared>>) dst(%arg12 : memref<80x128xf32, #tpu.memory_space<vmem>>)
      tpu.yield
    }) : () -> ()
    %add3A_121 = arith.constant 320 : i32
    %add3A_122 = arith.addi %mul3A_2, %add3A_121 : i32
    "tpu.region"() ({
      %run_scoped3A = tpu.sem_alloc : memref<!tpu.dma_semaphore, #tpu.memory_space<semaphore_mem>>
      %dma_start3A = arith.constant 0 : i32
      %dma_start3A_135 = tpu.memref_slice %arg9[%arg0, %add3A_122, %dma_start3A] : memref<2x10000x128xf32, #tpu.memory_space<hbm>> -> memref<1x80x128xf32, #tpu.memory_space<hbm>>
      %dma_start3A_136 = tpu.memref_squeeze %dma_start3A_135 : memref<1x80x128xf32, #tpu.memory_space<hbm>> -> memref<80x128xf32, #tpu.memory_space<hbm>>
      %dma_start3A_137 = arith.constant 0 : i32
      %dma_start3A_138 = tpu.memref_slice %arg9[%arg0, %add3A_122, %dma_start3A_137] : memref<2x10000x128xf32, #tpu.memory_space<hbm>> -> memref<1x80x128xf32, #tpu.memory_space<hbm>>
      %dma_start3A_139 = tpu.memref_squeeze %dma_start3A_138 : memref<1x80x128xf32, #tpu.memory_space<hbm>> -> memref<80x128xf32, #tpu.memory_space<hbm>>
      tpu.enqueue_dma source(%arg12 : memref<80x128xf32, #tpu.memory_space<vmem>>) target(%dma_start3A_139 : memref<80x128xf32, #tpu.memory_space<hbm>>) target_semaphore(%run_scoped3A : memref<!tpu.dma_semaphore, #tpu.memory_space<semaphore_mem>>)
      %dma_wait3A = arith.constant 0 : i32
      %dma_wait3A_140 = tpu.memref_slice %arg9[%arg0, %add3A_122, %dma_wait3A] : memref<2x10000x128xf32, #tpu.memory_space<hbm>> -> memref<1x80x128xf32, #tpu.memory_space<hbm>>
      %dma_wait3A_141 = tpu.memref_squeeze %dma_wait3A_140 : memref<1x80x128xf32, #tpu.memory_space<hbm>> -> memref<80x128xf32, #tpu.memory_space<hbm>>
      %dma_wait3A_142 = arith.constant 0 : i32
      %dma_wait3A_143 = tpu.memref_slice %arg9[%arg0, %add3A_122, %dma_wait3A_142] : memref<2x10000x128xf32, #tpu.memory_space<hbm>> -> memref<1x80x128xf32, #tpu.memory_space<hbm>>
      %dma_wait3A_144 = tpu.memref_squeeze %dma_wait3A_143 : memref<1x80x128xf32, #tpu.memory_space<hbm>> -> memref<80x128xf32, #tpu.memory_space<hbm>>
      tpu.wait_dma2 semaphore(%run_scoped3A : memref<!tpu.dma_semaphore, #tpu.memory_space<semaphore_mem>>) src(%arg12 : memref<80x128xf32, #tpu.memory_space<vmem>>) dst(%dma_wait3A_144 : memref<80x128xf32, #tpu.memory_space<hbm>>)
      tpu.yield
    }) : () -> ()
    %add3A_123 = arith.constant 400 : i32
    %add3A_124 = arith.addi %mul3A_2, %add3A_123 : i32
    "tpu.region"() ({
      %run_scoped3A = tpu.sem_alloc : memref<!tpu.dma_semaphore, #tpu.memory_space<semaphore_mem>>
      %dma_start3A = arith.constant 0 : i32
      %dma_start3A_135 = tpu.memref_slice %arg16[%add3A_124, %dma_start3A] : memref<10000x128xf32, #tpu.memory_space<vmem_shared>> -> memref<80x128xf32, #tpu.memory_space<vmem_shared>>
      %dma_start3A_136 = arith.constant 0 : i32
      %dma_start3A_137 = tpu.memref_slice %arg16[%add3A_124, %dma_start3A_136] : memref<10000x128xf32, #tpu.memory_space<vmem_shared>> -> memref<80x128xf32, #tpu.memory_space<vmem_shared>>
      tpu.enqueue_dma source(%dma_start3A_137 : memref<80x128xf32, #tpu.memory_space<vmem_shared>>) target(%arg12 : memref<80x128xf32, #tpu.memory_space<vmem>>) target_semaphore(%run_scoped3A : memref<!tpu.dma_semaphore, #tpu.memory_space<semaphore_mem>>)
      %dma_wait3A = arith.constant 0 : i32
      %dma_wait3A_138 = tpu.memref_slice %arg16[%add3A_124, %dma_wait3A] : memref<10000x128xf32, #tpu.memory_space<vmem_shared>> -> memref<80x128xf32, #tpu.memory_space<vmem_shared>>
      %dma_wait3A_139 = arith.constant 0 : i32
      %dma_wait3A_140 = tpu.memref_slice %arg16[%add3A_124, %dma_wait3A_139] : memref<10000x128xf32, #tpu.memory_space<vmem_shared>> -> memref<80x128xf32, #tpu.memory_space<vmem_shared>>
      tpu.wait_dma2 semaphore(%run_scoped3A : memref<!tpu.dma_semaphore, #tpu.memory_space<semaphore_mem>>) src(%dma_wait3A_140 : memref<80x128xf32, #tpu.memory_space<vmem_shared>>) dst(%arg12 : memref<80x128xf32, #tpu.memory_space<vmem>>)
      tpu.yield
    }) : () -> ()
    %add3A_125 = arith.constant 400 : i32
    %add3A_126 = arith.addi %mul3A_2, %add3A_125 : i32
    "tpu.region"() ({
      %run_scoped3A = tpu.sem_alloc : memref<!tpu.dma_semaphore, #tpu.memory_space<semaphore_mem>>
      %dma_start3A = arith.constant 0 : i32
      %dma_start3A_135 = tpu.memref_slice %arg9[%arg0, %add3A_126, %dma_start3A] : memref<2x10000x128xf32, #tpu.memory_space<hbm>> -> memref<1x80x128xf32, #tpu.memory_space<hbm>>
      %dma_start3A_136 = tpu.memref_squeeze %dma_start3A_135 : memref<1x80x128xf32, #tpu.memory_space<hbm>> -> memref<80x128xf32, #tpu.memory_space<hbm>>
      %dma_start3A_137 = arith.constant 0 : i32
      %dma_start3A_138 = tpu.memref_slice %arg9[%arg0, %add3A_126, %dma_start3A_137] : memref<2x10000x128xf32, #tpu.memory_space<hbm>> -> memref<1x80x128xf32, #tpu.memory_space<hbm>>
      %dma_start3A_139 = tpu.memref_squeeze %dma_start3A_138 : memref<1x80x128xf32, #tpu.memory_space<hbm>> -> memref<80x128xf32, #tpu.memory_space<hbm>>
      tpu.enqueue_dma source(%arg12 : memref<80x128xf32, #tpu.memory_space<vmem>>) target(%dma_start3A_139 : memref<80x128xf32, #tpu.memory_space<hbm>>) target_semaphore(%run_scoped3A : memref<!tpu.dma_semaphore, #tpu.memory_space<semaphore_mem>>)
      %dma_wait3A = arith.constant 0 : i32
      %dma_wait3A_140 = tpu.memref_slice %arg9[%arg0, %add3A_126, %dma_wait3A] : memref<2x10000x128xf32, #tpu.memory_space<hbm>> -> memref<1x80x128xf32, #tpu.memory_space<hbm>>
      %dma_wait3A_141 = tpu.memref_squeeze %dma_wait3A_140 : memref<1x80x128xf32, #tpu.memory_space<hbm>> -> memref<80x128xf32, #tpu.memory_space<hbm>>
      %dma_wait3A_142 = arith.constant 0 : i32
      %dma_wait3A_143 = tpu.memref_slice %arg9[%arg0, %add3A_126, %dma_wait3A_142] : memref<2x10000x128xf32, #tpu.memory_space<hbm>> -> memref<1x80x128xf32, #tpu.memory_space<hbm>>
      %dma_wait3A_144 = tpu.memref_squeeze %dma_wait3A_143 : memref<1x80x128xf32, #tpu.memory_space<hbm>> -> memref<80x128xf32, #tpu.memory_space<hbm>>
      tpu.wait_dma2 semaphore(%run_scoped3A : memref<!tpu.dma_semaphore, #tpu.memory_space<semaphore_mem>>) src(%arg12 : memref<80x128xf32, #tpu.memory_space<vmem>>) dst(%dma_wait3A_144 : memref<80x128xf32, #tpu.memory_space<hbm>>)
      tpu.yield
    }) : () -> ()
    %add3A_127 = arith.constant 480 : i32
    %add3A_128 = arith.addi %mul3A_2, %add3A_127 : i32
    "tpu.region"() ({
      %run_scoped3A = tpu.sem_alloc : memref<!tpu.dma_semaphore, #tpu.memory_space<semaphore_mem>>
      %dma_start3A = arith.constant 0 : i32
      %dma_start3A_135 = tpu.memref_slice %arg16[%add3A_128, %dma_start3A] : memref<10000x128xf32, #tpu.memory_space<vmem_shared>> -> memref<80x128xf32, #tpu.memory_space<vmem_shared>>
      %dma_start3A_136 = arith.constant 0 : i32
      %dma_start3A_137 = tpu.memref_slice %arg16[%add3A_128, %dma_start3A_136] : memref<10000x128xf32, #tpu.memory_space<vmem_shared>> -> memref<80x128xf32, #tpu.memory_space<vmem_shared>>
      tpu.enqueue_dma source(%dma_start3A_137 : memref<80x128xf32, #tpu.memory_space<vmem_shared>>) target(%arg12 : memref<80x128xf32, #tpu.memory_space<vmem>>) target_semaphore(%run_scoped3A : memref<!tpu.dma_semaphore, #tpu.memory_space<semaphore_mem>>)
      %dma_wait3A = arith.constant 0 : i32
      %dma_wait3A_138 = tpu.memref_slice %arg16[%add3A_128, %dma_wait3A] : memref<10000x128xf32, #tpu.memory_space<vmem_shared>> -> memref<80x128xf32, #tpu.memory_space<vmem_shared>>
      %dma_wait3A_139 = arith.constant 0 : i32
      %dma_wait3A_140 = tpu.memref_slice %arg16[%add3A_128, %dma_wait3A_139] : memref<10000x128xf32, #tpu.memory_space<vmem_shared>> -> memref<80x128xf32, #tpu.memory_space<vmem_shared>>
      tpu.wait_dma2 semaphore(%run_scoped3A : memref<!tpu.dma_semaphore, #tpu.memory_space<semaphore_mem>>) src(%dma_wait3A_140 : memref<80x128xf32, #tpu.memory_space<vmem_shared>>) dst(%arg12 : memref<80x128xf32, #tpu.memory_space<vmem>>)
      tpu.yield
    }) : () -> ()
    %add3A_129 = arith.constant 480 : i32
    %add3A_130 = arith.addi %mul3A_2, %add3A_129 : i32
    "tpu.region"() ({
      %run_scoped3A = tpu.sem_alloc : memref<!tpu.dma_semaphore, #tpu.memory_space<semaphore_mem>>
      %dma_start3A = arith.constant 0 : i32
      %dma_start3A_135 = tpu.memref_slice %arg9[%arg0, %add3A_130, %dma_start3A] : memref<2x10000x128xf32, #tpu.memory_space<hbm>> -> memref<1x80x128xf32, #tpu.memory_space<hbm>>
      %dma_start3A_136 = tpu.memref_squeeze %dma_start3A_135 : memref<1x80x128xf32, #tpu.memory_space<hbm>> -> memref<80x128xf32, #tpu.memory_space<hbm>>
      %dma_start3A_137 = arith.constant 0 : i32
      %dma_start3A_138 = tpu.memref_slice %arg9[%arg0, %add3A_130, %dma_start3A_137] : memref<2x10000x128xf32, #tpu.memory_space<hbm>> -> memref<1x80x128xf32, #tpu.memory_space<hbm>>
      %dma_start3A_139 = tpu.memref_squeeze %dma_start3A_138 : memref<1x80x128xf32, #tpu.memory_space<hbm>> -> memref<80x128xf32, #tpu.memory_space<hbm>>
      tpu.enqueue_dma source(%arg12 : memref<80x128xf32, #tpu.memory_space<vmem>>) target(%dma_start3A_139 : memref<80x128xf32, #tpu.memory_space<hbm>>) target_semaphore(%run_scoped3A : memref<!tpu.dma_semaphore, #tpu.memory_space<semaphore_mem>>)
      %dma_wait3A = arith.constant 0 : i32
      %dma_wait3A_140 = tpu.memref_slice %arg9[%arg0, %add3A_130, %dma_wait3A] : memref<2x10000x128xf32, #tpu.memory_space<hbm>> -> memref<1x80x128xf32, #tpu.memory_space<hbm>>
      %dma_wait3A_141 = tpu.memref_squeeze %dma_wait3A_140 : memref<1x80x128xf32, #tpu.memory_space<hbm>> -> memref<80x128xf32, #tpu.memory_space<hbm>>
      %dma_wait3A_142 = arith.constant 0 : i32
      %dma_wait3A_143 = tpu.memref_slice %arg9[%arg0, %add3A_130, %dma_wait3A_142] : memref<2x10000x128xf32, #tpu.memory_space<hbm>> -> memref<1x80x128xf32, #tpu.memory_space<hbm>>
      %dma_wait3A_144 = tpu.memref_squeeze %dma_wait3A_143 : memref<1x80x128xf32, #tpu.memory_space<hbm>> -> memref<80x128xf32, #tpu.memory_space<hbm>>
      tpu.wait_dma2 semaphore(%run_scoped3A : memref<!tpu.dma_semaphore, #tpu.memory_space<semaphore_mem>>) src(%arg12 : memref<80x128xf32, #tpu.memory_space<vmem>>) dst(%dma_wait3A_144 : memref<80x128xf32, #tpu.memory_space<hbm>>)
      tpu.yield
    }) : () -> ()
    %add3A_131 = arith.constant 560 : i32
    %add3A_132 = arith.addi %mul3A_2, %add3A_131 : i32
    "tpu.region"() ({
      %run_scoped3A = tpu.sem_alloc : memref<!tpu.dma_semaphore, #tpu.memory_space<semaphore_mem>>
      %dma_start3A = arith.constant 0 : i32
      %dma_start3A_135 = tpu.memref_slice %arg16[%add3A_132, %dma_start3A] : memref<10000x128xf32, #tpu.memory_space<vmem_shared>> -> memref<80x128xf32, #tpu.memory_space<vmem_shared>>
      %dma_start3A_136 = arith.constant 0 : i32
      %dma_start3A_137 = tpu.memref_slice %arg16[%add3A_132, %dma_start3A_136] : memref<10000x128xf32, #tpu.memory_space<vmem_shared>> -> memref<80x128xf32, #tpu.memory_space<vmem_shared>>
      tpu.enqueue_dma source(%dma_start3A_137 : memref<80x128xf32, #tpu.memory_space<vmem_shared>>) target(%arg12 : memref<80x128xf32, #tpu.memory_space<vmem>>) target_semaphore(%run_scoped3A : memref<!tpu.dma_semaphore, #tpu.memory_space<semaphore_mem>>)
      %dma_wait3A = arith.constant 0 : i32
      %dma_wait3A_138 = tpu.memref_slice %arg16[%add3A_132, %dma_wait3A] : memref<10000x128xf32, #tpu.memory_space<vmem_shared>> -> memref<80x128xf32, #tpu.memory_space<vmem_shared>>
      %dma_wait3A_139 = arith.constant 0 : i32
      %dma_wait3A_140 = tpu.memref_slice %arg16[%add3A_132, %dma_wait3A_139] : memref<10000x128xf32, #tpu.memory_space<vmem_shared>> -> memref<80x128xf32, #tpu.memory_space<vmem_shared>>
      tpu.wait_dma2 semaphore(%run_scoped3A : memref<!tpu.dma_semaphore, #tpu.memory_space<semaphore_mem>>) src(%dma_wait3A_140 : memref<80x128xf32, #tpu.memory_space<vmem_shared>>) dst(%arg12 : memref<80x128xf32, #tpu.memory_space<vmem>>)
      tpu.yield
    }) : () -> ()
    %add3A_133 = arith.constant 560 : i32
    %add3A_134 = arith.addi %mul3A_2, %add3A_133 : i32
    "tpu.region"() ({
      %run_scoped3A = tpu.sem_alloc : memref<!tpu.dma_semaphore, #tpu.memory_space<semaphore_mem>>
      %dma_start3A = arith.constant 0 : i32
      %dma_start3A_135 = tpu.memref_slice %arg9[%arg0, %add3A_134, %dma_start3A] : memref<2x10000x128xf32, #tpu.memory_space<hbm>> -> memref<1x80x128xf32, #tpu.memory_space<hbm>>
      %dma_start3A_136 = tpu.memref_squeeze %dma_start3A_135 : memref<1x80x128xf32, #tpu.memory_space<hbm>> -> memref<80x128xf32, #tpu.memory_space<hbm>>
      %dma_start3A_137 = arith.constant 0 : i32
      %dma_start3A_138 = tpu.memref_slice %arg9[%arg0, %add3A_134, %dma_start3A_137] : memref<2x10000x128xf32, #tpu.memory_space<hbm>> -> memref<1x80x128xf32, #tpu.memory_space<hbm>>
      %dma_start3A_139 = tpu.memref_squeeze %dma_start3A_138 : memref<1x80x128xf32, #tpu.memory_space<hbm>> -> memref<80x128xf32, #tpu.memory_space<hbm>>
      tpu.enqueue_dma source(%arg12 : memref<80x128xf32, #tpu.memory_space<vmem>>) target(%dma_start3A_139 : memref<80x128xf32, #tpu.memory_space<hbm>>) target_semaphore(%run_scoped3A : memref<!tpu.dma_semaphore, #tpu.memory_space<semaphore_mem>>)
      %dma_wait3A = arith.constant 0 : i32
      %dma_wait3A_140 = tpu.memref_slice %arg9[%arg0, %add3A_134, %dma_wait3A] : memref<2x10000x128xf32, #tpu.memory_space<hbm>> -> memref<1x80x128xf32, #tpu.memory_space<hbm>>
      %dma_wait3A_141 = tpu.memref_squeeze %dma_wait3A_140 : memref<1x80x128xf32, #tpu.memory_space<hbm>> -> memref<80x128xf32, #tpu.memory_space<hbm>>
      %dma_wait3A_142 = arith.constant 0 : i32
      %dma_wait3A_143 = tpu.memref_slice %arg9[%arg0, %add3A_134, %dma_wait3A_142] : memref<2x10000x128xf32, #tpu.memory_space<hbm>> -> memref<1x80x128xf32, #tpu.memory_space<hbm>>
      %dma_wait3A_144 = tpu.memref_squeeze %dma_wait3A_143 : memref<1x80x128xf32, #tpu.memory_space<hbm>> -> memref<80x128xf32, #tpu.memory_space<hbm>>
      tpu.wait_dma2 semaphore(%run_scoped3A : memref<!tpu.dma_semaphore, #tpu.memory_space<semaphore_mem>>) src(%arg12 : memref<80x128xf32, #tpu.memory_space<vmem>>) dst(%dma_wait3A_144 : memref<80x128xf32, #tpu.memory_space<hbm>>)
      tpu.yield
    }) : () -> ()
    return
  }
}

#map = affine_map<(d0, d1) -> (0, 0)>
#map1 = affine_map<(d0, d1) -> (0, 0, 0, 0)>
#map2 = affine_map<(d0, d1) -> (0, 0, 0)>
module attributes {stable_mosaic.version = 14 : i64} {
  func.func @_sc_phase_body(%arg0: i32, %arg1: i32, %arg2: memref<10000x128xf32, #tpu.memory_space<hbm>>, %arg3: memref<10000x128xf32, #tpu.memory_space<hbm>>, %arg4: memref<32x5x25x80xi32, #tpu.memory_space<hbm>>, %arg5: memref<32x5x25x80xi32, #tpu.memory_space<hbm>>, %arg6: memref<80x128xf32, #tpu.memory_space<hbm>>, %arg7: memref<8x16xf32, #tpu.memory_space<hbm>>, %arg8: memref<8x16xf32, #tpu.memory_space<hbm>>, %arg9: memref<2x10000x128xf32, #tpu.memory_space<hbm>>, %arg10: memref<25x80xi32, #tpu.memory_space<vmem>>, %arg11: memref<25x80xi32, #tpu.memory_space<vmem>>, %arg12: memref<80x128xf32, #tpu.memory_space<vmem>>, %arg13: memref<80x128xf32, #tpu.memory_space<vmem>>, %arg14: memref<8x16xf32, #tpu.memory_space<vmem>>, %arg15: memref<8x16xf32, #tpu.memory_space<vmem>>, %arg16: memref<10000x128xf32, #tpu.memory_space<vmem_shared>>, %arg17: memref<!tpu.dma_semaphore, #tpu.memory_space<semaphore_mem>>, %arg18: memref<!tpu.dma_semaphore, #tpu.memory_space<semaphore_mem>>) attributes {dimension_semantics = [#tpu.dimension_semantics<core_parallel>, #tpu.dimension_semantics<subcore_parallel>], iteration_bounds = array<i64: 2, 16>, scalar_prefetch = 0 : i64, scratch_operands = 9 : i64, tpu.core_type = #tpu.core_type<sc_vector_subcore>, window_params = [{transform_indices = #map}, {transform_indices = #map}, {transform_indices = #map1}, {transform_indices = #map1}, {transform_indices = #map}, {transform_indices = #map}, {transform_indices = #map}, {transform_indices = #map2}]} {
    %mul3A = arith.constant 2 : i32
    %mul3A_0 = arith.muli %arg1, %mul3A : i32
    %add3A = arith.addi %mul3A_0, %arg0 : i32
    %mul3A_1 = arith.constant 624 : i32
    %mul3A_2 = arith.muli %arg1, %mul3A_1 : i32
    "tpu.region"() ({
      %run_scoped3A = tpu.sem_alloc : memref<!tpu.dma_semaphore, #tpu.memory_space<semaphore_mem>>
      tpu.enqueue_dma source(%arg6 : memref<80x128xf32, #tpu.memory_space<hbm>>) target(%arg12 : memref<80x128xf32, #tpu.memory_space<vmem>>) target_semaphore(%run_scoped3A : memref<!tpu.dma_semaphore, #tpu.memory_space<semaphore_mem>>)
      tpu.wait_dma2 semaphore(%run_scoped3A : memref<!tpu.dma_semaphore, #tpu.memory_space<semaphore_mem>>) src(%arg6 : memref<80x128xf32, #tpu.memory_space<hbm>>) dst(%arg12 : memref<80x128xf32, #tpu.memory_space<vmem>>)
      tpu.yield
    }) : () -> ()
    %add3A_3 = arith.constant 0 : i32
    %add3A_4 = arith.addi %mul3A_2, %add3A_3 : i32
    "tpu.region"() ({
      %run_scoped3A = tpu.sem_alloc : memref<!tpu.dma_semaphore, #tpu.memory_space<semaphore_mem>>
      %dma_start3A = arith.constant 0 : i32
      %dma_start3A_135 = tpu.memref_slice %arg16[%add3A_4, %dma_start3A] : memref<10000x128xf32, #tpu.memory_space<vmem_shared>> -> memref<80x128xf32, #tpu.memory_space<vmem_shared>>
      %dma_start3A_136 = arith.constant 0 : i32
      %dma_start3A_137 = tpu.memref_slice %arg16[%add3A_4, %dma_start3A_136] : memref<10000x128xf32, #tpu.memory_space<vmem_shared>> -> memref<80x128xf32, #tpu.memory_space<vmem_shared>>
      tpu.enqueue_dma source(%arg12 : memref<80x128xf32, #tpu.memory_space<vmem>>) target(%dma_start3A_137 : memref<80x128xf32, #tpu.memory_space<vmem_shared>>) target_semaphore(%run_scoped3A : memref<!tpu.dma_semaphore, #tpu.memory_space<semaphore_mem>>)
      %dma_wait3A = arith.constant 0 : i32
      %dma_wait3A_138 = tpu.memref_slice %arg16[%add3A_4, %dma_wait3A] : memref<10000x128xf32, #tpu.memory_space<vmem_shared>> -> memref<80x128xf32, #tpu.memory_space<vmem_shared>>
      %dma_wait3A_139 = arith.constant 0 : i32
      %dma_wait3A_140 = tpu.memref_slice %arg16[%add3A_4, %dma_wait3A_139] : memref<10000x128xf32, #tpu.memory_space<vmem_shared>> -> memref<80x128xf32, #tpu.memory_space<vmem_shared>>
      tpu.wait_dma2 semaphore(%run_scoped3A : memref<!tpu.dma_semaphore, #tpu.memory_space<semaphore_mem>>) src(%arg12 : memref<80x128xf32, #tpu.memory_space<vmem>>) dst(%dma_wait3A_140 : memref<80x128xf32, #tpu.memory_space<vmem_shared>>)
      tpu.yield
    }) : () -> ()
    %add3A_5 = arith.constant 80 : i32
    %add3A_6 = arith.addi %mul3A_2, %add3A_5 : i32
    "tpu.region"() ({
      %run_scoped3A = tpu.sem_alloc : memref<!tpu.dma_semaphore, #tpu.memory_space<semaphore_mem>>
      %dma_start3A = arith.constant 0 : i32
      %dma_start3A_135 = tpu.memref_slice %arg16[%add3A_6, %dma_start3A] : memref<10000x128xf32, #tpu.memory_space<vmem_shared>> -> memref<80x128xf32, #tpu.memory_space<vmem_shared>>
      %dma_start3A_136 = arith.constant 0 : i32
      %dma_start3A_137 = tpu.memref_slice %arg16[%add3A_6, %dma_start3A_136] : memref<10000x128xf32, #tpu.memory_space<vmem_shared>> -> memref<80x128xf32, #tpu.memory_space<vmem_shared>>
      tpu.enqueue_dma source(%arg12 : memref<80x128xf32, #tpu.memory_space<vmem>>) target(%dma_start3A_137 : memref<80x128xf32, #tpu.memory_space<vmem_shared>>) target_semaphore(%run_scoped3A : memref<!tpu.dma_semaphore, #tpu.memory_space<semaphore_mem>>)
      %dma_wait3A = arith.constant 0 : i32
      %dma_wait3A_138 = tpu.memref_slice %arg16[%add3A_6, %dma_wait3A] : memref<10000x128xf32, #tpu.memory_space<vmem_shared>> -> memref<80x128xf32, #tpu.memory_space<vmem_shared>>
      %dma_wait3A_139 = arith.constant 0 : i32
      %dma_wait3A_140 = tpu.memref_slice %arg16[%add3A_6, %dma_wait3A_139] : memref<10000x128xf32, #tpu.memory_space<vmem_shared>> -> memref<80x128xf32, #tpu.memory_space<vmem_shared>>
      tpu.wait_dma2 semaphore(%run_scoped3A : memref<!tpu.dma_semaphore, #tpu.memory_space<semaphore_mem>>) src(%arg12 : memref<80x128xf32, #tpu.memory_space<vmem>>) dst(%dma_wait3A_140 : memref<80x128xf32, #tpu.memory_space<vmem_shared>>)
      tpu.yield
    }) : () -> ()
    %add3A_7 = arith.constant 160 : i32
    %add3A_8 = arith.addi %mul3A_2, %add3A_7 : i32
    "tpu.region"() ({
      %run_scoped3A = tpu.sem_alloc : memref<!tpu.dma_semaphore, #tpu.memory_space<semaphore_mem>>
      %dma_start3A = arith.constant 0 : i32
      %dma_start3A_135 = tpu.memref_slice %arg16[%add3A_8, %dma_start3A] : memref<10000x128xf32, #tpu.memory_space<vmem_shared>> -> memref<80x128xf32, #tpu.memory_space<vmem_shared>>
      %dma_start3A_136 = arith.constant 0 : i32
      %dma_start3A_137 = tpu.memref_slice %arg16[%add3A_8, %dma_start3A_136] : memref<10000x128xf32, #tpu.memory_space<vmem_shared>> -> memref<80x128xf32, #tpu.memory_space<vmem_shared>>
      tpu.enqueue_dma source(%arg12 : memref<80x128xf32, #tpu.memory_space<vmem>>) target(%dma_start3A_137 : memref<80x128xf32, #tpu.memory_space<vmem_shared>>) target_semaphore(%run_scoped3A : memref<!tpu.dma_semaphore, #tpu.memory_space<semaphore_mem>>)
      %dma_wait3A = arith.constant 0 : i32
      %dma_wait3A_138 = tpu.memref_slice %arg16[%add3A_8, %dma_wait3A] : memref<10000x128xf32, #tpu.memory_space<vmem_shared>> -> memref<80x128xf32, #tpu.memory_space<vmem_shared>>
      %dma_wait3A_139 = arith.constant 0 : i32
      %dma_wait3A_140 = tpu.memref_slice %arg16[%add3A_8, %dma_wait3A_139] : memref<10000x128xf32, #tpu.memory_space<vmem_shared>> -> memref<80x128xf32, #tpu.memory_space<vmem_shared>>
      tpu.wait_dma2 semaphore(%run_scoped3A : memref<!tpu.dma_semaphore, #tpu.memory_space<semaphore_mem>>) src(%arg12 : memref<80x128xf32, #tpu.memory_space<vmem>>) dst(%dma_wait3A_140 : memref<80x128xf32, #tpu.memory_space<vmem_shared>>)
      tpu.yield
    }) : () -> ()
    %add3A_9 = arith.constant 240 : i32
    %add3A_10 = arith.addi %mul3A_2, %add3A_9 : i32
    "tpu.region"() ({
      %run_scoped3A = tpu.sem_alloc : memref<!tpu.dma_semaphore, #tpu.memory_space<semaphore_mem>>
      %dma_start3A = arith.constant 0 : i32
      %dma_start3A_135 = tpu.memref_slice %arg16[%add3A_10, %dma_start3A] : memref<10000x128xf32, #tpu.memory_space<vmem_shared>> -> memref<80x128xf32, #tpu.memory_space<vmem_shared>>
      %dma_start3A_136 = arith.constant 0 : i32
      %dma_start3A_137 = tpu.memref_slice %arg16[%add3A_10, %dma_start3A_136] : memref<10000x128xf32, #tpu.memory_space<vmem_shared>> -> memref<80x128xf32, #tpu.memory_space<vmem_shared>>
      tpu.enqueue_dma source(%arg12 : memref<80x128xf32, #tpu.memory_space<vmem>>) target(%dma_start3A_137 : memref<80x128xf32, #tpu.memory_space<vmem_shared>>) target_semaphore(%run_scoped3A : memref<!tpu.dma_semaphore, #tpu.memory_space<semaphore_mem>>)
      %dma_wait3A = arith.constant 0 : i32
      %dma_wait3A_138 = tpu.memref_slice %arg16[%add3A_10, %dma_wait3A] : memref<10000x128xf32, #tpu.memory_space<vmem_shared>> -> memref<80x128xf32, #tpu.memory_space<vmem_shared>>
      %dma_wait3A_139 = arith.constant 0 : i32
      %dma_wait3A_140 = tpu.memref_slice %arg16[%add3A_10, %dma_wait3A_139] : memref<10000x128xf32, #tpu.memory_space<vmem_shared>> -> memref<80x128xf32, #tpu.memory_space<vmem_shared>>
      tpu.wait_dma2 semaphore(%run_scoped3A : memref<!tpu.dma_semaphore, #tpu.memory_space<semaphore_mem>>) src(%arg12 : memref<80x128xf32, #tpu.memory_space<vmem>>) dst(%dma_wait3A_140 : memref<80x128xf32, #tpu.memory_space<vmem_shared>>)
      tpu.yield
    }) : () -> ()
    %add3A_11 = arith.constant 320 : i32
    %add3A_12 = arith.addi %mul3A_2, %add3A_11 : i32
    "tpu.region"() ({
      %run_scoped3A = tpu.sem_alloc : memref<!tpu.dma_semaphore, #tpu.memory_space<semaphore_mem>>
      %dma_start3A = arith.constant 0 : i32
      %dma_start3A_135 = tpu.memref_slice %arg16[%add3A_12, %dma_start3A] : memref<10000x128xf32, #tpu.memory_space<vmem_shared>> -> memref<80x128xf32, #tpu.memory_space<vmem_shared>>
      %dma_start3A_136 = arith.constant 0 : i32
      %dma_start3A_137 = tpu.memref_slice %arg16[%add3A_12, %dma_start3A_136] : memref<10000x128xf32, #tpu.memory_space<vmem_shared>> -> memref<80x128xf32, #tpu.memory_space<vmem_shared>>
      tpu.enqueue_dma source(%arg12 : memref<80x128xf32, #tpu.memory_space<vmem>>) target(%dma_start3A_137 : memref<80x128xf32, #tpu.memory_space<vmem_shared>>) target_semaphore(%run_scoped3A : memref<!tpu.dma_semaphore, #tpu.memory_space<semaphore_mem>>)
      %dma_wait3A = arith.constant 0 : i32
      %dma_wait3A_138 = tpu.memref_slice %arg16[%add3A_12, %dma_wait3A] : memref<10000x128xf32, #tpu.memory_space<vmem_shared>> -> memref<80x128xf32, #tpu.memory_space<vmem_shared>>
      %dma_wait3A_139 = arith.constant 0 : i32
      %dma_wait3A_140 = tpu.memref_slice %arg16[%add3A_12, %dma_wait3A_139] : memref<10000x128xf32, #tpu.memory_space<vmem_shared>> -> memref<80x128xf32, #tpu.memory_space<vmem_shared>>
      tpu.wait_dma2 semaphore(%run_scoped3A : memref<!tpu.dma_semaphore, #tpu.memory_space<semaphore_mem>>) src(%arg12 : memref<80x128xf32, #tpu.memory_space<vmem>>) dst(%dma_wait3A_140 : memref<80x128xf32, #tpu.memory_space<vmem_shared>>)
      tpu.yield
    }) : () -> ()
    %add3A_13 = arith.constant 400 : i32
    %add3A_14 = arith.addi %mul3A_2, %add3A_13 : i32
    "tpu.region"() ({
      %run_scoped3A = tpu.sem_alloc : memref<!tpu.dma_semaphore, #tpu.memory_space<semaphore_mem>>
      %dma_start3A = arith.constant 0 : i32
      %dma_start3A_135 = tpu.memref_slice %arg16[%add3A_14, %dma_start3A] : memref<10000x128xf32, #tpu.memory_space<vmem_shared>> -> memref<80x128xf32, #tpu.memory_space<vmem_shared>>
      %dma_start3A_136 = arith.constant 0 : i32
      %dma_start3A_137 = tpu.memref_slice %arg16[%add3A_14, %dma_start3A_136] : memref<10000x128xf32, #tpu.memory_space<vmem_shared>> -> memref<80x128xf32, #tpu.memory_space<vmem_shared>>
      tpu.enqueue_dma source(%arg12 : memref<80x128xf32, #tpu.memory_space<vmem>>) target(%dma_start3A_137 : memref<80x128xf32, #tpu.memory_space<vmem_shared>>) target_semaphore(%run_scoped3A : memref<!tpu.dma_semaphore, #tpu.memory_space<semaphore_mem>>)
      %dma_wait3A = arith.constant 0 : i32
      %dma_wait3A_138 = tpu.memref_slice %arg16[%add3A_14, %dma_wait3A] : memref<10000x128xf32, #tpu.memory_space<vmem_shared>> -> memref<80x128xf32, #tpu.memory_space<vmem_shared>>
      %dma_wait3A_139 = arith.constant 0 : i32
      %dma_wait3A_140 = tpu.memref_slice %arg16[%add3A_14, %dma_wait3A_139] : memref<10000x128xf32, #tpu.memory_space<vmem_shared>> -> memref<80x128xf32, #tpu.memory_space<vmem_shared>>
      tpu.wait_dma2 semaphore(%run_scoped3A : memref<!tpu.dma_semaphore, #tpu.memory_space<semaphore_mem>>) src(%arg12 : memref<80x128xf32, #tpu.memory_space<vmem>>) dst(%dma_wait3A_140 : memref<80x128xf32, #tpu.memory_space<vmem_shared>>)
      tpu.yield
    }) : () -> ()
    %add3A_15 = arith.constant 480 : i32
    %add3A_16 = arith.addi %mul3A_2, %add3A_15 : i32
    "tpu.region"() ({
      %run_scoped3A = tpu.sem_alloc : memref<!tpu.dma_semaphore, #tpu.memory_space<semaphore_mem>>
      %dma_start3A = arith.constant 0 : i32
      %dma_start3A_135 = tpu.memref_slice %arg16[%add3A_16, %dma_start3A] : memref<10000x128xf32, #tpu.memory_space<vmem_shared>> -> memref<80x128xf32, #tpu.memory_space<vmem_shared>>
      %dma_start3A_136 = arith.constant 0 : i32
      %dma_start3A_137 = tpu.memref_slice %arg16[%add3A_16, %dma_start3A_136] : memref<10000x128xf32, #tpu.memory_space<vmem_shared>> -> memref<80x128xf32, #tpu.memory_space<vmem_shared>>
      tpu.enqueue_dma source(%arg12 : memref<80x128xf32, #tpu.memory_space<vmem>>) target(%dma_start3A_137 : memref<80x128xf32, #tpu.memory_space<vmem_shared>>) target_semaphore(%run_scoped3A : memref<!tpu.dma_semaphore, #tpu.memory_space<semaphore_mem>>)
      %dma_wait3A = arith.constant 0 : i32
      %dma_wait3A_138 = tpu.memref_slice %arg16[%add3A_16, %dma_wait3A] : memref<10000x128xf32, #tpu.memory_space<vmem_shared>> -> memref<80x128xf32, #tpu.memory_space<vmem_shared>>
      %dma_wait3A_139 = arith.constant 0 : i32
      %dma_wait3A_140 = tpu.memref_slice %arg16[%add3A_16, %dma_wait3A_139] : memref<10000x128xf32, #tpu.memory_space<vmem_shared>> -> memref<80x128xf32, #tpu.memory_space<vmem_shared>>
      tpu.wait_dma2 semaphore(%run_scoped3A : memref<!tpu.dma_semaphore, #tpu.memory_space<semaphore_mem>>) src(%arg12 : memref<80x128xf32, #tpu.memory_space<vmem>>) dst(%dma_wait3A_140 : memref<80x128xf32, #tpu.memory_space<vmem_shared>>)
      tpu.yield
    }) : () -> ()
    %add3A_17 = arith.constant 560 : i32
    %add3A_18 = arith.addi %mul3A_2, %add3A_17 : i32
    "tpu.region"() ({
      %run_scoped3A = tpu.sem_alloc : memref<!tpu.dma_semaphore, #tpu.memory_space<semaphore_mem>>
      %dma_start3A = arith.constant 0 : i32
      %dma_start3A_135 = tpu.memref_slice %arg16[%add3A_18, %dma_start3A] : memref<10000x128xf32, #tpu.memory_space<vmem_shared>> -> memref<80x128xf32, #tpu.memory_space<vmem_shared>>
      %dma_start3A_136 = arith.constant 0 : i32
      %dma_start3A_137 = tpu.memref_slice %arg16[%add3A_18, %dma_start3A_136] : memref<10000x128xf32, #tpu.memory_space<vmem_shared>> -> memref<80x128xf32, #tpu.memory_space<vmem_shared>>
      tpu.enqueue_dma source(%arg12 : memref<80x128xf32, #tpu.memory_space<vmem>>) target(%dma_start3A_137 : memref<80x128xf32, #tpu.memory_space<vmem_shared>>) target_semaphore(%run_scoped3A : memref<!tpu.dma_semaphore, #tpu.memory_space<semaphore_mem>>)
      %dma_wait3A = arith.constant 0 : i32
      %dma_wait3A_138 = tpu.memref_slice %arg16[%add3A_18, %dma_wait3A] : memref<10000x128xf32, #tpu.memory_space<vmem_shared>> -> memref<80x128xf32, #tpu.memory_space<vmem_shared>>
      %dma_wait3A_139 = arith.constant 0 : i32
      %dma_wait3A_140 = tpu.memref_slice %arg16[%add3A_18, %dma_wait3A_139] : memref<10000x128xf32, #tpu.memory_space<vmem_shared>> -> memref<80x128xf32, #tpu.memory_space<vmem_shared>>
      tpu.wait_dma2 semaphore(%run_scoped3A : memref<!tpu.dma_semaphore, #tpu.memory_space<semaphore_mem>>) src(%arg12 : memref<80x128xf32, #tpu.memory_space<vmem>>) dst(%dma_wait3A_140 : memref<80x128xf32, #tpu.memory_space<vmem_shared>>)
      tpu.yield
    }) : () -> ()
    "tpu.region"() ({
      %run_scoped3A = tpu.sem_alloc : memref<!tpu.dma_semaphore, #tpu.memory_space<semaphore_mem>>
      tpu.enqueue_dma source(%arg7 : memref<8x16xf32, #tpu.memory_space<hbm>>) target(%arg14 : memref<8x16xf32, #tpu.memory_space<vmem>>) target_semaphore(%run_scoped3A : memref<!tpu.dma_semaphore, #tpu.memory_space<semaphore_mem>>)
      tpu.wait_dma2 semaphore(%run_scoped3A : memref<!tpu.dma_semaphore, #tpu.memory_space<semaphore_mem>>) src(%arg7 : memref<8x16xf32, #tpu.memory_space<hbm>>) dst(%arg14 : memref<8x16xf32, #tpu.memory_space<vmem>>)
      tpu.yield
    }) : () -> ()
    "tpu.region"() ({
      %run_scoped3A = tpu.sem_alloc : memref<!tpu.dma_semaphore, #tpu.memory_space<semaphore_mem>>
      tpu.enqueue_dma source(%arg8 : memref<8x16xf32, #tpu.memory_space<hbm>>) target(%arg15 : memref<8x16xf32, #tpu.memory_space<vmem>>) target_semaphore(%run_scoped3A : memref<!tpu.dma_semaphore, #tpu.memory_space<semaphore_mem>>)
      tpu.wait_dma2 semaphore(%run_scoped3A : memref<!tpu.dma_semaphore, #tpu.memory_space<semaphore_mem>>) src(%arg8 : memref<8x16xf32, #tpu.memory_space<hbm>>) dst(%arg15 : memref<8x16xf32, #tpu.memory_space<vmem>>)
      tpu.yield
    }) : () -> ()
    %barrier3A = arith.constant 0 : index
    tpu.barrier barrier_id(%barrier3A)
    %get3A = arith.constant 0 : i32
    %get3A_19 = arith.index_cast %get3A : i32 to index
    %get3A_20 = arith.constant 0 : index
    %get3A_21 = tpu.vector_load %arg14[%get3A_19, %get3A_20] {strides = array<i32>} : memref<8x16xf32, #tpu.memory_space<vmem>>, vector<1x16xf32>,
    %get3A_22 = vector.shape_cast %get3A_21 : vector<1x16xf32> to vector<16xf32>
    %get3A_23 = arith.constant 1 : i32
    %get3A_24 = arith.index_cast %get3A_23 : i32 to index
    %get3A_25 = arith.constant 0 : index
    %get3A_26 = tpu.vector_load %arg14[%get3A_24, %get3A_25] {strides = array<i32>} : memref<8x16xf32, #tpu.memory_space<vmem>>, vector<1x16xf32>,
    %get3A_27 = vector.shape_cast %get3A_26 : vector<1x16xf32> to vector<16xf32>
    %get3A_28 = arith.constant 2 : i32
    %get3A_29 = arith.index_cast %get3A_28 : i32 to index
    %get3A_30 = arith.constant 0 : index
    %get3A_31 = tpu.vector_load %arg14[%get3A_29, %get3A_30] {strides = array<i32>} : memref<8x16xf32, #tpu.memory_space<vmem>>, vector<1x16xf32>,
    %get3A_32 = vector.shape_cast %get3A_31 : vector<1x16xf32> to vector<16xf32>
    %get3A_33 = arith.constant 3 : i32
    %get3A_34 = arith.index_cast %get3A_33 : i32 to index
    %get3A_35 = arith.constant 0 : index
    %get3A_36 = tpu.vector_load %arg14[%get3A_34, %get3A_35] {strides = array<i32>} : memref<8x16xf32, #tpu.memory_space<vmem>>, vector<1x16xf32>,
    %get3A_37 = vector.shape_cast %get3A_36 : vector<1x16xf32> to vector<16xf32>
    %get3A_38 = arith.constant 4 : i32
    %get3A_39 = arith.index_cast %get3A_38 : i32 to index
    %get3A_40 = arith.constant 0 : index
    %get3A_41 = tpu.vector_load %arg14[%get3A_39, %get3A_40] {strides = array<i32>} : memref<8x16xf32, #tpu.memory_space<vmem>>, vector<1x16xf32>,
    %get3A_42 = vector.shape_cast %get3A_41 : vector<1x16xf32> to vector<16xf32>
    %get3A_43 = arith.constant 5 : i32
    %get3A_44 = arith.index_cast %get3A_43 : i32 to index
    %get3A_45 = arith.constant 0 : index
    %get3A_46 = tpu.vector_load %arg14[%get3A_44, %get3A_45] {strides = array<i32>} : memref<8x16xf32, #tpu.memory_space<vmem>>, vector<1x16xf32>,
    %get3A_47 = vector.shape_cast %get3A_46 : vector<1x16xf32> to vector<16xf32>
    %get3A_48 = arith.constant 6 : i32
    %get3A_49 = arith.index_cast %get3A_48 : i32 to index
    %get3A_50 = arith.constant 0 : index
    %get3A_51 = tpu.vector_load %arg14[%get3A_49, %get3A_50] {strides = array<i32>} : memref<8x16xf32, #tpu.memory_space<vmem>>, vector<1x16xf32>,
    %get3A_52 = vector.shape_cast %get3A_51 : vector<1x16xf32> to vector<16xf32>
    %get3A_53 = arith.constant 7 : i32
    %get3A_54 = arith.index_cast %get3A_53 : i32 to index
    %get3A_55 = arith.constant 0 : index
    %get3A_56 = tpu.vector_load %arg14[%get3A_54, %get3A_55] {strides = array<i32>} : memref<8x16xf32, #tpu.memory_space<vmem>>, vector<1x16xf32>,
    %get3A_57 = vector.shape_cast %get3A_56 : vector<1x16xf32> to vector<16xf32>
    %get3A_58 = arith.constant 0 : i32
    %get3A_59 = arith.index_cast %get3A_58 : i32 to index
    %get3A_60 = arith.constant 0 : index
    %get3A_61 = tpu.vector_load %arg15[%get3A_59, %get3A_60] {strides = array<i32>} : memref<8x16xf32, #tpu.memory_space<vmem>>, vector<1x16xf32>,
    %get3A_62 = vector.shape_cast %get3A_61 : vector<1x16xf32> to vector<16xf32>
    %get3A_63 = arith.constant 1 : i32
    %get3A_64 = arith.index_cast %get3A_63 : i32 to index
    %get3A_65 = arith.constant 0 : index
    %get3A_66 = tpu.vector_load %arg15[%get3A_64, %get3A_65] {strides = array<i32>} : memref<8x16xf32, #tpu.memory_space<vmem>>, vector<1x16xf32>,
    %get3A_67 = vector.shape_cast %get3A_66 : vector<1x16xf32> to vector<16xf32>
    %get3A_68 = arith.constant 2 : i32
    %get3A_69 = arith.index_cast %get3A_68 : i32 to index
    %get3A_70 = arith.constant 0 : index
    %get3A_71 = tpu.vector_load %arg15[%get3A_69, %get3A_70] {strides = array<i32>} : memref<8x16xf32, #tpu.memory_space<vmem>>, vector<1x16xf32>,
    %get3A_72 = vector.shape_cast %get3A_71 : vector<1x16xf32> to vector<16xf32>
    %get3A_73 = arith.constant 3 : i32
    %get3A_74 = arith.index_cast %get3A_73 : i32 to index
    %get3A_75 = arith.constant 0 : index
    %get3A_76 = tpu.vector_load %arg15[%get3A_74, %get3A_75] {strides = array<i32>} : memref<8x16xf32, #tpu.memory_space<vmem>>, vector<1x16xf32>,
    %get3A_77 = vector.shape_cast %get3A_76 : vector<1x16xf32> to vector<16xf32>
    %get3A_78 = arith.constant 4 : i32
    %get3A_79 = arith.index_cast %get3A_78 : i32 to index
    %get3A_80 = arith.constant 0 : index
    %get3A_81 = tpu.vector_load %arg15[%get3A_79, %get3A_80] {strides = array<i32>} : memref<8x16xf32, #tpu.memory_space<vmem>>, vector<1x16xf32>,
    %get3A_82 = vector.shape_cast %get3A_81 : vector<1x16xf32> to vector<16xf32>
    %get3A_83 = arith.constant 5 : i32
    %get3A_84 = arith.index_cast %get3A_83 : i32 to index
    %get3A_85 = arith.constant 0 : index
    %get3A_86 = tpu.vector_load %arg15[%get3A_84, %get3A_85] {strides = array<i32>} : memref<8x16xf32, #tpu.memory_space<vmem>>, vector<1x16xf32>,
    %get3A_87 = vector.shape_cast %get3A_86 : vector<1x16xf32> to vector<16xf32>
    %get3A_88 = arith.constant 6 : i32
    %get3A_89 = arith.index_cast %get3A_88 : i32 to index
    %get3A_90 = arith.constant 0 : index
    %get3A_91 = tpu.vector_load %arg15[%get3A_89, %get3A_90] {strides = array<i32>} : memref<8x16xf32, #tpu.memory_space<vmem>>, vector<1x16xf32>,
    %get3A_92 = vector.shape_cast %get3A_91 : vector<1x16xf32> to vector<16xf32>
    %get3A_93 = arith.constant 7 : i32
    %get3A_94 = arith.index_cast %get3A_93 : i32 to index
    %get3A_95 = arith.constant 0 : index
    %get3A_96 = tpu.vector_load %arg15[%get3A_94, %get3A_95] {strides = array<i32>} : memref<8x16xf32, #tpu.memory_space<vmem>>, vector<1x16xf32>,
    %get3A_97 = vector.shape_cast %get3A_96 : vector<1x16xf32> to vector<16xf32>
    %scan3A = arith.constant 0 : i32
    %scan3A_98 = arith.constant 5 : i32
    %scan3A_99 = arith.addi %scan3A, %scan3A_98 : i32
    %scan3A_100 = arith.constant 1 : i32
    scf.for %scan3A_135 = %scan3A to %scan3A_99 step %scan3A_100  : i32 {
      "tpu.region"() ({
        %run_scoped3A = tpu.sem_alloc : memref<!tpu.dma_semaphore, #tpu.memory_space<semaphore_mem>>
        %dma_start3A = arith.constant 0 : i32
        %dma_start3A_141 = arith.constant 0 : i32
        %dma_start3A_142 = tpu.memref_slice %arg4[%add3A, %scan3A_135, %dma_start3A, %dma_start3A_141] : memref<32x5x25x80xi32, #tpu.memory_space<hbm>> -> memref<1x1x25x80xi32, #tpu.memory_space<hbm>>
        %dma_start3A_143 = tpu.memref_squeeze %dma_start3A_142 : memref<1x1x25x80xi32, #tpu.memory_space<hbm>> -> memref<25x80xi32, #tpu.memory_space<hbm>>
        %dma_start3A_144 = arith.constant 0 : i32
        %dma_start3A_145 = arith.constant 0 : i32
        %dma_start3A_146 = tpu.memref_slice %arg4[%add3A, %scan3A_135, %dma_start3A_144, %dma_start3A_145] : memref<32x5x25x80xi32, #tpu.memory_space<hbm>> -> memref<1x1x25x80xi32, #tpu.memory_space<hbm>>
        %dma_start3A_147 = tpu.memref_squeeze %dma_start3A_146 : memref<1x1x25x80xi32, #tpu.memory_space<hbm>> -> memref<25x80xi32, #tpu.memory_space<hbm>>
        tpu.enqueue_dma source(%dma_start3A_147 : memref<25x80xi32, #tpu.memory_space<hbm>>) target(%arg10 : memref<25x80xi32, #tpu.memory_space<vmem>>) target_semaphore(%run_scoped3A : memref<!tpu.dma_semaphore, #tpu.memory_space<semaphore_mem>>)
        %dma_wait3A = arith.constant 0 : i32
        %dma_wait3A_148 = arith.constant 0 : i32
        %dma_wait3A_149 = tpu.memref_slice %arg4[%add3A, %scan3A_135, %dma_wait3A, %dma_wait3A_148] : memref<32x5x25x80xi32, #tpu.memory_space<hbm>> -> memref<1x1x25x80xi32, #tpu.memory_space<hbm>>
        %dma_wait3A_150 = tpu.memref_squeeze %dma_wait3A_149 : memref<1x1x25x80xi32, #tpu.memory_space<hbm>> -> memref<25x80xi32, #tpu.memory_space<hbm>>
        %dma_wait3A_151 = arith.constant 0 : i32
        %dma_wait3A_152 = arith.constant 0 : i32
        %dma_wait3A_153 = tpu.memref_slice %arg4[%add3A, %scan3A_135, %dma_wait3A_151, %dma_wait3A_152] : memref<32x5x25x80xi32, #tpu.memory_space<hbm>> -> memref<1x1x25x80xi32, #tpu.memory_space<hbm>>
        %dma_wait3A_154 = tpu.memref_squeeze %dma_wait3A_153 : memref<1x1x25x80xi32, #tpu.memory_space<hbm>> -> memref<25x80xi32, #tpu.memory_space<hbm>>
        tpu.wait_dma2 semaphore(%run_scoped3A : memref<!tpu.dma_semaphore, #tpu.memory_space<semaphore_mem>>) src(%dma_wait3A_154 : memref<25x80xi32, #tpu.memory_space<hbm>>) dst(%arg10 : memref<25x80xi32, #tpu.memory_space<vmem>>)
        tpu.yield
      }) : () -> ()
      "tpu.region"() ({
        %run_scoped3A = tpu.sem_alloc : memref<!tpu.dma_semaphore, #tpu.memory_space<semaphore_mem>>
        %dma_start3A = arith.constant 0 : i32
        %dma_start3A_141 = arith.constant 0 : i32
        %dma_start3A_142 = tpu.memref_slice %arg5[%add3A, %scan3A_135, %dma_start3A, %dma_start3A_141] : memref<32x5x25x80xi32, #tpu.memory_space<hbm>> -> memref<1x1x25x80xi32, #tpu.memory_space<hbm>>
        %dma_start3A_143 = tpu.memref_squeeze %dma_start3A_142 : memref<1x1x25x80xi32, #tpu.memory_space<hbm>> -> memref<25x80xi32, #tpu.memory_space<hbm>>
        %dma_start3A_144 = arith.constant 0 : i32
        %dma_start3A_145 = arith.constant 0 : i32
        %dma_start3A_146 = tpu.memref_slice %arg5[%add3A, %scan3A_135, %dma_start3A_144, %dma_start3A_145] : memref<32x5x25x80xi32, #tpu.memory_space<hbm>> -> memref<1x1x25x80xi32, #tpu.memory_space<hbm>>
        %dma_start3A_147 = tpu.memref_squeeze %dma_start3A_146 : memref<1x1x25x80xi32, #tpu.memory_space<hbm>> -> memref<25x80xi32, #tpu.memory_space<hbm>>
        tpu.enqueue_dma source(%dma_start3A_147 : memref<25x80xi32, #tpu.memory_space<hbm>>) target(%arg11 : memref<25x80xi32, #tpu.memory_space<vmem>>) target_semaphore(%run_scoped3A : memref<!tpu.dma_semaphore, #tpu.memory_space<semaphore_mem>>)
        %dma_wait3A = arith.constant 0 : i32
        %dma_wait3A_148 = arith.constant 0 : i32
        %dma_wait3A_149 = tpu.memref_slice %arg5[%add3A, %scan3A_135, %dma_wait3A, %dma_wait3A_148] : memref<32x5x25x80xi32, #tpu.memory_space<hbm>> -> memref<1x1x25x80xi32, #tpu.memory_space<hbm>>
        %dma_wait3A_150 = tpu.memref_squeeze %dma_wait3A_149 : memref<1x1x25x80xi32, #tpu.memory_space<hbm>> -> memref<25x80xi32, #tpu.memory_space<hbm>>
        %dma_wait3A_151 = arith.constant 0 : i32
        %dma_wait3A_152 = arith.constant 0 : i32
        %dma_wait3A_153 = tpu.memref_slice %arg5[%add3A, %scan3A_135, %dma_wait3A_151, %dma_wait3A_152] : memref<32x5x25x80xi32, #tpu.memory_space<hbm>> -> memref<1x1x25x80xi32, #tpu.memory_space<hbm>>
        %dma_wait3A_154 = tpu.memref_squeeze %dma_wait3A_153 : memref<1x1x25x80xi32, #tpu.memory_space<hbm>> -> memref<25x80xi32, #tpu.memory_space<hbm>>
        tpu.wait_dma2 semaphore(%run_scoped3A : memref<!tpu.dma_semaphore, #tpu.memory_space<semaphore_mem>>) src(%dma_wait3A_154 : memref<25x80xi32, #tpu.memory_space<hbm>>) dst(%arg11 : memref<25x80xi32, #tpu.memory_space<vmem>>)
        tpu.yield
      }) : () -> ()
      %scan3A_136 = arith.constant 0 : i32
      %scan3A_137 = arith.constant 25 : i32
      %scan3A_138 = arith.addi %scan3A_136, %scan3A_137 : i32
      %scan3A_139 = arith.constant 1 : i32
      scf.for %scan3A_141 = %scan3A_136 to %scan3A_138 step %scan3A_139  : i32 {
        %dma_start3A = arith.constant 0 : i32
        %dma_start3A_142 = tpu.memref_slice %arg10[%scan3A_141, %dma_start3A] : memref<25x80xi32, #tpu.memory_space<vmem>> -> memref<1x80xi32, #tpu.memory_space<vmem>>
        %dma_start3A_143 = tpu.memref_squeeze %dma_start3A_142 : memref<1x80xi32, #tpu.memory_space<vmem>> -> memref<80xi32, #tpu.memory_space<vmem>>
        %dma_start3A_144 = arith.constant 0 : i32
        %dma_start3A_145 = arith.constant 0 : i32
        %dma_start3A_146 = tpu.memref_slice %arg2[%dma_start3A_144, %dma_start3A_145] : memref<10000x128xf32, #tpu.memory_space<hbm>> -> memref<10000x128xf32, #tpu.memory_space<hbm>>
        tpu.enqueue_indirect_dma source(%dma_start3A_146 : memref<10000x128xf32, #tpu.memory_space<hbm>>) target(%arg12 : memref<80x128xf32, #tpu.memory_space<vmem>>) offsets(%dma_start3A_143 : memref<80xi32, #tpu.memory_space<vmem>>) semaphore(%arg17 : memref<!tpu.dma_semaphore, #tpu.memory_space<semaphore_mem>>)
        %dma_wait3A = arith.constant 0 : i32
        %dma_wait3A_147 = tpu.memref_slice %arg10[%scan3A_141, %dma_wait3A] : memref<25x80xi32, #tpu.memory_space<vmem>> -> memref<1x80xi32, #tpu.memory_space<vmem>>
        %dma_wait3A_148 = tpu.memref_squeeze %dma_wait3A_147 : memref<1x80xi32, #tpu.memory_space<vmem>> -> memref<80xi32, #tpu.memory_space<vmem>>
        %dma_wait3A_149 = arith.constant 0 : i32
        %dma_wait3A_150 = arith.constant 0 : i32
        %dma_wait3A_151 = tpu.memref_slice %arg2[%dma_wait3A_149, %dma_wait3A_150] : memref<10000x128xf32, #tpu.memory_space<hbm>> -> memref<10000x128xf32, #tpu.memory_space<hbm>>
        tpu.wait_indirect_dma semaphore(%arg17 : memref<!tpu.dma_semaphore, #tpu.memory_space<semaphore_mem>>) src(%dma_wait3A_151 : memref<10000x128xf32, #tpu.memory_space<hbm>>) dst(%arg12 : memref<80x128xf32, #tpu.memory_space<vmem>>)
        "tpu.region"() ({
          %run_scoped3A = tpu.sem_alloc : memref<!tpu.dma_semaphore, #tpu.memory_space<semaphore_mem>>
          %dma_start3A_152 = arith.constant 0 : i32
          %dma_start3A_153 = tpu.memref_slice %arg11[%scan3A_141, %dma_start3A_152] : memref<25x80xi32, #tpu.memory_space<vmem>> -> memref<1x80xi32, #tpu.memory_space<vmem>>
          %dma_start3A_154 = tpu.memref_squeeze %dma_start3A_153 : memref<1x80xi32, #tpu.memory_space<vmem>> -> memref<80xi32, #tpu.memory_space<vmem>>
          %dma_start3A_155 = arith.constant 0 : i32
          %dma_start3A_156 = arith.constant 0 : i32
          %dma_start3A_157 = tpu.memref_slice %arg16[%dma_start3A_155, %dma_start3A_156] : memref<10000x128xf32, #tpu.memory_space<vmem_shared>> -> memref<10000x128xf32, #tpu.memory_space<vmem_shared>>
          tpu.enqueue_indirect_dma source(%arg12 : memref<80x128xf32, #tpu.memory_space<vmem>>) target(%dma_start3A_157 : memref<10000x128xf32, #tpu.memory_space<vmem_shared>>) offsets(%dma_start3A_154 : memref<80xi32, #tpu.memory_space<vmem>>) semaphore(%run_scoped3A : memref<!tpu.dma_semaphore, #tpu.memory_space<semaphore_mem>>) {add = true}
          %dma_wait3A_158 = arith.constant 0 : i32
          %dma_wait3A_159 = tpu.memref_slice %arg11[%scan3A_141, %dma_wait3A_158] : memref<25x80xi32, #tpu.memory_space<vmem>> -> memref<1x80xi32, #tpu.memory_space<vmem>>
          %dma_wait3A_160 = tpu.memref_squeeze %dma_wait3A_159 : memref<1x80xi32, #tpu.memory_space<vmem>> -> memref<80xi32, #tpu.memory_space<vmem>>
          %dma_wait3A_161 = arith.constant 0 : i32
          %dma_wait3A_162 = arith.constant 0 : i32
          %dma_wait3A_163 = tpu.memref_slice %arg16[%dma_wait3A_161, %dma_wait3A_162] : memref<10000x128xf32, #tpu.memory_space<vmem_shared>> -> memref<10000x128xf32, #tpu.memory_space<vmem_shared>>
          tpu.wait_indirect_dma semaphore(%run_scoped3A : memref<!tpu.dma_semaphore, #tpu.memory_space<semaphore_mem>>) src(%arg12 : memref<80x128xf32, #tpu.memory_space<vmem>>) dst(%dma_wait3A_163 : memref<10000x128xf32, #tpu.memory_space<vmem_shared>>)
          tpu.yield
        }) : () -> ()
      }
      %scan3A_140 = arith.constant 25 : i32
    }
    %scan3A_101 = arith.constant 5 : i32
    %barrier3A_102 = arith.constant 0 : index
    tpu.barrier barrier_id(%barrier3A_102)
    %add3A_103 = arith.constant 0 : i32
    %add3A_104 = arith.addi %mul3A_2, %add3A_103 : i32
    "tpu.region"() ({
      %run_scoped3A = tpu.sem_alloc : memref<!tpu.dma_semaphore, #tpu.memory_space<semaphore_mem>>
      %dma_start3A = arith.constant 0 : i32
      %dma_start3A_135 = tpu.memref_slice %arg16[%add3A_104, %dma_start3A] : memref<10000x128xf32, #tpu.memory_space<vmem_shared>> -> memref<80x128xf32, #tpu.memory_space<vmem_shared>>
      %dma_start3A_136 = arith.constant 0 : i32
      %dma_start3A_137 = tpu.memref_slice %arg16[%add3A_104, %dma_start3A_136] : memref<10000x128xf32, #tpu.memory_space<vmem_shared>> -> memref<80x128xf32, #tpu.memory_space<vmem_shared>>
      tpu.enqueue_dma source(%dma_start3A_137 : memref<80x128xf32, #tpu.memory_space<vmem_shared>>) target(%arg12 : memref<80x128xf32, #tpu.memory_space<vmem>>) target_semaphore(%run_scoped3A : memref<!tpu.dma_semaphore, #tpu.memory_space<semaphore_mem>>)
      %dma_wait3A = arith.constant 0 : i32
      %dma_wait3A_138 = tpu.memref_slice %arg16[%add3A_104, %dma_wait3A] : memref<10000x128xf32, #tpu.memory_space<vmem_shared>> -> memref<80x128xf32, #tpu.memory_space<vmem_shared>>
      %dma_wait3A_139 = arith.constant 0 : i32
      %dma_wait3A_140 = tpu.memref_slice %arg16[%add3A_104, %dma_wait3A_139] : memref<10000x128xf32, #tpu.memory_space<vmem_shared>> -> memref<80x128xf32, #tpu.memory_space<vmem_shared>>
      tpu.wait_dma2 semaphore(%run_scoped3A : memref<!tpu.dma_semaphore, #tpu.memory_space<semaphore_mem>>) src(%dma_wait3A_140 : memref<80x128xf32, #tpu.memory_space<vmem_shared>>) dst(%arg12 : memref<80x128xf32, #tpu.memory_space<vmem>>)
      tpu.yield
    }) : () -> ()
    %add3A_105 = arith.constant 0 : i32
    %add3A_106 = arith.addi %mul3A_2, %add3A_105 : i32
    "tpu.region"() ({
      %run_scoped3A = tpu.sem_alloc : memref<!tpu.dma_semaphore, #tpu.memory_space<semaphore_mem>>
      %dma_start3A = arith.constant 0 : i32
      %dma_start3A_135 = tpu.memref_slice %arg9[%arg0, %add3A_106, %dma_start3A] : memref<2x10000x128xf32, #tpu.memory_space<hbm>> -> memref<1x80x128xf32, #tpu.memory_space<hbm>>
      %dma_start3A_136 = tpu.memref_squeeze %dma_start3A_135 : memref<1x80x128xf32, #tpu.memory_space<hbm>> -> memref<80x128xf32, #tpu.memory_space<hbm>>
      %dma_start3A_137 = arith.constant 0 : i32
      %dma_start3A_138 = tpu.memref_slice %arg9[%arg0, %add3A_106, %dma_start3A_137] : memref<2x10000x128xf32, #tpu.memory_space<hbm>> -> memref<1x80x128xf32, #tpu.memory_space<hbm>>
      %dma_start3A_139 = tpu.memref_squeeze %dma_start3A_138 : memref<1x80x128xf32, #tpu.memory_space<hbm>> -> memref<80x128xf32, #tpu.memory_space<hbm>>
      tpu.enqueue_dma source(%arg12 : memref<80x128xf32, #tpu.memory_space<vmem>>) target(%dma_start3A_139 : memref<80x128xf32, #tpu.memory_space<hbm>>) target_semaphore(%run_scoped3A : memref<!tpu.dma_semaphore, #tpu.memory_space<semaphore_mem>>)
      %dma_wait3A = arith.constant 0 : i32
      %dma_wait3A_140 = tpu.memref_slice %arg9[%arg0, %add3A_106, %dma_wait3A] : memref<2x10000x128xf32, #tpu.memory_space<hbm>> -> memref<1x80x128xf32, #tpu.memory_space<hbm>>
      %dma_wait3A_141 = tpu.memref_squeeze %dma_wait3A_140 : memref<1x80x128xf32, #tpu.memory_space<hbm>> -> memref<80x128xf32, #tpu.memory_space<hbm>>
      %dma_wait3A_142 = arith.constant 0 : i32
      %dma_wait3A_143 = tpu.memref_slice %arg9[%arg0, %add3A_106, %dma_wait3A_142] : memref<2x10000x128xf32, #tpu.memory_space<hbm>> -> memref<1x80x128xf32, #tpu.memory_space<hbm>>
      %dma_wait3A_144 = tpu.memref_squeeze %dma_wait3A_143 : memref<1x80x128xf32, #tpu.memory_space<hbm>> -> memref<80x128xf32, #tpu.memory_space<hbm>>
      tpu.wait_dma2 semaphore(%run_scoped3A : memref<!tpu.dma_semaphore, #tpu.memory_space<semaphore_mem>>) src(%arg12 : memref<80x128xf32, #tpu.memory_space<vmem>>) dst(%dma_wait3A_144 : memref<80x128xf32, #tpu.memory_space<hbm>>)
      tpu.yield
    }) : () -> ()
    %add3A_107 = arith.constant 80 : i32
    %add3A_108 = arith.addi %mul3A_2, %add3A_107 : i32
    "tpu.region"() ({
      %run_scoped3A = tpu.sem_alloc : memref<!tpu.dma_semaphore, #tpu.memory_space<semaphore_mem>>
      %dma_start3A = arith.constant 0 : i32
      %dma_start3A_135 = tpu.memref_slice %arg16[%add3A_108, %dma_start3A] : memref<10000x128xf32, #tpu.memory_space<vmem_shared>> -> memref<80x128xf32, #tpu.memory_space<vmem_shared>>
      %dma_start3A_136 = arith.constant 0 : i32
      %dma_start3A_137 = tpu.memref_slice %arg16[%add3A_108, %dma_start3A_136] : memref<10000x128xf32, #tpu.memory_space<vmem_shared>> -> memref<80x128xf32, #tpu.memory_space<vmem_shared>>
      tpu.enqueue_dma source(%dma_start3A_137 : memref<80x128xf32, #tpu.memory_space<vmem_shared>>) target(%arg12 : memref<80x128xf32, #tpu.memory_space<vmem>>) target_semaphore(%run_scoped3A : memref<!tpu.dma_semaphore, #tpu.memory_space<semaphore_mem>>)
      %dma_wait3A = arith.constant 0 : i32
      %dma_wait3A_138 = tpu.memref_slice %arg16[%add3A_108, %dma_wait3A] : memref<10000x128xf32, #tpu.memory_space<vmem_shared>> -> memref<80x128xf32, #tpu.memory_space<vmem_shared>>
      %dma_wait3A_139 = arith.constant 0 : i32
      %dma_wait3A_140 = tpu.memref_slice %arg16[%add3A_108, %dma_wait3A_139] : memref<10000x128xf32, #tpu.memory_space<vmem_shared>> -> memref<80x128xf32, #tpu.memory_space<vmem_shared>>
      tpu.wait_dma2 semaphore(%run_scoped3A : memref<!tpu.dma_semaphore, #tpu.memory_space<semaphore_mem>>) src(%dma_wait3A_140 : memref<80x128xf32, #tpu.memory_space<vmem_shared>>) dst(%arg12 : memref<80x128xf32, #tpu.memory_space<vmem>>)
      tpu.yield
    }) : () -> ()
    %add3A_109 = arith.constant 80 : i32
    %add3A_110 = arith.addi %mul3A_2, %add3A_109 : i32
    "tpu.region"() ({
      %run_scoped3A = tpu.sem_alloc : memref<!tpu.dma_semaphore, #tpu.memory_space<semaphore_mem>>
      %dma_start3A = arith.constant 0 : i32
      %dma_start3A_135 = tpu.memref_slice %arg9[%arg0, %add3A_110, %dma_start3A] : memref<2x10000x128xf32, #tpu.memory_space<hbm>> -> memref<1x80x128xf32, #tpu.memory_space<hbm>>
      %dma_start3A_136 = tpu.memref_squeeze %dma_start3A_135 : memref<1x80x128xf32, #tpu.memory_space<hbm>> -> memref<80x128xf32, #tpu.memory_space<hbm>>
      %dma_start3A_137 = arith.constant 0 : i32
      %dma_start3A_138 = tpu.memref_slice %arg9[%arg0, %add3A_110, %dma_start3A_137] : memref<2x10000x128xf32, #tpu.memory_space<hbm>> -> memref<1x80x128xf32, #tpu.memory_space<hbm>>
      %dma_start3A_139 = tpu.memref_squeeze %dma_start3A_138 : memref<1x80x128xf32, #tpu.memory_space<hbm>> -> memref<80x128xf32, #tpu.memory_space<hbm>>
      tpu.enqueue_dma source(%arg12 : memref<80x128xf32, #tpu.memory_space<vmem>>) target(%dma_start3A_139 : memref<80x128xf32, #tpu.memory_space<hbm>>) target_semaphore(%run_scoped3A : memref<!tpu.dma_semaphore, #tpu.memory_space<semaphore_mem>>)
      %dma_wait3A = arith.constant 0 : i32
      %dma_wait3A_140 = tpu.memref_slice %arg9[%arg0, %add3A_110, %dma_wait3A] : memref<2x10000x128xf32, #tpu.memory_space<hbm>> -> memref<1x80x128xf32, #tpu.memory_space<hbm>>
      %dma_wait3A_141 = tpu.memref_squeeze %dma_wait3A_140 : memref<1x80x128xf32, #tpu.memory_space<hbm>> -> memref<80x128xf32, #tpu.memory_space<hbm>>
      %dma_wait3A_142 = arith.constant 0 : i32
      %dma_wait3A_143 = tpu.memref_slice %arg9[%arg0, %add3A_110, %dma_wait3A_142] : memref<2x10000x128xf32, #tpu.memory_space<hbm>> -> memref<1x80x128xf32, #tpu.memory_space<hbm>>
      %dma_wait3A_144 = tpu.memref_squeeze %dma_wait3A_143 : memref<1x80x128xf32, #tpu.memory_space<hbm>> -> memref<80x128xf32, #tpu.memory_space<hbm>>
      tpu.wait_dma2 semaphore(%run_scoped3A : memref<!tpu.dma_semaphore, #tpu.memory_space<semaphore_mem>>) src(%arg12 : memref<80x128xf32, #tpu.memory_space<vmem>>) dst(%dma_wait3A_144 : memref<80x128xf32, #tpu.memory_space<hbm>>)
      tpu.yield
    }) : () -> ()
    %add3A_111 = arith.constant 160 : i32
    %add3A_112 = arith.addi %mul3A_2, %add3A_111 : i32
    "tpu.region"() ({
      %run_scoped3A = tpu.sem_alloc : memref<!tpu.dma_semaphore, #tpu.memory_space<semaphore_mem>>
      %dma_start3A = arith.constant 0 : i32
      %dma_start3A_135 = tpu.memref_slice %arg16[%add3A_112, %dma_start3A] : memref<10000x128xf32, #tpu.memory_space<vmem_shared>> -> memref<80x128xf32, #tpu.memory_space<vmem_shared>>
      %dma_start3A_136 = arith.constant 0 : i32
      %dma_start3A_137 = tpu.memref_slice %arg16[%add3A_112, %dma_start3A_136] : memref<10000x128xf32, #tpu.memory_space<vmem_shared>> -> memref<80x128xf32, #tpu.memory_space<vmem_shared>>
      tpu.enqueue_dma source(%dma_start3A_137 : memref<80x128xf32, #tpu.memory_space<vmem_shared>>) target(%arg12 : memref<80x128xf32, #tpu.memory_space<vmem>>) target_semaphore(%run_scoped3A : memref<!tpu.dma_semaphore, #tpu.memory_space<semaphore_mem>>)
      %dma_wait3A = arith.constant 0 : i32
      %dma_wait3A_138 = tpu.memref_slice %arg16[%add3A_112, %dma_wait3A] : memref<10000x128xf32, #tpu.memory_space<vmem_shared>> -> memref<80x128xf32, #tpu.memory_space<vmem_shared>>
      %dma_wait3A_139 = arith.constant 0 : i32
      %dma_wait3A_140 = tpu.memref_slice %arg16[%add3A_112, %dma_wait3A_139] : memref<10000x128xf32, #tpu.memory_space<vmem_shared>> -> memref<80x128xf32, #tpu.memory_space<vmem_shared>>
      tpu.wait_dma2 semaphore(%run_scoped3A : memref<!tpu.dma_semaphore, #tpu.memory_space<semaphore_mem>>) src(%dma_wait3A_140 : memref<80x128xf32, #tpu.memory_space<vmem_shared>>) dst(%arg12 : memref<80x128xf32, #tpu.memory_space<vmem>>)
      tpu.yield
    }) : () -> ()
    %add3A_113 = arith.constant 160 : i32
    %add3A_114 = arith.addi %mul3A_2, %add3A_113 : i32
    "tpu.region"() ({
      %run_scoped3A = tpu.sem_alloc : memref<!tpu.dma_semaphore, #tpu.memory_space<semaphore_mem>>
      %dma_start3A = arith.constant 0 : i32
      %dma_start3A_135 = tpu.memref_slice %arg9[%arg0, %add3A_114, %dma_start3A] : memref<2x10000x128xf32, #tpu.memory_space<hbm>> -> memref<1x80x128xf32, #tpu.memory_space<hbm>>
      %dma_start3A_136 = tpu.memref_squeeze %dma_start3A_135 : memref<1x80x128xf32, #tpu.memory_space<hbm>> -> memref<80x128xf32, #tpu.memory_space<hbm>>
      %dma_start3A_137 = arith.constant 0 : i32
      %dma_start3A_138 = tpu.memref_slice %arg9[%arg0, %add3A_114, %dma_start3A_137] : memref<2x10000x128xf32, #tpu.memory_space<hbm>> -> memref<1x80x128xf32, #tpu.memory_space<hbm>>
      %dma_start3A_139 = tpu.memref_squeeze %dma_start3A_138 : memref<1x80x128xf32, #tpu.memory_space<hbm>> -> memref<80x128xf32, #tpu.memory_space<hbm>>
      tpu.enqueue_dma source(%arg12 : memref<80x128xf32, #tpu.memory_space<vmem>>) target(%dma_start3A_139 : memref<80x128xf32, #tpu.memory_space<hbm>>) target_semaphore(%run_scoped3A : memref<!tpu.dma_semaphore, #tpu.memory_space<semaphore_mem>>)
      %dma_wait3A = arith.constant 0 : i32
      %dma_wait3A_140 = tpu.memref_slice %arg9[%arg0, %add3A_114, %dma_wait3A] : memref<2x10000x128xf32, #tpu.memory_space<hbm>> -> memref<1x80x128xf32, #tpu.memory_space<hbm>>
      %dma_wait3A_141 = tpu.memref_squeeze %dma_wait3A_140 : memref<1x80x128xf32, #tpu.memory_space<hbm>> -> memref<80x128xf32, #tpu.memory_space<hbm>>
      %dma_wait3A_142 = arith.constant 0 : i32
      %dma_wait3A_143 = tpu.memref_slice %arg9[%arg0, %add3A_114, %dma_wait3A_142] : memref<2x10000x128xf32, #tpu.memory_space<hbm>> -> memref<1x80x128xf32, #tpu.memory_space<hbm>>
      %dma_wait3A_144 = tpu.memref_squeeze %dma_wait3A_143 : memref<1x80x128xf32, #tpu.memory_space<hbm>> -> memref<80x128xf32, #tpu.memory_space<hbm>>
      tpu.wait_dma2 semaphore(%run_scoped3A : memref<!tpu.dma_semaphore, #tpu.memory_space<semaphore_mem>>) src(%arg12 : memref<80x128xf32, #tpu.memory_space<vmem>>) dst(%dma_wait3A_144 : memref<80x128xf32, #tpu.memory_space<hbm>>)
      tpu.yield
    }) : () -> ()
    %add3A_115 = arith.constant 240 : i32
    %add3A_116 = arith.addi %mul3A_2, %add3A_115 : i32
    "tpu.region"() ({
      %run_scoped3A = tpu.sem_alloc : memref<!tpu.dma_semaphore, #tpu.memory_space<semaphore_mem>>
      %dma_start3A = arith.constant 0 : i32
      %dma_start3A_135 = tpu.memref_slice %arg16[%add3A_116, %dma_start3A] : memref<10000x128xf32, #tpu.memory_space<vmem_shared>> -> memref<80x128xf32, #tpu.memory_space<vmem_shared>>
      %dma_start3A_136 = arith.constant 0 : i32
      %dma_start3A_137 = tpu.memref_slice %arg16[%add3A_116, %dma_start3A_136] : memref<10000x128xf32, #tpu.memory_space<vmem_shared>> -> memref<80x128xf32, #tpu.memory_space<vmem_shared>>
      tpu.enqueue_dma source(%dma_start3A_137 : memref<80x128xf32, #tpu.memory_space<vmem_shared>>) target(%arg12 : memref<80x128xf32, #tpu.memory_space<vmem>>) target_semaphore(%run_scoped3A : memref<!tpu.dma_semaphore, #tpu.memory_space<semaphore_mem>>)
      %dma_wait3A = arith.constant 0 : i32
      %dma_wait3A_138 = tpu.memref_slice %arg16[%add3A_116, %dma_wait3A] : memref<10000x128xf32, #tpu.memory_space<vmem_shared>> -> memref<80x128xf32, #tpu.memory_space<vmem_shared>>
      %dma_wait3A_139 = arith.constant 0 : i32
      %dma_wait3A_140 = tpu.memref_slice %arg16[%add3A_116, %dma_wait3A_139] : memref<10000x128xf32, #tpu.memory_space<vmem_shared>> -> memref<80x128xf32, #tpu.memory_space<vmem_shared>>
      tpu.wait_dma2 semaphore(%run_scoped3A : memref<!tpu.dma_semaphore, #tpu.memory_space<semaphore_mem>>) src(%dma_wait3A_140 : memref<80x128xf32, #tpu.memory_space<vmem_shared>>) dst(%arg12 : memref<80x128xf32, #tpu.memory_space<vmem>>)
      tpu.yield
    }) : () -> ()
    %add3A_117 = arith.constant 240 : i32
    %add3A_118 = arith.addi %mul3A_2, %add3A_117 : i32
    "tpu.region"() ({
      %run_scoped3A = tpu.sem_alloc : memref<!tpu.dma_semaphore, #tpu.memory_space<semaphore_mem>>
      %dma_start3A = arith.constant 0 : i32
      %dma_start3A_135 = tpu.memref_slice %arg9[%arg0, %add3A_118, %dma_start3A] : memref<2x10000x128xf32, #tpu.memory_space<hbm>> -> memref<1x80x128xf32, #tpu.memory_space<hbm>>
      %dma_start3A_136 = tpu.memref_squeeze %dma_start3A_135 : memref<1x80x128xf32, #tpu.memory_space<hbm>> -> memref<80x128xf32, #tpu.memory_space<hbm>>
      %dma_start3A_137 = arith.constant 0 : i32
      %dma_start3A_138 = tpu.memref_slice %arg9[%arg0, %add3A_118, %dma_start3A_137] : memref<2x10000x128xf32, #tpu.memory_space<hbm>> -> memref<1x80x128xf32, #tpu.memory_space<hbm>>
      %dma_start3A_139 = tpu.memref_squeeze %dma_start3A_138 : memref<1x80x128xf32, #tpu.memory_space<hbm>> -> memref<80x128xf32, #tpu.memory_space<hbm>>
      tpu.enqueue_dma source(%arg12 : memref<80x128xf32, #tpu.memory_space<vmem>>) target(%dma_start3A_139 : memref<80x128xf32, #tpu.memory_space<hbm>>) target_semaphore(%run_scoped3A : memref<!tpu.dma_semaphore, #tpu.memory_space<semaphore_mem>>)
      %dma_wait3A = arith.constant 0 : i32
      %dma_wait3A_140 = tpu.memref_slice %arg9[%arg0, %add3A_118, %dma_wait3A] : memref<2x10000x128xf32, #tpu.memory_space<hbm>> -> memref<1x80x128xf32, #tpu.memory_space<hbm>>
      %dma_wait3A_141 = tpu.memref_squeeze %dma_wait3A_140 : memref<1x80x128xf32, #tpu.memory_space<hbm>> -> memref<80x128xf32, #tpu.memory_space<hbm>>
      %dma_wait3A_142 = arith.constant 0 : i32
      %dma_wait3A_143 = tpu.memref_slice %arg9[%arg0, %add3A_118, %dma_wait3A_142] : memref<2x10000x128xf32, #tpu.memory_space<hbm>> -> memref<1x80x128xf32, #tpu.memory_space<hbm>>
      %dma_wait3A_144 = tpu.memref_squeeze %dma_wait3A_143 : memref<1x80x128xf32, #tpu.memory_space<hbm>> -> memref<80x128xf32, #tpu.memory_space<hbm>>
      tpu.wait_dma2 semaphore(%run_scoped3A : memref<!tpu.dma_semaphore, #tpu.memory_space<semaphore_mem>>) src(%arg12 : memref<80x128xf32, #tpu.memory_space<vmem>>) dst(%dma_wait3A_144 : memref<80x128xf32, #tpu.memory_space<hbm>>)
      tpu.yield
    }) : () -> ()
    %add3A_119 = arith.constant 320 : i32
    %add3A_120 = arith.addi %mul3A_2, %add3A_119 : i32
    "tpu.region"() ({
      %run_scoped3A = tpu.sem_alloc : memref<!tpu.dma_semaphore, #tpu.memory_space<semaphore_mem>>
      %dma_start3A = arith.constant 0 : i32
      %dma_start3A_135 = tpu.memref_slice %arg16[%add3A_120, %dma_start3A] : memref<10000x128xf32, #tpu.memory_space<vmem_shared>> -> memref<80x128xf32, #tpu.memory_space<vmem_shared>>
      %dma_start3A_136 = arith.constant 0 : i32
      %dma_start3A_137 = tpu.memref_slice %arg16[%add3A_120, %dma_start3A_136] : memref<10000x128xf32, #tpu.memory_space<vmem_shared>> -> memref<80x128xf32, #tpu.memory_space<vmem_shared>>
      tpu.enqueue_dma source(%dma_start3A_137 : memref<80x128xf32, #tpu.memory_space<vmem_shared>>) target(%arg12 : memref<80x128xf32, #tpu.memory_space<vmem>>) target_semaphore(%run_scoped3A : memref<!tpu.dma_semaphore, #tpu.memory_space<semaphore_mem>>)
      %dma_wait3A = arith.constant 0 : i32
      %dma_wait3A_138 = tpu.memref_slice %arg16[%add3A_120, %dma_wait3A] : memref<10000x128xf32, #tpu.memory_space<vmem_shared>> -> memref<80x128xf32, #tpu.memory_space<vmem_shared>>
      %dma_wait3A_139 = arith.constant 0 : i32
      %dma_wait3A_140 = tpu.memref_slice %arg16[%add3A_120, %dma_wait3A_139] : memref<10000x128xf32, #tpu.memory_space<vmem_shared>> -> memref<80x128xf32, #tpu.memory_space<vmem_shared>>
      tpu.wait_dma2 semaphore(%run_scoped3A : memref<!tpu.dma_semaphore, #tpu.memory_space<semaphore_mem>>) src(%dma_wait3A_140 : memref<80x128xf32, #tpu.memory_space<vmem_shared>>) dst(%arg12 : memref<80x128xf32, #tpu.memory_space<vmem>>)
      tpu.yield
    }) : () -> ()
    %add3A_121 = arith.constant 320 : i32
    %add3A_122 = arith.addi %mul3A_2, %add3A_121 : i32
    "tpu.region"() ({
      %run_scoped3A = tpu.sem_alloc : memref<!tpu.dma_semaphore, #tpu.memory_space<semaphore_mem>>
      %dma_start3A = arith.constant 0 : i32
      %dma_start3A_135 = tpu.memref_slice %arg9[%arg0, %add3A_122, %dma_start3A] : memref<2x10000x128xf32, #tpu.memory_space<hbm>> -> memref<1x80x128xf32, #tpu.memory_space<hbm>>
      %dma_start3A_136 = tpu.memref_squeeze %dma_start3A_135 : memref<1x80x128xf32, #tpu.memory_space<hbm>> -> memref<80x128xf32, #tpu.memory_space<hbm>>
      %dma_start3A_137 = arith.constant 0 : i32
      %dma_start3A_138 = tpu.memref_slice %arg9[%arg0, %add3A_122, %dma_start3A_137] : memref<2x10000x128xf32, #tpu.memory_space<hbm>> -> memref<1x80x128xf32, #tpu.memory_space<hbm>>
      %dma_start3A_139 = tpu.memref_squeeze %dma_start3A_138 : memref<1x80x128xf32, #tpu.memory_space<hbm>> -> memref<80x128xf32, #tpu.memory_space<hbm>>
      tpu.enqueue_dma source(%arg12 : memref<80x128xf32, #tpu.memory_space<vmem>>) target(%dma_start3A_139 : memref<80x128xf32, #tpu.memory_space<hbm>>) target_semaphore(%run_scoped3A : memref<!tpu.dma_semaphore, #tpu.memory_space<semaphore_mem>>)
      %dma_wait3A = arith.constant 0 : i32
      %dma_wait3A_140 = tpu.memref_slice %arg9[%arg0, %add3A_122, %dma_wait3A] : memref<2x10000x128xf32, #tpu.memory_space<hbm>> -> memref<1x80x128xf32, #tpu.memory_space<hbm>>
      %dma_wait3A_141 = tpu.memref_squeeze %dma_wait3A_140 : memref<1x80x128xf32, #tpu.memory_space<hbm>> -> memref<80x128xf32, #tpu.memory_space<hbm>>
      %dma_wait3A_142 = arith.constant 0 : i32
      %dma_wait3A_143 = tpu.memref_slice %arg9[%arg0, %add3A_122, %dma_wait3A_142] : memref<2x10000x128xf32, #tpu.memory_space<hbm>> -> memref<1x80x128xf32, #tpu.memory_space<hbm>>
      %dma_wait3A_144 = tpu.memref_squeeze %dma_wait3A_143 : memref<1x80x128xf32, #tpu.memory_space<hbm>> -> memref<80x128xf32, #tpu.memory_space<hbm>>
      tpu.wait_dma2 semaphore(%run_scoped3A : memref<!tpu.dma_semaphore, #tpu.memory_space<semaphore_mem>>) src(%arg12 : memref<80x128xf32, #tpu.memory_space<vmem>>) dst(%dma_wait3A_144 : memref<80x128xf32, #tpu.memory_space<hbm>>)
      tpu.yield
    }) : () -> ()
    %add3A_123 = arith.constant 400 : i32
    %add3A_124 = arith.addi %mul3A_2, %add3A_123 : i32
    "tpu.region"() ({
      %run_scoped3A = tpu.sem_alloc : memref<!tpu.dma_semaphore, #tpu.memory_space<semaphore_mem>>
      %dma_start3A = arith.constant 0 : i32
      %dma_start3A_135 = tpu.memref_slice %arg16[%add3A_124, %dma_start3A] : memref<10000x128xf32, #tpu.memory_space<vmem_shared>> -> memref<80x128xf32, #tpu.memory_space<vmem_shared>>
      %dma_start3A_136 = arith.constant 0 : i32
      %dma_start3A_137 = tpu.memref_slice %arg16[%add3A_124, %dma_start3A_136] : memref<10000x128xf32, #tpu.memory_space<vmem_shared>> -> memref<80x128xf32, #tpu.memory_space<vmem_shared>>
      tpu.enqueue_dma source(%dma_start3A_137 : memref<80x128xf32, #tpu.memory_space<vmem_shared>>) target(%arg12 : memref<80x128xf32, #tpu.memory_space<vmem>>) target_semaphore(%run_scoped3A : memref<!tpu.dma_semaphore, #tpu.memory_space<semaphore_mem>>)
      %dma_wait3A = arith.constant 0 : i32
      %dma_wait3A_138 = tpu.memref_slice %arg16[%add3A_124, %dma_wait3A] : memref<10000x128xf32, #tpu.memory_space<vmem_shared>> -> memref<80x128xf32, #tpu.memory_space<vmem_shared>>
      %dma_wait3A_139 = arith.constant 0 : i32
      %dma_wait3A_140 = tpu.memref_slice %arg16[%add3A_124, %dma_wait3A_139] : memref<10000x128xf32, #tpu.memory_space<vmem_shared>> -> memref<80x128xf32, #tpu.memory_space<vmem_shared>>
      tpu.wait_dma2 semaphore(%run_scoped3A : memref<!tpu.dma_semaphore, #tpu.memory_space<semaphore_mem>>) src(%dma_wait3A_140 : memref<80x128xf32, #tpu.memory_space<vmem_shared>>) dst(%arg12 : memref<80x128xf32, #tpu.memory_space<vmem>>)
      tpu.yield
    }) : () -> ()
    %add3A_125 = arith.constant 400 : i32
    %add3A_126 = arith.addi %mul3A_2, %add3A_125 : i32
    "tpu.region"() ({
      %run_scoped3A = tpu.sem_alloc : memref<!tpu.dma_semaphore, #tpu.memory_space<semaphore_mem>>
      %dma_start3A = arith.constant 0 : i32
      %dma_start3A_135 = tpu.memref_slice %arg9[%arg0, %add3A_126, %dma_start3A] : memref<2x10000x128xf32, #tpu.memory_space<hbm>> -> memref<1x80x128xf32, #tpu.memory_space<hbm>>
      %dma_start3A_136 = tpu.memref_squeeze %dma_start3A_135 : memref<1x80x128xf32, #tpu.memory_space<hbm>> -> memref<80x128xf32, #tpu.memory_space<hbm>>
      %dma_start3A_137 = arith.constant 0 : i32
      %dma_start3A_138 = tpu.memref_slice %arg9[%arg0, %add3A_126, %dma_start3A_137] : memref<2x10000x128xf32, #tpu.memory_space<hbm>> -> memref<1x80x128xf32, #tpu.memory_space<hbm>>
      %dma_start3A_139 = tpu.memref_squeeze %dma_start3A_138 : memref<1x80x128xf32, #tpu.memory_space<hbm>> -> memref<80x128xf32, #tpu.memory_space<hbm>>
      tpu.enqueue_dma source(%arg12 : memref<80x128xf32, #tpu.memory_space<vmem>>) target(%dma_start3A_139 : memref<80x128xf32, #tpu.memory_space<hbm>>) target_semaphore(%run_scoped3A : memref<!tpu.dma_semaphore, #tpu.memory_space<semaphore_mem>>)
      %dma_wait3A = arith.constant 0 : i32
      %dma_wait3A_140 = tpu.memref_slice %arg9[%arg0, %add3A_126, %dma_wait3A] : memref<2x10000x128xf32, #tpu.memory_space<hbm>> -> memref<1x80x128xf32, #tpu.memory_space<hbm>>
      %dma_wait3A_141 = tpu.memref_squeeze %dma_wait3A_140 : memref<1x80x128xf32, #tpu.memory_space<hbm>> -> memref<80x128xf32, #tpu.memory_space<hbm>>
      %dma_wait3A_142 = arith.constant 0 : i32
      %dma_wait3A_143 = tpu.memref_slice %arg9[%arg0, %add3A_126, %dma_wait3A_142] : memref<2x10000x128xf32, #tpu.memory_space<hbm>> -> memref<1x80x128xf32, #tpu.memory_space<hbm>>
      %dma_wait3A_144 = tpu.memref_squeeze %dma_wait3A_143 : memref<1x80x128xf32, #tpu.memory_space<hbm>> -> memref<80x128xf32, #tpu.memory_space<hbm>>
      tpu.wait_dma2 semaphore(%run_scoped3A : memref<!tpu.dma_semaphore, #tpu.memory_space<semaphore_mem>>) src(%arg12 : memref<80x128xf32, #tpu.memory_space<vmem>>) dst(%dma_wait3A_144 : memref<80x128xf32, #tpu.memory_space<hbm>>)
      tpu.yield
    }) : () -> ()
    %add3A_127 = arith.constant 480 : i32
    %add3A_128 = arith.addi %mul3A_2, %add3A_127 : i32
    "tpu.region"() ({
      %run_scoped3A = tpu.sem_alloc : memref<!tpu.dma_semaphore, #tpu.memory_space<semaphore_mem>>
      %dma_start3A = arith.constant 0 : i32
      %dma_start3A_135 = tpu.memref_slice %arg16[%add3A_128, %dma_start3A] : memref<10000x128xf32, #tpu.memory_space<vmem_shared>> -> memref<80x128xf32, #tpu.memory_space<vmem_shared>>
      %dma_start3A_136 = arith.constant 0 : i32
      %dma_start3A_137 = tpu.memref_slice %arg16[%add3A_128, %dma_start3A_136] : memref<10000x128xf32, #tpu.memory_space<vmem_shared>> -> memref<80x128xf32, #tpu.memory_space<vmem_shared>>
      tpu.enqueue_dma source(%dma_start3A_137 : memref<80x128xf32, #tpu.memory_space<vmem_shared>>) target(%arg12 : memref<80x128xf32, #tpu.memory_space<vmem>>) target_semaphore(%run_scoped3A : memref<!tpu.dma_semaphore, #tpu.memory_space<semaphore_mem>>)
      %dma_wait3A = arith.constant 0 : i32
      %dma_wait3A_138 = tpu.memref_slice %arg16[%add3A_128, %dma_wait3A] : memref<10000x128xf32, #tpu.memory_space<vmem_shared>> -> memref<80x128xf32, #tpu.memory_space<vmem_shared>>
      %dma_wait3A_139 = arith.constant 0 : i32
      %dma_wait3A_140 = tpu.memref_slice %arg16[%add3A_128, %dma_wait3A_139] : memref<10000x128xf32, #tpu.memory_space<vmem_shared>> -> memref<80x128xf32, #tpu.memory_space<vmem_shared>>
      tpu.wait_dma2 semaphore(%run_scoped3A : memref<!tpu.dma_semaphore, #tpu.memory_space<semaphore_mem>>) src(%dma_wait3A_140 : memref<80x128xf32, #tpu.memory_space<vmem_shared>>) dst(%arg12 : memref<80x128xf32, #tpu.memory_space<vmem>>)
      tpu.yield
    }) : () -> ()
    %add3A_129 = arith.constant 480 : i32
    %add3A_130 = arith.addi %mul3A_2, %add3A_129 : i32
    "tpu.region"() ({
      %run_scoped3A = tpu.sem_alloc : memref<!tpu.dma_semaphore, #tpu.memory_space<semaphore_mem>>
      %dma_start3A = arith.constant 0 : i32
      %dma_start3A_135 = tpu.memref_slice %arg9[%arg0, %add3A_130, %dma_start3A] : memref<2x10000x128xf32, #tpu.memory_space<hbm>> -> memref<1x80x128xf32, #tpu.memory_space<hbm>>
      %dma_start3A_136 = tpu.memref_squeeze %dma_start3A_135 : memref<1x80x128xf32, #tpu.memory_space<hbm>> -> memref<80x128xf32, #tpu.memory_space<hbm>>
      %dma_start3A_137 = arith.constant 0 : i32
      %dma_start3A_138 = tpu.memref_slice %arg9[%arg0, %add3A_130, %dma_start3A_137] : memref<2x10000x128xf32, #tpu.memory_space<hbm>> -> memref<1x80x128xf32, #tpu.memory_space<hbm>>
      %dma_start3A_139 = tpu.memref_squeeze %dma_start3A_138 : memref<1x80x128xf32, #tpu.memory_space<hbm>> -> memref<80x128xf32, #tpu.memory_space<hbm>>
      tpu.enqueue_dma source(%arg12 : memref<80x128xf32, #tpu.memory_space<vmem>>) target(%dma_start3A_139 : memref<80x128xf32, #tpu.memory_space<hbm>>) target_semaphore(%run_scoped3A : memref<!tpu.dma_semaphore, #tpu.memory_space<semaphore_mem>>)
      %dma_wait3A = arith.constant 0 : i32
      %dma_wait3A_140 = tpu.memref_slice %arg9[%arg0, %add3A_130, %dma_wait3A] : memref<2x10000x128xf32, #tpu.memory_space<hbm>> -> memref<1x80x128xf32, #tpu.memory_space<hbm>>
      %dma_wait3A_141 = tpu.memref_squeeze %dma_wait3A_140 : memref<1x80x128xf32, #tpu.memory_space<hbm>> -> memref<80x128xf32, #tpu.memory_space<hbm>>
      %dma_wait3A_142 = arith.constant 0 : i32
      %dma_wait3A_143 = tpu.memref_slice %arg9[%arg0, %add3A_130, %dma_wait3A_142] : memref<2x10000x128xf32, #tpu.memory_space<hbm>> -> memref<1x80x128xf32, #tpu.memory_space<hbm>>
      %dma_wait3A_144 = tpu.memref_squeeze %dma_wait3A_143 : memref<1x80x128xf32, #tpu.memory_space<hbm>> -> memref<80x128xf32, #tpu.memory_space<hbm>>
      tpu.wait_dma2 semaphore(%run_scoped3A : memref<!tpu.dma_semaphore, #tpu.memory_space<semaphore_mem>>) src(%arg12 : memref<80x128xf32, #tpu.memory_space<vmem>>) dst(%dma_wait3A_144 : memref<80x128xf32, #tpu.memory_space<hbm>>)
      tpu.yield
    }) : () -> ()
    %add3A_131 = arith.constant 560 : i32
    %add3A_132 = arith.addi %mul3A_2, %add3A_131 : i32
    "tpu.region"() ({
      %run_scoped3A = tpu.sem_alloc : memref<!tpu.dma_semaphore, #tpu.memory_space<semaphore_mem>>
      %dma_start3A = arith.constant 0 : i32
      %dma_start3A_135 = tpu.memref_slice %arg16[%add3A_132, %dma_start3A] : memref<10000x128xf32, #tpu.memory_space<vmem_shared>> -> memref<80x128xf32, #tpu.memory_space<vmem_shared>>
      %dma_start3A_136 = arith.constant 0 : i32
      %dma_start3A_137 = tpu.memref_slice %arg16[%add3A_132, %dma_start3A_136] : memref<10000x128xf32, #tpu.memory_space<vmem_shared>> -> memref<80x128xf32, #tpu.memory_space<vmem_shared>>
      tpu.enqueue_dma source(%dma_start3A_137 : memref<80x128xf32, #tpu.memory_space<vmem_shared>>) target(%arg12 : memref<80x128xf32, #tpu.memory_space<vmem>>) target_semaphore(%run_scoped3A : memref<!tpu.dma_semaphore, #tpu.memory_space<semaphore_mem>>)
      %dma_wait3A = arith.constant 0 : i32
      %dma_wait3A_138 = tpu.memref_slice %arg16[%add3A_132, %dma_wait3A] : memref<10000x128xf32, #tpu.memory_space<vmem_shared>> -> memref<80x128xf32, #tpu.memory_space<vmem_shared>>
      %dma_wait3A_139 = arith.constant 0 : i32
      %dma_wait3A_140 = tpu.memref_slice %arg16[%add3A_132, %dma_wait3A_139] : memref<10000x128xf32, #tpu.memory_space<vmem_shared>> -> memref<80x128xf32, #tpu.memory_space<vmem_shared>>
      tpu.wait_dma2 semaphore(%run_scoped3A : memref<!tpu.dma_semaphore, #tpu.memory_space<semaphore_mem>>) src(%dma_wait3A_140 : memref<80x128xf32, #tpu.memory_space<vmem_shared>>) dst(%arg12 : memref<80x128xf32, #tpu.memory_space<vmem>>)
      tpu.yield
    }) : () -> ()
    %add3A_133 = arith.constant 560 : i32
    %add3A_134 = arith.addi %mul3A_2, %add3A_133 : i32
    "tpu.region"() ({
      %run_scoped3A = tpu.sem_alloc : memref<!tpu.dma_semaphore, #tpu.memory_space<semaphore_mem>>
      %dma_start3A = arith.constant 0 : i32
      %dma_start3A_135 = tpu.memref_slice %arg9[%arg0, %add3A_134, %dma_start3A] : memref<2x10000x128xf32, #tpu.memory_space<hbm>> -> memref<1x80x128xf32, #tpu.memory_space<hbm>>
      %dma_start3A_136 = tpu.memref_squeeze %dma_start3A_135 : memref<1x80x128xf32, #tpu.memory_space<hbm>> -> memref<80x128xf32, #tpu.memory_space<hbm>>
      %dma_start3A_137 = arith.constant 0 : i32
      %dma_start3A_138 = tpu.memref_slice %arg9[%arg0, %add3A_134, %dma_start3A_137] : memref<2x10000x128xf32, #tpu.memory_space<hbm>> -> memref<1x80x128xf32, #tpu.memory_space<hbm>>
      %dma_start3A_139 = tpu.memref_squeeze %dma_start3A_138 : memref<1x80x128xf32, #tpu.memory_space<hbm>> -> memref<80x128xf32, #tpu.memory_space<hbm>>
      tpu.enqueue_dma source(%arg12 : memref<80x128xf32, #tpu.memory_space<vmem>>) target(%dma_start3A_139 : memref<80x128xf32, #tpu.memory_space<hbm>>) target_semaphore(%run_scoped3A : memref<!tpu.dma_semaphore, #tpu.memory_space<semaphore_mem>>)
      %dma_wait3A = arith.constant 0 : i32
      %dma_wait3A_140 = tpu.memref_slice %arg9[%arg0, %add3A_134, %dma_wait3A] : memref<2x10000x128xf32, #tpu.memory_space<hbm>> -> memref<1x80x128xf32, #tpu.memory_space<hbm>>
      %dma_wait3A_141 = tpu.memref_squeeze %dma_wait3A_140 : memref<1x80x128xf32, #tpu.memory_space<hbm>> -> memref<80x128xf32, #tpu.memory_space<hbm>>
      %dma_wait3A_142 = arith.constant 0 : i32
      %dma_wait3A_143 = tpu.memref_slice %arg9[%arg0, %add3A_134, %dma_wait3A_142] : memref<2x10000x128xf32, #tpu.memory_space<hbm>> -> memref<1x80x128xf32, #tpu.memory_space<hbm>>
      %dma_wait3A_144 = tpu.memref_squeeze %dma_wait3A_143 : memref<1x80x128xf32, #tpu.memory_space<hbm>> -> memref<80x128xf32, #tpu.memory_space<hbm>>
      tpu.wait_dma2 semaphore(%run_scoped3A : memref<!tpu.dma_semaphore, #tpu.memory_space<semaphore_mem>>) src(%arg12 : memref<80x128xf32, #tpu.memory_space<vmem>>) dst(%dma_wait3A_144 : memref<80x128xf32, #tpu.memory_space<hbm>>)
      tpu.yield
    }) : () -> ()
    return
  }
}

#map = affine_map<(d0, d1) -> (0, 0)>
#map1 = affine_map<(d0, d1) -> (0, 0, 0, 0)>
#map2 = affine_map<(d0, d1) -> (0, 0, 0)>
module attributes {stable_mosaic.version = 14 : i64} {
  func.func @_sc_phase_body(%arg0: i32, %arg1: i32, %arg2: memref<10000x128xf32, #tpu.memory_space<hbm>>, %arg3: memref<10000x128xf32, #tpu.memory_space<hbm>>, %arg4: memref<32x5x25x80xi32, #tpu.memory_space<hbm>>, %arg5: memref<32x5x25x80xi32, #tpu.memory_space<hbm>>, %arg6: memref<80x128xf32, #tpu.memory_space<hbm>>, %arg7: memref<8x16xf32, #tpu.memory_space<hbm>>, %arg8: memref<8x16xf32, #tpu.memory_space<hbm>>, %arg9: memref<2x10000x128xf32, #tpu.memory_space<hbm>>, %arg10: memref<25x80xi32, #tpu.memory_space<vmem>>, %arg11: memref<25x80xi32, #tpu.memory_space<vmem>>, %arg12: memref<80x128xf32, #tpu.memory_space<vmem>>, %arg13: memref<80x128xf32, #tpu.memory_space<vmem>>, %arg14: memref<8x16xf32, #tpu.memory_space<vmem>>, %arg15: memref<8x16xf32, #tpu.memory_space<vmem>>, %arg16: memref<10000x128xf32, #tpu.memory_space<vmem_shared>>, %arg17: memref<!tpu.dma_semaphore, #tpu.memory_space<semaphore_mem>>, %arg18: memref<!tpu.dma_semaphore, #tpu.memory_space<semaphore_mem>>) attributes {dimension_semantics = [#tpu.dimension_semantics<core_parallel>, #tpu.dimension_semantics<subcore_parallel>], iteration_bounds = array<i64: 2, 16>, scalar_prefetch = 0 : i64, scratch_operands = 9 : i64, tpu.core_type = #tpu.core_type<sc_vector_subcore>, window_params = [{transform_indices = #map}, {transform_indices = #map}, {transform_indices = #map1}, {transform_indices = #map1}, {transform_indices = #map}, {transform_indices = #map}, {transform_indices = #map}, {transform_indices = #map2}]} {
    %mul3A = arith.constant 2 : i32
    %mul3A_0 = arith.muli %arg1, %mul3A : i32
    %add3A = arith.addi %mul3A_0, %arg0 : i32
    %mul3A_1 = arith.constant 624 : i32
    %mul3A_2 = arith.muli %arg1, %mul3A_1 : i32
    "tpu.region"() ({
      %run_scoped3A = tpu.sem_alloc : memref<!tpu.dma_semaphore, #tpu.memory_space<semaphore_mem>>
      tpu.enqueue_dma source(%arg6 : memref<80x128xf32, #tpu.memory_space<hbm>>) target(%arg12 : memref<80x128xf32, #tpu.memory_space<vmem>>) target_semaphore(%run_scoped3A : memref<!tpu.dma_semaphore, #tpu.memory_space<semaphore_mem>>)
      tpu.wait_dma2 semaphore(%run_scoped3A : memref<!tpu.dma_semaphore, #tpu.memory_space<semaphore_mem>>) src(%arg6 : memref<80x128xf32, #tpu.memory_space<hbm>>) dst(%arg12 : memref<80x128xf32, #tpu.memory_space<vmem>>)
      tpu.yield
    }) : () -> ()
    %add3A_3 = arith.constant 0 : i32
    %add3A_4 = arith.addi %mul3A_2, %add3A_3 : i32
    "tpu.region"() ({
      %run_scoped3A = tpu.sem_alloc : memref<!tpu.dma_semaphore, #tpu.memory_space<semaphore_mem>>
      %dma_start3A = arith.constant 0 : i32
      %dma_start3A_135 = tpu.memref_slice %arg16[%add3A_4, %dma_start3A] : memref<10000x128xf32, #tpu.memory_space<vmem_shared>> -> memref<80x128xf32, #tpu.memory_space<vmem_shared>>
      %dma_start3A_136 = arith.constant 0 : i32
      %dma_start3A_137 = tpu.memref_slice %arg16[%add3A_4, %dma_start3A_136] : memref<10000x128xf32, #tpu.memory_space<vmem_shared>> -> memref<80x128xf32, #tpu.memory_space<vmem_shared>>
      tpu.enqueue_dma source(%arg12 : memref<80x128xf32, #tpu.memory_space<vmem>>) target(%dma_start3A_137 : memref<80x128xf32, #tpu.memory_space<vmem_shared>>) target_semaphore(%run_scoped3A : memref<!tpu.dma_semaphore, #tpu.memory_space<semaphore_mem>>)
      %dma_wait3A = arith.constant 0 : i32
      %dma_wait3A_138 = tpu.memref_slice %arg16[%add3A_4, %dma_wait3A] : memref<10000x128xf32, #tpu.memory_space<vmem_shared>> -> memref<80x128xf32, #tpu.memory_space<vmem_shared>>
      %dma_wait3A_139 = arith.constant 0 : i32
      %dma_wait3A_140 = tpu.memref_slice %arg16[%add3A_4, %dma_wait3A_139] : memref<10000x128xf32, #tpu.memory_space<vmem_shared>> -> memref<80x128xf32, #tpu.memory_space<vmem_shared>>
      tpu.wait_dma2 semaphore(%run_scoped3A : memref<!tpu.dma_semaphore, #tpu.memory_space<semaphore_mem>>) src(%arg12 : memref<80x128xf32, #tpu.memory_space<vmem>>) dst(%dma_wait3A_140 : memref<80x128xf32, #tpu.memory_space<vmem_shared>>)
      tpu.yield
    }) : () -> ()
    %add3A_5 = arith.constant 80 : i32
    %add3A_6 = arith.addi %mul3A_2, %add3A_5 : i32
    "tpu.region"() ({
      %run_scoped3A = tpu.sem_alloc : memref<!tpu.dma_semaphore, #tpu.memory_space<semaphore_mem>>
      %dma_start3A = arith.constant 0 : i32
      %dma_start3A_135 = tpu.memref_slice %arg16[%add3A_6, %dma_start3A] : memref<10000x128xf32, #tpu.memory_space<vmem_shared>> -> memref<80x128xf32, #tpu.memory_space<vmem_shared>>
      %dma_start3A_136 = arith.constant 0 : i32
      %dma_start3A_137 = tpu.memref_slice %arg16[%add3A_6, %dma_start3A_136] : memref<10000x128xf32, #tpu.memory_space<vmem_shared>> -> memref<80x128xf32, #tpu.memory_space<vmem_shared>>
      tpu.enqueue_dma source(%arg12 : memref<80x128xf32, #tpu.memory_space<vmem>>) target(%dma_start3A_137 : memref<80x128xf32, #tpu.memory_space<vmem_shared>>) target_semaphore(%run_scoped3A : memref<!tpu.dma_semaphore, #tpu.memory_space<semaphore_mem>>)
      %dma_wait3A = arith.constant 0 : i32
      %dma_wait3A_138 = tpu.memref_slice %arg16[%add3A_6, %dma_wait3A] : memref<10000x128xf32, #tpu.memory_space<vmem_shared>> -> memref<80x128xf32, #tpu.memory_space<vmem_shared>>
      %dma_wait3A_139 = arith.constant 0 : i32
      %dma_wait3A_140 = tpu.memref_slice %arg16[%add3A_6, %dma_wait3A_139] : memref<10000x128xf32, #tpu.memory_space<vmem_shared>> -> memref<80x128xf32, #tpu.memory_space<vmem_shared>>
      tpu.wait_dma2 semaphore(%run_scoped3A : memref<!tpu.dma_semaphore, #tpu.memory_space<semaphore_mem>>) src(%arg12 : memref<80x128xf32, #tpu.memory_space<vmem>>) dst(%dma_wait3A_140 : memref<80x128xf32, #tpu.memory_space<vmem_shared>>)
      tpu.yield
    }) : () -> ()
    %add3A_7 = arith.constant 160 : i32
    %add3A_8 = arith.addi %mul3A_2, %add3A_7 : i32
    "tpu.region"() ({
      %run_scoped3A = tpu.sem_alloc : memref<!tpu.dma_semaphore, #tpu.memory_space<semaphore_mem>>
      %dma_start3A = arith.constant 0 : i32
      %dma_start3A_135 = tpu.memref_slice %arg16[%add3A_8, %dma_start3A] : memref<10000x128xf32, #tpu.memory_space<vmem_shared>> -> memref<80x128xf32, #tpu.memory_space<vmem_shared>>
      %dma_start3A_136 = arith.constant 0 : i32
      %dma_start3A_137 = tpu.memref_slice %arg16[%add3A_8, %dma_start3A_136] : memref<10000x128xf32, #tpu.memory_space<vmem_shared>> -> memref<80x128xf32, #tpu.memory_space<vmem_shared>>
      tpu.enqueue_dma source(%arg12 : memref<80x128xf32, #tpu.memory_space<vmem>>) target(%dma_start3A_137 : memref<80x128xf32, #tpu.memory_space<vmem_shared>>) target_semaphore(%run_scoped3A : memref<!tpu.dma_semaphore, #tpu.memory_space<semaphore_mem>>)
      %dma_wait3A = arith.constant 0 : i32
      %dma_wait3A_138 = tpu.memref_slice %arg16[%add3A_8, %dma_wait3A] : memref<10000x128xf32, #tpu.memory_space<vmem_shared>> -> memref<80x128xf32, #tpu.memory_space<vmem_shared>>
      %dma_wait3A_139 = arith.constant 0 : i32
      %dma_wait3A_140 = tpu.memref_slice %arg16[%add3A_8, %dma_wait3A_139] : memref<10000x128xf32, #tpu.memory_space<vmem_shared>> -> memref<80x128xf32, #tpu.memory_space<vmem_shared>>
      tpu.wait_dma2 semaphore(%run_scoped3A : memref<!tpu.dma_semaphore, #tpu.memory_space<semaphore_mem>>) src(%arg12 : memref<80x128xf32, #tpu.memory_space<vmem>>) dst(%dma_wait3A_140 : memref<80x128xf32, #tpu.memory_space<vmem_shared>>)
      tpu.yield
    }) : () -> ()
    %add3A_9 = arith.constant 240 : i32
    %add3A_10 = arith.addi %mul3A_2, %add3A_9 : i32
    "tpu.region"() ({
      %run_scoped3A = tpu.sem_alloc : memref<!tpu.dma_semaphore, #tpu.memory_space<semaphore_mem>>
      %dma_start3A = arith.constant 0 : i32
      %dma_start3A_135 = tpu.memref_slice %arg16[%add3A_10, %dma_start3A] : memref<10000x128xf32, #tpu.memory_space<vmem_shared>> -> memref<80x128xf32, #tpu.memory_space<vmem_shared>>
      %dma_start3A_136 = arith.constant 0 : i32
      %dma_start3A_137 = tpu.memref_slice %arg16[%add3A_10, %dma_start3A_136] : memref<10000x128xf32, #tpu.memory_space<vmem_shared>> -> memref<80x128xf32, #tpu.memory_space<vmem_shared>>
      tpu.enqueue_dma source(%arg12 : memref<80x128xf32, #tpu.memory_space<vmem>>) target(%dma_start3A_137 : memref<80x128xf32, #tpu.memory_space<vmem_shared>>) target_semaphore(%run_scoped3A : memref<!tpu.dma_semaphore, #tpu.memory_space<semaphore_mem>>)
      %dma_wait3A = arith.constant 0 : i32
      %dma_wait3A_138 = tpu.memref_slice %arg16[%add3A_10, %dma_wait3A] : memref<10000x128xf32, #tpu.memory_space<vmem_shared>> -> memref<80x128xf32, #tpu.memory_space<vmem_shared>>
      %dma_wait3A_139 = arith.constant 0 : i32
      %dma_wait3A_140 = tpu.memref_slice %arg16[%add3A_10, %dma_wait3A_139] : memref<10000x128xf32, #tpu.memory_space<vmem_shared>> -> memref<80x128xf32, #tpu.memory_space<vmem_shared>>
      tpu.wait_dma2 semaphore(%run_scoped3A : memref<!tpu.dma_semaphore, #tpu.memory_space<semaphore_mem>>) src(%arg12 : memref<80x128xf32, #tpu.memory_space<vmem>>) dst(%dma_wait3A_140 : memref<80x128xf32, #tpu.memory_space<vmem_shared>>)
      tpu.yield
    }) : () -> ()
    %add3A_11 = arith.constant 320 : i32
    %add3A_12 = arith.addi %mul3A_2, %add3A_11 : i32
    "tpu.region"() ({
      %run_scoped3A = tpu.sem_alloc : memref<!tpu.dma_semaphore, #tpu.memory_space<semaphore_mem>>
      %dma_start3A = arith.constant 0 : i32
      %dma_start3A_135 = tpu.memref_slice %arg16[%add3A_12, %dma_start3A] : memref<10000x128xf32, #tpu.memory_space<vmem_shared>> -> memref<80x128xf32, #tpu.memory_space<vmem_shared>>
      %dma_start3A_136 = arith.constant 0 : i32
      %dma_start3A_137 = tpu.memref_slice %arg16[%add3A_12, %dma_start3A_136] : memref<10000x128xf32, #tpu.memory_space<vmem_shared>> -> memref<80x128xf32, #tpu.memory_space<vmem_shared>>
      tpu.enqueue_dma source(%arg12 : memref<80x128xf32, #tpu.memory_space<vmem>>) target(%dma_start3A_137 : memref<80x128xf32, #tpu.memory_space<vmem_shared>>) target_semaphore(%run_scoped3A : memref<!tpu.dma_semaphore, #tpu.memory_space<semaphore_mem>>)
      %dma_wait3A = arith.constant 0 : i32
      %dma_wait3A_138 = tpu.memref_slice %arg16[%add3A_12, %dma_wait3A] : memref<10000x128xf32, #tpu.memory_space<vmem_shared>> -> memref<80x128xf32, #tpu.memory_space<vmem_shared>>
      %dma_wait3A_139 = arith.constant 0 : i32
      %dma_wait3A_140 = tpu.memref_slice %arg16[%add3A_12, %dma_wait3A_139] : memref<10000x128xf32, #tpu.memory_space<vmem_shared>> -> memref<80x128xf32, #tpu.memory_space<vmem_shared>>
      tpu.wait_dma2 semaphore(%run_scoped3A : memref<!tpu.dma_semaphore, #tpu.memory_space<semaphore_mem>>) src(%arg12 : memref<80x128xf32, #tpu.memory_space<vmem>>) dst(%dma_wait3A_140 : memref<80x128xf32, #tpu.memory_space<vmem_shared>>)
      tpu.yield
    }) : () -> ()
    %add3A_13 = arith.constant 400 : i32
    %add3A_14 = arith.addi %mul3A_2, %add3A_13 : i32
    "tpu.region"() ({
      %run_scoped3A = tpu.sem_alloc : memref<!tpu.dma_semaphore, #tpu.memory_space<semaphore_mem>>
      %dma_start3A = arith.constant 0 : i32
      %dma_start3A_135 = tpu.memref_slice %arg16[%add3A_14, %dma_start3A] : memref<10000x128xf32, #tpu.memory_space<vmem_shared>> -> memref<80x128xf32, #tpu.memory_space<vmem_shared>>
      %dma_start3A_136 = arith.constant 0 : i32
      %dma_start3A_137 = tpu.memref_slice %arg16[%add3A_14, %dma_start3A_136] : memref<10000x128xf32, #tpu.memory_space<vmem_shared>> -> memref<80x128xf32, #tpu.memory_space<vmem_shared>>
      tpu.enqueue_dma source(%arg12 : memref<80x128xf32, #tpu.memory_space<vmem>>) target(%dma_start3A_137 : memref<80x128xf32, #tpu.memory_space<vmem_shared>>) target_semaphore(%run_scoped3A : memref<!tpu.dma_semaphore, #tpu.memory_space<semaphore_mem>>)
      %dma_wait3A = arith.constant 0 : i32
      %dma_wait3A_138 = tpu.memref_slice %arg16[%add3A_14, %dma_wait3A] : memref<10000x128xf32, #tpu.memory_space<vmem_shared>> -> memref<80x128xf32, #tpu.memory_space<vmem_shared>>
      %dma_wait3A_139 = arith.constant 0 : i32
      %dma_wait3A_140 = tpu.memref_slice %arg16[%add3A_14, %dma_wait3A_139] : memref<10000x128xf32, #tpu.memory_space<vmem_shared>> -> memref<80x128xf32, #tpu.memory_space<vmem_shared>>
      tpu.wait_dma2 semaphore(%run_scoped3A : memref<!tpu.dma_semaphore, #tpu.memory_space<semaphore_mem>>) src(%arg12 : memref<80x128xf32, #tpu.memory_space<vmem>>) dst(%dma_wait3A_140 : memref<80x128xf32, #tpu.memory_space<vmem_shared>>)
      tpu.yield
    }) : () -> ()
    %add3A_15 = arith.constant 480 : i32
    %add3A_16 = arith.addi %mul3A_2, %add3A_15 : i32
    "tpu.region"() ({
      %run_scoped3A = tpu.sem_alloc : memref<!tpu.dma_semaphore, #tpu.memory_space<semaphore_mem>>
      %dma_start3A = arith.constant 0 : i32
      %dma_start3A_135 = tpu.memref_slice %arg16[%add3A_16, %dma_start3A] : memref<10000x128xf32, #tpu.memory_space<vmem_shared>> -> memref<80x128xf32, #tpu.memory_space<vmem_shared>>
      %dma_start3A_136 = arith.constant 0 : i32
      %dma_start3A_137 = tpu.memref_slice %arg16[%add3A_16, %dma_start3A_136] : memref<10000x128xf32, #tpu.memory_space<vmem_shared>> -> memref<80x128xf32, #tpu.memory_space<vmem_shared>>
      tpu.enqueue_dma source(%arg12 : memref<80x128xf32, #tpu.memory_space<vmem>>) target(%dma_start3A_137 : memref<80x128xf32, #tpu.memory_space<vmem_shared>>) target_semaphore(%run_scoped3A : memref<!tpu.dma_semaphore, #tpu.memory_space<semaphore_mem>>)
      %dma_wait3A = arith.constant 0 : i32
      %dma_wait3A_138 = tpu.memref_slice %arg16[%add3A_16, %dma_wait3A] : memref<10000x128xf32, #tpu.memory_space<vmem_shared>> -> memref<80x128xf32, #tpu.memory_space<vmem_shared>>
      %dma_wait3A_139 = arith.constant 0 : i32
      %dma_wait3A_140 = tpu.memref_slice %arg16[%add3A_16, %dma_wait3A_139] : memref<10000x128xf32, #tpu.memory_space<vmem_shared>> -> memref<80x128xf32, #tpu.memory_space<vmem_shared>>
      tpu.wait_dma2 semaphore(%run_scoped3A : memref<!tpu.dma_semaphore, #tpu.memory_space<semaphore_mem>>) src(%arg12 : memref<80x128xf32, #tpu.memory_space<vmem>>) dst(%dma_wait3A_140 : memref<80x128xf32, #tpu.memory_space<vmem_shared>>)
      tpu.yield
    }) : () -> ()
    %add3A_17 = arith.constant 560 : i32
    %add3A_18 = arith.addi %mul3A_2, %add3A_17 : i32
    "tpu.region"() ({
      %run_scoped3A = tpu.sem_alloc : memref<!tpu.dma_semaphore, #tpu.memory_space<semaphore_mem>>
      %dma_start3A = arith.constant 0 : i32
      %dma_start3A_135 = tpu.memref_slice %arg16[%add3A_18, %dma_start3A] : memref<10000x128xf32, #tpu.memory_space<vmem_shared>> -> memref<80x128xf32, #tpu.memory_space<vmem_shared>>
      %dma_start3A_136 = arith.constant 0 : i32
      %dma_start3A_137 = tpu.memref_slice %arg16[%add3A_18, %dma_start3A_136] : memref<10000x128xf32, #tpu.memory_space<vmem_shared>> -> memref<80x128xf32, #tpu.memory_space<vmem_shared>>
      tpu.enqueue_dma source(%arg12 : memref<80x128xf32, #tpu.memory_space<vmem>>) target(%dma_start3A_137 : memref<80x128xf32, #tpu.memory_space<vmem_shared>>) target_semaphore(%run_scoped3A : memref<!tpu.dma_semaphore, #tpu.memory_space<semaphore_mem>>)
      %dma_wait3A = arith.constant 0 : i32
      %dma_wait3A_138 = tpu.memref_slice %arg16[%add3A_18, %dma_wait3A] : memref<10000x128xf32, #tpu.memory_space<vmem_shared>> -> memref<80x128xf32, #tpu.memory_space<vmem_shared>>
      %dma_wait3A_139 = arith.constant 0 : i32
      %dma_wait3A_140 = tpu.memref_slice %arg16[%add3A_18, %dma_wait3A_139] : memref<10000x128xf32, #tpu.memory_space<vmem_shared>> -> memref<80x128xf32, #tpu.memory_space<vmem_shared>>
      tpu.wait_dma2 semaphore(%run_scoped3A : memref<!tpu.dma_semaphore, #tpu.memory_space<semaphore_mem>>) src(%arg12 : memref<80x128xf32, #tpu.memory_space<vmem>>) dst(%dma_wait3A_140 : memref<80x128xf32, #tpu.memory_space<vmem_shared>>)
      tpu.yield
    }) : () -> ()
    "tpu.region"() ({
      %run_scoped3A = tpu.sem_alloc : memref<!tpu.dma_semaphore, #tpu.memory_space<semaphore_mem>>
      tpu.enqueue_dma source(%arg7 : memref<8x16xf32, #tpu.memory_space<hbm>>) target(%arg14 : memref<8x16xf32, #tpu.memory_space<vmem>>) target_semaphore(%run_scoped3A : memref<!tpu.dma_semaphore, #tpu.memory_space<semaphore_mem>>)
      tpu.wait_dma2 semaphore(%run_scoped3A : memref<!tpu.dma_semaphore, #tpu.memory_space<semaphore_mem>>) src(%arg7 : memref<8x16xf32, #tpu.memory_space<hbm>>) dst(%arg14 : memref<8x16xf32, #tpu.memory_space<vmem>>)
      tpu.yield
    }) : () -> ()
    "tpu.region"() ({
      %run_scoped3A = tpu.sem_alloc : memref<!tpu.dma_semaphore, #tpu.memory_space<semaphore_mem>>
      tpu.enqueue_dma source(%arg8 : memref<8x16xf32, #tpu.memory_space<hbm>>) target(%arg15 : memref<8x16xf32, #tpu.memory_space<vmem>>) target_semaphore(%run_scoped3A : memref<!tpu.dma_semaphore, #tpu.memory_space<semaphore_mem>>)
      tpu.wait_dma2 semaphore(%run_scoped3A : memref<!tpu.dma_semaphore, #tpu.memory_space<semaphore_mem>>) src(%arg8 : memref<8x16xf32, #tpu.memory_space<hbm>>) dst(%arg15 : memref<8x16xf32, #tpu.memory_space<vmem>>)
      tpu.yield
    }) : () -> ()
    %barrier3A = arith.constant 0 : index
    tpu.barrier barrier_id(%barrier3A)
    %get3A = arith.constant 0 : i32
    %get3A_19 = arith.index_cast %get3A : i32 to index
    %get3A_20 = arith.constant 0 : index
    %get3A_21 = tpu.vector_load %arg14[%get3A_19, %get3A_20] {strides = array<i32>} : memref<8x16xf32, #tpu.memory_space<vmem>>, vector<1x16xf32>,
    %get3A_22 = vector.shape_cast %get3A_21 : vector<1x16xf32> to vector<16xf32>
    %get3A_23 = arith.constant 1 : i32
    %get3A_24 = arith.index_cast %get3A_23 : i32 to index
    %get3A_25 = arith.constant 0 : index
    %get3A_26 = tpu.vector_load %arg14[%get3A_24, %get3A_25] {strides = array<i32>} : memref<8x16xf32, #tpu.memory_space<vmem>>, vector<1x16xf32>,
    %get3A_27 = vector.shape_cast %get3A_26 : vector<1x16xf32> to vector<16xf32>
    %get3A_28 = arith.constant 2 : i32
    %get3A_29 = arith.index_cast %get3A_28 : i32 to index
    %get3A_30 = arith.constant 0 : index
    %get3A_31 = tpu.vector_load %arg14[%get3A_29, %get3A_30] {strides = array<i32>} : memref<8x16xf32, #tpu.memory_space<vmem>>, vector<1x16xf32>,
    %get3A_32 = vector.shape_cast %get3A_31 : vector<1x16xf32> to vector<16xf32>
    %get3A_33 = arith.constant 3 : i32
    %get3A_34 = arith.index_cast %get3A_33 : i32 to index
    %get3A_35 = arith.constant 0 : index
    %get3A_36 = tpu.vector_load %arg14[%get3A_34, %get3A_35] {strides = array<i32>} : memref<8x16xf32, #tpu.memory_space<vmem>>, vector<1x16xf32>,
    %get3A_37 = vector.shape_cast %get3A_36 : vector<1x16xf32> to vector<16xf32>
    %get3A_38 = arith.constant 4 : i32
    %get3A_39 = arith.index_cast %get3A_38 : i32 to index
    %get3A_40 = arith.constant 0 : index
    %get3A_41 = tpu.vector_load %arg14[%get3A_39, %get3A_40] {strides = array<i32>} : memref<8x16xf32, #tpu.memory_space<vmem>>, vector<1x16xf32>,
    %get3A_42 = vector.shape_cast %get3A_41 : vector<1x16xf32> to vector<16xf32>
    %get3A_43 = arith.constant 5 : i32
    %get3A_44 = arith.index_cast %get3A_43 : i32 to index
    %get3A_45 = arith.constant 0 : index
    %get3A_46 = tpu.vector_load %arg14[%get3A_44, %get3A_45] {strides = array<i32>} : memref<8x16xf32, #tpu.memory_space<vmem>>, vector<1x16xf32>,
    %get3A_47 = vector.shape_cast %get3A_46 : vector<1x16xf32> to vector<16xf32>
    %get3A_48 = arith.constant 6 : i32
    %get3A_49 = arith.index_cast %get3A_48 : i32 to index
    %get3A_50 = arith.constant 0 : index
    %get3A_51 = tpu.vector_load %arg14[%get3A_49, %get3A_50] {strides = array<i32>} : memref<8x16xf32, #tpu.memory_space<vmem>>, vector<1x16xf32>,
    %get3A_52 = vector.shape_cast %get3A_51 : vector<1x16xf32> to vector<16xf32>
    %get3A_53 = arith.constant 7 : i32
    %get3A_54 = arith.index_cast %get3A_53 : i32 to index
    %get3A_55 = arith.constant 0 : index
    %get3A_56 = tpu.vector_load %arg14[%get3A_54, %get3A_55] {strides = array<i32>} : memref<8x16xf32, #tpu.memory_space<vmem>>, vector<1x16xf32>,
    %get3A_57 = vector.shape_cast %get3A_56 : vector<1x16xf32> to vector<16xf32>
    %get3A_58 = arith.constant 0 : i32
    %get3A_59 = arith.index_cast %get3A_58 : i32 to index
    %get3A_60 = arith.constant 0 : index
    %get3A_61 = tpu.vector_load %arg15[%get3A_59, %get3A_60] {strides = array<i32>} : memref<8x16xf32, #tpu.memory_space<vmem>>, vector<1x16xf32>,
    %get3A_62 = vector.shape_cast %get3A_61 : vector<1x16xf32> to vector<16xf32>
    %get3A_63 = arith.constant 1 : i32
    %get3A_64 = arith.index_cast %get3A_63 : i32 to index
    %get3A_65 = arith.constant 0 : index
    %get3A_66 = tpu.vector_load %arg15[%get3A_64, %get3A_65] {strides = array<i32>} : memref<8x16xf32, #tpu.memory_space<vmem>>, vector<1x16xf32>,
    %get3A_67 = vector.shape_cast %get3A_66 : vector<1x16xf32> to vector<16xf32>
    %get3A_68 = arith.constant 2 : i32
    %get3A_69 = arith.index_cast %get3A_68 : i32 to index
    %get3A_70 = arith.constant 0 : index
    %get3A_71 = tpu.vector_load %arg15[%get3A_69, %get3A_70] {strides = array<i32>} : memref<8x16xf32, #tpu.memory_space<vmem>>, vector<1x16xf32>,
    %get3A_72 = vector.shape_cast %get3A_71 : vector<1x16xf32> to vector<16xf32>
    %get3A_73 = arith.constant 3 : i32
    %get3A_74 = arith.index_cast %get3A_73 : i32 to index
    %get3A_75 = arith.constant 0 : index
    %get3A_76 = tpu.vector_load %arg15[%get3A_74, %get3A_75] {strides = array<i32>} : memref<8x16xf32, #tpu.memory_space<vmem>>, vector<1x16xf32>,
    %get3A_77 = vector.shape_cast %get3A_76 : vector<1x16xf32> to vector<16xf32>
    %get3A_78 = arith.constant 4 : i32
    %get3A_79 = arith.index_cast %get3A_78 : i32 to index
    %get3A_80 = arith.constant 0 : index
    %get3A_81 = tpu.vector_load %arg15[%get3A_79, %get3A_80] {strides = array<i32>} : memref<8x16xf32, #tpu.memory_space<vmem>>, vector<1x16xf32>,
    %get3A_82 = vector.shape_cast %get3A_81 : vector<1x16xf32> to vector<16xf32>
    %get3A_83 = arith.constant 5 : i32
    %get3A_84 = arith.index_cast %get3A_83 : i32 to index
    %get3A_85 = arith.constant 0 : index
    %get3A_86 = tpu.vector_load %arg15[%get3A_84, %get3A_85] {strides = array<i32>} : memref<8x16xf32, #tpu.memory_space<vmem>>, vector<1x16xf32>,
    %get3A_87 = vector.shape_cast %get3A_86 : vector<1x16xf32> to vector<16xf32>
    %get3A_88 = arith.constant 6 : i32
    %get3A_89 = arith.index_cast %get3A_88 : i32 to index
    %get3A_90 = arith.constant 0 : index
    %get3A_91 = tpu.vector_load %arg15[%get3A_89, %get3A_90] {strides = array<i32>} : memref<8x16xf32, #tpu.memory_space<vmem>>, vector<1x16xf32>,
    %get3A_92 = vector.shape_cast %get3A_91 : vector<1x16xf32> to vector<16xf32>
    %get3A_93 = arith.constant 7 : i32
    %get3A_94 = arith.index_cast %get3A_93 : i32 to index
    %get3A_95 = arith.constant 0 : index
    %get3A_96 = tpu.vector_load %arg15[%get3A_94, %get3A_95] {strides = array<i32>} : memref<8x16xf32, #tpu.memory_space<vmem>>, vector<1x16xf32>,
    %get3A_97 = vector.shape_cast %get3A_96 : vector<1x16xf32> to vector<16xf32>
    %scan3A = arith.constant 0 : i32
    %scan3A_98 = arith.constant 5 : i32
    %scan3A_99 = arith.addi %scan3A, %scan3A_98 : i32
    %scan3A_100 = arith.constant 1 : i32
    scf.for %scan3A_135 = %scan3A to %scan3A_99 step %scan3A_100  : i32 {
      "tpu.region"() ({
        %run_scoped3A = tpu.sem_alloc : memref<!tpu.dma_semaphore, #tpu.memory_space<semaphore_mem>>
        %dma_start3A = arith.constant 0 : i32
        %dma_start3A_141 = arith.constant 0 : i32
        %dma_start3A_142 = tpu.memref_slice %arg4[%add3A, %scan3A_135, %dma_start3A, %dma_start3A_141] : memref<32x5x25x80xi32, #tpu.memory_space<hbm>> -> memref<1x1x25x80xi32, #tpu.memory_space<hbm>>
        %dma_start3A_143 = tpu.memref_squeeze %dma_start3A_142 : memref<1x1x25x80xi32, #tpu.memory_space<hbm>> -> memref<25x80xi32, #tpu.memory_space<hbm>>
        %dma_start3A_144 = arith.constant 0 : i32
        %dma_start3A_145 = arith.constant 0 : i32
        %dma_start3A_146 = tpu.memref_slice %arg4[%add3A, %scan3A_135, %dma_start3A_144, %dma_start3A_145] : memref<32x5x25x80xi32, #tpu.memory_space<hbm>> -> memref<1x1x25x80xi32, #tpu.memory_space<hbm>>
        %dma_start3A_147 = tpu.memref_squeeze %dma_start3A_146 : memref<1x1x25x80xi32, #tpu.memory_space<hbm>> -> memref<25x80xi32, #tpu.memory_space<hbm>>
        tpu.enqueue_dma source(%dma_start3A_147 : memref<25x80xi32, #tpu.memory_space<hbm>>) target(%arg10 : memref<25x80xi32, #tpu.memory_space<vmem>>) target_semaphore(%run_scoped3A : memref<!tpu.dma_semaphore, #tpu.memory_space<semaphore_mem>>)
        %dma_wait3A = arith.constant 0 : i32
        %dma_wait3A_148 = arith.constant 0 : i32
        %dma_wait3A_149 = tpu.memref_slice %arg4[%add3A, %scan3A_135, %dma_wait3A, %dma_wait3A_148] : memref<32x5x25x80xi32, #tpu.memory_space<hbm>> -> memref<1x1x25x80xi32, #tpu.memory_space<hbm>>
        %dma_wait3A_150 = tpu.memref_squeeze %dma_wait3A_149 : memref<1x1x25x80xi32, #tpu.memory_space<hbm>> -> memref<25x80xi32, #tpu.memory_space<hbm>>
        %dma_wait3A_151 = arith.constant 0 : i32
        %dma_wait3A_152 = arith.constant 0 : i32
        %dma_wait3A_153 = tpu.memref_slice %arg4[%add3A, %scan3A_135, %dma_wait3A_151, %dma_wait3A_152] : memref<32x5x25x80xi32, #tpu.memory_space<hbm>> -> memref<1x1x25x80xi32, #tpu.memory_space<hbm>>
        %dma_wait3A_154 = tpu.memref_squeeze %dma_wait3A_153 : memref<1x1x25x80xi32, #tpu.memory_space<hbm>> -> memref<25x80xi32, #tpu.memory_space<hbm>>
        tpu.wait_dma2 semaphore(%run_scoped3A : memref<!tpu.dma_semaphore, #tpu.memory_space<semaphore_mem>>) src(%dma_wait3A_154 : memref<25x80xi32, #tpu.memory_space<hbm>>) dst(%arg10 : memref<25x80xi32, #tpu.memory_space<vmem>>)
        tpu.yield
      }) : () -> ()
      "tpu.region"() ({
        %run_scoped3A = tpu.sem_alloc : memref<!tpu.dma_semaphore, #tpu.memory_space<semaphore_mem>>
        %dma_start3A = arith.constant 0 : i32
        %dma_start3A_141 = arith.constant 0 : i32
        %dma_start3A_142 = tpu.memref_slice %arg5[%add3A, %scan3A_135, %dma_start3A, %dma_start3A_141] : memref<32x5x25x80xi32, #tpu.memory_space<hbm>> -> memref<1x1x25x80xi32, #tpu.memory_space<hbm>>
        %dma_start3A_143 = tpu.memref_squeeze %dma_start3A_142 : memref<1x1x25x80xi32, #tpu.memory_space<hbm>> -> memref<25x80xi32, #tpu.memory_space<hbm>>
        %dma_start3A_144 = arith.constant 0 : i32
        %dma_start3A_145 = arith.constant 0 : i32
        %dma_start3A_146 = tpu.memref_slice %arg5[%add3A, %scan3A_135, %dma_start3A_144, %dma_start3A_145] : memref<32x5x25x80xi32, #tpu.memory_space<hbm>> -> memref<1x1x25x80xi32, #tpu.memory_space<hbm>>
        %dma_start3A_147 = tpu.memref_squeeze %dma_start3A_146 : memref<1x1x25x80xi32, #tpu.memory_space<hbm>> -> memref<25x80xi32, #tpu.memory_space<hbm>>
        tpu.enqueue_dma source(%dma_start3A_147 : memref<25x80xi32, #tpu.memory_space<hbm>>) target(%arg11 : memref<25x80xi32, #tpu.memory_space<vmem>>) target_semaphore(%run_scoped3A : memref<!tpu.dma_semaphore, #tpu.memory_space<semaphore_mem>>)
        %dma_wait3A = arith.constant 0 : i32
        %dma_wait3A_148 = arith.constant 0 : i32
        %dma_wait3A_149 = tpu.memref_slice %arg5[%add3A, %scan3A_135, %dma_wait3A, %dma_wait3A_148] : memref<32x5x25x80xi32, #tpu.memory_space<hbm>> -> memref<1x1x25x80xi32, #tpu.memory_space<hbm>>
        %dma_wait3A_150 = tpu.memref_squeeze %dma_wait3A_149 : memref<1x1x25x80xi32, #tpu.memory_space<hbm>> -> memref<25x80xi32, #tpu.memory_space<hbm>>
        %dma_wait3A_151 = arith.constant 0 : i32
        %dma_wait3A_152 = arith.constant 0 : i32
        %dma_wait3A_153 = tpu.memref_slice %arg5[%add3A, %scan3A_135, %dma_wait3A_151, %dma_wait3A_152] : memref<32x5x25x80xi32, #tpu.memory_space<hbm>> -> memref<1x1x25x80xi32, #tpu.memory_space<hbm>>
        %dma_wait3A_154 = tpu.memref_squeeze %dma_wait3A_153 : memref<1x1x25x80xi32, #tpu.memory_space<hbm>> -> memref<25x80xi32, #tpu.memory_space<hbm>>
        tpu.wait_dma2 semaphore(%run_scoped3A : memref<!tpu.dma_semaphore, #tpu.memory_space<semaphore_mem>>) src(%dma_wait3A_154 : memref<25x80xi32, #tpu.memory_space<hbm>>) dst(%arg11 : memref<25x80xi32, #tpu.memory_space<vmem>>)
        tpu.yield
      }) : () -> ()
      %scan3A_136 = arith.constant 0 : i32
      %scan3A_137 = arith.constant 25 : i32
      %scan3A_138 = arith.addi %scan3A_136, %scan3A_137 : i32
      %scan3A_139 = arith.constant 1 : i32
      scf.for %scan3A_141 = %scan3A_136 to %scan3A_138 step %scan3A_139  : i32 {
        %dma_start3A = arith.constant 0 : i32
        %dma_start3A_142 = tpu.memref_slice %arg10[%scan3A_141, %dma_start3A] : memref<25x80xi32, #tpu.memory_space<vmem>> -> memref<1x80xi32, #tpu.memory_space<vmem>>
        %dma_start3A_143 = tpu.memref_squeeze %dma_start3A_142 : memref<1x80xi32, #tpu.memory_space<vmem>> -> memref<80xi32, #tpu.memory_space<vmem>>
        %dma_start3A_144 = arith.constant 0 : i32
        %dma_start3A_145 = arith.constant 0 : i32
        %dma_start3A_146 = tpu.memref_slice %arg2[%dma_start3A_144, %dma_start3A_145] : memref<10000x128xf32, #tpu.memory_space<hbm>> -> memref<10000x128xf32, #tpu.memory_space<hbm>>
        tpu.enqueue_indirect_dma source(%dma_start3A_146 : memref<10000x128xf32, #tpu.memory_space<hbm>>) target(%arg12 : memref<80x128xf32, #tpu.memory_space<vmem>>) offsets(%dma_start3A_143 : memref<80xi32, #tpu.memory_space<vmem>>) semaphore(%arg17 : memref<!tpu.dma_semaphore, #tpu.memory_space<semaphore_mem>>)
        %dma_wait3A = arith.constant 0 : i32
        %dma_wait3A_147 = tpu.memref_slice %arg10[%scan3A_141, %dma_wait3A] : memref<25x80xi32, #tpu.memory_space<vmem>> -> memref<1x80xi32, #tpu.memory_space<vmem>>
        %dma_wait3A_148 = tpu.memref_squeeze %dma_wait3A_147 : memref<1x80xi32, #tpu.memory_space<vmem>> -> memref<80xi32, #tpu.memory_space<vmem>>
        %dma_wait3A_149 = arith.constant 0 : i32
        %dma_wait3A_150 = arith.constant 0 : i32
        %dma_wait3A_151 = tpu.memref_slice %arg2[%dma_wait3A_149, %dma_wait3A_150] : memref<10000x128xf32, #tpu.memory_space<hbm>> -> memref<10000x128xf32, #tpu.memory_space<hbm>>
        tpu.wait_indirect_dma semaphore(%arg17 : memref<!tpu.dma_semaphore, #tpu.memory_space<semaphore_mem>>) src(%dma_wait3A_151 : memref<10000x128xf32, #tpu.memory_space<hbm>>) dst(%arg12 : memref<80x128xf32, #tpu.memory_space<vmem>>)
        "tpu.region"() ({
          %run_scoped3A = tpu.sem_alloc : memref<!tpu.dma_semaphore, #tpu.memory_space<semaphore_mem>>
          %dma_start3A_152 = arith.constant 0 : i32
          %dma_start3A_153 = tpu.memref_slice %arg11[%scan3A_141, %dma_start3A_152] : memref<25x80xi32, #tpu.memory_space<vmem>> -> memref<1x80xi32, #tpu.memory_space<vmem>>
          %dma_start3A_154 = tpu.memref_squeeze %dma_start3A_153 : memref<1x80xi32, #tpu.memory_space<vmem>> -> memref<80xi32, #tpu.memory_space<vmem>>
          %dma_start3A_155 = arith.constant 0 : i32
          %dma_start3A_156 = arith.constant 0 : i32
          %dma_start3A_157 = tpu.memref_slice %arg16[%dma_start3A_155, %dma_start3A_156] : memref<10000x128xf32, #tpu.memory_space<vmem_shared>> -> memref<10000x128xf32, #tpu.memory_space<vmem_shared>>
          tpu.enqueue_indirect_dma source(%arg12 : memref<80x128xf32, #tpu.memory_space<vmem>>) target(%dma_start3A_157 : memref<10000x128xf32, #tpu.memory_space<vmem_shared>>) offsets(%dma_start3A_154 : memref<80xi32, #tpu.memory_space<vmem>>) semaphore(%run_scoped3A : memref<!tpu.dma_semaphore, #tpu.memory_space<semaphore_mem>>) {add = true}
          %dma_wait3A_158 = arith.constant 0 : i32
          %dma_wait3A_159 = tpu.memref_slice %arg11[%scan3A_141, %dma_wait3A_158] : memref<25x80xi32, #tpu.memory_space<vmem>> -> memref<1x80xi32, #tpu.memory_space<vmem>>
          %dma_wait3A_160 = tpu.memref_squeeze %dma_wait3A_159 : memref<1x80xi32, #tpu.memory_space<vmem>> -> memref<80xi32, #tpu.memory_space<vmem>>
          %dma_wait3A_161 = arith.constant 0 : i32
          %dma_wait3A_162 = arith.constant 0 : i32
          %dma_wait3A_163 = tpu.memref_slice %arg16[%dma_wait3A_161, %dma_wait3A_162] : memref<10000x128xf32, #tpu.memory_space<vmem_shared>> -> memref<10000x128xf32, #tpu.memory_space<vmem_shared>>
          tpu.wait_indirect_dma semaphore(%run_scoped3A : memref<!tpu.dma_semaphore, #tpu.memory_space<semaphore_mem>>) src(%arg12 : memref<80x128xf32, #tpu.memory_space<vmem>>) dst(%dma_wait3A_163 : memref<10000x128xf32, #tpu.memory_space<vmem_shared>>)
          tpu.yield
        }) : () -> ()
      }
      %scan3A_140 = arith.constant 25 : i32
    }
    %scan3A_101 = arith.constant 5 : i32
    %barrier3A_102 = arith.constant 0 : index
    tpu.barrier barrier_id(%barrier3A_102)
    %add3A_103 = arith.constant 0 : i32
    %add3A_104 = arith.addi %mul3A_2, %add3A_103 : i32
    "tpu.region"() ({
      %run_scoped3A = tpu.sem_alloc : memref<!tpu.dma_semaphore, #tpu.memory_space<semaphore_mem>>
      %dma_start3A = arith.constant 0 : i32
      %dma_start3A_135 = tpu.memref_slice %arg16[%add3A_104, %dma_start3A] : memref<10000x128xf32, #tpu.memory_space<vmem_shared>> -> memref<80x128xf32, #tpu.memory_space<vmem_shared>>
      %dma_start3A_136 = arith.constant 0 : i32
      %dma_start3A_137 = tpu.memref_slice %arg16[%add3A_104, %dma_start3A_136] : memref<10000x128xf32, #tpu.memory_space<vmem_shared>> -> memref<80x128xf32, #tpu.memory_space<vmem_shared>>
      tpu.enqueue_dma source(%dma_start3A_137 : memref<80x128xf32, #tpu.memory_space<vmem_shared>>) target(%arg12 : memref<80x128xf32, #tpu.memory_space<vmem>>) target_semaphore(%run_scoped3A : memref<!tpu.dma_semaphore, #tpu.memory_space<semaphore_mem>>)
      %dma_wait3A = arith.constant 0 : i32
      %dma_wait3A_138 = tpu.memref_slice %arg16[%add3A_104, %dma_wait3A] : memref<10000x128xf32, #tpu.memory_space<vmem_shared>> -> memref<80x128xf32, #tpu.memory_space<vmem_shared>>
      %dma_wait3A_139 = arith.constant 0 : i32
      %dma_wait3A_140 = tpu.memref_slice %arg16[%add3A_104, %dma_wait3A_139] : memref<10000x128xf32, #tpu.memory_space<vmem_shared>> -> memref<80x128xf32, #tpu.memory_space<vmem_shared>>
      tpu.wait_dma2 semaphore(%run_scoped3A : memref<!tpu.dma_semaphore, #tpu.memory_space<semaphore_mem>>) src(%dma_wait3A_140 : memref<80x128xf32, #tpu.memory_space<vmem_shared>>) dst(%arg12 : memref<80x128xf32, #tpu.memory_space<vmem>>)
      tpu.yield
    }) : () -> ()
    %add3A_105 = arith.constant 0 : i32
    %add3A_106 = arith.addi %mul3A_2, %add3A_105 : i32
    "tpu.region"() ({
      %run_scoped3A = tpu.sem_alloc : memref<!tpu.dma_semaphore, #tpu.memory_space<semaphore_mem>>
      %dma_start3A = arith.constant 0 : i32
      %dma_start3A_135 = tpu.memref_slice %arg9[%arg0, %add3A_106, %dma_start3A] : memref<2x10000x128xf32, #tpu.memory_space<hbm>> -> memref<1x80x128xf32, #tpu.memory_space<hbm>>
      %dma_start3A_136 = tpu.memref_squeeze %dma_start3A_135 : memref<1x80x128xf32, #tpu.memory_space<hbm>> -> memref<80x128xf32, #tpu.memory_space<hbm>>
      %dma_start3A_137 = arith.constant 0 : i32
      %dma_start3A_138 = tpu.memref_slice %arg9[%arg0, %add3A_106, %dma_start3A_137] : memref<2x10000x128xf32, #tpu.memory_space<hbm>> -> memref<1x80x128xf32, #tpu.memory_space<hbm>>
      %dma_start3A_139 = tpu.memref_squeeze %dma_start3A_138 : memref<1x80x128xf32, #tpu.memory_space<hbm>> -> memref<80x128xf32, #tpu.memory_space<hbm>>
      tpu.enqueue_dma source(%arg12 : memref<80x128xf32, #tpu.memory_space<vmem>>) target(%dma_start3A_139 : memref<80x128xf32, #tpu.memory_space<hbm>>) target_semaphore(%run_scoped3A : memref<!tpu.dma_semaphore, #tpu.memory_space<semaphore_mem>>)
      %dma_wait3A = arith.constant 0 : i32
      %dma_wait3A_140 = tpu.memref_slice %arg9[%arg0, %add3A_106, %dma_wait3A] : memref<2x10000x128xf32, #tpu.memory_space<hbm>> -> memref<1x80x128xf32, #tpu.memory_space<hbm>>
      %dma_wait3A_141 = tpu.memref_squeeze %dma_wait3A_140 : memref<1x80x128xf32, #tpu.memory_space<hbm>> -> memref<80x128xf32, #tpu.memory_space<hbm>>
      %dma_wait3A_142 = arith.constant 0 : i32
      %dma_wait3A_143 = tpu.memref_slice %arg9[%arg0, %add3A_106, %dma_wait3A_142] : memref<2x10000x128xf32, #tpu.memory_space<hbm>> -> memref<1x80x128xf32, #tpu.memory_space<hbm>>
      %dma_wait3A_144 = tpu.memref_squeeze %dma_wait3A_143 : memref<1x80x128xf32, #tpu.memory_space<hbm>> -> memref<80x128xf32, #tpu.memory_space<hbm>>
      tpu.wait_dma2 semaphore(%run_scoped3A : memref<!tpu.dma_semaphore, #tpu.memory_space<semaphore_mem>>) src(%arg12 : memref<80x128xf32, #tpu.memory_space<vmem>>) dst(%dma_wait3A_144 : memref<80x128xf32, #tpu.memory_space<hbm>>)
      tpu.yield
    }) : () -> ()
    %add3A_107 = arith.constant 80 : i32
    %add3A_108 = arith.addi %mul3A_2, %add3A_107 : i32
    "tpu.region"() ({
      %run_scoped3A = tpu.sem_alloc : memref<!tpu.dma_semaphore, #tpu.memory_space<semaphore_mem>>
      %dma_start3A = arith.constant 0 : i32
      %dma_start3A_135 = tpu.memref_slice %arg16[%add3A_108, %dma_start3A] : memref<10000x128xf32, #tpu.memory_space<vmem_shared>> -> memref<80x128xf32, #tpu.memory_space<vmem_shared>>
      %dma_start3A_136 = arith.constant 0 : i32
      %dma_start3A_137 = tpu.memref_slice %arg16[%add3A_108, %dma_start3A_136] : memref<10000x128xf32, #tpu.memory_space<vmem_shared>> -> memref<80x128xf32, #tpu.memory_space<vmem_shared>>
      tpu.enqueue_dma source(%dma_start3A_137 : memref<80x128xf32, #tpu.memory_space<vmem_shared>>) target(%arg12 : memref<80x128xf32, #tpu.memory_space<vmem>>) target_semaphore(%run_scoped3A : memref<!tpu.dma_semaphore, #tpu.memory_space<semaphore_mem>>)
      %dma_wait3A = arith.constant 0 : i32
      %dma_wait3A_138 = tpu.memref_slice %arg16[%add3A_108, %dma_wait3A] : memref<10000x128xf32, #tpu.memory_space<vmem_shared>> -> memref<80x128xf32, #tpu.memory_space<vmem_shared>>
      %dma_wait3A_139 = arith.constant 0 : i32
      %dma_wait3A_140 = tpu.memref_slice %arg16[%add3A_108, %dma_wait3A_139] : memref<10000x128xf32, #tpu.memory_space<vmem_shared>> -> memref<80x128xf32, #tpu.memory_space<vmem_shared>>
      tpu.wait_dma2 semaphore(%run_scoped3A : memref<!tpu.dma_semaphore, #tpu.memory_space<semaphore_mem>>) src(%dma_wait3A_140 : memref<80x128xf32, #tpu.memory_space<vmem_shared>>) dst(%arg12 : memref<80x128xf32, #tpu.memory_space<vmem>>)
      tpu.yield
    }) : () -> ()
    %add3A_109 = arith.constant 80 : i32
    %add3A_110 = arith.addi %mul3A_2, %add3A_109 : i32
    "tpu.region"() ({
      %run_scoped3A = tpu.sem_alloc : memref<!tpu.dma_semaphore, #tpu.memory_space<semaphore_mem>>
      %dma_start3A = arith.constant 0 : i32
      %dma_start3A_135 = tpu.memref_slice %arg9[%arg0, %add3A_110, %dma_start3A] : memref<2x10000x128xf32, #tpu.memory_space<hbm>> -> memref<1x80x128xf32, #tpu.memory_space<hbm>>
      %dma_start3A_136 = tpu.memref_squeeze %dma_start3A_135 : memref<1x80x128xf32, #tpu.memory_space<hbm>> -> memref<80x128xf32, #tpu.memory_space<hbm>>
      %dma_start3A_137 = arith.constant 0 : i32
      %dma_start3A_138 = tpu.memref_slice %arg9[%arg0, %add3A_110, %dma_start3A_137] : memref<2x10000x128xf32, #tpu.memory_space<hbm>> -> memref<1x80x128xf32, #tpu.memory_space<hbm>>
      %dma_start3A_139 = tpu.memref_squeeze %dma_start3A_138 : memref<1x80x128xf32, #tpu.memory_space<hbm>> -> memref<80x128xf32, #tpu.memory_space<hbm>>
      tpu.enqueue_dma source(%arg12 : memref<80x128xf32, #tpu.memory_space<vmem>>) target(%dma_start3A_139 : memref<80x128xf32, #tpu.memory_space<hbm>>) target_semaphore(%run_scoped3A : memref<!tpu.dma_semaphore, #tpu.memory_space<semaphore_mem>>)
      %dma_wait3A = arith.constant 0 : i32
      %dma_wait3A_140 = tpu.memref_slice %arg9[%arg0, %add3A_110, %dma_wait3A] : memref<2x10000x128xf32, #tpu.memory_space<hbm>> -> memref<1x80x128xf32, #tpu.memory_space<hbm>>
      %dma_wait3A_141 = tpu.memref_squeeze %dma_wait3A_140 : memref<1x80x128xf32, #tpu.memory_space<hbm>> -> memref<80x128xf32, #tpu.memory_space<hbm>>
      %dma_wait3A_142 = arith.constant 0 : i32
      %dma_wait3A_143 = tpu.memref_slice %arg9[%arg0, %add3A_110, %dma_wait3A_142] : memref<2x10000x128xf32, #tpu.memory_space<hbm>> -> memref<1x80x128xf32, #tpu.memory_space<hbm>>
      %dma_wait3A_144 = tpu.memref_squeeze %dma_wait3A_143 : memref<1x80x128xf32, #tpu.memory_space<hbm>> -> memref<80x128xf32, #tpu.memory_space<hbm>>
      tpu.wait_dma2 semaphore(%run_scoped3A : memref<!tpu.dma_semaphore, #tpu.memory_space<semaphore_mem>>) src(%arg12 : memref<80x128xf32, #tpu.memory_space<vmem>>) dst(%dma_wait3A_144 : memref<80x128xf32, #tpu.memory_space<hbm>>)
      tpu.yield
    }) : () -> ()
    %add3A_111 = arith.constant 160 : i32
    %add3A_112 = arith.addi %mul3A_2, %add3A_111 : i32
    "tpu.region"() ({
      %run_scoped3A = tpu.sem_alloc : memref<!tpu.dma_semaphore, #tpu.memory_space<semaphore_mem>>
      %dma_start3A = arith.constant 0 : i32
      %dma_start3A_135 = tpu.memref_slice %arg16[%add3A_112, %dma_start3A] : memref<10000x128xf32, #tpu.memory_space<vmem_shared>> -> memref<80x128xf32, #tpu.memory_space<vmem_shared>>
      %dma_start3A_136 = arith.constant 0 : i32
      %dma_start3A_137 = tpu.memref_slice %arg16[%add3A_112, %dma_start3A_136] : memref<10000x128xf32, #tpu.memory_space<vmem_shared>> -> memref<80x128xf32, #tpu.memory_space<vmem_shared>>
      tpu.enqueue_dma source(%dma_start3A_137 : memref<80x128xf32, #tpu.memory_space<vmem_shared>>) target(%arg12 : memref<80x128xf32, #tpu.memory_space<vmem>>) target_semaphore(%run_scoped3A : memref<!tpu.dma_semaphore, #tpu.memory_space<semaphore_mem>>)
      %dma_wait3A = arith.constant 0 : i32
      %dma_wait3A_138 = tpu.memref_slice %arg16[%add3A_112, %dma_wait3A] : memref<10000x128xf32, #tpu.memory_space<vmem_shared>> -> memref<80x128xf32, #tpu.memory_space<vmem_shared>>
      %dma_wait3A_139 = arith.constant 0 : i32
      %dma_wait3A_140 = tpu.memref_slice %arg16[%add3A_112, %dma_wait3A_139] : memref<10000x128xf32, #tpu.memory_space<vmem_shared>> -> memref<80x128xf32, #tpu.memory_space<vmem_shared>>
      tpu.wait_dma2 semaphore(%run_scoped3A : memref<!tpu.dma_semaphore, #tpu.memory_space<semaphore_mem>>) src(%dma_wait3A_140 : memref<80x128xf32, #tpu.memory_space<vmem_shared>>) dst(%arg12 : memref<80x128xf32, #tpu.memory_space<vmem>>)
      tpu.yield
    }) : () -> ()
    %add3A_113 = arith.constant 160 : i32
    %add3A_114 = arith.addi %mul3A_2, %add3A_113 : i32
    "tpu.region"() ({
      %run_scoped3A = tpu.sem_alloc : memref<!tpu.dma_semaphore, #tpu.memory_space<semaphore_mem>>
      %dma_start3A = arith.constant 0 : i32
      %dma_start3A_135 = tpu.memref_slice %arg9[%arg0, %add3A_114, %dma_start3A] : memref<2x10000x128xf32, #tpu.memory_space<hbm>> -> memref<1x80x128xf32, #tpu.memory_space<hbm>>
      %dma_start3A_136 = tpu.memref_squeeze %dma_start3A_135 : memref<1x80x128xf32, #tpu.memory_space<hbm>> -> memref<80x128xf32, #tpu.memory_space<hbm>>
      %dma_start3A_137 = arith.constant 0 : i32
      %dma_start3A_138 = tpu.memref_slice %arg9[%arg0, %add3A_114, %dma_start3A_137] : memref<2x10000x128xf32, #tpu.memory_space<hbm>> -> memref<1x80x128xf32, #tpu.memory_space<hbm>>
      %dma_start3A_139 = tpu.memref_squeeze %dma_start3A_138 : memref<1x80x128xf32, #tpu.memory_space<hbm>> -> memref<80x128xf32, #tpu.memory_space<hbm>>
      tpu.enqueue_dma source(%arg12 : memref<80x128xf32, #tpu.memory_space<vmem>>) target(%dma_start3A_139 : memref<80x128xf32, #tpu.memory_space<hbm>>) target_semaphore(%run_scoped3A : memref<!tpu.dma_semaphore, #tpu.memory_space<semaphore_mem>>)
      %dma_wait3A = arith.constant 0 : i32
      %dma_wait3A_140 = tpu.memref_slice %arg9[%arg0, %add3A_114, %dma_wait3A] : memref<2x10000x128xf32, #tpu.memory_space<hbm>> -> memref<1x80x128xf32, #tpu.memory_space<hbm>>
      %dma_wait3A_141 = tpu.memref_squeeze %dma_wait3A_140 : memref<1x80x128xf32, #tpu.memory_space<hbm>> -> memref<80x128xf32, #tpu.memory_space<hbm>>
      %dma_wait3A_142 = arith.constant 0 : i32
      %dma_wait3A_143 = tpu.memref_slice %arg9[%arg0, %add3A_114, %dma_wait3A_142] : memref<2x10000x128xf32, #tpu.memory_space<hbm>> -> memref<1x80x128xf32, #tpu.memory_space<hbm>>
      %dma_wait3A_144 = tpu.memref_squeeze %dma_wait3A_143 : memref<1x80x128xf32, #tpu.memory_space<hbm>> -> memref<80x128xf32, #tpu.memory_space<hbm>>
      tpu.wait_dma2 semaphore(%run_scoped3A : memref<!tpu.dma_semaphore, #tpu.memory_space<semaphore_mem>>) src(%arg12 : memref<80x128xf32, #tpu.memory_space<vmem>>) dst(%dma_wait3A_144 : memref<80x128xf32, #tpu.memory_space<hbm>>)
      tpu.yield
    }) : () -> ()
    %add3A_115 = arith.constant 240 : i32
    %add3A_116 = arith.addi %mul3A_2, %add3A_115 : i32
    "tpu.region"() ({
      %run_scoped3A = tpu.sem_alloc : memref<!tpu.dma_semaphore, #tpu.memory_space<semaphore_mem>>
      %dma_start3A = arith.constant 0 : i32
      %dma_start3A_135 = tpu.memref_slice %arg16[%add3A_116, %dma_start3A] : memref<10000x128xf32, #tpu.memory_space<vmem_shared>> -> memref<80x128xf32, #tpu.memory_space<vmem_shared>>
      %dma_start3A_136 = arith.constant 0 : i32
      %dma_start3A_137 = tpu.memref_slice %arg16[%add3A_116, %dma_start3A_136] : memref<10000x128xf32, #tpu.memory_space<vmem_shared>> -> memref<80x128xf32, #tpu.memory_space<vmem_shared>>
      tpu.enqueue_dma source(%dma_start3A_137 : memref<80x128xf32, #tpu.memory_space<vmem_shared>>) target(%arg12 : memref<80x128xf32, #tpu.memory_space<vmem>>) target_semaphore(%run_scoped3A : memref<!tpu.dma_semaphore, #tpu.memory_space<semaphore_mem>>)
      %dma_wait3A = arith.constant 0 : i32
      %dma_wait3A_138 = tpu.memref_slice %arg16[%add3A_116, %dma_wait3A] : memref<10000x128xf32, #tpu.memory_space<vmem_shared>> -> memref<80x128xf32, #tpu.memory_space<vmem_shared>>
      %dma_wait3A_139 = arith.constant 0 : i32
      %dma_wait3A_140 = tpu.memref_slice %arg16[%add3A_116, %dma_wait3A_139] : memref<10000x128xf32, #tpu.memory_space<vmem_shared>> -> memref<80x128xf32, #tpu.memory_space<vmem_shared>>
      tpu.wait_dma2 semaphore(%run_scoped3A : memref<!tpu.dma_semaphore, #tpu.memory_space<semaphore_mem>>) src(%dma_wait3A_140 : memref<80x128xf32, #tpu.memory_space<vmem_shared>>) dst(%arg12 : memref<80x128xf32, #tpu.memory_space<vmem>>)
      tpu.yield
    }) : () -> ()
    %add3A_117 = arith.constant 240 : i32
    %add3A_118 = arith.addi %mul3A_2, %add3A_117 : i32
    "tpu.region"() ({
      %run_scoped3A = tpu.sem_alloc : memref<!tpu.dma_semaphore, #tpu.memory_space<semaphore_mem>>
      %dma_start3A = arith.constant 0 : i32
      %dma_start3A_135 = tpu.memref_slice %arg9[%arg0, %add3A_118, %dma_start3A] : memref<2x10000x128xf32, #tpu.memory_space<hbm>> -> memref<1x80x128xf32, #tpu.memory_space<hbm>>
      %dma_start3A_136 = tpu.memref_squeeze %dma_start3A_135 : memref<1x80x128xf32, #tpu.memory_space<hbm>> -> memref<80x128xf32, #tpu.memory_space<hbm>>
      %dma_start3A_137 = arith.constant 0 : i32
      %dma_start3A_138 = tpu.memref_slice %arg9[%arg0, %add3A_118, %dma_start3A_137] : memref<2x10000x128xf32, #tpu.memory_space<hbm>> -> memref<1x80x128xf32, #tpu.memory_space<hbm>>
      %dma_start3A_139 = tpu.memref_squeeze %dma_start3A_138 : memref<1x80x128xf32, #tpu.memory_space<hbm>> -> memref<80x128xf32, #tpu.memory_space<hbm>>
      tpu.enqueue_dma source(%arg12 : memref<80x128xf32, #tpu.memory_space<vmem>>) target(%dma_start3A_139 : memref<80x128xf32, #tpu.memory_space<hbm>>) target_semaphore(%run_scoped3A : memref<!tpu.dma_semaphore, #tpu.memory_space<semaphore_mem>>)
      %dma_wait3A = arith.constant 0 : i32
      %dma_wait3A_140 = tpu.memref_slice %arg9[%arg0, %add3A_118, %dma_wait3A] : memref<2x10000x128xf32, #tpu.memory_space<hbm>> -> memref<1x80x128xf32, #tpu.memory_space<hbm>>
      %dma_wait3A_141 = tpu.memref_squeeze %dma_wait3A_140 : memref<1x80x128xf32, #tpu.memory_space<hbm>> -> memref<80x128xf32, #tpu.memory_space<hbm>>
      %dma_wait3A_142 = arith.constant 0 : i32
      %dma_wait3A_143 = tpu.memref_slice %arg9[%arg0, %add3A_118, %dma_wait3A_142] : memref<2x10000x128xf32, #tpu.memory_space<hbm>> -> memref<1x80x128xf32, #tpu.memory_space<hbm>>
      %dma_wait3A_144 = tpu.memref_squeeze %dma_wait3A_143 : memref<1x80x128xf32, #tpu.memory_space<hbm>> -> memref<80x128xf32, #tpu.memory_space<hbm>>
      tpu.wait_dma2 semaphore(%run_scoped3A : memref<!tpu.dma_semaphore, #tpu.memory_space<semaphore_mem>>) src(%arg12 : memref<80x128xf32, #tpu.memory_space<vmem>>) dst(%dma_wait3A_144 : memref<80x128xf32, #tpu.memory_space<hbm>>)
      tpu.yield
    }) : () -> ()
    %add3A_119 = arith.constant 320 : i32
    %add3A_120 = arith.addi %mul3A_2, %add3A_119 : i32
    "tpu.region"() ({
      %run_scoped3A = tpu.sem_alloc : memref<!tpu.dma_semaphore, #tpu.memory_space<semaphore_mem>>
      %dma_start3A = arith.constant 0 : i32
      %dma_start3A_135 = tpu.memref_slice %arg16[%add3A_120, %dma_start3A] : memref<10000x128xf32, #tpu.memory_space<vmem_shared>> -> memref<80x128xf32, #tpu.memory_space<vmem_shared>>
      %dma_start3A_136 = arith.constant 0 : i32
      %dma_start3A_137 = tpu.memref_slice %arg16[%add3A_120, %dma_start3A_136] : memref<10000x128xf32, #tpu.memory_space<vmem_shared>> -> memref<80x128xf32, #tpu.memory_space<vmem_shared>>
      tpu.enqueue_dma source(%dma_start3A_137 : memref<80x128xf32, #tpu.memory_space<vmem_shared>>) target(%arg12 : memref<80x128xf32, #tpu.memory_space<vmem>>) target_semaphore(%run_scoped3A : memref<!tpu.dma_semaphore, #tpu.memory_space<semaphore_mem>>)
      %dma_wait3A = arith.constant 0 : i32
      %dma_wait3A_138 = tpu.memref_slice %arg16[%add3A_120, %dma_wait3A] : memref<10000x128xf32, #tpu.memory_space<vmem_shared>> -> memref<80x128xf32, #tpu.memory_space<vmem_shared>>
      %dma_wait3A_139 = arith.constant 0 : i32
      %dma_wait3A_140 = tpu.memref_slice %arg16[%add3A_120, %dma_wait3A_139] : memref<10000x128xf32, #tpu.memory_space<vmem_shared>> -> memref<80x128xf32, #tpu.memory_space<vmem_shared>>
      tpu.wait_dma2 semaphore(%run_scoped3A : memref<!tpu.dma_semaphore, #tpu.memory_space<semaphore_mem>>) src(%dma_wait3A_140 : memref<80x128xf32, #tpu.memory_space<vmem_shared>>) dst(%arg12 : memref<80x128xf32, #tpu.memory_space<vmem>>)
      tpu.yield
    }) : () -> ()
    %add3A_121 = arith.constant 320 : i32
    %add3A_122 = arith.addi %mul3A_2, %add3A_121 : i32
    "tpu.region"() ({
      %run_scoped3A = tpu.sem_alloc : memref<!tpu.dma_semaphore, #tpu.memory_space<semaphore_mem>>
      %dma_start3A = arith.constant 0 : i32
      %dma_start3A_135 = tpu.memref_slice %arg9[%arg0, %add3A_122, %dma_start3A] : memref<2x10000x128xf32, #tpu.memory_space<hbm>> -> memref<1x80x128xf32, #tpu.memory_space<hbm>>
      %dma_start3A_136 = tpu.memref_squeeze %dma_start3A_135 : memref<1x80x128xf32, #tpu.memory_space<hbm>> -> memref<80x128xf32, #tpu.memory_space<hbm>>
      %dma_start3A_137 = arith.constant 0 : i32
      %dma_start3A_138 = tpu.memref_slice %arg9[%arg0, %add3A_122, %dma_start3A_137] : memref<2x10000x128xf32, #tpu.memory_space<hbm>> -> memref<1x80x128xf32, #tpu.memory_space<hbm>>
      %dma_start3A_139 = tpu.memref_squeeze %dma_start3A_138 : memref<1x80x128xf32, #tpu.memory_space<hbm>> -> memref<80x128xf32, #tpu.memory_space<hbm>>
      tpu.enqueue_dma source(%arg12 : memref<80x128xf32, #tpu.memory_space<vmem>>) target(%dma_start3A_139 : memref<80x128xf32, #tpu.memory_space<hbm>>) target_semaphore(%run_scoped3A : memref<!tpu.dma_semaphore, #tpu.memory_space<semaphore_mem>>)
      %dma_wait3A = arith.constant 0 : i32
      %dma_wait3A_140 = tpu.memref_slice %arg9[%arg0, %add3A_122, %dma_wait3A] : memref<2x10000x128xf32, #tpu.memory_space<hbm>> -> memref<1x80x128xf32, #tpu.memory_space<hbm>>
      %dma_wait3A_141 = tpu.memref_squeeze %dma_wait3A_140 : memref<1x80x128xf32, #tpu.memory_space<hbm>> -> memref<80x128xf32, #tpu.memory_space<hbm>>
      %dma_wait3A_142 = arith.constant 0 : i32
      %dma_wait3A_143 = tpu.memref_slice %arg9[%arg0, %add3A_122, %dma_wait3A_142] : memref<2x10000x128xf32, #tpu.memory_space<hbm>> -> memref<1x80x128xf32, #tpu.memory_space<hbm>>
      %dma_wait3A_144 = tpu.memref_squeeze %dma_wait3A_143 : memref<1x80x128xf32, #tpu.memory_space<hbm>> -> memref<80x128xf32, #tpu.memory_space<hbm>>
      tpu.wait_dma2 semaphore(%run_scoped3A : memref<!tpu.dma_semaphore, #tpu.memory_space<semaphore_mem>>) src(%arg12 : memref<80x128xf32, #tpu.memory_space<vmem>>) dst(%dma_wait3A_144 : memref<80x128xf32, #tpu.memory_space<hbm>>)
      tpu.yield
    }) : () -> ()
    %add3A_123 = arith.constant 400 : i32
    %add3A_124 = arith.addi %mul3A_2, %add3A_123 : i32
    "tpu.region"() ({
      %run_scoped3A = tpu.sem_alloc : memref<!tpu.dma_semaphore, #tpu.memory_space<semaphore_mem>>
      %dma_start3A = arith.constant 0 : i32
      %dma_start3A_135 = tpu.memref_slice %arg16[%add3A_124, %dma_start3A] : memref<10000x128xf32, #tpu.memory_space<vmem_shared>> -> memref<80x128xf32, #tpu.memory_space<vmem_shared>>
      %dma_start3A_136 = arith.constant 0 : i32
      %dma_start3A_137 = tpu.memref_slice %arg16[%add3A_124, %dma_start3A_136] : memref<10000x128xf32, #tpu.memory_space<vmem_shared>> -> memref<80x128xf32, #tpu.memory_space<vmem_shared>>
      tpu.enqueue_dma source(%dma_start3A_137 : memref<80x128xf32, #tpu.memory_space<vmem_shared>>) target(%arg12 : memref<80x128xf32, #tpu.memory_space<vmem>>) target_semaphore(%run_scoped3A : memref<!tpu.dma_semaphore, #tpu.memory_space<semaphore_mem>>)
      %dma_wait3A = arith.constant 0 : i32
      %dma_wait3A_138 = tpu.memref_slice %arg16[%add3A_124, %dma_wait3A] : memref<10000x128xf32, #tpu.memory_space<vmem_shared>> -> memref<80x128xf32, #tpu.memory_space<vmem_shared>>
      %dma_wait3A_139 = arith.constant 0 : i32
      %dma_wait3A_140 = tpu.memref_slice %arg16[%add3A_124, %dma_wait3A_139] : memref<10000x128xf32, #tpu.memory_space<vmem_shared>> -> memref<80x128xf32, #tpu.memory_space<vmem_shared>>
      tpu.wait_dma2 semaphore(%run_scoped3A : memref<!tpu.dma_semaphore, #tpu.memory_space<semaphore_mem>>) src(%dma_wait3A_140 : memref<80x128xf32, #tpu.memory_space<vmem_shared>>) dst(%arg12 : memref<80x128xf32, #tpu.memory_space<vmem>>)
      tpu.yield
    }) : () -> ()
    %add3A_125 = arith.constant 400 : i32
    %add3A_126 = arith.addi %mul3A_2, %add3A_125 : i32
    "tpu.region"() ({
      %run_scoped3A = tpu.sem_alloc : memref<!tpu.dma_semaphore, #tpu.memory_space<semaphore_mem>>
      %dma_start3A = arith.constant 0 : i32
      %dma_start3A_135 = tpu.memref_slice %arg9[%arg0, %add3A_126, %dma_start3A] : memref<2x10000x128xf32, #tpu.memory_space<hbm>> -> memref<1x80x128xf32, #tpu.memory_space<hbm>>
      %dma_start3A_136 = tpu.memref_squeeze %dma_start3A_135 : memref<1x80x128xf32, #tpu.memory_space<hbm>> -> memref<80x128xf32, #tpu.memory_space<hbm>>
      %dma_start3A_137 = arith.constant 0 : i32
      %dma_start3A_138 = tpu.memref_slice %arg9[%arg0, %add3A_126, %dma_start3A_137] : memref<2x10000x128xf32, #tpu.memory_space<hbm>> -> memref<1x80x128xf32, #tpu.memory_space<hbm>>
      %dma_start3A_139 = tpu.memref_squeeze %dma_start3A_138 : memref<1x80x128xf32, #tpu.memory_space<hbm>> -> memref<80x128xf32, #tpu.memory_space<hbm>>
      tpu.enqueue_dma source(%arg12 : memref<80x128xf32, #tpu.memory_space<vmem>>) target(%dma_start3A_139 : memref<80x128xf32, #tpu.memory_space<hbm>>) target_semaphore(%run_scoped3A : memref<!tpu.dma_semaphore, #tpu.memory_space<semaphore_mem>>)
      %dma_wait3A = arith.constant 0 : i32
      %dma_wait3A_140 = tpu.memref_slice %arg9[%arg0, %add3A_126, %dma_wait3A] : memref<2x10000x128xf32, #tpu.memory_space<hbm>> -> memref<1x80x128xf32, #tpu.memory_space<hbm>>
      %dma_wait3A_141 = tpu.memref_squeeze %dma_wait3A_140 : memref<1x80x128xf32, #tpu.memory_space<hbm>> -> memref<80x128xf32, #tpu.memory_space<hbm>>
      %dma_wait3A_142 = arith.constant 0 : i32
      %dma_wait3A_143 = tpu.memref_slice %arg9[%arg0, %add3A_126, %dma_wait3A_142] : memref<2x10000x128xf32, #tpu.memory_space<hbm>> -> memref<1x80x128xf32, #tpu.memory_space<hbm>>
      %dma_wait3A_144 = tpu.memref_squeeze %dma_wait3A_143 : memref<1x80x128xf32, #tpu.memory_space<hbm>> -> memref<80x128xf32, #tpu.memory_space<hbm>>
      tpu.wait_dma2 semaphore(%run_scoped3A : memref<!tpu.dma_semaphore, #tpu.memory_space<semaphore_mem>>) src(%arg12 : memref<80x128xf32, #tpu.memory_space<vmem>>) dst(%dma_wait3A_144 : memref<80x128xf32, #tpu.memory_space<hbm>>)
      tpu.yield
    }) : () -> ()
    %add3A_127 = arith.constant 480 : i32
    %add3A_128 = arith.addi %mul3A_2, %add3A_127 : i32
    "tpu.region"() ({
      %run_scoped3A = tpu.sem_alloc : memref<!tpu.dma_semaphore, #tpu.memory_space<semaphore_mem>>
      %dma_start3A = arith.constant 0 : i32
      %dma_start3A_135 = tpu.memref_slice %arg16[%add3A_128, %dma_start3A] : memref<10000x128xf32, #tpu.memory_space<vmem_shared>> -> memref<80x128xf32, #tpu.memory_space<vmem_shared>>
      %dma_start3A_136 = arith.constant 0 : i32
      %dma_start3A_137 = tpu.memref_slice %arg16[%add3A_128, %dma_start3A_136] : memref<10000x128xf32, #tpu.memory_space<vmem_shared>> -> memref<80x128xf32, #tpu.memory_space<vmem_shared>>
      tpu.enqueue_dma source(%dma_start3A_137 : memref<80x128xf32, #tpu.memory_space<vmem_shared>>) target(%arg12 : memref<80x128xf32, #tpu.memory_space<vmem>>) target_semaphore(%run_scoped3A : memref<!tpu.dma_semaphore, #tpu.memory_space<semaphore_mem>>)
      %dma_wait3A = arith.constant 0 : i32
      %dma_wait3A_138 = tpu.memref_slice %arg16[%add3A_128, %dma_wait3A] : memref<10000x128xf32, #tpu.memory_space<vmem_shared>> -> memref<80x128xf32, #tpu.memory_space<vmem_shared>>
      %dma_wait3A_139 = arith.constant 0 : i32
      %dma_wait3A_140 = tpu.memref_slice %arg16[%add3A_128, %dma_wait3A_139] : memref<10000x128xf32, #tpu.memory_space<vmem_shared>> -> memref<80x128xf32, #tpu.memory_space<vmem_shared>>
      tpu.wait_dma2 semaphore(%run_scoped3A : memref<!tpu.dma_semaphore, #tpu.memory_space<semaphore_mem>>) src(%dma_wait3A_140 : memref<80x128xf32, #tpu.memory_space<vmem_shared>>) dst(%arg12 : memref<80x128xf32, #tpu.memory_space<vmem>>)
      tpu.yield
    }) : () -> ()
    %add3A_129 = arith.constant 480 : i32
    %add3A_130 = arith.addi %mul3A_2, %add3A_129 : i32
    "tpu.region"() ({
      %run_scoped3A = tpu.sem_alloc : memref<!tpu.dma_semaphore, #tpu.memory_space<semaphore_mem>>
      %dma_start3A = arith.constant 0 : i32
      %dma_start3A_135 = tpu.memref_slice %arg9[%arg0, %add3A_130, %dma_start3A] : memref<2x10000x128xf32, #tpu.memory_space<hbm>> -> memref<1x80x128xf32, #tpu.memory_space<hbm>>
      %dma_start3A_136 = tpu.memref_squeeze %dma_start3A_135 : memref<1x80x128xf32, #tpu.memory_space<hbm>> -> memref<80x128xf32, #tpu.memory_space<hbm>>
      %dma_start3A_137 = arith.constant 0 : i32
      %dma_start3A_138 = tpu.memref_slice %arg9[%arg0, %add3A_130, %dma_start3A_137] : memref<2x10000x128xf32, #tpu.memory_space<hbm>> -> memref<1x80x128xf32, #tpu.memory_space<hbm>>
      %dma_start3A_139 = tpu.memref_squeeze %dma_start3A_138 : memref<1x80x128xf32, #tpu.memory_space<hbm>> -> memref<80x128xf32, #tpu.memory_space<hbm>>
      tpu.enqueue_dma source(%arg12 : memref<80x128xf32, #tpu.memory_space<vmem>>) target(%dma_start3A_139 : memref<80x128xf32, #tpu.memory_space<hbm>>) target_semaphore(%run_scoped3A : memref<!tpu.dma_semaphore, #tpu.memory_space<semaphore_mem>>)
      %dma_wait3A = arith.constant 0 : i32
      %dma_wait3A_140 = tpu.memref_slice %arg9[%arg0, %add3A_130, %dma_wait3A] : memref<2x10000x128xf32, #tpu.memory_space<hbm>> -> memref<1x80x128xf32, #tpu.memory_space<hbm>>
      %dma_wait3A_141 = tpu.memref_squeeze %dma_wait3A_140 : memref<1x80x128xf32, #tpu.memory_space<hbm>> -> memref<80x128xf32, #tpu.memory_space<hbm>>
      %dma_wait3A_142 = arith.constant 0 : i32
      %dma_wait3A_143 = tpu.memref_slice %arg9[%arg0, %add3A_130, %dma_wait3A_142] : memref<2x10000x128xf32, #tpu.memory_space<hbm>> -> memref<1x80x128xf32, #tpu.memory_space<hbm>>
      %dma_wait3A_144 = tpu.memref_squeeze %dma_wait3A_143 : memref<1x80x128xf32, #tpu.memory_space<hbm>> -> memref<80x128xf32, #tpu.memory_space<hbm>>
      tpu.wait_dma2 semaphore(%run_scoped3A : memref<!tpu.dma_semaphore, #tpu.memory_space<semaphore_mem>>) src(%arg12 : memref<80x128xf32, #tpu.memory_space<vmem>>) dst(%dma_wait3A_144 : memref<80x128xf32, #tpu.memory_space<hbm>>)
      tpu.yield
    }) : () -> ()
    %add3A_131 = arith.constant 560 : i32
    %add3A_132 = arith.addi %mul3A_2, %add3A_131 : i32
    "tpu.region"() ({
      %run_scoped3A = tpu.sem_alloc : memref<!tpu.dma_semaphore, #tpu.memory_space<semaphore_mem>>
      %dma_start3A = arith.constant 0 : i32
      %dma_start3A_135 = tpu.memref_slice %arg16[%add3A_132, %dma_start3A] : memref<10000x128xf32, #tpu.memory_space<vmem_shared>> -> memref<80x128xf32, #tpu.memory_space<vmem_shared>>
      %dma_start3A_136 = arith.constant 0 : i32
      %dma_start3A_137 = tpu.memref_slice %arg16[%add3A_132, %dma_start3A_136] : memref<10000x128xf32, #tpu.memory_space<vmem_shared>> -> memref<80x128xf32, #tpu.memory_space<vmem_shared>>
      tpu.enqueue_dma source(%dma_start3A_137 : memref<80x128xf32, #tpu.memory_space<vmem_shared>>) target(%arg12 : memref<80x128xf32, #tpu.memory_space<vmem>>) target_semaphore(%run_scoped3A : memref<!tpu.dma_semaphore, #tpu.memory_space<semaphore_mem>>)
      %dma_wait3A = arith.constant 0 : i32
      %dma_wait3A_138 = tpu.memref_slice %arg16[%add3A_132, %dma_wait3A] : memref<10000x128xf32, #tpu.memory_space<vmem_shared>> -> memref<80x128xf32, #tpu.memory_space<vmem_shared>>
      %dma_wait3A_139 = arith.constant 0 : i32
      %dma_wait3A_140 = tpu.memref_slice %arg16[%add3A_132, %dma_wait3A_139] : memref<10000x128xf32, #tpu.memory_space<vmem_shared>> -> memref<80x128xf32, #tpu.memory_space<vmem_shared>>
      tpu.wait_dma2 semaphore(%run_scoped3A : memref<!tpu.dma_semaphore, #tpu.memory_space<semaphore_mem>>) src(%dma_wait3A_140 : memref<80x128xf32, #tpu.memory_space<vmem_shared>>) dst(%arg12 : memref<80x128xf32, #tpu.memory_space<vmem>>)
      tpu.yield
    }) : () -> ()
    %add3A_133 = arith.constant 560 : i32
    %add3A_134 = arith.addi %mul3A_2, %add3A_133 : i32
    "tpu.region"() ({
      %run_scoped3A = tpu.sem_alloc : memref<!tpu.dma_semaphore, #tpu.memory_space<semaphore_mem>>
      %dma_start3A = arith.constant 0 : i32
      %dma_start3A_135 = tpu.memref_slice %arg9[%arg0, %add3A_134, %dma_start3A] : memref<2x10000x128xf32, #tpu.memory_space<hbm>> -> memref<1x80x128xf32, #tpu.memory_space<hbm>>
      %dma_start3A_136 = tpu.memref_squeeze %dma_start3A_135 : memref<1x80x128xf32, #tpu.memory_space<hbm>> -> memref<80x128xf32, #tpu.memory_space<hbm>>
      %dma_start3A_137 = arith.constant 0 : i32
      %dma_start3A_138 = tpu.memref_slice %arg9[%arg0, %add3A_134, %dma_start3A_137] : memref<2x10000x128xf32, #tpu.memory_space<hbm>> -> memref<1x80x128xf32, #tpu.memory_space<hbm>>
      %dma_start3A_139 = tpu.memref_squeeze %dma_start3A_138 : memref<1x80x128xf32, #tpu.memory_space<hbm>> -> memref<80x128xf32, #tpu.memory_space<hbm>>
      tpu.enqueue_dma source(%arg12 : memref<80x128xf32, #tpu.memory_space<vmem>>) target(%dma_start3A_139 : memref<80x128xf32, #tpu.memory_space<hbm>>) target_semaphore(%run_scoped3A : memref<!tpu.dma_semaphore, #tpu.memory_space<semaphore_mem>>)
      %dma_wait3A = arith.constant 0 : i32
      %dma_wait3A_140 = tpu.memref_slice %arg9[%arg0, %add3A_134, %dma_wait3A] : memref<2x10000x128xf32, #tpu.memory_space<hbm>> -> memref<1x80x128xf32, #tpu.memory_space<hbm>>
      %dma_wait3A_141 = tpu.memref_squeeze %dma_wait3A_140 : memref<1x80x128xf32, #tpu.memory_space<hbm>> -> memref<80x128xf32, #tpu.memory_space<hbm>>
      %dma_wait3A_142 = arith.constant 0 : i32
      %dma_wait3A_143 = tpu.memref_slice %arg9[%arg0, %add3A_134, %dma_wait3A_142] : memref<2x10000x128xf32, #tpu.memory_space<hbm>> -> memref<1x80x128xf32, #tpu.memory_space<hbm>>
      %dma_wait3A_144 = tpu.memref_squeeze %dma_wait3A_143 : memref<1x80x128xf32, #tpu.memory_space<hbm>> -> memref<80x128xf32, #tpu.memory_space<hbm>>
      tpu.wait_dma2 semaphore(%run_scoped3A : memref<!tpu.dma_semaphore, #tpu.memory_space<semaphore_mem>>) src(%arg12 : memref<80x128xf32, #tpu.memory_space<vmem>>) dst(%dma_wait3A_144 : memref<80x128xf32, #tpu.memory_space<hbm>>)
      tpu.yield
    }) : () -> ()
    return
  }
}

module attributes {stable_mosaic.version = 14 : i64} {
  func.func @_dense1_body(%arg0: i32, %arg1: memref<1000x128xf32, #tpu.memory_space<vmem>>, %arg2: memref<128x128xf32, #tpu.memory_space<vmem>>, %arg3: memref<1x128xf32, #tpu.memory_space<vmem>>, %arg4: memref<1x128xf32, #tpu.memory_space<vmem>>, %arg5: memref<1x128xf32, #tpu.memory_space<vmem>>, %arg6: memref<128x128xf32, #tpu.memory_space<vmem>>, %arg7: memref<1x128xf32, #tpu.memory_space<vmem>>, %arg8: memref<128x128xf32, #tpu.memory_space<vmem>>, %arg9: memref<1x128xf32, #tpu.memory_space<vmem>>, %arg10: memref<1000x128xf32, #tpu.memory_space<vmem>>, %arg11: memref<1000x128xf32, #tpu.memory_space<vmem>>) attributes {dimension_semantics = [#tpu.dimension_semantics<arbitrary>], iteration_bounds = array<i64: 10>, scalar_prefetch = 0 : i64, scratch_operands = 0 : i64, tpu.core_type = #tpu.core_type<tc>, window_params = [{transform_indices = @transform_0, window_bounds = array<i64: 1000, 128>}, {pipeline_mode = #tpu.pipeline_mode<synchronous>, transform_indices = @transform_1, window_bounds = array<i64: 128, 128>}, {pipeline_mode = #tpu.pipeline_mode<synchronous>, transform_indices = @transform_2, window_bounds = array<i64: 1, 128>}, {pipeline_mode = #tpu.pipeline_mode<synchronous>, transform_indices = @transform_3, window_bounds = array<i64: 1, 128>}, {pipeline_mode = #tpu.pipeline_mode<synchronous>, transform_indices = @transform_4, window_bounds = array<i64: 1, 128>}, {pipeline_mode = #tpu.pipeline_mode<synchronous>, transform_indices = @transform_5, window_bounds = array<i64: 128, 128>}, {pipeline_mode = #tpu.pipeline_mode<synchronous>, transform_indices = @transform_6, window_bounds = array<i64: 1, 128>}, {pipeline_mode = #tpu.pipeline_mode<synchronous>, transform_indices = @transform_7, window_bounds = array<i64: 128, 128>}, {pipeline_mode = #tpu.pipeline_mode<synchronous>, transform_indices = @transform_8, window_bounds = array<i64: 1, 128>}, {transform_indices = @transform_9, window_bounds = array<i64: 1000, 128>}, {transform_indices = @transform_10, window_bounds = array<i64: 1000, 128>}]} {
    %get3A = arith.constant 0 : index
    %get3A_0 = arith.constant 0 : index
    %get3A_1 = vector.load %arg1[%get3A, %get3A_0] : memref<1000x128xf32, #tpu.memory_space<vmem>>, vector<1000x128xf32>
    %get3A_2 = arith.constant 0 : index
    %get3A_3 = arith.constant 0 : index
    %get3A_4 = vector.load %arg2[%get3A_2, %get3A_3] : memref<128x128xf32, #tpu.memory_space<vmem>>, vector<128x128xf32>
    %dot_general3A = arith.constant dense<0.000000e+00> : vector<1000x128xf32>
    %dot_general3A_5 = tpu.matmul %get3A_1, %get3A_4, %dot_general3A {dimension_numbers = #tpu.dot_dimension_numbers<[1], [0], [0], [1], [0, 0, 1, 1], [], []>, precision = #tpu.contract_precision<fp32>, transpose_lhs_hint = false} : vector<1000x128xf32>, vector<128x128xf32>, vector<1000x128xf32> -> vector<1000x128xf32>
    %get3A_6 = arith.constant 0 : index
    %get3A_7 = arith.constant 0 : index
    %get3A_8 = vector.load %arg3[%get3A_6, %get3A_7] : memref<1x128xf32, #tpu.memory_space<vmem>>, vector<1x128xf32>
    %add3A = vector.broadcast %get3A_8 : vector<1x128xf32> to vector<1000x128xf32>
    %add3A_9 = arith.addf %dot_general3A_5, %add3A : vector<1000x128xf32>
    %max3A = arith.constant 0.000000e+00 : f32
    %max3A_10 = vector.broadcast %max3A : f32 to vector<1000x128xf32>
    %max3A_11 = arith.maximumf %add3A_9, %max3A_10 : vector<1000x128xf32>
    %reduce_sum3A = arith.constant dense<0.000000e+00> : vector<1000xf32>
    %reduce_sum3A_12 = vector.multi_reduction <add>, %max3A_11, %reduce_sum3A [1] : vector<1000x128xf32> to vector<1000xf32>
    %broadcast_in_dim3A = vector.shape_cast %reduce_sum3A_12 : vector<1000xf32> to vector<1000x1xf32>
    %div3A = arith.constant 1.280000e+02 : f32
    %div3A_13 = vector.broadcast %div3A : f32 to vector<1000x1xf32>
    %div3A_14 = arith.divf %broadcast_in_dim3A, %div3A_13 : vector<1000x1xf32>
    %sub3A = vector.broadcast %div3A_14 : vector<1000x1xf32> to vector<1000x128xf32>
    %sub3A_15 = arith.subf %max3A_11, %sub3A : vector<1000x128xf32>
    %integer_pow3A = arith.mulf %sub3A_15, %sub3A_15 : vector<1000x128xf32>
    %reduce_sum3A_16 = arith.constant dense<0.000000e+00> : vector<1000xf32>
    %reduce_sum3A_17 = vector.multi_reduction <add>, %integer_pow3A, %reduce_sum3A_16 [1] : vector<1000x128xf32> to vector<1000xf32>
    %broadcast_in_dim3A_18 = vector.shape_cast %reduce_sum3A_17 : vector<1000xf32> to vector<1000x1xf32>
    %div3A_19 = arith.constant 1.280000e+02 : f32
    %div3A_20 = vector.broadcast %div3A_19 : f32 to vector<1000x1xf32>
    %div3A_21 = arith.divf %broadcast_in_dim3A_18, %div3A_20 : vector<1000x1xf32>
    %sub3A_22 = vector.broadcast %div3A_14 : vector<1000x1xf32> to vector<1000x128xf32>
    %sub3A_23 = arith.subf %max3A_11, %sub3A_22 : vector<1000x128xf32>
    %add3A_24 = arith.constant 9.99999974E-6 : f32
    %add3A_25 = vector.broadcast %add3A_24 : f32 to vector<1000x1xf32>
    %add3A_26 = arith.addf %div3A_21, %add3A_25 : vector<1000x1xf32>
    %sqrt3A = math.sqrt %add3A_26 : vector<1000x1xf32>
    %div3A_27 = vector.broadcast %sqrt3A : vector<1000x1xf32> to vector<1000x128xf32>
    %div3A_28 = arith.divf %sub3A_23, %div3A_27 : vector<1000x128xf32>
    %get3A_29 = arith.constant 0 : index
    %get3A_30 = arith.constant 0 : index
    %get3A_31 = vector.load %arg4[%get3A_29, %get3A_30] : memref<1x128xf32, #tpu.memory_space<vmem>>, vector<1x128xf32>
    %mul3A = vector.broadcast %get3A_31 : vector<1x128xf32> to vector<1000x128xf32>
    %mul3A_32 = arith.mulf %div3A_28, %mul3A : vector<1000x128xf32>
    %get3A_33 = arith.constant 0 : index
    %get3A_34 = arith.constant 0 : index
    %get3A_35 = vector.load %arg5[%get3A_33, %get3A_34] : memref<1x128xf32, #tpu.memory_space<vmem>>, vector<1x128xf32>
    %add3A_36 = vector.broadcast %get3A_35 : vector<1x128xf32> to vector<1000x128xf32>
    %add3A_37 = arith.addf %mul3A_32, %add3A_36 : vector<1000x128xf32>
    %get3A_38 = arith.constant 0 : index
    %get3A_39 = arith.constant 0 : index
    %get3A_40 = vector.load %arg6[%get3A_38, %get3A_39] : memref<128x128xf32, #tpu.memory_space<vmem>>, vector<128x128xf32>
    %dot_general3A_41 = arith.constant dense<0.000000e+00> : vector<1000x128xf32>
    %dot_general3A_42 = tpu.matmul %add3A_37, %get3A_40, %dot_general3A_41 {dimension_numbers = #tpu.dot_dimension_numbers<[1], [0], [0], [1], [0, 0, 1, 1], [], []>, precision = #tpu.contract_precision<fp32>, transpose_lhs_hint = false} : vector<1000x128xf32>, vector<128x128xf32>, vector<1000x128xf32> -> vector<1000x128xf32>
    %get3A_43 = arith.constant 0 : index
    %get3A_44 = arith.constant 0 : index
    %get3A_45 = vector.load %arg7[%get3A_43, %get3A_44] : memref<1x128xf32, #tpu.memory_space<vmem>>, vector<1x128xf32>
    %add3A_46 = vector.broadcast %get3A_45 : vector<1x128xf32> to vector<1000x128xf32>
    %add3A_47 = arith.addf %dot_general3A_42, %add3A_46 : vector<1000x128xf32>
    %swap3A = arith.constant 0 : index
    %swap3A_48 = arith.constant 0 : index
    %swap3A_49 = vector.load %arg10[%swap3A, %swap3A_48] : memref<1000x128xf32, #tpu.memory_space<vmem>>, vector<1000x128xf32>
    tpu.vector_store %arg10[%swap3A, %swap3A_48], %add3A_47 {strides = array<i32>} : memref<1000x128xf32, #tpu.memory_space<vmem>>, vector<1000x128xf32>,
    %get3A_50 = arith.constant 0 : index
    %get3A_51 = arith.constant 0 : index
    %get3A_52 = vector.load %arg8[%get3A_50, %get3A_51] : memref<128x128xf32, #tpu.memory_space<vmem>>, vector<128x128xf32>
    %dot_general3A_53 = arith.constant dense<0.000000e+00> : vector<1000x128xf32>
    %dot_general3A_54 = tpu.matmul %get3A_1, %get3A_52, %dot_general3A_53 {dimension_numbers = #tpu.dot_dimension_numbers<[1], [0], [0], [1], [0, 0, 1, 1], [], []>, precision = #tpu.contract_precision<fp32>, transpose_lhs_hint = false} : vector<1000x128xf32>, vector<128x128xf32>, vector<1000x128xf32> -> vector<1000x128xf32>
    %get3A_55 = arith.constant 0 : index
    %get3A_56 = arith.constant 0 : index
    %get3A_57 = vector.load %arg9[%get3A_55, %get3A_56] : memref<1x128xf32, #tpu.memory_space<vmem>>, vector<1x128xf32>
    %add3A_58 = vector.broadcast %get3A_57 : vector<1x128xf32> to vector<1000x128xf32>
    %add3A_59 = arith.addf %dot_general3A_54, %add3A_58 : vector<1000x128xf32>
    %swap3A_60 = arith.constant 0 : index
    %swap3A_61 = arith.constant 0 : index
    %swap3A_62 = vector.load %arg11[%swap3A_60, %swap3A_61] : memref<1000x128xf32, #tpu.memory_space<vmem>>, vector<1000x128xf32>
    tpu.vector_store %arg11[%swap3A_60, %swap3A_61], %add3A_59 {strides = array<i32>} : memref<1000x128xf32, #tpu.memory_space<vmem>>, vector<1000x128xf32>,
    return
  }
  func.func @transform_0(%arg0: i32) -> (i32, i32) {
    %c0_i32 = arith.constant 0 : i32
    %c0_i32_0 = arith.constant 0 : i32
    return %arg0, %c0_i32 : i32, i32
  }
  func.func @transform_1(%arg0: i32) -> (i32, i32) {
    %c0_i32 = arith.constant 0 : i32
    %c0_i32_0 = arith.constant 0 : i32
    %c0_i32_1 = arith.constant 0 : i32
    return %c0_i32, %c0_i32_0 : i32, i32
  }
  func.func @transform_2(%arg0: i32) -> (i32, i32) {
    %c0_i32 = arith.constant 0 : i32
    %c0_i32_0 = arith.constant 0 : i32
    %c0_i32_1 = arith.constant 0 : i32
    return %c0_i32, %c0_i32_0 : i32, i32
  }
  func.func @transform_3(%arg0: i32) -> (i32, i32) {
    %c0_i32 = arith.constant 0 : i32
    %c0_i32_0 = arith.constant 0 : i32
    %c0_i32_1 = arith.constant 0 : i32
    return %c0_i32, %c0_i32_0 : i32, i32
  }
  func.func @transform_4(%arg0: i32) -> (i32, i32) {
    %c0_i32 = arith.constant 0 : i32
    %c0_i32_0 = arith.constant 0 : i32
    %c0_i32_1 = arith.constant 0 : i32
    return %c0_i32, %c0_i32_0 : i32, i32
  }
  func.func @transform_5(%arg0: i32) -> (i32, i32) {
    %c0_i32 = arith.constant 0 : i32
    %c0_i32_0 = arith.constant 0 : i32
    %c0_i32_1 = arith.constant 0 : i32
    return %c0_i32, %c0_i32_0 : i32, i32
  }
  func.func @transform_6(%arg0: i32) -> (i32, i32) {
    %c0_i32 = arith.constant 0 : i32
    %c0_i32_0 = arith.constant 0 : i32
    %c0_i32_1 = arith.constant 0 : i32
    return %c0_i32, %c0_i32_0 : i32, i32
  }
  func.func @transform_7(%arg0: i32) -> (i32, i32) {
    %c0_i32 = arith.constant 0 : i32
    %c0_i32_0 = arith.constant 0 : i32
    %c0_i32_1 = arith.constant 0 : i32
    return %c0_i32, %c0_i32_0 : i32, i32
  }
  func.func @transform_8(%arg0: i32) -> (i32, i32) {
    %c0_i32 = arith.constant 0 : i32
    %c0_i32_0 = arith.constant 0 : i32
    %c0_i32_1 = arith.constant 0 : i32
    return %c0_i32, %c0_i32_0 : i32, i32
  }
  func.func @transform_9(%arg0: i32) -> (i32, i32) {
    %c0_i32 = arith.constant 0 : i32
    %c0_i32_0 = arith.constant 0 : i32
    return %arg0, %c0_i32 : i32, i32
  }
  func.func @transform_10(%arg0: i32) -> (i32, i32) {
    %c0_i32 = arith.constant 0 : i32
    %c0_i32_0 = arith.constant 0 : i32
    return %arg0, %c0_i32 : i32, i32
  }
}

module attributes {stable_mosaic.version = 14 : i64} {
  func.func @_dense2_body(%arg0: i32, %arg1: memref<2x1000x128xf32, #tpu.memory_space<vmem>>, %arg2: memref<2x1000x128xf32, #tpu.memory_space<vmem>>, %arg3: memref<128x128xf32, #tpu.memory_space<vmem>>, %arg4: memref<1000x128xf32, #tpu.memory_space<vmem>>) attributes {dimension_semantics = [#tpu.dimension_semantics<arbitrary>], iteration_bounds = array<i64: 10>, scalar_prefetch = 0 : i64, scratch_operands = 0 : i64, tpu.core_type = #tpu.core_type<tc>, window_params = [{transform_indices = @transform_0, window_bounds = array<i64: 2, 1000, 128>}, {transform_indices = @transform_1, window_bounds = array<i64: 2, 1000, 128>}, {pipeline_mode = #tpu.pipeline_mode<synchronous>, transform_indices = @transform_2, window_bounds = array<i64: 128, 128>}, {transform_indices = @transform_3, window_bounds = array<i64: 1000, 128>}]} {
    %get3A = arith.constant 0 : index
    %get3A_0 = arith.constant 0 : index
    %get3A_1 = arith.constant 0 : index
    %get3A_2 = vector.load %arg1[%get3A, %get3A_0, %get3A_1] : memref<2x1000x128xf32, #tpu.memory_space<vmem>>, vector<1x1000x128xf32>
    %get3A_3 = vector.shape_cast %get3A_2 : vector<1x1000x128xf32> to vector<1000x128xf32>
    %get3A_4 = arith.constant 1 : index
    %get3A_5 = arith.constant 0 : index
    %get3A_6 = arith.constant 0 : index
    %get3A_7 = vector.load %arg1[%get3A_4, %get3A_5, %get3A_6] : memref<2x1000x128xf32, #tpu.memory_space<vmem>>, vector<1x1000x128xf32>
    %get3A_8 = vector.shape_cast %get3A_7 : vector<1x1000x128xf32> to vector<1000x128xf32>
    %add3A = arith.addf %get3A_3, %get3A_8 : vector<1000x128xf32>
    %get3A_9 = arith.constant 0 : index
    %get3A_10 = arith.constant 0 : index
    %get3A_11 = arith.constant 0 : index
    %get3A_12 = vector.load %arg2[%get3A_9, %get3A_10, %get3A_11] : memref<2x1000x128xf32, #tpu.memory_space<vmem>>, vector<1x1000x1xf32>
    %get3A_13 = vector.shape_cast %get3A_12 : vector<1x1000x1xf32> to vector<1000x1xf32>
    %get3A_14 = arith.constant 1 : index
    %get3A_15 = arith.constant 0 : index
    %get3A_16 = arith.constant 0 : index
    %get3A_17 = vector.load %arg2[%get3A_14, %get3A_15, %get3A_16] : memref<2x1000x128xf32, #tpu.memory_space<vmem>>, vector<1x1000x1xf32>
    %get3A_18 = vector.shape_cast %get3A_17 : vector<1x1000x1xf32> to vector<1000x1xf32>
    %add3A_19 = arith.addf %get3A_13, %get3A_18 : vector<1000x1xf32>
    %max3A = arith.constant 1.000000e+00 : f32
    %max3A_20 = vector.broadcast %max3A : f32 to vector<1000x1xf32>
    %max3A_21 = arith.maximumf %add3A_19, %max3A_20 : vector<1000x1xf32>
    %div3A = vector.broadcast %max3A_21 : vector<1000x1xf32> to vector<1000x128xf32>
    %div3A_22 = arith.divf %add3A, %div3A : vector<1000x128xf32>
    %get3A_23 = arith.constant 0 : index
    %get3A_24 = arith.constant 0 : index
    %get3A_25 = vector.load %arg3[%get3A_23, %get3A_24] : memref<128x128xf32, #tpu.memory_space<vmem>>, vector<128x128xf32>
    %dot_general3A = arith.constant dense<0.000000e+00> : vector<1000x128xf32>
    %dot_general3A_26 = tpu.matmul %div3A_22, %get3A_25, %dot_general3A {dimension_numbers = #tpu.dot_dimension_numbers<[1], [0], [0], [1], [0, 0, 1, 1], [], []>, precision = #tpu.contract_precision<fp32>, transpose_lhs_hint = false} : vector<1000x128xf32>, vector<128x128xf32>, vector<1000x128xf32> -> vector<1000x128xf32>
    %swap3A = arith.constant 0 : index
    %swap3A_27 = arith.constant 0 : index
    %swap3A_28 = vector.load %arg4[%swap3A, %swap3A_27] : memref<1000x128xf32, #tpu.memory_space<vmem>>, vector<1000x128xf32>
    tpu.vector_store %arg4[%swap3A, %swap3A_27], %dot_general3A_26 {strides = array<i32>} : memref<1000x128xf32, #tpu.memory_space<vmem>>, vector<1000x128xf32>,
    return
  }
  func.func @transform_0(%arg0: i32) -> (i32, i32, i32) {
    %c0_i32 = arith.constant 0 : i32
    %c0_i32_0 = arith.constant 0 : i32
    %c0_i32_1 = arith.constant 0 : i32
    return %c0_i32, %arg0, %c0_i32_0 : i32, i32, i32
  }
  func.func @transform_1(%arg0: i32) -> (i32, i32, i32) {
    %c0_i32 = arith.constant 0 : i32
    %c0_i32_0 = arith.constant 0 : i32
    %c0_i32_1 = arith.constant 0 : i32
    return %c0_i32, %arg0, %c0_i32_0 : i32, i32, i32
  }
  func.func @transform_2(%arg0: i32) -> (i32, i32) {
    %c0_i32 = arith.constant 0 : i32
    %c0_i32_0 = arith.constant 0 : i32
    %c0_i32_1 = arith.constant 0 : i32
    return %c0_i32, %c0_i32_0 : i32, i32
  }
  func.func @transform_3(%arg0: i32) -> (i32, i32) {
    %c0_i32 = arith.constant 0 : i32
    %c0_i32_0 = arith.constant 0 : i32
    return %arg0, %c0_i32 : i32, i32
  }
}

module attributes {stable_mosaic.version = 14 : i64} {
  func.func @_dense3_body(%arg0: i32, %arg1: memref<2x1000x128xf32, #tpu.memory_space<vmem>>, %arg2: memref<2x1000x128xf32, #tpu.memory_space<vmem>>, %arg3: memref<128x128xf32, #tpu.memory_space<vmem>>, %arg4: memref<1x128xf32, #tpu.memory_space<vmem>>, %arg5: memref<1000x128xf32, #tpu.memory_space<vmem>>, %arg6: memref<1000x128xf32, #tpu.memory_space<vmem>>) attributes {dimension_semantics = [#tpu.dimension_semantics<arbitrary>], iteration_bounds = array<i64: 10>, scalar_prefetch = 0 : i64, scratch_operands = 0 : i64, tpu.core_type = #tpu.core_type<tc>, window_params = [{transform_indices = @transform_0, window_bounds = array<i64: 2, 1000, 128>}, {transform_indices = @transform_1, window_bounds = array<i64: 2, 1000, 128>}, {pipeline_mode = #tpu.pipeline_mode<synchronous>, transform_indices = @transform_2, window_bounds = array<i64: 128, 128>}, {pipeline_mode = #tpu.pipeline_mode<synchronous>, transform_indices = @transform_3, window_bounds = array<i64: 1, 128>}, {transform_indices = @transform_4, window_bounds = array<i64: 1000, 128>}, {transform_indices = @transform_5, window_bounds = array<i64: 1000, 128>}]} {
    %get3A = arith.constant 0 : index
    %get3A_0 = arith.constant 0 : index
    %get3A_1 = arith.constant 0 : index
    %get3A_2 = vector.load %arg1[%get3A, %get3A_0, %get3A_1] : memref<2x1000x128xf32, #tpu.memory_space<vmem>>, vector<1x1000x128xf32>
    %get3A_3 = vector.shape_cast %get3A_2 : vector<1x1000x128xf32> to vector<1000x128xf32>
    %get3A_4 = arith.constant 1 : index
    %get3A_5 = arith.constant 0 : index
    %get3A_6 = arith.constant 0 : index
    %get3A_7 = vector.load %arg1[%get3A_4, %get3A_5, %get3A_6] : memref<2x1000x128xf32, #tpu.memory_space<vmem>>, vector<1x1000x128xf32>
    %get3A_8 = vector.shape_cast %get3A_7 : vector<1x1000x128xf32> to vector<1000x128xf32>
    %add3A = arith.addf %get3A_3, %get3A_8 : vector<1000x128xf32>
    %get3A_9 = arith.constant 0 : index
    %get3A_10 = arith.constant 0 : index
    %get3A_11 = arith.constant 0 : index
    %get3A_12 = vector.load %arg2[%get3A_9, %get3A_10, %get3A_11] : memref<2x1000x128xf32, #tpu.memory_space<vmem>>, vector<1x1000x1xf32>
    %get3A_13 = vector.shape_cast %get3A_12 : vector<1x1000x1xf32> to vector<1000x1xf32>
    %get3A_14 = arith.constant 1 : index
    %get3A_15 = arith.constant 0 : index
    %get3A_16 = arith.constant 0 : index
    %get3A_17 = vector.load %arg2[%get3A_14, %get3A_15, %get3A_16] : memref<2x1000x128xf32, #tpu.memory_space<vmem>>, vector<1x1000x1xf32>
    %get3A_18 = vector.shape_cast %get3A_17 : vector<1x1000x1xf32> to vector<1000x1xf32>
    %add3A_19 = arith.addf %get3A_13, %get3A_18 : vector<1000x1xf32>
    %max3A = arith.constant 1.000000e+00 : f32
    %max3A_20 = vector.broadcast %max3A : f32 to vector<1000x1xf32>
    %max3A_21 = arith.maximumf %add3A_19, %max3A_20 : vector<1000x1xf32>
    %div3A = vector.broadcast %max3A_21 : vector<1000x1xf32> to vector<1000x128xf32>
    %div3A_22 = arith.divf %add3A, %div3A : vector<1000x128xf32>
    %get3A_23 = arith.constant 0 : index
    %get3A_24 = arith.constant 0 : index
    %get3A_25 = vector.load %arg3[%get3A_23, %get3A_24] : memref<128x128xf32, #tpu.memory_space<vmem>>, vector<128x128xf32>
    %dot_general3A = arith.constant dense<0.000000e+00> : vector<1000x128xf32>
    %dot_general3A_26 = tpu.matmul %div3A_22, %get3A_25, %dot_general3A {dimension_numbers = #tpu.dot_dimension_numbers<[1], [0], [0], [1], [0, 0, 1, 1], [], []>, precision = #tpu.contract_precision<fp32>, transpose_lhs_hint = false} : vector<1000x128xf32>, vector<128x128xf32>, vector<1000x128xf32> -> vector<1000x128xf32>
    %get3A_27 = arith.constant 0 : index
    %get3A_28 = arith.constant 0 : index
    %get3A_29 = vector.load %arg4[%get3A_27, %get3A_28] : memref<1x128xf32, #tpu.memory_space<vmem>>, vector<1x128xf32>
    %add3A_30 = vector.broadcast %get3A_29 : vector<1x128xf32> to vector<1000x128xf32>
    %add3A_31 = arith.addf %dot_general3A_26, %add3A_30 : vector<1000x128xf32>
    %gt3A = arith.constant 0.000000e+00 : f32
    %gt3A_32 = vector.broadcast %gt3A : f32 to vector<1000x1xf32>
    %gt3A_33 = arith.cmpf ogt, %add3A_19, %gt3A_32 : vector<1000x1xf32>
    %jit3A = arith.constant 0.000000e+00 : f32
    %broadcast_in_dim3A = vector.shape_cast %gt3A_33 : vector<1000x1xi1> to vector<1000x1xi1>
    %broadcast_in_dim3A_34 = vector.broadcast %broadcast_in_dim3A : vector<1000x1xi1> to vector<1000x128xi1>
    %broadcast_in_dim3A_35 = vector.broadcast %jit3A : f32 to vector<1000x128xf32>
    %select_n3A = arith.select %broadcast_in_dim3A_34, %add3A_31, %broadcast_in_dim3A_35 : vector<1000x128xi1>, vector<1000x128xf32>
    %mul3A = arith.constant 0.899999976 : f32
    %mul3A_36 = vector.broadcast %mul3A : f32 to vector<1000x128xf32>
    %mul3A_37 = arith.mulf %mul3A_36, %select_n3A : vector<1000x128xf32>
    %get3A_38 = arith.constant 0 : index
    %get3A_39 = arith.constant 0 : index
    %get3A_40 = vector.load %arg5[%get3A_38, %get3A_39] : memref<1000x128xf32, #tpu.memory_space<vmem>>, vector<1000x128xf32>
    %mul3A_41 = arith.constant 1.000000e-01 : f32
    %mul3A_42 = vector.broadcast %mul3A_41 : f32 to vector<1000x128xf32>
    %mul3A_43 = arith.mulf %mul3A_42, %get3A_40 : vector<1000x128xf32>
    %add3A_44 = arith.addf %mul3A_37, %mul3A_43 : vector<1000x128xf32>
    %swap3A = arith.constant 0 : index
    %swap3A_45 = arith.constant 0 : index
    %swap3A_46 = vector.load %arg6[%swap3A, %swap3A_45] : memref<1000x128xf32, #tpu.memory_space<vmem>>, vector<1000x128xf32>
    tpu.vector_store %arg6[%swap3A, %swap3A_45], %add3A_44 {strides = array<i32>} : memref<1000x128xf32, #tpu.memory_space<vmem>>, vector<1000x128xf32>,
    return
  }
  func.func @transform_0(%arg0: i32) -> (i32, i32, i32) {
    %c0_i32 = arith.constant 0 : i32
    %c0_i32_0 = arith.constant 0 : i32
    %c0_i32_1 = arith.constant 0 : i32
    return %c0_i32, %arg0, %c0_i32_0 : i32, i32, i32
  }
  func.func @transform_1(%arg0: i32) -> (i32, i32, i32) {
    %c0_i32 = arith.constant 0 : i32
    %c0_i32_0 = arith.constant 0 : i32
    %c0_i32_1 = arith.constant 0 : i32
    return %c0_i32, %arg0, %c0_i32_0 : i32, i32, i32
  }
  func.func @transform_2(%arg0: i32) -> (i32, i32) {
    %c0_i32 = arith.constant 0 : i32
    %c0_i32_0 = arith.constant 0 : i32
    %c0_i32_1 = arith.constant 0 : i32
    return %c0_i32, %c0_i32_0 : i32, i32
  }
  func.func @transform_3(%arg0: i32) -> (i32, i32) {
    %c0_i32 = arith.constant 0 : i32
    %c0_i32_0 = arith.constant 0 : i32
    %c0_i32_1 = arith.constant 0 : i32
    return %c0_i32, %c0_i32_0 : i32, i32
  }
  func.func @transform_4(%arg0: i32) -> (i32, i32) {
    %c0_i32 = arith.constant 0 : i32
    %c0_i32_0 = arith.constant 0 : i32
    return %arg0, %c0_i32 : i32, i32
  }
  func.func @transform_5(%arg0: i32) -> (i32, i32) {
    %c0_i32 = arith.constant 0 : i32
    %c0_i32_0 = arith.constant 0 : i32
    return %arg0, %c0_i32 : i32, i32
  }
}

</mosaic_0001>

<sc_bundles>
// kernel: kernel.12.cloned.1.call-start
scs
__scs_entry_jumppad:
0x0: {  	(pc) =	sbr.rel $0x88, $3  }
0x1: {  	(tag) =	ssettag $0x0;
	lr =	simm.s32 $0x1  }
0x2: {  	[smem:$0x3F93] =	sst lr;
	_ =	strace $0xD0000000  }
0x3: {  	_ = 	snop  }
0x4: {  	_ = 	snop  }
0x5: {  	_ = 	snop  }
0x6: {  	_ = 	snop  }
0x7: {  	_ = 	snop  }
__scs_overlays_trampoline_lowered:
0x8: {  	[smem:$0x3FA2] =	sst s0  }
0x9: {  	[smem:$0x3FA3] =	sst s1  }
0xa: {  	[smem:$0x3FA4] =	sst s2  }
0xb: {  	[smem:$0x3FA5] =	sst s3  }
0xc: {  	[smem:$0x3FA6] =	sst s4  }
0xd: {  	[smem:$0x3FA7] =	sst s5  }
0xe: {  	[smem:$0x3FA8] =	sst s6  }
0xf: {  	[smem:$0x3FA9] =	sst s7  }
0x10: {  	[smem:$0x3FAA] =	sst s8  }
0x11: {  	[smem:$0x3FAB] =	sst s9;
	s0 =	simm.s32 @!p0 $0x0  }
0x12: {  	s1 =	sld [smem:$0x3F91];
	s0 =	simm.s32 @p0 $0x1  }
0x13: {  	[smem:$0x3FAC] =	sst s0;
	s0 =	simm.s32 @!p1 $0x0  }
0x14: {  	s2 =	sld [smem:$0x3F90];
	s0 =	simm.s32 @p1 $0x1  }
0x15: {  	[smem:$0x3FAD] =	sst s0;
	s0 =	simm.s32 @!p2 $0x0  }
0x16: {  	s3 =	sld [smem:$0x3FDB];
	s0 =	simm.s32 @p2 $0x1  }
0x17: {  	s4 =	simm.s32 $0x1BF5;
	[smem:$0x3FAF] =	sst s0  }
0x18: {  	s0 =	sld [smem:$0x3F92];
	_ =	swait.ge [sflag:s4], $0x0  }
0x19: {  	s7 =	sld [smem:$0x3F93]  }
0x1a: {  	s8 =	sadd.s32 $0xFFFFE003, lr  }
0x1b: {  	s9 =	sadd.s32 $0xFFFFFEF7, lr;
	s5 =	simm.s32 $0xFFFFFFFF;
	p2 =	slt.u32 s8, $0xFFFFF086  }
0x1c: {  	p1 =	slt.u32 s9, $0xF7A;
	s5 =	simm.s32 @!p2 $0x0  }
0x1d: {  	s5 =	simm.s32 @p1 $0x1;
	p0 =	seq.s32 s7, s2  }
0x1e: {  	s7 =	smul.u32 @!p0 $0xF7A, s2;
	p2 =	seq.s32 @!p0 s5, $0x0  }
0x1f: {  	s9 =	smul.u32 $0xF7A, s1;
	s8 =	simm.s32 @!p0 $0x1BF5;
	p2 =	por !p2, p0  }
0x20: {  	[sflag:s8] =	ssyncset.s32 @!p0 $0xFFFFF086;
	s6 =	sadd.s32 @!p0 s3, s7;
	s7 =	simm.s32 @!p0 $0x108  }
0x21: {  	s3 =	sadd.s32 s3, s9;
	s6 =	sadd.s32 @!p0 $0x88, s6;
	s7 =	simm.s32 @p2 $0x1082  }
0x22: {  	[simem:s7], [sflag:s8] =	dma.local @!p0 [hbm:s6], $0xF7A  }
0x23: {  	s9 =	sor.u32 $0xD0000000, s2;
	s6 =	simm.s32 $0x108;
	_ =	swait.ge @!p0 [sflag:s8], $0x0  }
0x24: {  	s3 =	sadd.s32 $0x88, s3;
	s6 =	simm.s32 @!p1 $0x1082;
	[sflag:s4] =	ssyncset.s32 $0xFFFFF086  }
0x25: {  	[simem:s6], [sflag:s4] =	dma.local [hbm:s3], $0xF7A  }
0x26: {  	[smem:$0x3F93] =	sst s1;
	(tag) =	ssettag s2;
	_ =	strace s9  }
0x27: {  	s1 =	sld [smem:$0x3FA3]  }
0x28: {  	s2 =	sld [smem:$0x3FA4]  }
0x29: {  	s4 =	sld [smem:$0x3FA6]  }
0x2a: {  	p0 =	seq.s32 s5, $0x0;
	s5 =	sld [smem:$0x3FA7]  }
0x2b: {  	s6 =	sld [smem:$0x3FA8]  }
0x2c: {  	s7 =	sld [smem:$0x3FA9]  }
0x2d: {  	s3 =	simm.s32 $0x108;
	s8 =	sld [smem:$0x3FAA]  }
0x2e: {  	s3 =	simm.s32 @!p0 $0x1082;
	s9 =	sld [smem:$0x3FAB]  }
0x2f: {  	lr =	sadd.s32 s0, s3;
	s0 =	sld [smem:$0x3FA2]  }
0x30: {  	s3 =	sld [smem:$0x3FA5]  }
0x31: {  	[smem:$0x3FAE] =	sst s10  }
0x32: {  	s10 =	sld [smem:$0x3FAC];
	_ =	sdelay $0x3  }
0x33: {  	p0 =	seq.s32 s10, $0x1;
	s10 =	sld [smem:$0x3FAE];
	_ =	sdelay $0x3  }
0x34: {  	[smem:$0x3FAE] =	sst s10  }
0x35: {  	s10 =	sld [smem:$0x3FAD];
	_ =	sdelay $0x3  }
0x36: {  	p1 =	seq.s32 s10, $0x1;
	s10 =	sld [smem:$0x3FAE];
	_ =	sdelay $0x3  }
0x37: {  	[smem:$0x3FAE] =	sst s10  }
0x38: {  	s10 =	sld [smem:$0x3FAF]  }
0x39: {  	_ = 	snop;
	(pc) =	sbr.ind lr, $3  }
0x3a: {  	_ = 	snop  }
0x3b: {  	_ = 	snop  }
0x3c: {  	p2 =	seq.s32 s10, $0x1;
	s10 =	sld [smem:$0x3FAE]  }
0x3d: {  	_ =	shalt  }
0x3e: {  	_ =	shalt  }
0x3f: {  	_ =	shalt  }
0x40: {  	_ =	shalt  }
0x41: {  	_ =	shalt  }
0x42: {  	_ =	shalt  }
0x43: {  	_ =	shalt  }
0x44: {  	_ =	shalt  }
0x45: {  	_ =	shalt  }
0x46: {  	_ =	shalt  }
0x47: {  	_ =	shalt  }
0x48: {  	_ =	shalt  }
0x49: {  	_ =	shalt  }
0x4a: {  	_ =	shalt  }
0x4b: {  	_ =	shalt  }
0x4c: {  	_ =	shalt  }
0x4d: {  	_ =	shalt  }
0x4e: {  	_ =	shalt  }
0x4f: {  	_ =	shalt  }
0x50: {  	_ =	shalt  }
0x51: {  	_ =	shalt  }
0x52: {  	_ =	shalt  }
0x53: {  	_ =	shalt  }
0x54: {  	_ =	shalt  }
0x55: {  	_ =	shalt  }
0x56: {  	_ =	shalt  }
0x57: {  	_ =	shalt  }
0x58: {  	_ =	shalt  }
0x59: {  	_ =	shalt  }
0x5a: {  	_ =	shalt  }
0x5b: {  	_ =	shalt  }
0x5c: {  	_ =	shalt  }
0x5d: {  	_ =	shalt  }
0x5e: {  	_ =	shalt  }
0x5f: {  	_ =	shalt  }
0x60: {  	_ =	shalt  }
0x61: {  	_ =	shalt  }
0x62: {  	_ =	shalt  }
0x63: {  	_ =	shalt  }
0x64: {  	_ =	shalt  }
0x65: {  	_ =	shalt  }
0x66: {  	_ =	shalt  }
0x67: {  	_ =	shalt  }
0x68: {  	_ =	shalt  }
0x69: {  	_ =	shalt  }
0x6a: {  	_ =	shalt  }
0x6b: {  	_ =	shalt  }
0x6c: {  	_ =	shalt  }
0x6d: {  	_ =	shalt  }
0x6e: {  	_ =	shalt  }
0x6f: {  	_ =	shalt  }
0x70: {  	_ =	shalt  }
0x71: {  	_ =	shalt  }
0x72: {  	_ =	shalt  }
0x73: {  	_ =	shalt  }
0x74: {  	_ =	shalt  }
0x75: {  	_ =	shalt  }
0x76: {  	_ =	shalt  }
0x77: {  	_ =	shalt  }
0x78: {  	_ =	shalt  }
0x79: {  	_ =	shalt  }
0x7a: {  	_ =	shalt  }
0x7b: {  	_ =	shalt  }
0x7c: {  	_ =	shalt  }
0x7d: {  	_ =	shalt  }
0x7e: {  	_ =	shalt  }
0x7f: {  	_ =	shalt  }
0x80: {  	_ =	shalt  }
0x81: {  	_ =	shalt  }
0x82: {  	_ =	shalt  }
0x83: {  	_ =	shalt  }
0x84: {  	_ =	shalt  }
0x85: {  	_ =	shalt  }
0x86: {  	_ =	shalt  }
0x87: {  	_ =	shalt  }
.Lfunc_end0:
.L_simem_size_0:
called_computation.1_lowered:
.L_overlay_start_0:
0x88: {  	s2 =	sld [smem:$0x3FD9]  }
0x89: {  	s3 =	sld [smem:$0x3FFE];
	_ =	sdelay $0x1  }
0x8a: {  	s1 =	srdreg.scid  }
0x8b: {  	s0 =	sand.u32 $0x1, s1  }
0x8c: {  	s17 =	sshll.u32 s0, $0xA;
	s2 =	sadd.s32 s3, s2  }
0x8d: {  	s2 =	sadd.s32 s2, s17  }
0x8e: {  	[smem:$0x3FBA] =	sst s2  }
0x8f: {  	_ = 	snop  }
0x90: {  	s2 =	sld [smem:$0x3FD0];
	(tm) =	ssettm $0x1  }
0x91: {  	s18 =	sld [smem:$0x3FFB];
	_ =	sdelay $0x3  }
0x92: {  	_ =	strace s18  }
0x93: {  	s3 =	sld [smem:$0x3FFC];
	_ =	sdelay $0x3  }
0x94: {  	_ =	strace s3  }
0x95: {  	s3 =	sld [smem:$0x3FFD];
	_ =	sdelay $0x3  }
0x96: {  	_ =	strace s3  }
0x97: {  	_ =	strace $0x8FFFFFFF  }
0x98: {  	s19 =	sld [smem:$0x3FDB];
	_ =	sdelay $0x1  }
0x99: {  	s4 =	simm.s32 $_scs_section_size  }
0x9a: {  	s5 =	simm.s32 $_size__tile_overlayer_lowered;
	s6 =	simm.s32 $_tile_overlayer_lowered  }
0x9b: {  	s22 =	simm.s32 $0x1BFF;
	s21 =	sshll.u32 s6, $0x1;
	s3 =	sadd.s32 s4, s19  }
0x9c: {  	s7 =	simm.s32 $0x0;
	s20 =	sshll.u32 s5, $0x1;
	s5 =	sadd.s32 s21, s3  }
0x9d: {  	[timem:s7], [sflag:s22] =	dma.local [hbm:s5], s20  }
0x9e: {  	_ =	swait.ge [sflag:s22], s20  }
0x9f: {  	s4 =	ssub.s32 $0x0, s20;
	[sflag:s22] =	ssyncset.done $0x0  }
0xa0: {  	[sflag:s22] =	ssyncadd.s32 s4;
	_ =	sdelay $0x1  }
0xa1: {  	s23 =	simm.s32 $0x1B8B  }
0xa2: {  	_ =	swait.ge [sflag:s23], $0x1  }
0xa3: {  	[sflag:s23] =	ssyncset.done $0x0  }
0xa4: {  	s25 =	simm.s32 $0x1B8E;
	s24 =	sld [smem:$0x3FFE];
	[sflag:s23] =	ssyncadd.s32 $0xFFFFFFFF  }
0xa5: {  	s26 =	simm.s32 $execute0_lowered;
	[smem:$0x3FD2] =	sst s25  }
0xa6: {  	s5 =	sshll.u32 s26, $0x1;
	_ =	strace $0x80000049;
	[dreg:$0x1] =	wrdreg $0xFFFFFFFF  }
0xa7: {  	s28 =	simm.s32 $_size_execute0_lowered;
	s3 =	sadd.s32 s3, s5;
	[dreg:$0x0] =	wrdreg $0x0  }
0xa8: {  	s5 =	sshll.u32 s28, $0x1;
	[dreg:$0x2] =	wrdreg s3  }
0xa9: {  	[dreg:$0x3] =	wrdreg s5  }
0xaa: {  	[dreg:$0x4] =	wrdreg $0xC0  }
0xab: {  	_ =	task [dreg:s7], $0x5FFFF  }
0xac: {  	[dreg:$0x1] =	wrdreg $0xFFFFFFFF  }
0xad: {  	[dreg:$0x0] =	wrdreg $0x60  }
0xae: {  	[dreg:$0x2] =	wrdreg s2  }
0xaf: {  	[dreg:$0x3] =	wrdreg s24  }
0xb0: {  	[dreg:$0x4] =	wrdreg $0x50000  }
0xb1: {  	[dreg:$0x5] =	wrdreg $0x9  }
0xb2: {  	_ =	task.clear_ibuf [dreg:s7], $0x6FFFF;
	_ =	strace $0x90000049  }
0xb3: {  	s29 =	simm.s32 $0x9;
	_ =	strace $0x8000004B  }
0xb4: {  	_ =	swait.ge [sflag:s29], $0x1  }
0xb5: {  	[sflag:s29] =	ssyncadd.s32 $0xFFFFFFFF  }
0xb6: {  	_ =	strace $0x9000004B  }
0xb7: {  	_ =	sfence  }
0xb8: {  	s30 =	sld [smem:$0x0];
	_ =	sdelay $0x2  }
0xb9: {  	s31 =	sshll.u32 s1, $0xD;
	s1 =	sshrl.u32 s1, $0x2  }
0xba: {  	s3 =	sand.u32 $0x4000, s31;
	s1 =	sadd.s32 s1, s30  }
0xbb: {  	s0 =	sor.u32 s3, s0;
	s1 =	sshll.u32 s1, $0x11  }
0xbc: {  	s0 =	sor.u32 s1, s0  }
0xbd: {  	s0 =	sadd.s32 $0x8F2B, s0  }
0xbe: {  	[sflag:s0] =	ssyncadd.remote.s32 $0x1  }
0xbf: {  	_ =	sfence.sel $0xFFFF  }
0xc0: {  	[dreg:$0x0] =	wrdreg $0xFFFFFFFF;
	(pc) =	sbr.abs _section_cstart, $3  }
0xc1: {  	[dreg:$0x1] =	wrdreg $0xFFFFFFFF  }
0xc2: {  	_ =	task.clear_ibuf [dreg:s7], $0x2FFFF;
	_ =	strace $0x9FFFFFFF  }
0xc3: {  	(tm) =	ssettm $0x7FFFFFFF  }
tec
execute0_lowered:
.L_overlay_start_1:
0x0: {  	(tag) =	ssettag $0x1  }
0x1: {  	s1 =	rddreg [dreg:$0x0]  }
0x2: {  	s0 =	rddreg [dreg:$0x1]  }
0x3: {  	s2 =	rddreg [dreg:$0x2];
	s3 =	simm.s32 $0x0;
	s4 =	srdreg.scid  }
0x4: {  	s11 =	stileid.u32;
	s29 =	simm.s32 $0x2000;
	s30 =	simm.s32 $0x2  }
0x5: {  	s31 =	simm.s32 $0x50;
	[smem:$0x7FF] =	sst s3;
	s8 =	smul.u32 $0x4E000, s11  }
0x6: {  	s4 =	sand.u32 $0x1, s4;
	s10 =	sshll.u32 s11, $0x1;
	s11 =	smul.u32 $0x13800, s11  }
0x7: {  	s5 =	sadd.s32 $0x18400, s0;
	s6 =	sadd.s32 $0x7AE00, s0;
	s7 =	ssub.s32 $0x2, s4  }
0x8: {  	_ =	strace $0x8000004A;
	s9 =	sshrl.u32 s7, $0x1;
	s19 =	sadd.s32 $0x2800, s11  }
0x9: {  	s20 =	sadd.s32 $0x5000, s11;
	s21 =	sadd.s32 $0x7800, s11;
	s22 =	sadd.s32 $0xA000, s11  }
0xa: {  	s7 =	ssub.s32 s7, s9;
	s9 =	sor.u32 s4, s10;
	s4 =	smul.u32 $0x138800, s4  }
0xb: {  	s23 =	sadd.s32 $0xC800, s11;
	s24 =	sadd.s32 $0xF000, s11;
	s28 =	smax.u32 s7, $0x1  }
0xc: {  	s25 =	sadd.s32 s11, s4;
	s12 =	sadd.s32 s4, s19;
	s13 =	sadd.s32 s4, s22  }
0xd: {  	s16 =	sadd.s32 s4, s23;
	s17 =	sadd.s32 s4, s24;
	s19 =	sadd.s32 s19, s2  }
0xe: {  	s22 =	sadd.s32 s22, s2;
	s23 =	sadd.s32 s23, s2;
	s24 =	sadd.s32 s24, s2  }
0xf: {  	s10 =	sshrl.u32 s25, $0x3;
	s25 =	sadd.s32 $0x11800, s11;
	s26 =	sshrl.u32 s12, $0x3  }
0x10: {  	s11 =	sadd.s32 s4, s20;
	s12 =	sadd.s32 s4, s21;
	s15 =	sshrl.u32 s13, $0x3  }
0x11: {  	s20 =	sadd.s32 s20, s2;
	s21 =	sadd.s32 s21, s2;
	s10 =	sadd.s32 s6, s10  }
0x12: {  	s4 =	sadd.s32 s4, s25;
	s25 =	sadd.s32 s25, s2;
	[dreg:$0x4] =	wrdreg s10  }
0x13: {  	s10 =	sadd.s32 s6, s26;
	s4 =	sshrl.u32 s4, $0x3;
	s26 =	sshrl.u32 s8, $0x2  }
0x14: {  	[dreg:$0x5] =	wrdreg s10;
	s10 =	sshrl.u32 s11, $0x3;
	s11 =	sshrl.u32 s12, $0x3  }
0x15: {  	s12 =	sshrl.u32 s17, $0x3;
	s13 =	sadd.s32 s6, s4;
	s17 =	sadd.s32 $0x4200, s0  }
0x16: {  	s4 =	simm.s32 $0x1000;
	s10 =	sadd.s32 s6, s10;
	s14 =	sadd.s32 s6, s11  }
0x17: {  	s11 =	sshrl.u32 s16, $0x3;
	s12 =	sadd.s32 s6, s12;
	[dreg:$0x6] =	wrdreg s10  }
0x18: {  	s16 =	sadd.s32 $0x4000, s0;
	[dreg:$0x7] =	wrdreg s14;
	s10 =	sadd.s32 s6, s15  }
0x19: {  	s18 =	sadd.s32 s6, s11;
	s14 =	sadd.s32 $0x4400, s0;
	s15 =	sadd.s32 $0x2C400, s0  }
0x1a: {  	s0 =	simm.s32 $0x1;
	s6 =	simm.s32 $0x0;
	[dreg:$0x8] =	wrdreg s10  }
0x1b: {  	[dreg:$0x9] =	wrdreg s18;
	s18 =	sadd.s32 s26, s2;
	s26 =	smul.u32 $0x5000, s9  }
.LBB2_1:
0x1c: {  	[tilespmem:s29], [sflag:$0x2] =	stream.linear.gather [hbm4b:s15+s3], $0x2800, $0x38;
	[tilespmem:$0x18880] =	vst v63  }
0x1d: {  	_ =	swait.ge [sflag:s30], $0x2800  }
0x1e: {  	[sflag:s30] =	ssyncset.done $0x0  }
0x1f: {  	[sflag:s30] =	ssyncadd.s32 $0xFFFFD800  }
0x20: {  	[spmem:s18] =	stream.linear.scatter [tilespmem:s29], [sflag:$0x2], $0x2800, $0x38;
	[tilespmem:$0x18880] =	vst v63  }
0x21: {  	_ =	swait.ge [sflag:s30], $0x2800  }
0x22: {  	[sflag:s30] =	ssyncset.done $0x0  }
0x23: {  	[sflag:s30] =	ssyncadd.s32 $0xFFFFD800  }
0x24: {  	[spmem:s19] =	stream.linear.scatter [tilespmem:s29], [sflag:$0x2], $0x2800, $0x38;
	[tilespmem:$0x18880] =	vst v63  }
0x25: {  	_ =	swait.ge [sflag:s30], $0x2800  }
0x26: {  	[sflag:s30] =	ssyncset.done $0x0  }
0x27: {  	[sflag:s30] =	ssyncadd.s32 $0xFFFFD800  }
0x28: {  	[spmem:s20] =	stream.linear.scatter [tilespmem:s29], [sflag:$0x2], $0x2800, $0x38;
	[tilespmem:$0x18880] =	vst v63  }
0x29: {  	_ =	swait.ge [sflag:s30], $0x2800  }
0x2a: {  	[sflag:s30] =	ssyncset.done $0x0  }
0x2b: {  	[sflag:s30] =	ssyncadd.s32 $0xFFFFD800  }
0x2c: {  	[spmem:s21] =	stream.linear.scatter [tilespmem:s29], [sflag:$0x2], $0x2800, $0x38;
	[tilespmem:$0x18880] =	vst v63  }
0x2d: {  	_ =	swait.ge [sflag:s30], $0x2800  }
0x2e: {  	[sflag:s30] =	ssyncset.done $0x0  }
0x2f: {  	[sflag:s30] =	ssyncadd.s32 $0xFFFFD800  }
0x30: {  	[spmem:s22] =	stream.linear.scatter [tilespmem:s29], [sflag:$0x2], $0x2800, $0x38;
	[tilespmem:$0x18880] =	vst v63  }
0x31: {  	_ =	swait.ge [sflag:s30], $0x2800  }
0x32: {  	[sflag:s30] =	ssyncset.done $0x0  }
0x33: {  	[sflag:s30] =	ssyncadd.s32 $0xFFFFD800  }
0x34: {  	[spmem:s23] =	stream.linear.scatter [tilespmem:s29], [sflag:$0x2], $0x2800, $0x38;
	[tilespmem:$0x18880] =	vst v63  }
0x35: {  	_ =	swait.ge [sflag:s30], $0x2800  }
0x36: {  	[sflag:s30] =	ssyncset.done $0x0  }
0x37: {  	[sflag:s30] =	ssyncadd.s32 $0xFFFFD800  }
0x38: {  	[spmem:s24] =	stream.linear.scatter [tilespmem:s29], [sflag:$0x2], $0x2800, $0x38;
	[tilespmem:$0x18880] =	vst v63  }
0x39: {  	_ =	swait.ge [sflag:s30], $0x2800  }
0x3a: {  	[sflag:s30] =	ssyncset.done $0x0  }
0x3b: {  	[sflag:s30] =	ssyncadd.s32 $0xFFFFD800  }
0x3c: {  	[spmem:s25] =	stream.linear.scatter [tilespmem:s29], [sflag:$0x2], $0x2800, $0x38;
	[tilespmem:$0x18880] =	vst v63  }
0x3d: {  	_ =	swait.ge [sflag:s30], $0x2800  }
0x3e: {  	[sflag:s30] =	ssyncset.done $0x0  }
0x3f: {  	s7 =	simm.s32 $0x4800;
	[sflag:s30] =	ssyncadd.s32 $0xFFFFD800  }
0x40: {  	[tilespmem:s7], [sflag:$0x2] =	stream.linear.gather [hbm4b:s16+s3], $0x400, $0x38;
	[tilespmem:$0x18880] =	vst v63  }
0x41: {  	_ =	swait.ge [sflag:s30], $0x400  }
0x42: {  	[sflag:s30] =	ssyncset.done $0x0  }
0x43: {  	s11 =	simm.s32 $0x4C00;
	[sflag:s30] =	ssyncadd.s32 $0xFFFFFC00  }
0x44: {  	[tilespmem:s11], [sflag:$0x2] =	stream.linear.gather [hbm4b:s17+s3], $0x400, $0x38;
	[tilespmem:$0x18880] =	vst v63  }
0x45: {  	_ =	swait.ge [sflag:s30], $0x400  }
0x46: {  	[sflag:s30] =	ssyncset.done $0x0  }
0x47: {  	[sflag:s30] =	ssyncadd.s32 $0xFFFFFC00  }
0x48: {  	s7 =	simm.s32 $0x0;
	[bflag:$0x0] =	sbarrier.arrive $0xFFFF  }
.LBB2_2:
0x49: {  	s8 =	sshll.u32 s7, $0xC  }
0x4a: {  	s8 =	sadd.s32 s26, s8  }
0x4b: {  	s8 =	sshrl.u32 s8, $0x3  }
0x4c: {  	s10 =	simm.s32 $0x0;
	s9 =	sadd.s32 s5, s8  }
0x4d: {  	[tilespmem:s10], [sflag:$0x2] =	stream.linear.gather [hbm4b:s9+s10], $0xC80, $0x38;
	[tilespmem:$0x18880] =	vst v63  }
0x4e: {  	_ =	swait.ge [sflag:s30], $0xC80  }
0x4f: {  	[sflag:s30] =	ssyncset.done $0x0  }
0x50: {  	s8 =	sadd.s32 s14, s8;
	[sflag:s30] =	ssyncadd.s32 $0xFFFFF380  }
0x51: {  	[tilespmem:s4], [sflag:$0x2] =	stream.linear.gather [hbm4b:s8+s10], $0xC80, $0x38;
	[tilespmem:$0x18880] =	vst v63  }
0x52: {  	_ =	swait.ge [sflag:s30], $0xC80  }
0x53: {  	[sflag:s30] =	ssyncset.done $0x0  }
0x54: {  	s10 =	simm.s32 $0x0;
	[sflag:s30] =	ssyncadd.s32 $0xFFFFF380  }
0x55: {  	[tilespmem:s29], [sflag:$0x1] =	stream.indirect.gather [hbm4b:s1+s31], $0x80, s10, s31, $0xb8;
	[tilespmem:$0x18880] =	vst v63  }
0x56: {  	_ =	swait.ge [sflag:s0], $0x2800  }
0x57: {  	[sflag:s0] =	ssyncset.done $0x0  }
0x58: {  	s11 =	simm.s32 $0x1000;
	[sflag:s0] =	ssyncadd.s32 $0xFFFFD800  }
0x59: {  	[spmem:s2] =	stream.indirect.scatter.add.f32 [tilespmem:s29], [sflag:$0x2], $0x80, s11, s31, $0xb8;
	[tilespmem:$0x18880] =	vst v63  }
0x5a: {  	_ =	swait.ge [sflag:s30], $0x2800  }
0x5b: {  	s9 =	simm.s32 $0x400;
	s8 =	simm.s32 $0x200;
	[sflag:s30] =	ssyncset.done $0x0  }
.LBB2_3:
0x5c: {  	s10 =	sshra.s32 s8, $0x2  }
0x5d: {  	[sflag:s30] =	ssyncadd.s32 $0xFFFFD800;
	s8 =	smov.u32 s9;
	s11 =	sadd.s32 $0x200, s9  }
0x5e: {  	[tilespmem:s29], [sflag:$0x1] =	stream.indirect.gather [hbm4b:s1+s31], $0x80, s10, s31, $0xb8;
	[tilespmem:$0x18880] =	vst v63  }
0x5f: {  	p0 =	sne.s32 s9, $0x3000;
	_ =	swait.ge [sflag:s0], $0x2800  }
.Ltmp0:
0x60: {  	[sflag:s0] =	ssyncset.done $0x0;
	(pc) =	sbr.rel @p0 .LBB2_3-.Ltmp0, $4  }
0x61: {  	s9 =	sadd.s32 $0x1000, s10;
	[sflag:s0] =	ssyncadd.s32 $0xFFFFD800  }
0x62: {  	[spmem:s2] =	stream.indirect.scatter.add.f32 [tilespmem:s29], [sflag:$0x2], $0x80, s9, s31, $0xb8;
	[tilespmem:$0x18880] =	vst v63  }
0x63: {  	_ =	swait.ge [sflag:s30], $0x2800  }
0x64: {  	s9 =	smov.u32 s11;
	[sflag:s30] =	ssyncset.done $0x0  }
0x65: {  	s8 =	sshra.s32 s8, $0x2;
	[sflag:s30] =	ssyncadd.s32 $0xFFFFD800  }
0x66: {  	[tilespmem:s29], [sflag:$0x1] =	stream.indirect.gather [hbm4b:s1+s31], $0x80, s8, s31, $0xb8;
	[tilespmem:$0x18880] =	vst v63  }
0x67: {  	s7 =	sadd.s32 $0x1, s7;
	_ =	swait.ge [sflag:s0], $0x2800  }
0x68: {  	p0 =	sne.s32 s7, $0x5;
	[sflag:s0] =	ssyncset.done $0x0  }
.Ltmp1:
0x69: {  	s8 =	sadd.s32 $0x1000, s8;
	[sflag:s0] =	ssyncadd.s32 $0xFFFFD800;
	(pc) =	sbr.rel @p0 .LBB2_2-.Ltmp1, $4  }
0x6a: {  	[spmem:s2] =	stream.indirect.scatter.add.f32 [tilespmem:s29], [sflag:$0x2], $0x80, s8, s31, $0xb8;
	[tilespmem:$0x18880] =	vst v63  }
0x6b: {  	_ =	swait.ge [sflag:s30], $0x2800  }
0x6c: {  	[sflag:s30] =	ssyncset.done $0x0  }
0x6d: {  	[sflag:s30] =	ssyncadd.s32 $0xFFFFD800  }
0x6e: {  	[bflag:$0x0] =	sbarrier.arrive $0xFFFF  }
0x6f: {  	[tilespmem:s29], [sflag:$0x2] =	stream.linear.gather [spmem:s18], $0x2800, $0x38;
	[tilespmem:$0x18880] =	vst v63  }
0x70: {  	_ =	swait.ge [sflag:s30], $0x2800  }
0x71: {  	[sflag:s30] =	ssyncset.done $0x0  }
0x72: {  	s7 =	rddreg [dreg:$0x4];
	[sflag:s30] =	ssyncadd.s32 $0xFFFFD800  }
0x73: {  	[hbm4b:s7+s3] =	stream.linear.scatter [tilespmem:s29], [sflag:$0x2], $0x2800, $0x38;
	[tilespmem:$0x18880] =	vst v63  }
0x74: {  	_ =	swait.ge [sflag:s30], $0x2800  }
0x75: {  	[sflag:s30] =	ssyncset.done $0x0  }
0x76: {  	[sflag:s30] =	ssyncadd.s32 $0xFFFFD800  }
0x77: {  	[tilespmem:s29], [sflag:$0x2] =	stream.linear.gather [spmem:s19], $0x2800, $0x38;
	[tilespmem:$0x18880] =	vst v63  }
0x78: {  	_ =	swait.ge [sflag:s30], $0x2800  }
0x79: {  	[sflag:s30] =	ssyncset.done $0x0  }
0x7a: {  	s11 =	rddreg [dreg:$0x5];
	[sflag:s30] =	ssyncadd.s32 $0xFFFFD800  }
0x7b: {  	[hbm4b:s11+s3] =	stream.linear.scatter [tilespmem:s29], [sflag:$0x2], $0x2800, $0x38;
	[tilespmem:$0x18880] =	vst v63  }
0x7c: {  	_ =	swait.ge [sflag:s30], $0x2800  }
0x7d: {  	[sflag:s30] =	ssyncset.done $0x0  }
0x7e: {  	[sflag:s30] =	ssyncadd.s32 $0xFFFFD800  }
0x7f: {  	[tilespmem:s29], [sflag:$0x2] =	stream.linear.gather [spmem:s20], $0x2800, $0x38;
	[tilespmem:$0x18880] =	vst v63  }
0x80: {  	_ =	swait.ge [sflag:s30], $0x2800  }
0x81: {  	[sflag:s30] =	ssyncset.done $0x0  }
0x82: {  	s8 =	rddreg [dreg:$0x6];
	[sflag:s30] =	ssyncadd.s32 $0xFFFFD800  }
0x83: {  	[hbm4b:s8+s3] =	stream.linear.scatter [tilespmem:s29], [sflag:$0x2], $0x2800, $0x38;
	[tilespmem:$0x18880] =	vst v63  }
0x84: {  	_ =	swait.ge [sflag:s30], $0x2800  }
0x85: {  	[sflag:s30] =	ssyncset.done $0x0  }
0x86: {  	[sflag:s30] =	ssyncadd.s32 $0xFFFFD800  }
0x87: {  	[tilespmem:s29], [sflag:$0x2] =	stream.linear.gather [spmem:s21], $0x2800, $0x38;
	[tilespmem:$0x18880] =	vst v63  }
0x88: {  	_ =	swait.ge [sflag:s30], $0x2800  }
0x89: {  	[sflag:s30] =	ssyncset.done $0x0  }
0x8a: {  	s9 =	rddreg [dreg:$0x7];
	[sflag:s30] =	ssyncadd.s32 $0xFFFFD800  }
0x8b: {  	[hbm4b:s9+s3] =	stream.linear.scatter [tilespmem:s29], [sflag:$0x2], $0x2800, $0x38;
	[tilespmem:$0x18880] =	vst v63  }
0x8c: {  	_ =	swait.ge [sflag:s30], $0x2800  }
0x8d: {  	[sflag:s30] =	ssyncset.done $0x0  }
0x8e: {  	[sflag:s30] =	ssyncadd.s32 $0xFFFFD800  }
0x8f: {  	[tilespmem:s29], [sflag:$0x2] =	stream.linear.gather [spmem:s22], $0x2800, $0x38;
	[tilespmem:$0x18880] =	vst v63  }
0x90: {  	_ =	swait.ge [sflag:s30], $0x2800  }
0x91: {  	[sflag:s30] =	ssyncset.done $0x0  }
0x92: {  	s10 =	rddreg [dreg:$0x8];
	[sflag:s30] =	ssyncadd.s32 $0xFFFFD800  }
0x93: {  	[hbm4b:s10+s3] =	stream.linear.scatter [tilespmem:s29], [sflag:$0x2], $0x2800, $0x38;
	[tilespmem:$0x18880] =	vst v63  }
0x94: {  	_ =	swait.ge [sflag:s30], $0x2800  }
0x95: {  	[sflag:s30] =	ssyncset.done $0x0  }
0x96: {  	[sflag:s30] =	ssyncadd.s32 $0xFFFFD800  }
0x97: {  	[tilespmem:s29], [sflag:$0x2] =	stream.linear.gather [spmem:s23], $0x2800, $0x38;
	[tilespmem:$0x18880] =	vst v63  }
0x98: {  	_ =	swait.ge [sflag:s30], $0x2800  }
0x99: {  	[sflag:s30] =	ssyncset.done $0x0  }
0x9a: {  	s11 =	rddreg [dreg:$0x9];
	[sflag:s30] =	ssyncadd.s32 $0xFFFFD800  }
0x9b: {  	[hbm4b:s11+s3] =	stream.linear.scatter [tilespmem:s29], [sflag:$0x2], $0x2800, $0x38;
	[tilespmem:$0x18880] =	vst v63  }
0x9c: {  	_ =	swait.ge [sflag:s30], $0x2800  }
0x9d: {  	[sflag:s30] =	ssyncset.done $0x0  }
0x9e: {  	[sflag:s30] =	ssyncadd.s32 $0xFFFFD800  }
0x9f: {  	[tilespmem:s29], [sflag:$0x2] =	stream.linear.gather [spmem:s24], $0x2800, $0x38;
	[tilespmem:$0x18880] =	vst v63  }
0xa0: {  	_ =	swait.ge [sflag:s30], $0x2800  }
0xa1: {  	[sflag:s30] =	ssyncset.done $0x0  }
0xa2: {  	[sflag:s30] =	ssyncadd.s32 $0xFFFFD800  }
0xa3: {  	[hbm4b:s12+s3] =	stream.linear.scatter [tilespmem:s29], [sflag:$0x2], $0x2800, $0x38;
	[tilespmem:$0x18880] =	vst v63  }
0xa4: {  	_ =	swait.ge [sflag:s30], $0x2800  }
0xa5: {  	[sflag:s30] =	ssyncset.done $0x0  }
0xa6: {  	[sflag:s30] =	ssyncadd.s32 $0xFFFFD800  }
0xa7: {  	[tilespmem:s29], [sflag:$0x2] =	stream.linear.gather [spmem:s25], $0x2800, $0x38;
	[tilespmem:$0x18880] =	vst v63  }
0xa8: {  	s6 =	sadd.s32 $0x1, s6;
	_ =	swait.ge [sflag:s30], $0x2800  }
0xa9: {  	p0 =	sne.s32 s6, s28;
	[sflag:s30] =	ssyncset.done $0x0  }
.Ltmp2:
0xaa: {  	[sflag:s30] =	ssyncadd.s32 $0xFFFFD800;
	(pc) =	sbr.rel @p0 .LBB2_1-.Ltmp2, $4  }
0xab: {  	[hbm4b:s13+s3] =	stream.linear.scatter [tilespmem:s29], [sflag:$0x2], $0x2800, $0x38;
	[tilespmem:$0x18880] =	vst v63  }
0xac: {  	_ =	swait.ge [sflag:s30], $0x2800  }
0xad: {  	[sflag:s30] =	ssyncset.done $0x0  }
0xae: {  	[sflag:s30] =	ssyncadd.s32 $0xFFFFD800  }
0xaf: {  	_ =	sfence.sel $0x180000  }
0xb0: {  	[bflag:$0x0] =	sbarrier.arrive $0xFFFF  }
0xb1: {  	_ =	strace $0x9000004A  }
0xb2: {  	s0 =	stileid.u32;
	[bflag:$0x2] =	sbarrier.arrive $0xFFFF  }
0xb3: {  	p0 =	sne.s32 s0, $0x0;
	s0 =	rddreg [dreg:$0x3]  }
0xb4: {  	s0 =	sadd.s32 @!p0 $0x100000, s0  }
0xb5: {  	[sflag:s0] =	ssyncadd.tile.s32 @!p0 $0x1;
	_ =	shalt  }
.Lfunc_end2:
_tile_overlayer_lowered:
.L_overlay_start_2:
0xb6: {  	(tag) =	ssettag $0x2  }
0xb7: {  	s0 =	rddreg [dreg:$0x0];
	s2 =	stileid.u32  }
0xb8: {  	s1 =	rddreg [dreg:$0x1];
	p0 =	sne.s32 s2, $0x0  }
0xb9: {  	s3 =	rddreg [dreg:$0x2];
	[bflag:$0x3] =	sbarrier.arrive $0xFFFF;
	s2 =	simm.s32 @!p0 $0x1C02  }
0xba: {  	[timem:s3], [sflag:s2] =	dma.local @!p0 [hbm:s0], s1  }
0xbb: {  	s0 =	simm.s32 @!p0 $0x2  }
0xbc: {  	_ =	swait.ge @!p0 [sflag:s0], s1  }
0xbd: {  	s1 =	ssub.s32 @!p0 $0x0, s1;
	[sflag:s0] =	ssyncset.done @!p0 $0x0  }
0xbe: {  	[sflag:s0] =	ssyncadd.s32 @!p0 s1  }
0xbf: {  	[bflag:$0x3] =	sbarrier.arrive $0xFFFF  }
0xc0: {  	_ =	shalt  }

// kernel: kernel.15.cloned.1.call-start
scs
__scs_entry_jumppad:
0x0: {  	(pc) =	sbr.rel $0x88, $3  }
0x1: {  	(tag) =	ssettag $0x0;
	lr =	simm.s32 $0x1  }
0x2: {  	[smem:$0x3F93] =	sst lr;
	_ =	strace $0xD0000000  }
0x3: {  	_ = 	snop  }
0x4: {  	_ = 	snop  }
0x5: {  	_ = 	snop  }
0x6: {  	_ = 	snop  }
0x7: {  	_ = 	snop  }
__scs_overlays_trampoline_lowered:
0x8: {  	[smem:$0x3FA2] =	sst s0  }
0x9: {  	[smem:$0x3FA3] =	sst s1  }
0xa: {  	[smem:$0x3FA4] =	sst s2  }
0xb: {  	[smem:$0x3FA5] =	sst s3  }
0xc: {  	[smem:$0x3FA6] =	sst s4  }
0xd: {  	[smem:$0x3FA7] =	sst s5  }
0xe: {  	[smem:$0x3FA8] =	sst s6  }
0xf: {  	[smem:$0x3FA9] =	sst s7  }
0x10: {  	[smem:$0x3FAA] =	sst s8  }
0x11: {  	[smem:$0x3FAB] =	sst s9;
	s0 =	simm.s32 @!p0 $0x0  }
0x12: {  	s1 =	sld [smem:$0x3F91];
	s0 =	simm.s32 @p0 $0x1  }
0x13: {  	[smem:$0x3FAC] =	sst s0;
	s0 =	simm.s32 @!p1 $0x0  }
0x14: {  	s2 =	sld [smem:$0x3F90];
	s0 =	simm.s32 @p1 $0x1  }
0x15: {  	[smem:$0x3FAD] =	sst s0;
	s0 =	simm.s32 @!p2 $0x0  }
0x16: {  	s3 =	sld [smem:$0x3FDB];
	s0 =	simm.s32 @p2 $0x1  }
0x17: {  	s4 =	simm.s32 $0x1BF5;
	[smem:$0x3FAF] =	sst s0  }
0x18: {  	s0 =	sld [smem:$0x3F92];
	_ =	swait.ge [sflag:s4], $0x0  }
0x19: {  	s7 =	sld [smem:$0x3F93]  }
0x1a: {  	s8 =	sadd.s32 $0xFFFFE003, lr  }
0x1b: {  	s9 =	sadd.s32 $0xFFFFFEF7, lr;
	s5 =	simm.s32 $0xFFFFFFFF;
	p2 =	slt.u32 s8, $0xFFFFF086  }
0x1c: {  	p1 =	slt.u32 s9, $0xF7A;
	s5 =	simm.s32 @!p2 $0x0  }
0x1d: {  	s5 =	simm.s32 @p1 $0x1;
	p0 =	seq.s32 s7, s2  }
0x1e: {  	s7 =	smul.u32 @!p0 $0xF7A, s2;
	p2 =	seq.s32 @!p0 s5, $0x0  }
0x1f: {  	s9 =	smul.u32 $0xF7A, s1;
	s8 =	simm.s32 @!p0 $0x1BF5;
	p2 =	por !p2, p0  }
0x20: {  	[sflag:s8] =	ssyncset.s32 @!p0 $0xFFFFF086;
	s6 =	sadd.s32 @!p0 s3, s7;
	s7 =	simm.s32 @!p0 $0x108  }
0x21: {  	s3 =	sadd.s32 s3, s9;
	s6 =	sadd.s32 @!p0 $0x88, s6;
	s7 =	simm.s32 @p2 $0x1082  }
0x22: {  	[simem:s7], [sflag:s8] =	dma.local @!p0 [hbm:s6], $0xF7A  }
0x23: {  	s9 =	sor.u32 $0xD0000000, s2;
	s6 =	simm.s32 $0x108;
	_ =	swait.ge @!p0 [sflag:s8], $0x0  }
0x24: {  	s3 =	sadd.s32 $0x88, s3;
	s6 =	simm.s32 @!p1 $0x1082;
	[sflag:s4] =	ssyncset.s32 $0xFFFFF086  }
0x25: {  	[simem:s6], [sflag:s4] =	dma.local [hbm:s3], $0xF7A  }
0x26: {  	[smem:$0x3F93] =	sst s1;
	(tag) =	ssettag s2;
	_ =	strace s9  }
0x27: {  	s1 =	sld [smem:$0x3FA3]  }
0x28: {  	s2 =	sld [smem:$0x3FA4]  }
0x29: {  	s4 =	sld [smem:$0x3FA6]  }
0x2a: {  	p0 =	seq.s32 s5, $0x0;
	s5 =	sld [smem:$0x3FA7]  }
0x2b: {  	s6 =	sld [smem:$0x3FA8]  }
0x2c: {  	s7 =	sld [smem:$0x3FA9]  }
0x2d: {  	s3 =	simm.s32 $0x108;
	s8 =	sld [smem:$0x3FAA]  }
0x2e: {  	s3 =	simm.s32 @!p0 $0x1082;
	s9 =	sld [smem:$0x3FAB]  }
0x2f: {  	lr =	sadd.s32 s0, s3;
	s0 =	sld [smem:$0x3FA2]  }
0x30: {  	s3 =	sld [smem:$0x3FA5]  }
0x31: {  	[smem:$0x3FAE] =	sst s10  }
0x32: {  	s10 =	sld [smem:$0x3FAC];
	_ =	sdelay $0x3  }
0x33: {  	p0 =	seq.s32 s10, $0x1;
	s10 =	sld [smem:$0x3FAE];
	_ =	sdelay $0x3  }
0x34: {  	[smem:$0x3FAE] =	sst s10  }
0x35: {  	s10 =	sld [smem:$0x3FAD];
	_ =	sdelay $0x3  }
0x36: {  	p1 =	seq.s32 s10, $0x1;
	s10 =	sld [smem:$0x3FAE];
	_ =	sdelay $0x3  }
0x37: {  	[smem:$0x3FAE] =	sst s10  }
0x38: {  	s10 =	sld [smem:$0x3FAF]  }
0x39: {  	_ = 	snop;
	(pc) =	sbr.ind lr, $3  }
0x3a: {  	_ = 	snop  }
0x3b: {  	_ = 	snop  }
0x3c: {  	p2 =	seq.s32 s10, $0x1;
	s10 =	sld [smem:$0x3FAE]  }
0x3d: {  	_ =	shalt  }
0x3e: {  	_ =	shalt  }
0x3f: {  	_ =	shalt  }
0x40: {  	_ =	shalt  }
0x41: {  	_ =	shalt  }
0x42: {  	_ =	shalt  }
0x43: {  	_ =	shalt  }
0x44: {  	_ =	shalt  }
0x45: {  	_ =	shalt  }
0x46: {  	_ =	shalt  }
0x47: {  	_ =	shalt  }
0x48: {  	_ =	shalt  }
0x49: {  	_ =	shalt  }
0x4a: {  	_ =	shalt  }
0x4b: {  	_ =	shalt  }
0x4c: {  	_ =	shalt  }
0x4d: {  	_ =	shalt  }
0x4e: {  	_ =	shalt  }
0x4f: {  	_ =	shalt  }
0x50: {  	_ =	shalt  }
0x51: {  	_ =	shalt  }
0x52: {  	_ =	shalt  }
0x53: {  	_ =	shalt  }
0x54: {  	_ =	shalt  }
0x55: {  	_ =	shalt  }
0x56: {  	_ =	shalt  }
0x57: {  	_ =	shalt  }
0x58: {  	_ =	shalt  }
0x59: {  	_ =	shalt  }
0x5a: {  	_ =	shalt  }
0x5b: {  	_ =	shalt  }
0x5c: {  	_ =	shalt  }
0x5d: {  	_ =	shalt  }
0x5e: {  	_ =	shalt  }
0x5f: {  	_ =	shalt  }
0x60: {  	_ =	shalt  }
0x61: {  	_ =	shalt  }
0x62: {  	_ =	shalt  }
0x63: {  	_ =	shalt  }
0x64: {  	_ =	shalt  }
0x65: {  	_ =	shalt  }
0x66: {  	_ =	shalt  }
0x67: {  	_ =	shalt  }
0x68: {  	_ =	shalt  }
0x69: {  	_ =	shalt  }
0x6a: {  	_ =	shalt  }
0x6b: {  	_ =	shalt  }
0x6c: {  	_ =	shalt  }
0x6d: {  	_ =	shalt  }
0x6e: {  	_ =	shalt  }
0x6f: {  	_ =	shalt  }
0x70: {  	_ =	shalt  }
0x71: {  	_ =	shalt  }
0x72: {  	_ =	shalt  }
0x73: {  	_ =	shalt  }
0x74: {  	_ =	shalt  }
0x75: {  	_ =	shalt  }
0x76: {  	_ =	shalt  }
0x77: {  	_ =	shalt  }
0x78: {  	_ =	shalt  }
0x79: {  	_ =	shalt  }
0x7a: {  	_ =	shalt  }
0x7b: {  	_ =	shalt  }
0x7c: {  	_ =	shalt  }
0x7d: {  	_ =	shalt  }
0x7e: {  	_ =	shalt  }
0x7f: {  	_ =	shalt  }
0x80: {  	_ =	shalt  }
0x81: {  	_ =	shalt  }
0x82: {  	_ =	shalt  }
0x83: {  	_ =	shalt  }
0x84: {  	_ =	shalt  }
0x85: {  	_ =	shalt  }
0x86: {  	_ =	shalt  }
0x87: {  	_ =	shalt  }
.Lfunc_end0:
.L_simem_size_0:
called_computation.2_lowered:
.L_overlay_start_0:
0x88: {  	s2 =	sld [smem:$0x3FD9]  }
0x89: {  	s3 =	sld [smem:$0x3FFE];
	_ =	sdelay $0x1  }
0x8a: {  	s1 =	srdreg.scid  }
0x8b: {  	s0 =	sand.u32 $0x1, s1  }
0x8c: {  	s17 =	sshll.u32 s0, $0xA;
	s2 =	sadd.s32 s3, s2  }
0x8d: {  	s2 =	sadd.s32 s2, s17  }
0x8e: {  	[smem:$0x3FBA] =	sst s2  }
0x8f: {  	_ = 	snop  }
0x90: {  	s2 =	sld [smem:$0x3FD0];
	(tm) =	ssettm $0x1  }
0x91: {  	s18 =	sld [smem:$0x3FFB];
	_ =	sdelay $0x3  }
0x92: {  	_ =	strace s18  }
0x93: {  	s3 =	sld [smem:$0x3FFC];
	_ =	sdelay $0x3  }
0x94: {  	_ =	strace s3  }
0x95: {  	s3 =	sld [smem:$0x3FFD];
	_ =	sdelay $0x3  }
0x96: {  	_ =	strace s3  }
0x97: {  	_ =	strace $0x8FFFFFFF  }
0x98: {  	s19 =	sld [smem:$0x3FDB];
	_ =	sdelay $0x1  }
0x99: {  	s4 =	simm.s32 $_scs_section_size  }
0x9a: {  	s5 =	simm.s32 $_size__tile_overlayer_lowered;
	s6 =	simm.s32 $_tile_overlayer_lowered  }
0x9b: {  	s22 =	simm.s32 $0x1BFF;
	s21 =	sshll.u32 s6, $0x1;
	s3 =	sadd.s32 s4, s19  }
0x9c: {  	s7 =	simm.s32 $0x0;
	s20 =	sshll.u32 s5, $0x1;
	s5 =	sadd.s32 s21, s3  }
0x9d: {  	[timem:s7], [sflag:s22] =	dma.local [hbm:s5], s20  }
0x9e: {  	_ =	swait.ge [sflag:s22], s20  }
0x9f: {  	s4 =	ssub.s32 $0x0, s20;
	[sflag:s22] =	ssyncset.done $0x0  }
0xa0: {  	[sflag:s22] =	ssyncadd.s32 s4;
	_ =	sdelay $0x1  }
0xa1: {  	s23 =	simm.s32 $0x1B8B  }
0xa2: {  	_ =	swait.ge [sflag:s23], $0x1  }
0xa3: {  	[sflag:s23] =	ssyncset.done $0x0  }
0xa4: {  	s25 =	simm.s32 $0x1B8E;
	s24 =	sld [smem:$0x3FFE];
	[sflag:s23] =	ssyncadd.s32 $0xFFFFFFFF  }
0xa5: {  	s26 =	simm.s32 $execute0_lowered;
	[smem:$0x3FD2] =	sst s25  }
0xa6: {  	s5 =	sshll.u32 s26, $0x1;
	_ =	strace $0x8000004C;
	[dreg:$0x1] =	wrdreg $0xFFFFFFFF  }
0xa7: {  	s28 =	simm.s32 $_size_execute0_lowered;
	s3 =	sadd.s32 s3, s5;
	[dreg:$0x0] =	wrdreg $0x0  }
0xa8: {  	s5 =	sshll.u32 s28, $0x1;
	[dreg:$0x2] =	wrdreg s3  }
0xa9: {  	[dreg:$0x3] =	wrdreg s5  }
0xaa: {  	[dreg:$0x4] =	wrdreg $0xC0  }
0xab: {  	_ =	task [dreg:s7], $0x5FFFF  }
0xac: {  	[dreg:$0x1] =	wrdreg $0xFFFFFFFF  }
0xad: {  	[dreg:$0x0] =	wrdreg $0x60  }
0xae: {  	[dreg:$0x2] =	wrdreg s2  }
0xaf: {  	[dreg:$0x3] =	wrdreg s24  }
0xb0: {  	[dreg:$0x4] =	wrdreg $0x50000  }
0xb1: {  	[dreg:$0x5] =	wrdreg $0x9  }
0xb2: {  	_ =	task.clear_ibuf [dreg:s7], $0x6FFFF;
	_ =	strace $0x9000004C  }
0xb3: {  	s29 =	simm.s32 $0x9;
	_ =	strace $0x8000004E  }
0xb4: {  	_ =	swait.ge [sflag:s29], $0x1  }
0xb5: {  	[sflag:s29] =	ssyncadd.s32 $0xFFFFFFFF  }
0xb6: {  	_ =	strace $0x9000004E  }
0xb7: {  	_ =	sfence  }
0xb8: {  	s30 =	sld [smem:$0x0];
	_ =	sdelay $0x2  }
0xb9: {  	s31 =	sshll.u32 s1, $0xD;
	s1 =	sshrl.u32 s1, $0x2  }
0xba: {  	s3 =	sand.u32 $0x4000, s31;
	s1 =	sadd.s32 s1, s30  }
0xbb: {  	s0 =	sor.u32 s3, s0;
	s1 =	sshll.u32 s1, $0x11  }
0xbc: {  	s0 =	sor.u32 s1, s0  }
0xbd: {  	s0 =	sadd.s32 $0x8F2B, s0  }
0xbe: {  	[sflag:s0] =	ssyncadd.remote.s32 $0x1  }
0xbf: {  	_ =	sfence.sel $0xFFFF  }
0xc0: {  	[dreg:$0x0] =	wrdreg $0xFFFFFFFF;
	(pc) =	sbr.abs _section_cstart, $3  }
0xc1: {  	[dreg:$0x1] =	wrdreg $0xFFFFFFFF  }
0xc2: {  	_ =	task.clear_ibuf [dreg:s7], $0x2FFFF;
	_ =	strace $0x9FFFFFFF  }
0xc3: {  	(tm) =	ssettm $0x7FFFFFFF  }
tec
execute0_lowered:
.L_overlay_start_1:
0x0: {  	(tag) =	ssettag $0x1  }
0x1: {  	s1 =	rddreg [dreg:$0x0]  }
0x2: {  	s0 =	rddreg [dreg:$0x1]  }
0x3: {  	s2 =	rddreg [dreg:$0x2];
	s3 =	simm.s32 $0x0;
	s4 =	srdreg.scid  }
0x4: {  	s11 =	stileid.u32;
	s29 =	simm.s32 $0x2000;
	s30 =	simm.s32 $0x2  }
0x5: {  	s31 =	simm.s32 $0x50;
	[smem:$0x7FF] =	sst s3;
	s8 =	smul.u32 $0x4E000, s11  }
0x6: {  	s4 =	sand.u32 $0x1, s4;
	s10 =	sshll.u32 s11, $0x1;
	s11 =	smul.u32 $0x13800, s11  }
0x7: {  	s5 =	sadd.s32 $0x4400, s0;
	s6 =	sadd.s32 $0xC9000, s0;
	s7 =	ssub.s32 $0x2, s4  }
0x8: {  	_ =	strace $0x8000004D;
	s9 =	sshrl.u32 s7, $0x1;
	s19 =	sadd.s32 $0x2800, s11  }
0x9: {  	s20 =	sadd.s32 $0x5000, s11;
	s21 =	sadd.s32 $0x7800, s11;
	s22 =	sadd.s32 $0xA000, s11  }
0xa: {  	s7 =	ssub.s32 s7, s9;
	s9 =	sor.u32 s4, s10;
	s4 =	smul.u32 $0x138800, s4  }
0xb: {  	s23 =	sadd.s32 $0xC800, s11;
	s24 =	sadd.s32 $0xF000, s11;
	s28 =	smax.u32 s7, $0x1  }
0xc: {  	s25 =	sadd.s32 s11, s4;
	s12 =	sadd.s32 s4, s19;
	s13 =	sadd.s32 s4, s22  }
0xd: {  	s16 =	sadd.s32 s4, s23;
	s17 =	sadd.s32 s4, s24;
	s19 =	sadd.s32 s19, s2  }
0xe: {  	s22 =	sadd.s32 s22, s2;
	s23 =	sadd.s32 s23, s2;
	s24 =	sadd.s32 s24, s2  }
0xf: {  	s10 =	sshrl.u32 s25, $0x3;
	s25 =	sadd.s32 $0x11800, s11;
	s26 =	sshrl.u32 s12, $0x3  }
0x10: {  	s11 =	sadd.s32 s4, s20;
	s12 =	sadd.s32 s4, s21;
	s15 =	sshrl.u32 s13, $0x3  }
0x11: {  	s20 =	sadd.s32 s20, s2;
	s21 =	sadd.s32 s21, s2;
	s10 =	sadd.s32 s6, s10  }
0x12: {  	s4 =	sadd.s32 s4, s25;
	s25 =	sadd.s32 s25, s2;
	[dreg:$0x4] =	wrdreg s10  }
0x13: {  	s10 =	sadd.s32 s6, s26;
	s4 =	sshrl.u32 s4, $0x3;
	s26 =	sshrl.u32 s8, $0x2  }
0x14: {  	[dreg:$0x5] =	wrdreg s10;
	s10 =	sshrl.u32 s11, $0x3;
	s11 =	sshrl.u32 s12, $0x3  }
0x15: {  	s12 =	sshrl.u32 s17, $0x3;
	s13 =	sadd.s32 s6, s4;
	s17 =	sadd.s32 $0x4200, s0  }
0x16: {  	s4 =	simm.s32 $0x1000;
	s10 =	sadd.s32 s6, s10;
	s14 =	sadd.s32 s6, s11  }
0x17: {  	s11 =	sshrl.u32 s16, $0x3;
	s12 =	sadd.s32 s6, s12;
	[dreg:$0x6] =	wrdreg s10  }
0x18: {  	s16 =	sadd.s32 $0x4000, s0;
	[dreg:$0x7] =	wrdreg s14;
	s10 =	sadd.s32 s6, s15  }
0x19: {  	s18 =	sadd.s32 s6, s11;
	s14 =	sadd.s32 $0x18400, s0;
	s15 =	sadd.s32 $0x2C400, s0  }
0x1a: {  	s0 =	simm.s32 $0x1;
	s6 =	simm.s32 $0x0;
	[dreg:$0x8] =	wrdreg s10  }
0x1b: {  	[dreg:$0x9] =	wrdreg s18;
	s18 =	sadd.s32 s26, s2;
	s26 =	smul.u32 $0x5000, s9  }
.LBB2_1:
0x1c: {  	[tilespmem:s29], [sflag:$0x2] =	stream.linear.gather [hbm4b:s15+s3], $0x2800, $0x38;
	[tilespmem:$0x18880] =	vst v63  }
0x1d: {  	_ =	swait.ge [sflag:s30], $0x2800  }
0x1e: {  	[sflag:s30] =	ssyncset.done $0x0  }
0x1f: {  	[sflag:s30] =	ssyncadd.s32 $0xFFFFD800  }
0x20: {  	[spmem:s18] =	stream.linear.scatter [tilespmem:s29], [sflag:$0x2], $0x2800, $0x38;
	[tilespmem:$0x18880] =	vst v63  }
0x21: {  	_ =	swait.ge [sflag:s30], $0x2800  }
0x22: {  	[sflag:s30] =	ssyncset.done $0x0  }
0x23: {  	[sflag:s30] =	ssyncadd.s32 $0xFFFFD800  }
0x24: {  	[spmem:s19] =	stream.linear.scatter [tilespmem:s29], [sflag:$0x2], $0x2800, $0x38;
	[tilespmem:$0x18880] =	vst v63  }
0x25: {  	_ =	swait.ge [sflag:s30], $0x2800  }
0x26: {  	[sflag:s30] =	ssyncset.done $0x0  }
0x27: {  	[sflag:s30] =	ssyncadd.s32 $0xFFFFD800  }
0x28: {  	[spmem:s20] =	stream.linear.scatter [tilespmem:s29], [sflag:$0x2], $0x2800, $0x38;
	[tilespmem:$0x18880] =	vst v63  }
0x29: {  	_ =	swait.ge [sflag:s30], $0x2800  }
0x2a: {  	[sflag:s30] =	ssyncset.done $0x0  }
0x2b: {  	[sflag:s30] =	ssyncadd.s32 $0xFFFFD800  }
0x2c: {  	[spmem:s21] =	stream.linear.scatter [tilespmem:s29], [sflag:$0x2], $0x2800, $0x38;
	[tilespmem:$0x18880] =	vst v63  }
0x2d: {  	_ =	swait.ge [sflag:s30], $0x2800  }
0x2e: {  	[sflag:s30] =	ssyncset.done $0x0  }
0x2f: {  	[sflag:s30] =	ssyncadd.s32 $0xFFFFD800  }
0x30: {  	[spmem:s22] =	stream.linear.scatter [tilespmem:s29], [sflag:$0x2], $0x2800, $0x38;
	[tilespmem:$0x18880] =	vst v63  }
0x31: {  	_ =	swait.ge [sflag:s30], $0x2800  }
0x32: {  	[sflag:s30] =	ssyncset.done $0x0  }
0x33: {  	[sflag:s30] =	ssyncadd.s32 $0xFFFFD800  }
0x34: {  	[spmem:s23] =	stream.linear.scatter [tilespmem:s29], [sflag:$0x2], $0x2800, $0x38;
	[tilespmem:$0x18880] =	vst v63  }
0x35: {  	_ =	swait.ge [sflag:s30], $0x2800  }
0x36: {  	[sflag:s30] =	ssyncset.done $0x0  }
0x37: {  	[sflag:s30] =	ssyncadd.s32 $0xFFFFD800  }
0x38: {  	[spmem:s24] =	stream.linear.scatter [tilespmem:s29], [sflag:$0x2], $0x2800, $0x38;
	[tilespmem:$0x18880] =	vst v63  }
0x39: {  	_ =	swait.ge [sflag:s30], $0x2800  }
0x3a: {  	[sflag:s30] =	ssyncset.done $0x0  }
0x3b: {  	[sflag:s30] =	ssyncadd.s32 $0xFFFFD800  }
0x3c: {  	[spmem:s25] =	stream.linear.scatter [tilespmem:s29], [sflag:$0x2], $0x2800, $0x38;
	[tilespmem:$0x18880] =	vst v63  }
0x3d: {  	_ =	swait.ge [sflag:s30], $0x2800  }
0x3e: {  	[sflag:s30] =	ssyncset.done $0x0  }
0x3f: {  	s7 =	simm.s32 $0x4800;
	[sflag:s30] =	ssyncadd.s32 $0xFFFFD800  }
0x40: {  	[tilespmem:s7], [sflag:$0x2] =	stream.linear.gather [hbm4b:s16+s3], $0x400, $0x38;
	[tilespmem:$0x18880] =	vst v63  }
0x41: {  	_ =	swait.ge [sflag:s30], $0x400  }
0x42: {  	[sflag:s30] =	ssyncset.done $0x0  }
0x43: {  	s11 =	simm.s32 $0x4C00;
	[sflag:s30] =	ssyncadd.s32 $0xFFFFFC00  }
0x44: {  	[tilespmem:s11], [sflag:$0x2] =	stream.linear.gather [hbm4b:s17+s3], $0x400, $0x38;
	[tilespmem:$0x18880] =	vst v63  }
0x45: {  	_ =	swait.ge [sflag:s30], $0x400  }
0x46: {  	[sflag:s30] =	ssyncset.done $0x0  }
0x47: {  	[sflag:s30] =	ssyncadd.s32 $0xFFFFFC00  }
0x48: {  	s7 =	simm.s32 $0x0;
	[bflag:$0x0] =	sbarrier.arrive $0xFFFF  }
.LBB2_2:
0x49: {  	s8 =	sshll.u32 s7, $0xC  }
0x4a: {  	s8 =	sadd.s32 s26, s8  }
0x4b: {  	s8 =	sshrl.u32 s8, $0x3  }
0x4c: {  	s10 =	simm.s32 $0x0;
	s9 =	sadd.s32 s5, s8  }
0x4d: {  	[tilespmem:s10], [sflag:$0x2] =	stream.linear.gather [hbm4b:s9+s10], $0xC80, $0x38;
	[tilespmem:$0x18880] =	vst v63  }
0x4e: {  	_ =	swait.ge [sflag:s30], $0xC80  }
0x4f: {  	[sflag:s30] =	ssyncset.done $0x0  }
0x50: {  	s8 =	sadd.s32 s14, s8;
	[sflag:s30] =	ssyncadd.s32 $0xFFFFF380  }
0x51: {  	[tilespmem:s4], [sflag:$0x2] =	stream.linear.gather [hbm4b:s8+s10], $0xC80, $0x38;
	[tilespmem:$0x18880] =	vst v63  }
0x52: {  	_ =	swait.ge [sflag:s30], $0xC80  }
0x53: {  	[sflag:s30] =	ssyncset.done $0x0  }
0x54: {  	s10 =	simm.s32 $0x0;
	[sflag:s30] =	ssyncadd.s32 $0xFFFFF380  }
0x55: {  	[tilespmem:s29], [sflag:$0x1] =	stream.indirect.gather [hbm4b:s1+s31], $0x80, s10, s31, $0xb8;
	[tilespmem:$0x18880] =	vst v63  }
0x56: {  	_ =	swait.ge [sflag:s0], $0x2800  }
0x57: {  	[sflag:s0] =	ssyncset.done $0x0  }
0x58: {  	s11 =	simm.s32 $0x1000;
	[sflag:s0] =	ssyncadd.s32 $0xFFFFD800  }
0x59: {  	[spmem:s2] =	stream.indirect.scatter.add.f32 [tilespmem:s29], [sflag:$0x2], $0x80, s11, s31, $0xb8;
	[tilespmem:$0x18880] =	vst v63  }
0x5a: {  	_ =	swait.ge [sflag:s30], $0x2800  }
0x5b: {  	s9 =	simm.s32 $0x400;
	s8 =	simm.s32 $0x200;
	[sflag:s30] =	ssyncset.done $0x0  }
.LBB2_3:
0x5c: {  	s10 =	sshra.s32 s8, $0x2  }
0x5d: {  	[sflag:s30] =	ssyncadd.s32 $0xFFFFD800;
	s8 =	smov.u32 s9;
	s11 =	sadd.s32 $0x200, s9  }
0x5e: {  	[tilespmem:s29], [sflag:$0x1] =	stream.indirect.gather [hbm4b:s1+s31], $0x80, s10, s31, $0xb8;
	[tilespmem:$0x18880] =	vst v63  }
0x5f: {  	p0 =	sne.s32 s9, $0x3000;
	_ =	swait.ge [sflag:s0], $0x2800  }
.Ltmp0:
0x60: {  	[sflag:s0] =	ssyncset.done $0x0;
	(pc) =	sbr.rel @p0 .LBB2_3-.Ltmp0, $4  }
0x61: {  	s9 =	sadd.s32 $0x1000, s10;
	[sflag:s0] =	ssyncadd.s32 $0xFFFFD800  }
0x62: {  	[spmem:s2] =	stream.indirect.scatter.add.f32 [tilespmem:s29], [sflag:$0x2], $0x80, s9, s31, $0xb8;
	[tilespmem:$0x18880] =	vst v63  }
0x63: {  	_ =	swait.ge [sflag:s30], $0x2800  }
0x64: {  	s9 =	smov.u32 s11;
	[sflag:s30] =	ssyncset.done $0x0  }
0x65: {  	s8 =	sshra.s32 s8, $0x2;
	[sflag:s30] =	ssyncadd.s32 $0xFFFFD800  }
0x66: {  	[tilespmem:s29], [sflag:$0x1] =	stream.indirect.gather [hbm4b:s1+s31], $0x80, s8, s31, $0xb8;
	[tilespmem:$0x18880] =	vst v63  }
0x67: {  	s7 =	sadd.s32 $0x1, s7;
	_ =	swait.ge [sflag:s0], $0x2800  }
0x68: {  	p0 =	sne.s32 s7, $0x5;
	[sflag:s0] =	ssyncset.done $0x0  }
.Ltmp1:
0x69: {  	s8 =	sadd.s32 $0x1000, s8;
	[sflag:s0] =	ssyncadd.s32 $0xFFFFD800;
	(pc) =	sbr.rel @p0 .LBB2_2-.Ltmp1, $4  }
0x6a: {  	[spmem:s2] =	stream.indirect.scatter.add.f32 [tilespmem:s29], [sflag:$0x2], $0x80, s8, s31, $0xb8;
	[tilespmem:$0x18880] =	vst v63  }
0x6b: {  	_ =	swait.ge [sflag:s30], $0x2800  }
0x6c: {  	[sflag:s30] =	ssyncset.done $0x0  }
0x6d: {  	[sflag:s30] =	ssyncadd.s32 $0xFFFFD800  }
0x6e: {  	[bflag:$0x0] =	sbarrier.arrive $0xFFFF  }
0x6f: {  	[tilespmem:s29], [sflag:$0x2] =	stream.linear.gather [spmem:s18], $0x2800, $0x38;
	[tilespmem:$0x18880] =	vst v63  }
0x70: {  	_ =	swait.ge [sflag:s30], $0x2800  }
0x71: {  	[sflag:s30] =	ssyncset.done $0x0  }
0x72: {  	s7 =	rddreg [dreg:$0x4];
	[sflag:s30] =	ssyncadd.s32 $0xFFFFD800  }
0x73: {  	[hbm4b:s7+s3] =	stream.linear.scatter [tilespmem:s29], [sflag:$0x2], $0x2800, $0x38;
	[tilespmem:$0x18880] =	vst v63  }
0x74: {  	_ =	swait.ge [sflag:s30], $0x2800  }
0x75: {  	[sflag:s30] =	ssyncset.done $0x0  }
0x76: {  	[sflag:s30] =	ssyncadd.s32 $0xFFFFD800  }
0x77: {  	[tilespmem:s29], [sflag:$0x2] =	stream.linear.gather [spmem:s19], $0x2800, $0x38;
	[tilespmem:$0x18880] =	vst v63  }
0x78: {  	_ =	swait.ge [sflag:s30], $0x2800  }
0x79: {  	[sflag:s30] =	ssyncset.done $0x0  }
0x7a: {  	s11 =	rddreg [dreg:$0x5];
	[sflag:s30] =	ssyncadd.s32 $0xFFFFD800  }
0x7b: {  	[hbm4b:s11+s3] =	stream.linear.scatter [tilespmem:s29], [sflag:$0x2], $0x2800, $0x38;
	[tilespmem:$0x18880] =	vst v63  }
0x7c: {  	_ =	swait.ge [sflag:s30], $0x2800  }
0x7d: {  	[sflag:s30] =	ssyncset.done $0x0  }
0x7e: {  	[sflag:s30] =	ssyncadd.s32 $0xFFFFD800  }
0x7f: {  	[tilespmem:s29], [sflag:$0x2] =	stream.linear.gather [spmem:s20], $0x2800, $0x38;
	[tilespmem:$0x18880] =	vst v63  }
0x80: {  	_ =	swait.ge [sflag:s30], $0x2800  }
0x81: {  	[sflag:s30] =	ssyncset.done $0x0  }
0x82: {  	s8 =	rddreg [dreg:$0x6];
	[sflag:s30] =	ssyncadd.s32 $0xFFFFD800  }
0x83: {  	[hbm4b:s8+s3] =	stream.linear.scatter [tilespmem:s29], [sflag:$0x2], $0x2800, $0x38;
	[tilespmem:$0x18880] =	vst v63  }
0x84: {  	_ =	swait.ge [sflag:s30], $0x2800  }
0x85: {  	[sflag:s30] =	ssyncset.done $0x0  }
0x86: {  	[sflag:s30] =	ssyncadd.s32 $0xFFFFD800  }
0x87: {  	[tilespmem:s29], [sflag:$0x2] =	stream.linear.gather [spmem:s21], $0x2800, $0x38;
	[tilespmem:$0x18880] =	vst v63  }
0x88: {  	_ =	swait.ge [sflag:s30], $0x2800  }
0x89: {  	[sflag:s30] =	ssyncset.done $0x0  }
0x8a: {  	s9 =	rddreg [dreg:$0x7];
	[sflag:s30] =	ssyncadd.s32 $0xFFFFD800  }
0x8b: {  	[hbm4b:s9+s3] =	stream.linear.scatter [tilespmem:s29], [sflag:$0x2], $0x2800, $0x38;
	[tilespmem:$0x18880] =	vst v63  }
0x8c: {  	_ =	swait.ge [sflag:s30], $0x2800  }
0x8d: {  	[sflag:s30] =	ssyncset.done $0x0  }
0x8e: {  	[sflag:s30] =	ssyncadd.s32 $0xFFFFD800  }
0x8f: {  	[tilespmem:s29], [sflag:$0x2] =	stream.linear.gather [spmem:s22], $0x2800, $0x38;
	[tilespmem:$0x18880] =	vst v63  }
0x90: {  	_ =	swait.ge [sflag:s30], $0x2800  }
0x91: {  	[sflag:s30] =	ssyncset.done $0x0  }
0x92: {  	s10 =	rddreg [dreg:$0x8];
	[sflag:s30] =	ssyncadd.s32 $0xFFFFD800  }
0x93: {  	[hbm4b:s10+s3] =	stream.linear.scatter [tilespmem:s29], [sflag:$0x2], $0x2800, $0x38;
	[tilespmem:$0x18880] =	vst v63  }
0x94: {  	_ =	swait.ge [sflag:s30], $0x2800  }
0x95: {  	[sflag:s30] =	ssyncset.done $0x0  }
0x96: {  	[sflag:s30] =	ssyncadd.s32 $0xFFFFD800  }
0x97: {  	[tilespmem:s29], [sflag:$0x2] =	stream.linear.gather [spmem:s23], $0x2800, $0x38;
	[tilespmem:$0x18880] =	vst v63  }
0x98: {  	_ =	swait.ge [sflag:s30], $0x2800  }
0x99: {  	[sflag:s30] =	ssyncset.done $0x0  }
0x9a: {  	s11 =	rddreg [dreg:$0x9];
	[sflag:s30] =	ssyncadd.s32 $0xFFFFD800  }
0x9b: {  	[hbm4b:s11+s3] =	stream.linear.scatter [tilespmem:s29], [sflag:$0x2], $0x2800, $0x38;
	[tilespmem:$0x18880] =	vst v63  }
0x9c: {  	_ =	swait.ge [sflag:s30], $0x2800  }
0x9d: {  	[sflag:s30] =	ssyncset.done $0x0  }
0x9e: {  	[sflag:s30] =	ssyncadd.s32 $0xFFFFD800  }
0x9f: {  	[tilespmem:s29], [sflag:$0x2] =	stream.linear.gather [spmem:s24], $0x2800, $0x38;
	[tilespmem:$0x18880] =	vst v63  }
0xa0: {  	_ =	swait.ge [sflag:s30], $0x2800  }
0xa1: {  	[sflag:s30] =	ssyncset.done $0x0  }
0xa2: {  	[sflag:s30] =	ssyncadd.s32 $0xFFFFD800  }
0xa3: {  	[hbm4b:s12+s3] =	stream.linear.scatter [tilespmem:s29], [sflag:$0x2], $0x2800, $0x38;
	[tilespmem:$0x18880] =	vst v63  }
0xa4: {  	_ =	swait.ge [sflag:s30], $0x2800  }
0xa5: {  	[sflag:s30] =	ssyncset.done $0x0  }
0xa6: {  	[sflag:s30] =	ssyncadd.s32 $0xFFFFD800  }
0xa7: {  	[tilespmem:s29], [sflag:$0x2] =	stream.linear.gather [spmem:s25], $0x2800, $0x38;
	[tilespmem:$0x18880] =	vst v63  }
0xa8: {  	s6 =	sadd.s32 $0x1, s6;
	_ =	swait.ge [sflag:s30], $0x2800  }
0xa9: {  	p0 =	sne.s32 s6, s28;
	[sflag:s30] =	ssyncset.done $0x0  }
.Ltmp2:
0xaa: {  	[sflag:s30] =	ssyncadd.s32 $0xFFFFD800;
	(pc) =	sbr.rel @p0 .LBB2_1-.Ltmp2, $4  }
0xab: {  	[hbm4b:s13+s3] =	stream.linear.scatter [tilespmem:s29], [sflag:$0x2], $0x2800, $0x38;
	[tilespmem:$0x18880] =	vst v63  }
0xac: {  	_ =	swait.ge [sflag:s30], $0x2800  }
0xad: {  	[sflag:s30] =	ssyncset.done $0x0  }
0xae: {  	[sflag:s30] =	ssyncadd.s32 $0xFFFFD800  }
0xaf: {  	_ =	sfence.sel $0x180000  }
0xb0: {  	[bflag:$0x0] =	sbarrier.arrive $0xFFFF  }
0xb1: {  	_ =	strace $0x9000004D  }
0xb2: {  	s0 =	stileid.u32;
	[bflag:$0x2] =	sbarrier.arrive $0xFFFF  }
0xb3: {  	p0 =	sne.s32 s0, $0x0;
	s0 =	rddreg [dreg:$0x3]  }
0xb4: {  	s0 =	sadd.s32 @!p0 $0x100000, s0  }
0xb5: {  	[sflag:s0] =	ssyncadd.tile.s32 @!p0 $0x1;
	_ =	shalt  }
.Lfunc_end2:
_tile_overlayer_lowered:
.L_overlay_start_2:
0xb6: {  	(tag) =	ssettag $0x2  }
0xb7: {  	s0 =	rddreg [dreg:$0x0];
	s2 =	stileid.u32  }
0xb8: {  	s1 =	rddreg [dreg:$0x1];
	p0 =	sne.s32 s2, $0x0  }
0xb9: {  	s3 =	rddreg [dreg:$0x2];
	[bflag:$0x3] =	sbarrier.arrive $0xFFFF;
	s2 =	simm.s32 @!p0 $0x1C02  }
0xba: {  	[timem:s3], [sflag:s2] =	dma.local @!p0 [hbm:s0], s1  }
0xbb: {  	s0 =	simm.s32 @!p0 $0x2  }
0xbc: {  	_ =	swait.ge @!p0 [sflag:s0], s1  }
0xbd: {  	s1 =	ssub.s32 @!p0 $0x0, s1;
	[sflag:s0] =	ssyncset.done @!p0 $0x0  }
0xbe: {  	[sflag:s0] =	ssyncadd.s32 @!p0 s1  }
0xbf: {  	[bflag:$0x3] =	sbarrier.arrive $0xFFFF  }
0xc0: {  	_ =	shalt  }

// kernel: kernel.18.cloned.1.call-start
scs
__scs_entry_jumppad:
0x0: {  	(pc) =	sbr.rel $0x88, $3  }
0x1: {  	(tag) =	ssettag $0x0;
	lr =	simm.s32 $0x1  }
0x2: {  	[smem:$0x3F93] =	sst lr;
	_ =	strace $0xD0000000  }
0x3: {  	_ = 	snop  }
0x4: {  	_ = 	snop  }
0x5: {  	_ = 	snop  }
0x6: {  	_ = 	snop  }
0x7: {  	_ = 	snop  }
__scs_overlays_trampoline_lowered:
0x8: {  	[smem:$0x3FA2] =	sst s0  }
0x9: {  	[smem:$0x3FA3] =	sst s1  }
0xa: {  	[smem:$0x3FA4] =	sst s2  }
0xb: {  	[smem:$0x3FA5] =	sst s3  }
0xc: {  	[smem:$0x3FA6] =	sst s4  }
0xd: {  	[smem:$0x3FA7] =	sst s5  }
0xe: {  	[smem:$0x3FA8] =	sst s6  }
0xf: {  	[smem:$0x3FA9] =	sst s7  }
0x10: {  	[smem:$0x3FAA] =	sst s8  }
0x11: {  	[smem:$0x3FAB] =	sst s9;
	s0 =	simm.s32 @!p0 $0x0  }
0x12: {  	s1 =	sld [smem:$0x3F91];
	s0 =	simm.s32 @p0 $0x1  }
0x13: {  	[smem:$0x3FAC] =	sst s0;
	s0 =	simm.s32 @!p1 $0x0  }
0x14: {  	s2 =	sld [smem:$0x3F90];
	s0 =	simm.s32 @p1 $0x1  }
0x15: {  	[smem:$0x3FAD] =	sst s0;
	s0 =	simm.s32 @!p2 $0x0  }
0x16: {  	s3 =	sld [smem:$0x3FDB];
	s0 =	simm.s32 @p2 $0x1  }
0x17: {  	s4 =	simm.s32 $0x1BF5;
	[smem:$0x3FAF] =	sst s0  }
0x18: {  	s0 =	sld [smem:$0x3F92];
	_ =	swait.ge [sflag:s4], $0x0  }
0x19: {  	s7 =	sld [smem:$0x3F93]  }
0x1a: {  	s8 =	sadd.s32 $0xFFFFE003, lr  }
0x1b: {  	s9 =	sadd.s32 $0xFFFFFEF7, lr;
	s5 =	simm.s32 $0xFFFFFFFF;
	p2 =	slt.u32 s8, $0xFFFFF086  }
0x1c: {  	p1 =	slt.u32 s9, $0xF7A;
	s5 =	simm.s32 @!p2 $0x0  }
0x1d: {  	s5 =	simm.s32 @p1 $0x1;
	p0 =	seq.s32 s7, s2  }
0x1e: {  	s7 =	smul.u32 @!p0 $0xF7A, s2;
	p2 =	seq.s32 @!p0 s5, $0x0  }
0x1f: {  	s9 =	smul.u32 $0xF7A, s1;
	s8 =	simm.s32 @!p0 $0x1BF5;
	p2 =	por !p2, p0  }
0x20: {  	[sflag:s8] =	ssyncset.s32 @!p0 $0xFFFFF086;
	s6 =	sadd.s32 @!p0 s3, s7;
	s7 =	simm.s32 @!p0 $0x108  }
0x21: {  	s3 =	sadd.s32 s3, s9;
	s6 =	sadd.s32 @!p0 $0x88, s6;
	s7 =	simm.s32 @p2 $0x1082  }
0x22: {  	[simem:s7], [sflag:s8] =	dma.local @!p0 [hbm:s6], $0xF7A  }
0x23: {  	s9 =	sor.u32 $0xD0000000, s2;
	s6 =	simm.s32 $0x108;
	_ =	swait.ge @!p0 [sflag:s8], $0x0  }
0x24: {  	s3 =	sadd.s32 $0x88, s3;
	s6 =	simm.s32 @!p1 $0x1082;
	[sflag:s4] =	ssyncset.s32 $0xFFFFF086  }
0x25: {  	[simem:s6], [sflag:s4] =	dma.local [hbm:s3], $0xF7A  }
0x26: {  	[smem:$0x3F93] =	sst s1;
	(tag) =	ssettag s2;
	_ =	strace s9  }
0x27: {  	s1 =	sld [smem:$0x3FA3]  }
0x28: {  	s2 =	sld [smem:$0x3FA4]  }
0x29: {  	s4 =	sld [smem:$0x3FA6]  }
0x2a: {  	p0 =	seq.s32 s5, $0x0;
	s5 =	sld [smem:$0x3FA7]  }
0x2b: {  	s6 =	sld [smem:$0x3FA8]  }
0x2c: {  	s7 =	sld [smem:$0x3FA9]  }
0x2d: {  	s3 =	simm.s32 $0x108;
	s8 =	sld [smem:$0x3FAA]  }
0x2e: {  	s3 =	simm.s32 @!p0 $0x1082;
	s9 =	sld [smem:$0x3FAB]  }
0x2f: {  	lr =	sadd.s32 s0, s3;
	s0 =	sld [smem:$0x3FA2]  }
0x30: {  	s3 =	sld [smem:$0x3FA5]  }
0x31: {  	[smem:$0x3FAE] =	sst s10  }
0x32: {  	s10 =	sld [smem:$0x3FAC];
	_ =	sdelay $0x3  }
0x33: {  	p0 =	seq.s32 s10, $0x1;
	s10 =	sld [smem:$0x3FAE];
	_ =	sdelay $0x3  }
0x34: {  	[smem:$0x3FAE] =	sst s10  }
0x35: {  	s10 =	sld [smem:$0x3FAD];
	_ =	sdelay $0x3  }
0x36: {  	p1 =	seq.s32 s10, $0x1;
	s10 =	sld [smem:$0x3FAE];
	_ =	sdelay $0x3  }
0x37: {  	[smem:$0x3FAE] =	sst s10  }
0x38: {  	s10 =	sld [smem:$0x3FAF]  }
0x39: {  	_ = 	snop;
	(pc) =	sbr.ind lr, $3  }
0x3a: {  	_ = 	snop  }
0x3b: {  	_ = 	snop  }
0x3c: {  	p2 =	seq.s32 s10, $0x1;
	s10 =	sld [smem:$0x3FAE]  }
0x3d: {  	_ =	shalt  }
0x3e: {  	_ =	shalt  }
0x3f: {  	_ =	shalt  }
0x40: {  	_ =	shalt  }
0x41: {  	_ =	shalt  }
0x42: {  	_ =	shalt  }
0x43: {  	_ =	shalt  }
0x44: {  	_ =	shalt  }
0x45: {  	_ =	shalt  }
0x46: {  	_ =	shalt  }
0x47: {  	_ =	shalt  }
0x48: {  	_ =	shalt  }
0x49: {  	_ =	shalt  }
0x4a: {  	_ =	shalt  }
0x4b: {  	_ =	shalt  }
0x4c: {  	_ =	shalt  }
0x4d: {  	_ =	shalt  }
0x4e: {  	_ =	shalt  }
0x4f: {  	_ =	shalt  }
0x50: {  	_ =	shalt  }
0x51: {  	_ =	shalt  }
0x52: {  	_ =	shalt  }
0x53: {  	_ =	shalt  }
0x54: {  	_ =	shalt  }
0x55: {  	_ =	shalt  }
0x56: {  	_ =	shalt  }
0x57: {  	_ =	shalt  }
0x58: {  	_ =	shalt  }
0x59: {  	_ =	shalt  }
0x5a: {  	_ =	shalt  }
0x5b: {  	_ =	shalt  }
0x5c: {  	_ =	shalt  }
0x5d: {  	_ =	shalt  }
0x5e: {  	_ =	shalt  }
0x5f: {  	_ =	shalt  }
0x60: {  	_ =	shalt  }
0x61: {  	_ =	shalt  }
0x62: {  	_ =	shalt  }
0x63: {  	_ =	shalt  }
0x64: {  	_ =	shalt  }
0x65: {  	_ =	shalt  }
0x66: {  	_ =	shalt  }
0x67: {  	_ =	shalt  }
0x68: {  	_ =	shalt  }
0x69: {  	_ =	shalt  }
0x6a: {  	_ =	shalt  }
0x6b: {  	_ =	shalt  }
0x6c: {  	_ =	shalt  }
0x6d: {  	_ =	shalt  }
0x6e: {  	_ =	shalt  }
0x6f: {  	_ =	shalt  }
0x70: {  	_ =	shalt  }
0x71: {  	_ =	shalt  }
0x72: {  	_ =	shalt  }
0x73: {  	_ =	shalt  }
0x74: {  	_ =	shalt  }
0x75: {  	_ =	shalt  }
0x76: {  	_ =	shalt  }
0x77: {  	_ =	shalt  }
0x78: {  	_ =	shalt  }
0x79: {  	_ =	shalt  }
0x7a: {  	_ =	shalt  }
0x7b: {  	_ =	shalt  }
0x7c: {  	_ =	shalt  }
0x7d: {  	_ =	shalt  }
0x7e: {  	_ =	shalt  }
0x7f: {  	_ =	shalt  }
0x80: {  	_ =	shalt  }
0x81: {  	_ =	shalt  }
0x82: {  	_ =	shalt  }
0x83: {  	_ =	shalt  }
0x84: {  	_ =	shalt  }
0x85: {  	_ =	shalt  }
0x86: {  	_ =	shalt  }
0x87: {  	_ =	shalt  }
.Lfunc_end0:
.L_simem_size_0:
called_computation.3_lowered:
.L_overlay_start_0:
0x88: {  	s2 =	sld [smem:$0x3FD9]  }
0x89: {  	s3 =	sld [smem:$0x3FFE];
	_ =	sdelay $0x1  }
0x8a: {  	s1 =	srdreg.scid  }
0x8b: {  	s0 =	sand.u32 $0x1, s1  }
0x8c: {  	s17 =	sshll.u32 s0, $0xA;
	s2 =	sadd.s32 s3, s2  }
0x8d: {  	s2 =	sadd.s32 s2, s17  }
0x8e: {  	[smem:$0x3FBA] =	sst s2  }
0x8f: {  	_ = 	snop  }
0x90: {  	s2 =	sld [smem:$0x3FD0];
	(tm) =	ssettm $0x1  }
0x91: {  	s18 =	sld [smem:$0x3FFB];
	_ =	sdelay $0x3  }
0x92: {  	_ =	strace s18  }
0x93: {  	s3 =	sld [smem:$0x3FFC];
	_ =	sdelay $0x3  }
0x94: {  	_ =	strace s3  }
0x95: {  	s3 =	sld [smem:$0x3FFD];
	_ =	sdelay $0x3  }
0x96: {  	_ =	strace s3  }
0x97: {  	_ =	strace $0x8FFFFFFF  }
0x98: {  	s19 =	sld [smem:$0x3FDB];
	_ =	sdelay $0x1  }
0x99: {  	s4 =	simm.s32 $_scs_section_size  }
0x9a: {  	s5 =	simm.s32 $_size__tile_overlayer_lowered;
	s6 =	simm.s32 $_tile_overlayer_lowered  }
0x9b: {  	s22 =	simm.s32 $0x1BFF;
	s21 =	sshll.u32 s6, $0x1;
	s3 =	sadd.s32 s4, s19  }
0x9c: {  	s7 =	simm.s32 $0x0;
	s20 =	sshll.u32 s5, $0x1;
	s5 =	sadd.s32 s21, s3  }
0x9d: {  	[timem:s7], [sflag:s22] =	dma.local [hbm:s5], s20  }
0x9e: {  	_ =	swait.ge [sflag:s22], s20  }
0x9f: {  	s4 =	ssub.s32 $0x0, s20;
	[sflag:s22] =	ssyncset.done $0x0  }
0xa0: {  	[sflag:s22] =	ssyncadd.s32 s4;
	_ =	sdelay $0x1  }
0xa1: {  	s23 =	simm.s32 $0x1B8B  }
0xa2: {  	_ =	swait.ge [sflag:s23], $0x1  }
0xa3: {  	[sflag:s23] =	ssyncset.done $0x0  }
0xa4: {  	s25 =	simm.s32 $0x1B8E;
	s24 =	sld [smem:$0x3FFE];
	[sflag:s23] =	ssyncadd.s32 $0xFFFFFFFF  }
0xa5: {  	s26 =	simm.s32 $execute0_lowered;
	[smem:$0x3FD2] =	sst s25  }
0xa6: {  	s5 =	sshll.u32 s26, $0x1;
	_ =	strace $0x8000004F;
	[dreg:$0x1] =	wrdreg $0xFFFFFFFF  }
0xa7: {  	s28 =	simm.s32 $_size_execute0_lowered;
	s3 =	sadd.s32 s3, s5;
	[dreg:$0x0] =	wrdreg $0x0  }
0xa8: {  	s5 =	sshll.u32 s28, $0x1;
	[dreg:$0x2] =	wrdreg s3  }
0xa9: {  	[dreg:$0x3] =	wrdreg s5  }
0xaa: {  	[dreg:$0x4] =	wrdreg $0xC0  }
0xab: {  	_ =	task [dreg:s7], $0x5FFFF  }
0xac: {  	[dreg:$0x1] =	wrdreg $0xFFFFFFFF  }
0xad: {  	[dreg:$0x0] =	wrdreg $0x60  }
0xae: {  	[dreg:$0x2] =	wrdreg s2  }
0xaf: {  	[dreg:$0x3] =	wrdreg s24  }
0xb0: {  	[dreg:$0x4] =	wrdreg $0x78000  }
0xb1: {  	[dreg:$0x5] =	wrdreg $0x9  }
0xb2: {  	_ =	task.clear_ibuf [dreg:s7], $0x6FFFF;
	_ =	strace $0x9000004F  }
0xb3: {  	s29 =	simm.s32 $0x9;
	_ =	strace $0x80000051  }
0xb4: {  	_ =	swait.ge [sflag:s29], $0x1  }
0xb5: {  	[sflag:s29] =	ssyncadd.s32 $0xFFFFFFFF  }
0xb6: {  	_ =	strace $0x90000051  }
0xb7: {  	_ =	sfence  }
0xb8: {  	s30 =	sld [smem:$0x0];
	_ =	sdelay $0x2  }
0xb9: {  	s31 =	sshll.u32 s1, $0xD;
	s1 =	sshrl.u32 s1, $0x2  }
0xba: {  	s3 =	sand.u32 $0x4000, s31;
	s1 =	sadd.s32 s1, s30  }
0xbb: {  	s0 =	sor.u32 s3, s0;
	s1 =	sshll.u32 s1, $0x11  }
0xbc: {  	s0 =	sor.u32 s1, s0  }
0xbd: {  	s0 =	sadd.s32 $0x8F2B, s0  }
0xbe: {  	[sflag:s0] =	ssyncadd.remote.s32 $0x1  }
0xbf: {  	_ =	sfence.sel $0xFFFF  }
0xc0: {  	[dreg:$0x0] =	wrdreg $0xFFFFFFFF;
	(pc) =	sbr.abs _section_cstart, $3  }
0xc1: {  	[dreg:$0x1] =	wrdreg $0xFFFFFFFF  }
0xc2: {  	_ =	task.clear_ibuf [dreg:s7], $0x2FFFF;
	_ =	strace $0x9FFFFFFF  }
0xc3: {  	(tm) =	ssettm $0x7FFFFFFF  }
tec
execute0_lowered:
.L_overlay_start_1:
0x0: {  	(tag) =	ssettag $0x1  }
0x1: {  	s1 =	rddreg [dreg:$0x0]  }
0x2: {  	s6 =	rddreg [dreg:$0x1]  }
0x3: {  	s2 =	rddreg [dreg:$0x2]  }
0x4: {  	s3 =	simm.s32 $0x0;
	s0 =	srdreg.scid;
	s10 =	stileid.u32  }
0x5: {  	s30 =	simm.s32 $0x2000;
	s31 =	simm.s32 $0x3;
	[smem:$0x7FF] =	sst s3  }
0x6: {  	s7 =	sand.u32 $0x1, s0;
	s5 =	sadd.s32 $0x2CA00, s6;
	s8 =	smul.u32 $0x13800, s10  }
0x7: {  	s9 =	sadd.s32 $0x53C00, s6;
	s21 =	sshll.u32 s10, $0x1;
	s0 =	ssub.s32 $0x2, s7  }
0x8: {  	s10 =	smul.u32 $0x4E000, s10;
	_ =	strace $0x80000050;
	s4 =	sshrl.u32 s0, $0x1  }
0x9: {  	s11 =	sadd.s32 $0x2800, s8;
	s13 =	sadd.s32 $0x5000, s8;
	s14 =	sadd.s32 $0x7800, s8  }
0xa: {  	s16 =	sadd.s32 $0xA000, s8;
	s24 =	sadd.s32 $0xC800, s8;
	s25 =	sadd.s32 $0xF000, s8  }
0xb: {  	s0 =	ssub.s32 s0, s4;
	s4 =	sor.u32 s7, s21;
	s7 =	smul.u32 $0x138800, s7  }
0xc: {  	s26 =	sadd.s32 $0x11800, s8;
	s21 =	sshrl.u32 s10, $0x2;
	s28 =	smul.u32 $0x5000, s4  }
0xd: {  	s29 =	smax.u32 s0, $0x1;
	s0 =	simm.s32 $0x1000;
	s4 =	simm.s32 $0x50  }
0xe: {  	s8 =	sadd.s32 s8, s7;
	s12 =	sadd.s32 s7, s11;
	s15 =	sadd.s32 s7, s13  }
0xf: {  	s17 =	sadd.s32 s7, s24;
	s20 =	sadd.s32 s7, s25;
	s24 =	sadd.s32 s24, s2  }
0x10: {  	s25 =	sadd.s32 s25, s2;
	s8 =	sshrl.u32 s8, $0x3;
	s12 =	sshrl.u32 s12, $0x3  }
0x11: {  	s23 =	sshrl.u32 s15, $0x3;
	s15 =	sadd.s32 s7, s16;
	s19 =	sshrl.u32 s17, $0x3  }
0x12: {  	s8 =	sadd.s32 s9, s8;
	s22 =	sadd.s32 s9, s12;
	s12 =	sadd.s32 s7, s14  }
0x13: {  	v0 =	vimm.s32 $0xFEDCBA98;
	v1 =	vimm.s32 $0x76543210;
	v2 =	vimm.s32 $0xBA98FEDC;
	s7 =	sadd.s32 s7, s26;
	s26 =	sadd.s32 s26, s2;
	[dreg:$0x4] =	wrdreg s8  }
0x14: {  	v3 =	vimm.s32 $0x32107654;
	v4 =	vimm.s32 $0xDCFE98BA;
	v5 =	vimm.s32 $0x54761032;
	[dreg:$0x5] =	wrdreg s22;
	s8 =	sadd.s32 s9, s23;
	s7 =	sshrl.u32 s7, $0x3  }
0x15: {  	v6 =	vimm.s32 $0xEFCDAB89;
	v7 =	vimm.s32 $0x67452301;
	s22 =	sadd.s32 $0x2C400, s6;
	s23 =	sadd.s32 $0x4000, s6;
	[dreg:$0x6] =	wrdreg s8  }
0x16: {  	v0 =	vunpack.c.l.s4.s8 v0;
	v1 =	vunpack.c.l.s4.s8 v1;
	v2 =	vunpack.c.l.s4.s8 v2;
	s8 =	sshrl.u32 s12, $0x3;
	s12 =	sshrl.u32 s15, $0x3;
	[dreg:$0xc] =	wrdreg s22  }
0x17: {  	v3 =	vunpack.c.l.s4.s8 v3;
	v4 =	vunpack.c.l.s4.s8 v4;
	v5 =	vunpack.c.l.s4.s8 v5;
	s7 =	sadd.s32 s9, s7;
	s15 =	sadd.s32 $0x4400, s6;
	[dreg:$0xd] =	wrdreg s23  }
0x18: {  	v6 =	vunpack.c.l.s4.s8 v6;
	v7 =	vunpack.c.l.s4.s8 v7;
	v0 =	vunpack.c.0.s8.s32 v0;
	s22 =	sadd.s32 s14, s2;
	s8 =	sadd.s32 s9, s8;
	[dreg:$0xb] =	wrdreg s7  }
0x19: {  	v2 =	vunpack.c.0.s8.s32 v2;
	v3 =	vunpack.c.0.s8.s32 v3;
	v4 =	vunpack.c.0.s8.s32 v4;
	s23 =	sadd.s32 s16, s2;
	s18 =	sadd.s32 s9, s12;
	[dreg:$0x7] =	wrdreg s8  }
0x1a: {  	v5 =	vunpack.c.0.s8.s32 v5;
	v6 =	vunpack.c.0.s8.s32 v6;
	v7 =	vunpack.c.0.s8.s32 v7;
	s12 =	sadd.s32 $0x18400, s6;
	s7 =	simm.s32 $0x1;
	[dreg:$0x8] =	wrdreg s18  }
0x1b: {  	v1 =	vunpack.c.0.s8.s32 v1;
	v2 =	vcombine.low v3, v2;
	s8 =	sadd.s32 s9, s19;
	s18 =	sadd.s32 $0x4200, s6;
	s19 =	sadd.s32 s21, s2  }
0x1c: {  	v3 =	vcombine.low v5, v4;
	v4 =	vcombine.low v7, v6;
	v0 =	vand.u32 $0xF, v0;
	s21 =	sadd.s32 s13, s2;
	[dreg:$0x9] =	wrdreg s8;
	s8 =	sshrl.u32 s20, $0x3  }
0x1d: {  	v0 =	vcombine.low v0, v1;
	v1 =	vand.u32 $0xF, v2;
	s6 =	simm.s32 $0x4800;
	s20 =	sadd.s32 s11, s2;
	s8 =	sadd.s32 s9, s8  }
0x1e: {  	v2 =	vand.u32 $0xF, v3;
	v3 =	vand.u32 $0xF, v4;
	v4 =	vimm.f32 $1.000000000e+00;
	s9 =	simm.s32 $0x0;
	[dreg:$0xa] =	wrdreg s8;
	s8 =	simm.s32 $0x2  }
.LBB2_1:
0x1f: {  	s10 =	rddreg [dreg:$0xc]  }
0x20: {  	[tilespmem:s30], [sflag:$0x3] =	stream.linear.gather [hbm4b:s10+s3], $0x2800, $0x38;
	[tilespmem:$0x1B080] =	vst v63  }
0x21: {  	_ =	swait.ge [sflag:s31], $0x2800  }
0x22: {  	[sflag:s31] =	ssyncset.done $0x0  }
0x23: {  	[sflag:s31] =	ssyncadd.s32 $0xFFFFD800  }
0x24: {  	[spmem:s19] =	stream.linear.scatter [tilespmem:s30], [sflag:$0x3], $0x2800, $0x38;
	[tilespmem:$0x1B080] =	vst v63  }
0x25: {  	_ =	swait.ge [sflag:s31], $0x2800  }
0x26: {  	[sflag:s31] =	ssyncset.done $0x0  }
0x27: {  	[sflag:s31] =	ssyncadd.s32 $0xFFFFD800  }
0x28: {  	[spmem:s20] =	stream.linear.scatter [tilespmem:s30], [sflag:$0x3], $0x2800, $0x38;
	[tilespmem:$0x1B080] =	vst v63  }
0x29: {  	_ =	swait.ge [sflag:s31], $0x2800  }
0x2a: {  	[sflag:s31] =	ssyncset.done $0x0  }
0x2b: {  	[sflag:s31] =	ssyncadd.s32 $0xFFFFD800  }
0x2c: {  	[spmem:s21] =	stream.linear.scatter [tilespmem:s30], [sflag:$0x3], $0x2800, $0x38;
	[tilespmem:$0x1B080] =	vst v63  }
0x2d: {  	_ =	swait.ge [sflag:s31], $0x2800  }
0x2e: {  	[sflag:s31] =	ssyncset.done $0x0  }
0x2f: {  	[sflag:s31] =	ssyncadd.s32 $0xFFFFD800  }
0x30: {  	[spmem:s22] =	stream.linear.scatter [tilespmem:s30], [sflag:$0x3], $0x2800, $0x38;
	[tilespmem:$0x1B080] =	vst v63  }
0x31: {  	_ =	swait.ge [sflag:s31], $0x2800  }
0x32: {  	[sflag:s31] =	ssyncset.done $0x0  }
0x33: {  	[sflag:s31] =	ssyncadd.s32 $0xFFFFD800  }
0x34: {  	[spmem:s23] =	stream.linear.scatter [tilespmem:s30], [sflag:$0x3], $0x2800, $0x38;
	[tilespmem:$0x1B080] =	vst v63  }
0x35: {  	_ =	swait.ge [sflag:s31], $0x2800  }
0x36: {  	[sflag:s31] =	ssyncset.done $0x0  }
0x37: {  	[sflag:s31] =	ssyncadd.s32 $0xFFFFD800  }
0x38: {  	[spmem:s24] =	stream.linear.scatter [tilespmem:s30], [sflag:$0x3], $0x2800, $0x38;
	[tilespmem:$0x1B080] =	vst v63  }
0x39: {  	_ =	swait.ge [sflag:s31], $0x2800  }
0x3a: {  	[sflag:s31] =	ssyncset.done $0x0  }
0x3b: {  	[sflag:s31] =	ssyncadd.s32 $0xFFFFD800  }
0x3c: {  	[spmem:s25] =	stream.linear.scatter [tilespmem:s30], [sflag:$0x3], $0x2800, $0x38;
	[tilespmem:$0x1B080] =	vst v63  }
0x3d: {  	_ =	swait.ge [sflag:s31], $0x2800  }
0x3e: {  	[sflag:s31] =	ssyncset.done $0x0  }
0x3f: {  	[sflag:s31] =	ssyncadd.s32 $0xFFFFD800  }
0x40: {  	[spmem:s26] =	stream.linear.scatter [tilespmem:s30], [sflag:$0x3], $0x2800, $0x38;
	[tilespmem:$0x1B080] =	vst v63  }
0x41: {  	_ =	swait.ge [sflag:s31], $0x2800  }
0x42: {  	[sflag:s31] =	ssyncset.done $0x0  }
0x43: {  	s11 =	simm.s32 $0x7000;
	s16 =	rddreg [dreg:$0xd];
	[sflag:s31] =	ssyncadd.s32 $0xFFFFD800  }
0x44: {  	[tilespmem:s11], [sflag:$0x3] =	stream.linear.gather [hbm4b:s16+s3], $0x400, $0x38;
	[tilespmem:$0x1B080] =	vst v63  }
0x45: {  	_ =	swait.ge [sflag:s31], $0x400  }
0x46: {  	[sflag:s31] =	ssyncset.done $0x0  }
0x47: {  	s17 =	simm.s32 $0x7400;
	[sflag:s31] =	ssyncadd.s32 $0xFFFFFC00  }
0x48: {  	[tilespmem:s17], [sflag:$0x3] =	stream.linear.gather [hbm4b:s18+s3], $0x400, $0x38;
	[tilespmem:$0x1B080] =	vst v63  }
0x49: {  	_ =	swait.ge [sflag:s31], $0x400  }
0x4a: {  	[sflag:s31] =	ssyncset.done $0x0  }
0x4b: {  	[sflag:s31] =	ssyncadd.s32 $0xFFFFFC00  }
0x4c: {  	[bflag:$0x0] =	sbarrier.arrive $0xFFFF  }
0x4d: {  	v5 =	vld [tilespmem:$0x7000]  }
0x4e: {  	v6 =	vld [tilespmem:$0x7080]  }
0x4f: {  	v7 =	vld [tilespmem:$0x7100]  }
0x50: {  	v8 =	vld [tilespmem:$0x7180]  }
0x51: {  	v9 =	vld [tilespmem:$0x7200]  }
0x52: {  	v10 =	vld [tilespmem:$0x7280]  }
0x53: {  	v11 =	vld [tilespmem:$0x7300]  }
0x54: {  	v12 =	vld [tilespmem:$0x7380]  }
0x55: {  	v13 =	vld [tilespmem:$0x7400]  }
0x56: {  	v14 =	vld [tilespmem:$0x7480]  }
0x57: {  	v15 =	vld [tilespmem:$0x7500]  }
0x58: {  	v16 =	vld [tilespmem:$0x7580]  }
0x59: {  	v17 =	vld [tilespmem:$0x7600]  }
0x5a: {  	v18 =	vld [tilespmem:$0x7680]  }
0x5b: {  	v19 =	vld [tilespmem:$0x7700]  }
0x5c: {  	s10 =	simm.s32 $0x0;
	v20 =	vld [tilespmem:$0x7780]  }
.LBB2_2:
0x5d: {  	s11 =	sshll.u32 s10, $0xC  }
0x5e: {  	s11 =	sadd.s32 s28, s11  }
0x5f: {  	s13 =	sshrl.u32 s11, $0x3  }
0x60: {  	s11 =	simm.s32 $0x0;
	s14 =	sadd.s32 s12, s13  }
0x61: {  	[tilespmem:s11], [sflag:$0x3] =	stream.linear.gather [hbm4b:s14+s11], $0xC80, $0x38;
	[tilespmem:$0x1B080] =	vst v63  }
0x62: {  	_ =	swait.ge [sflag:s31], $0xC80  }
0x63: {  	[sflag:s31] =	ssyncset.done $0x0  }
0x64: {  	s13 =	sadd.s32 s15, s13;
	[sflag:s31] =	ssyncadd.s32 $0xFFFFF380  }
0x65: {  	[tilespmem:s0], [sflag:$0x3] =	stream.linear.gather [hbm4b:s13+s11], $0xC80, $0x38;
	[tilespmem:$0x1B080] =	vst v63  }
0x66: {  	_ =	swait.ge [sflag:s31], $0xC80  }
0x67: {  	[sflag:s31] =	ssyncset.done $0x0  }
0x68: {  	[sflag:s31] =	ssyncadd.s32 $0xFFFFF380  }
.LBB2_3:
0x69: {  	s13 =	sshll.u32 s11, $0x7  }
0x6a: {  	[tilespmem:s30], [sflag:$0x1] =	stream.indirect.gather [hbm4b:s1+s4], $0x80, s13, s4, $0xb8;
	[tilespmem:$0x1B080] =	vst v63  }
0x6b: {  	s14 =	sadd.s32 $0x1000, s13  }
0x6c: {  	[tilespmem:s6], [sflag:$0x2] =	stream.indirect.gather [hbm4b:s5+s4], $0x80, s14, s4, $0xb8;
	[tilespmem:$0x1B080] =	vst v63  }
0x6d: {  	_ =	swait.ge [sflag:s7], $0x2800  }
0x6e: {  	[sflag:s7] =	ssyncset.done $0x0  }
0x6f: {  	[sflag:s7] =	ssyncadd.s32 $0xFFFFD800  }
0x70: {  	_ =	swait.ge [sflag:s8], $0x2800  }
0x71: {  	[sflag:s8] =	ssyncset.done $0x0  }
0x72: {  	s14 =	simm.s32 $0x0;
	[sflag:s8] =	ssyncadd.s32 $0xFFFFD800  }
0x73: {  	v21 =	vld [tilespmem:s14+$0x4800]  }
0x74: {  	v22 =	vld [tilespmem:s14+$0x2000]  }
0x75: {  	v23 =	vld [tilespmem:s14+$0x4810]  }
0x76: {  	v24 =	vld [tilespmem:s14+$0x2010]  }
0x77: {  	v25 =	vld [tilespmem:s14+$0x4820]  }
0x78: {  	v26 =	vld [tilespmem:s14+$0x2020];
	_ =	sdelay $0x1  }
0x79: {  	v27 =	vld [tilespmem:s14+$0x4830];
	v21 =	vadd.f32 v21, v22  }
0x7a: {  	v28 =	vld [tilespmem:s14+$0x2030]  }
0x7b: {  	v29 =	vld [tilespmem:s14+$0x4840];
	v22 =	vadd.f32 v23, v24;
	v21 =	vmax.f32 v21, $0.0e+00  }
0x7c: {  	v23 =	vld [tilespmem:s14+$0x2040];
	v25 =	vadd.f32 v25, v26;
	v26 =	vadd.f32 $0.0e+00, v21  }
0x7d: {  	v30 =	vld [tilespmem:s14+$0x2050];
	v22 =	vmax.f32 v22, $0.0e+00  }
0x7e: {  	v24 =	vld [tilespmem:s14+$0x4850];
	v31 =	vmul.f32 v21, v21;
	v32 =	vmul.f32 v22, v22;
	v26 =	vadd.f32 v22, v26  }
0x7f: {  	v27 =	vadd.f32 v27, v28;
	v33 =	vmax.f32 v25, $0.0e+00;
	v25 =	vld [tilespmem:s14+$0x4860]  }
0x80: {  	v60 =	vmul.f32 v33, v33;
	v28 =	vadd.f32 v32, v31;
	v31 =	vld [tilespmem:s14+$0x2060];
	v26 =	vadd.f32 v33, v26  }
0x81: {  	v61 =	vld [tilespmem:s14+$0x2070];
	v34 =	vmax.f32 v27, $0.0e+00;
	v23 =	vadd.f32 v29, v23  }
0x82: {  	v27 =	vld [tilespmem:s14+$0x4870];
	v29 =	vmul.f32 v34, v34;
	v28 =	vadd.f32 v60, v28;
	v26 =	vadd.f32 v34, v26  }
0x83: {  	v35 =	vmax.f32 v23, $0.0e+00;
	v23 =	vadd.f32 v24, v30  }
0x84: {  	v24 =	vadd.f32 v29, v28;
	v28 =	vmul.f32 v35, v35;
	v26 =	vadd.f32 v35, v26  }
0x85: {  	v29 =	vmax.f32 v23, $0.0e+00;
	v23 =	vadd.f32 v25, v31  }
0x86: {  	v24 =	vadd.f32 v28, v24;
	v25 =	vadd.f32 v29, v26;
	v26 =	vmul.f32 v29, v29  }
0x87: {  	v30 =	vmax.f32 v23, $0.0e+00;
	v23 =	vadd.f32 v27, v61  }
0x88: {  	v24 =	vadd.f32 v26, v24;
	v25 =	vadd.f32 v30, v25;
	v26 =	vmul.f32 v30, v30  }
0x89: {  	v31 =	vmax.f32 v23, $0.0e+00  }
0x8a: {  	v23 =	vadd.f32 v26, v24;
	v24 =	vadd.f32 v31, v25;
	v25 =	vmul.f32 v31, v31;
	_ =	sdelay $0x1  }
0x8b: {  	v23 =	vadd.f32 v25, v23;
	v25 =	vperm.xlane v24, v0;
	_ =	sdelay $0x1  }
0x8c: {  	v24 =	vadd.f32 v24, v25;
	v25 =	vperm.xlane v23, v0;
	_ =	sdelay $0x1  }
0x8d: {  	v26 =	vperm.xlane v24, v1;
	v23 =	vadd.f32 v25, v23;
	_ =	sdelay $0x1  }
0x8e: {  	v24 =	vadd.f32 v24, v26;
	v25 =	vperm.xlane v23, v1;
	_ =	sdelay $0x1  }
0x8f: {  	v26 =	vperm.xlane v24, v2;
	v23 =	vadd.f32 v25, v23;
	_ =	sdelay $0x1  }
0x90: {  	v24 =	vadd.f32 v24, v26;
	v25 =	vperm.xlane v23, v2;
	_ =	sdelay $0x1  }
0x91: {  	v26 =	vperm.xlane v24, v3;
	v23 =	vadd.f32 v25, v23;
	_ =	sdelay $0x1  }
0x92: {  	v24 =	vadd.f32 v24, v26;
	v25 =	vperm.xlane v23, v3;
	_ =	sdelay $0x1  }
0x93: {  	v62 =	vmul.f32 $7.812500000e-03, v24;
	v23 =	vadd.f32 v25, v23;
	_ =	sdelay $0x1  }
0x94: {  	v23 =	vmul.f32 $7.812500000e-03, v23;
	v24 =	vmul.f32 v62, v62;
	_ =	sdelay $0x1  }
0x95: {  	v23 =	vsub.f32 v23, v24;
	_ =	sdelay $0x1  }
0x96: {  	v23 =	vadd.f32 $9.999999740e-06, v23;
	_ =	sdelay $0x1  }
0x97: {  	v24 =	vmul.f32 $2.328306440e-10, v23  }
0x98: {  	vm9 =	vge.f32 v23, $4.294967300e+09  }
0x99: {  	v23 =	vsel vm9, v24, v23  }
0x9a: {  	v24 =	vmul.f32 $4.294967300e+09, v23  }
0x9b: {  	vm7 =	vlt.f32 v23, $1.000000000e+00  }
0x9c: {  	v23 =	vsel vm7, v24, v23  }
0x9d: {  	v24 =	vmul.f32 $1.525878910e-05, v23  }
0x9e: {  	vm8 =	vge.f32 v23, $6.553600000e+04  }
0x9f: {  	v23 =	vsel vm8, v24, v23  }
0xa0: {  	v24 =	vmul.f32 $6.553600000e+04, v23  }
0xa1: {  	vm5 =	vlt.f32 v23, $1.000000000e+00  }
0xa2: {  	v23 =	vsel vm5, v24, v23  }
0xa3: {  	v24 =	vmul.f32 $3.906250000e-03, v23  }
0xa4: {  	vm6 =	vge.f32 v23, $2.560000000e+02  }
0xa5: {  	v23 =	vsel vm6, v24, v23  }
0xa6: {  	v24 =	vmul.f32 $2.560000000e+02, v23  }
0xa7: {  	vm3 =	vlt.f32 v23, $1.000000000e+00  }
0xa8: {  	v23 =	vsel vm3, v24, v23  }
0xa9: {  	v24 =	vmul.f32 $6.250000000e-02, v23  }
0xaa: {  	vm4 =	vge.f32 v23, $1.600000000e+01  }
0xab: {  	v23 =	vsel vm4, v24, v23  }
0xac: {  	v24 =	vmul.f32 $1.600000000e+01, v23  }
0xad: {  	vm1 =	vlt.f32 v23, $1.000000000e+00  }
0xae: {  	v23 =	vsel vm1, v24, v23  }
0xaf: {  	v24 =	vmul.f32 $2.500000000e-01, v23  }
0xb0: {  	vm2 =	vge.f32 v23, $4.000000000e+00  }
0xb1: {  	v23 =	vsel vm2, v24, v23  }
0xb2: {  	v24 =	vmul.f32 $4.000000000e+00, v23  }
0xb3: {  	vm0 =	vlt.f32 v23, $1.000000000e+00  }
0xb4: {  	v23 =	vsel vm0, v24, v23  }
0xb5: {  	v24 =	vmul.f32 $-1.550000010e-01, v23;
	_ =	sdelay $0x1  }
0xb6: {  	v23 =	vmul.f32 $5.000000000e-01, v23;
	v24 =	vadd.f32 $1.120000000e+00, v24;
	_ =	sdelay $0x1  }
0xb7: {  	v25 =	vmul.f32 v24, v23;
	_ =	sdelay $0x1  }
0xb8: {  	v25 =	vmul.f32 v25, v24;
	_ =	sdelay $0x1  }
0xb9: {  	v26 =	vsel vm9, $0x37800000, v4;
	v25 =	vsub.f32 $1.500000000e+00, v25  }
0xba: {  	v27 =	vmul.f32 $6.553600000e+04, v26  }
0xbb: {  	v24 =	vmul.f32 v25, v24  }
0xbc: {  	v25 =	vsel vm7, v27, v26  }
0xbd: {  	v26 =	vmul.f32 $3.906250000e-03, v25;
	v27 =	vmul.f32 v24, v23;
	_ =	sdelay $0x1  }
0xbe: {  	v25 =	vsel vm8, v26, v25;
	v26 =	vmul.f32 v27, v24  }
0xbf: {  	v27 =	vmul.f32 $2.560000000e+02, v25  }
0xc0: {  	v26 =	vsub.f32 $1.500000000e+00, v26  }
0xc1: {  	v25 =	vsel vm5, v27, v25  }
0xc2: {  	v24 =	vmul.f32 v26, v24;
	v26 =	vmul.f32 $6.250000000e-02, v25;
	_ =	sdelay $0x1  }
0xc3: {  	v25 =	vsel vm6, v26, v25;
	v26 =	vmul.f32 v24, v23  }
0xc4: {  	v27 =	vmul.f32 $1.600000000e+01, v25  }
0xc5: {  	v26 =	vmul.f32 v26, v24  }
0xc6: {  	v25 =	vsel vm3, v27, v25  }
0xc7: {  	v27 =	vmul.f32 $2.500000000e-01, v25;
	v26 =	vsub.f32 $1.500000000e+00, v26;
	_ =	sdelay $0x1  }
0xc8: {  	v25 =	vsel vm4, v27, v25;
	v24 =	vmul.f32 v26, v24  }
0xc9: {  	v26 =	vmul.f32 $4.000000000e+00, v25  }
0xca: {  	v23 =	vmul.f32 v24, v23  }
0xcb: {  	v25 =	vsel vm1, v26, v25  }
0xcc: {  	[tilespmem:s14+$0x2000] =	vst v21;
	v26 =	vmul.f32 $5.000000000e-01, v25;
	v23 =	vmul.f32 v23, v24  }
0xcd: {  	[tilespmem:s14+$0x2010] =	vst v22  }
0xce: {  	[tilespmem:s14+$0x2020] =	vst v33;
	v26 =	vsel vm2, v26, v25;
	v25 =	vsub.f32 v21, v62;
	v21 =	vsub.f32 $1.500000000e+00, v23  }
0xcf: {  	[tilespmem:s14+$0x2030] =	vst v34;
	v28 =	vsub.f32 v30, v62;
	v36 =	vadd.f32 v26, v26  }
0xd0: {  	[tilespmem:s14+$0x2040] =	vst v35;
	v27 =	vsub.f32 v33, v62;
	v23 =	vsub.f32 v22, v62;
	v63 =	vmul.f32 v21, v24  }
0xd1: {  	[tilespmem:s14+$0x2050] =	vst v29;
	v22 =	vsub.f32 v35, v62;
	v24 =	vsub.f32 v31, v62;
	v31 =	vsel vm0, v36, v26  }
0xd2: {  	s16 =	simm.s32 $0x200;
	[tilespmem:s14+$0x2060] =	vst v30;
	v21 =	vsub.f32 v34, v62;
	v26 =	vsub.f32 v29, v62;
	v29 =	vmul.f32 v63, v31  }
.LBB2_4:
0xd3: {  	p0 =	sne.s32 s16, $0x9E00;
	s17 =	smov.u32 s16;
	s16 =	sadd.s32 $0x200, s16  }
0xd4: {  	s17 =	sshra.s32 s17, $0x2;
	v25 =	vmul.f32 v29, v25;
	v23 =	vmul.f32 v29, v23  }
0xd5: {  	v27 =	vmul.f32 v29, v27;
	v28 =	vmul.f32 v29, v28  }
0xd6: {  	v24 =	vmul.f32 v29, v24;
	v30 =	vld [tilespmem:s17+$0x4800];
	v25 =	vmul.f32 v25, v5  }
0xd7: {  	v27 =	vmul.f32 v27, v7;
	v28 =	vmul.f32 v28, v11  }
0xd8: {  	v22 =	vmul.f32 v29, v22;
	v26 =	vmul.f32 v29, v26;
	v25 =	vadd.f32 v25, v13  }
0xd9: {  	v21 =	vmul.f32 v29, v21;
	v23 =	vmul.f32 v23, v6;
	v27 =	vadd.f32 v27, v15  }
0xda: {  	v22 =	vmul.f32 v22, v9;
	[tilespmem:s14+$0x2000] =	vst v25;
	v25 =	vmul.f32 v26, v10;
	v26 =	vadd.f32 v28, v19  }
0xdb: {  	v21 =	vmul.f32 v21, v8;
	v24 =	vmul.f32 v24, v12;
	v23 =	vadd.f32 v23, v14;
	[tilespmem:s14+$0x2020] =	vst v27  }
0xdc: {  	v22 =	vadd.f32 v22, v17;
	v27 =	vld [tilespmem:s17+$0x2000];
	v25 =	vadd.f32 v25, v18;
	[tilespmem:s14+$0x2060] =	vst v26  }
0xdd: {  	v21 =	vadd.f32 v21, v16;
	v26 =	vld [tilespmem:s17+$0x4810];
	[tilespmem:s14+$0x2010] =	vst v23;
	v23 =	vadd.f32 v24, v20  }
0xde: {  	v24 =	vld [tilespmem:s17+$0x2010];
	[tilespmem:s14+$0x2040] =	vst v22  }
0xdf: {  	v22 =	vld [tilespmem:s17+$0x4820];
	[tilespmem:s14+$0x2050] =	vst v25  }
0xe0: {  	v25 =	vld [tilespmem:s17+$0x2020];
	[tilespmem:s14+$0x2070] =	vst v23  }
0xe1: {  	v23 =	vadd.f32 v30, v27;
	v27 =	vld [tilespmem:s17+$0x4830];
	[tilespmem:s14+$0x2030] =	vst v21;
	s14 =	smov.u32 s17  }
0xe2: {  	v21 =	vld [tilespmem:s14+$0x2030]  }
0xe3: {  	v23 =	vmax.f32 v23, $0.0e+00;
	v24 =	vadd.f32 v26, v24;
	v26 =	vld [tilespmem:s14+$0x4840]  }
0xe4: {  	[tilespmem:s14+$0x2000] =	vst v23;
	v28 =	vadd.f32 $0.0e+00, v23;
	v29 =	vmul.f32 v23, v23;
	v30 =	vld [tilespmem:s14+$0x2040]  }
0xe5: {  	v24 =	vmax.f32 v24, $0.0e+00;
	v22 =	vadd.f32 v22, v25;
	v25 =	vld [tilespmem:s14+$0x4850]  }
0xe6: {  	[tilespmem:s14+$0x2010] =	vst v24;
	v28 =	vadd.f32 v24, v28;
	v31 =	vmul.f32 v24, v24;
	v32 =	vld [tilespmem:s14+$0x2050]  }
0xe7: {  	v22 =	vmax.f32 v22, $0.0e+00;
	v21 =	vadd.f32 v27, v21;
	v27 =	vld [tilespmem:s14+$0x4860]  }
0xe8: {  	v29 =	vadd.f32 v31, v29;
	[tilespmem:s14+$0x2020] =	vst v22;
	v28 =	vadd.f32 v22, v28;
	v31 =	vmul.f32 v22, v22;
	v33 =	vld [tilespmem:s14+$0x2060]  }
0xe9: {  	v21 =	vmax.f32 v21, $0.0e+00;
	v26 =	vadd.f32 v26, v30;
	v30 =	vld [tilespmem:s14+$0x4870]  }
0xea: {  	v29 =	vadd.f32 v31, v29;
	[tilespmem:s14+$0x2030] =	vst v21;
	v28 =	vadd.f32 v21, v28;
	v31 =	vmul.f32 v21, v21;
	v34 =	vld [tilespmem:s14+$0x2070]  }
0xeb: {  	v26 =	vmax.f32 v26, $0.0e+00;
	v25 =	vadd.f32 v25, v32  }
0xec: {  	v29 =	vadd.f32 v31, v29;
	[tilespmem:s14+$0x2040] =	vst v26;
	v28 =	vadd.f32 v26, v28;
	v31 =	vmul.f32 v26, v26  }
0xed: {  	v32 =	vmax.f32 v25, $0.0e+00;
	v25 =	vadd.f32 v27, v33  }
0xee: {  	v27 =	vadd.f32 v31, v29;
	[tilespmem:s14+$0x2050] =	vst v32;
	v28 =	vadd.f32 v32, v28;
	v29 =	vmul.f32 v32, v32  }
0xef: {  	v31 =	vmax.f32 v25, $0.0e+00;
	v25 =	vadd.f32 v30, v34  }
0xf0: {  	v27 =	vadd.f32 v29, v27;
	[tilespmem:s14+$0x2060] =	vst v31;
	v28 =	vadd.f32 v31, v28;
	v29 =	vmul.f32 v31, v31  }
0xf1: {  	v30 =	vmax.f32 v25, $0.0e+00  }
0xf2: {  	v25 =	vadd.f32 v29, v27;
	v27 =	vadd.f32 v30, v28;
	v28 =	vmul.f32 v30, v30;
	_ =	sdelay $0x1  }
0xf3: {  	v25 =	vadd.f32 v28, v25;
	v28 =	vperm.xlane v27, v0;
	_ =	sdelay $0x1  }
0xf4: {  	v27 =	vadd.f32 v27, v28;
	v28 =	vperm.xlane v25, v0;
	_ =	sdelay $0x1  }
0xf5: {  	v29 =	vperm.xlane v27, v1;
	v25 =	vadd.f32 v28, v25;
	_ =	sdelay $0x1  }
0xf6: {  	v27 =	vadd.f32 v27, v29;
	v28 =	vperm.xlane v25, v1;
	_ =	sdelay $0x1  }
0xf7: {  	v29 =	vperm.xlane v27, v2;
	v25 =	vadd.f32 v28, v25;
	_ =	sdelay $0x1  }
0xf8: {  	v27 =	vadd.f32 v27, v29;
	v28 =	vperm.xlane v25, v2;
	_ =	sdelay $0x1  }
0xf9: {  	v29 =	vperm.xlane v27, v3;
	v25 =	vadd.f32 v28, v25;
	_ =	sdelay $0x1  }
0xfa: {  	v27 =	vadd.f32 v27, v29;
	v28 =	vperm.xlane v25, v3;
	_ =	sdelay $0x1  }
0xfb: {  	v29 =	vmul.f32 $7.812500000e-03, v27;
	v25 =	vadd.f32 v28, v25;
	_ =	sdelay $0x1  }
0xfc: {  	v28 =	vmul.f32 $7.812500000e-03, v25;
	v33 =	vmul.f32 v29, v29;
	v25 =	vsub.f32 v23, v29  }
0xfd: {  	v23 =	vsub.f32 v24, v29;
	v27 =	vsub.f32 v22, v29  }
0xfe: {  	v33 =	vsub.f32 v28, v33;
	v28 =	vsub.f32 v31, v29  }
0xff: {  	v22 =	vsub.f32 v26, v29;
	v24 =	vsub.f32 v30, v29  }
0x100: {  	v26 =	vsub.f32 v32, v29;
	v30 =	vadd.f32 $9.999999740e-06, v33  }
0x101: {  	v21 =	vsub.f32 v21, v29  }
0x102: {  	v29 =	vmul.f32 $2.328306440e-10, v30  }
0x103: {  	vm0 =	vge.f32 v30, $4.294967300e+09  }
0x104: {  	v29 =	vsel vm0, v29, v30;
	v30 =	vsel vm0, $0x37800000, v4  }
0x105: {  	v31 =	vmul.f32 $4.294967300e+09, v29;
	v32 =	vmul.f32 $6.553600000e+04, v30  }
0x106: {  	vm0 =	vlt.f32 v29, $1.000000000e+00  }
0x107: {  	v29 =	vsel vm0, v31, v29;
	v30 =	vsel vm0, v32, v30  }
0x108: {  	v31 =	vmul.f32 $1.525878910e-05, v29;
	v32 =	vmul.f32 $3.906250000e-03, v30  }
0x109: {  	vm0 =	vge.f32 v29, $6.553600000e+04  }
0x10a: {  	v29 =	vsel vm0, v31, v29;
	v30 =	vsel vm0, v32, v30  }
0x10b: {  	v31 =	vmul.f32 $6.553600000e+04, v29;
	v32 =	vmul.f32 $2.560000000e+02, v30  }
0x10c: {  	vm0 =	vlt.f32 v29, $1.000000000e+00  }
0x10d: {  	v29 =	vsel vm0, v31, v29;
	v30 =	vsel vm0, v32, v30  }
0x10e: {  	v31 =	vmul.f32 $3.906250000e-03, v29;
	v32 =	vmul.f32 $6.250000000e-02, v30  }
0x10f: {  	vm0 =	vge.f32 v29, $2.560000000e+02  }
0x110: {  	v29 =	vsel vm0, v31, v29;
	v30 =	vsel vm0, v32, v30  }
0x111: {  	v31 =	vmul.f32 $2.560000000e+02, v29;
	v32 =	vmul.f32 $1.600000000e+01, v30  }
0x112: {  	vm0 =	vlt.f32 v29, $1.000000000e+00  }
0x113: {  	v29 =	vsel vm0, v31, v29;
	v30 =	vsel vm0, v32, v30  }
0x114: {  	v31 =	vmul.f32 $6.250000000e-02, v29;
	v32 =	vmul.f32 $2.500000000e-01, v30  }
0x115: {  	vm0 =	vge.f32 v29, $1.600000000e+01  }
0x116: {  	v29 =	vsel vm0, v31, v29;
	v30 =	vsel vm0, v32, v30  }
0x117: {  	v31 =	vmul.f32 $1.600000000e+01, v29;
	v32 =	vmul.f32 $4.000000000e+00, v30  }
0x118: {  	vm0 =	vlt.f32 v29, $1.000000000e+00  }
0x119: {  	v29 =	vsel vm0, v31, v29;
	v30 =	vsel vm0, v32, v30  }
0x11a: {  	v31 =	vmul.f32 $2.500000000e-01, v29;
	v32 =	vmul.f32 $5.000000000e-01, v30  }
0x11b: {  	vm0 =	vge.f32 v29, $4.000000000e+00  }
0x11c: {  	v29 =	vsel vm0, v31, v29;
	v30 =	vsel vm0, v32, v30  }
0x11d: {  	v31 =	vmul.f32 $4.000000000e+00, v29;
	v32 =	vadd.f32 v30, v30  }
0x11e: {  	vm0 =	vlt.f32 v29, $1.000000000e+00  }
0x11f: {  	v29 =	vsel vm0, v31, v29;
	v30 =	vsel vm0, v32, v30  }
0x120: {  	v31 =	vmul.f32 $-1.550000010e-01, v29;
	_ =	sdelay $0x1  }
0x121: {  	v29 =	vmul.f32 $5.000000000e-01, v29;
	v31 =	vadd.f32 $1.120000000e+00, v31;
	_ =	sdelay $0x1  }
0x122: {  	v32 =	vmul.f32 v31, v29;
	_ =	sdelay $0x1  }
0x123: {  	v32 =	vmul.f32 v32, v31;
	_ =	sdelay $0x1  }
0x124: {  	v32 =	vsub.f32 $1.500000000e+00, v32;
	_ =	sdelay $0x1  }
0x125: {  	v31 =	vmul.f32 v32, v31;
	_ =	sdelay $0x1  }
0x126: {  	v32 =	vmul.f32 v31, v29;
	_ =	sdelay $0x1  }
0x127: {  	v32 =	vmul.f32 v32, v31;
	_ =	sdelay $0x1  }
0x128: {  	v32 =	vsub.f32 $1.500000000e+00, v32;
	_ =	sdelay $0x1  }
0x129: {  	v31 =	vmul.f32 v32, v31;
	_ =	sdelay $0x1  }
0x12a: {  	v32 =	vmul.f32 v31, v29;
	_ =	sdelay $0x1  }
0x12b: {  	v32 =	vmul.f32 v32, v31;
	_ =	sdelay $0x1  }
0x12c: {  	v32 =	vsub.f32 $1.500000000e+00, v32;
	_ =	sdelay $0x1  }
0x12d: {  	v31 =	vmul.f32 v32, v31;
	_ =	sdelay $0x1  }
0x12e: {  	v29 =	vmul.f32 v31, v29;
	_ =	sdelay $0x1  }
0x12f: {  	v29 =	vmul.f32 v29, v31;
	_ =	sdelay $0x1  }
.Ltmp0:
0x130: {  	v29 =	vsub.f32 $1.500000000e+00, v29;
	(pc) =	sbr.rel @p0 .LBB2_4-.Ltmp0, $3  }
0x131: {  	_ = 	snop  }
0x132: {  	v29 =	vmul.f32 v29, v31;
	_ =	sdelay $0x1  }
0x133: {  	v29 =	vmul.f32 v29, v30  }
0x134: {  	_ = 	snop  }
0x135: {  	v25 =	vmul.f32 v29, v25  }
0x136: {  	v27 =	vmul.f32 v29, v27  }
0x137: {  	v28 =	vmul.f32 v29, v28;
	v25 =	vmul.f32 v25, v5  }
0x138: {  	v23 =	vmul.f32 v29, v23;
	v27 =	vmul.f32 v27, v7  }
0x139: {  	v22 =	vmul.f32 v29, v22;
	v28 =	vmul.f32 v28, v11;
	v25 =	vadd.f32 v25, v13  }
0x13a: {  	v26 =	vmul.f32 v29, v26;
	v23 =	vmul.f32 v23, v6;
	v27 =	vadd.f32 v27, v15  }
0x13b: {  	v21 =	vmul.f32 v29, v21;
	v22 =	vmul.f32 v22, v9;
	v62 =	vadd.f32 v28, v19;
	[tilespmem:s14+$0x2000] =	vst v25  }
0x13c: {  	v24 =	vmul.f32 v29, v24;
	v26 =	vmul.f32 v26, v10;
	v23 =	vadd.f32 v23, v14;
	[tilespmem:s14+$0x2020] =	vst v27  }
0x13d: {  	v21 =	vmul.f32 v21, v8;
	v22 =	vadd.f32 v22, v17;
	[tilespmem:s14+$0x2060] =	vst v62  }
0x13e: {  	v24 =	vmul.f32 v24, v12;
	v63 =	vadd.f32 v26, v18;
	[tilespmem:s14+$0x2010] =	vst v23  }
0x13f: {  	v21 =	vadd.f32 v21, v16;
	[tilespmem:s14+$0x2040] =	vst v22  }
0x140: {  	s11 =	sadd.s32 $0x1, s11;
	v23 =	vadd.f32 v24, v20;
	[tilespmem:s14+$0x2050] =	vst v63  }
0x141: {  	p0 =	sne.s32 s11, $0x19;
	[tilespmem:s14+$0x2030] =	vst v21  }
.Ltmp1:
0x142: {  	[tilespmem:s14+$0x2070] =	vst v23;
	(pc) =	sbr.rel @p0 .LBB2_3-.Ltmp1, $4  }
0x143: {  	[spmem:s2] =	stream.indirect.scatter.add.f32 [tilespmem:s30], [sflag:$0x3], $0x80, s13, s4, $0xb8;
	[tilespmem:$0x1B080] =	vst v63  }
0x144: {  	_ =	swait.ge [sflag:s31], $0x2800  }
0x145: {  	[sflag:s31] =	ssyncset.done $0x0  }
0x146: {  	[sflag:s31] =	ssyncadd.s32 $0xFFFFD800  }
0x147: {  	s10 =	sadd.s32 $0x1, s10  }
0x148: {  	p0 =	sne.s32 s10, $0x5  }
.Ltmp2:
0x149: {  	_ = 	snop;
	(pc) =	sbr.rel @p0 .LBB2_2-.Ltmp2, $1  }
0x14a: {  	_ =	sdelay $0x3  }
0x14b: {  	[bflag:$0x0] =	sbarrier.arrive $0xFFFF  }
0x14c: {  	[tilespmem:s30], [sflag:$0x3] =	stream.linear.gather [spmem:s19], $0x2800, $0x38;
	[tilespmem:$0x1B080] =	vst v63  }
0x14d: {  	_ =	swait.ge [sflag:s31], $0x2800  }
0x14e: {  	[sflag:s31] =	ssyncset.done $0x0  }
0x14f: {  	s10 =	rddreg [dreg:$0x4];
	[sflag:s31] =	ssyncadd.s32 $0xFFFFD800  }
0x150: {  	[hbm4b:s10+s3] =	stream.linear.scatter [tilespmem:s30], [sflag:$0x3], $0x2800, $0x38;
	[tilespmem:$0x1B080] =	vst v63  }
0x151: {  	_ =	swait.ge [sflag:s31], $0x2800  }
0x152: {  	[sflag:s31] =	ssyncset.done $0x0  }
0x153: {  	[sflag:s31] =	ssyncadd.s32 $0xFFFFD800  }
0x154: {  	[tilespmem:s30], [sflag:$0x3] =	stream.linear.gather [spmem:s20], $0x2800, $0x38;
	[tilespmem:$0x1B080] =	vst v63  }
0x155: {  	_ =	swait.ge [sflag:s31], $0x2800  }
0x156: {  	[sflag:s31] =	ssyncset.done $0x0  }
0x157: {  	s16 =	rddreg [dreg:$0x5];
	[sflag:s31] =	ssyncadd.s32 $0xFFFFD800  }
0x158: {  	[hbm4b:s16+s3] =	stream.linear.scatter [tilespmem:s30], [sflag:$0x3], $0x2800, $0x38;
	[tilespmem:$0x1B080] =	vst v63  }
0x159: {  	_ =	swait.ge [sflag:s31], $0x2800  }
0x15a: {  	[sflag:s31] =	ssyncset.done $0x0  }
0x15b: {  	[sflag:s31] =	ssyncadd.s32 $0xFFFFD800  }
0x15c: {  	[tilespmem:s30], [sflag:$0x3] =	stream.linear.gather [spmem:s21], $0x2800, $0x38;
	[tilespmem:$0x1B080] =	vst v63  }
0x15d: {  	_ =	swait.ge [sflag:s31], $0x2800  }
0x15e: {  	[sflag:s31] =	ssyncset.done $0x0  }
0x15f: {  	s17 =	rddreg [dreg:$0x6];
	[sflag:s31] =	ssyncadd.s32 $0xFFFFD800  }
0x160: {  	[hbm4b:s17+s3] =	stream.linear.scatter [tilespmem:s30], [sflag:$0x3], $0x2800, $0x38;
	[tilespmem:$0x1B080] =	vst v63  }
0x161: {  	_ =	swait.ge [sflag:s31], $0x2800  }
0x162: {  	[sflag:s31] =	ssyncset.done $0x0  }
0x163: {  	[sflag:s31] =	ssyncadd.s32 $0xFFFFD800  }
0x164: {  	[tilespmem:s30], [sflag:$0x3] =	stream.linear.gather [spmem:s22], $0x2800, $0x38;
	[tilespmem:$0x1B080] =	vst v63  }
0x165: {  	_ =	swait.ge [sflag:s31], $0x2800  }
0x166: {  	[sflag:s31] =	ssyncset.done $0x0  }
0x167: {  	s11 =	rddreg [dreg:$0x7];
	[sflag:s31] =	ssyncadd.s32 $0xFFFFD800  }
0x168: {  	[hbm4b:s11+s3] =	stream.linear.scatter [tilespmem:s30], [sflag:$0x3], $0x2800, $0x38;
	[tilespmem:$0x1B080] =	vst v63  }
0x169: {  	_ =	swait.ge [sflag:s31], $0x2800  }
0x16a: {  	[sflag:s31] =	ssyncset.done $0x0  }
0x16b: {  	[sflag:s31] =	ssyncadd.s32 $0xFFFFD800  }
0x16c: {  	[tilespmem:s30], [sflag:$0x3] =	stream.linear.gather [spmem:s23], $0x2800, $0x38;
	[tilespmem:$0x1B080] =	vst v63  }
0x16d: {  	_ =	swait.ge [sflag:s31], $0x2800  }
0x16e: {  	[sflag:s31] =	ssyncset.done $0x0  }
0x16f: {  	s13 =	rddreg [dreg:$0x8];
	[sflag:s31] =	ssyncadd.s32 $0xFFFFD800  }
0x170: {  	[hbm4b:s13+s3] =	stream.linear.scatter [tilespmem:s30], [sflag:$0x3], $0x2800, $0x38;
	[tilespmem:$0x1B080] =	vst v63  }
0x171: {  	_ =	swait.ge [sflag:s31], $0x2800  }
0x172: {  	[sflag:s31] =	ssyncset.done $0x0  }
0x173: {  	[sflag:s31] =	ssyncadd.s32 $0xFFFFD800  }
0x174: {  	[tilespmem:s30], [sflag:$0x3] =	stream.linear.gather [spmem:s24], $0x2800, $0x38;
	[tilespmem:$0x1B080] =	vst v63  }
0x175: {  	_ =	swait.ge [sflag:s31], $0x2800  }
0x176: {  	[sflag:s31] =	ssyncset.done $0x0  }
0x177: {  	s14 =	rddreg [dreg:$0x9];
	[sflag:s31] =	ssyncadd.s32 $0xFFFFD800  }
0x178: {  	[hbm4b:s14+s3] =	stream.linear.scatter [tilespmem:s30], [sflag:$0x3], $0x2800, $0x38;
	[tilespmem:$0x1B080] =	vst v63  }
0x179: {  	_ =	swait.ge [sflag:s31], $0x2800  }
0x17a: {  	[sflag:s31] =	ssyncset.done $0x0  }
0x17b: {  	[sflag:s31] =	ssyncadd.s32 $0xFFFFD800  }
0x17c: {  	[tilespmem:s30], [sflag:$0x3] =	stream.linear.gather [spmem:s25], $0x2800, $0x38;
	[tilespmem:$0x1B080] =	vst v63  }
0x17d: {  	_ =	swait.ge [sflag:s31], $0x2800  }
0x17e: {  	[sflag:s31] =	ssyncset.done $0x0  }
0x17f: {  	s16 =	rddreg [dreg:$0xa];
	[sflag:s31] =	ssyncadd.s32 $0xFFFFD800  }
0x180: {  	[hbm4b:s16+s3] =	stream.linear.scatter [tilespmem:s30], [sflag:$0x3], $0x2800, $0x38;
	[tilespmem:$0x1B080] =	vst v63  }
0x181: {  	_ =	swait.ge [sflag:s31], $0x2800  }
0x182: {  	[sflag:s31] =	ssyncset.done $0x0  }
0x183: {  	[sflag:s31] =	ssyncadd.s32 $0xFFFFD800  }
0x184: {  	[tilespmem:s30], [sflag:$0x3] =	stream.linear.gather [spmem:s26], $0x2800, $0x38;
	[tilespmem:$0x1B080] =	vst v63  }
0x185: {  	s9 =	sadd.s32 $0x1, s9;
	_ =	swait.ge [sflag:s31], $0x2800  }
0x186: {  	p0 =	sne.s32 s9, s29;
	[sflag:s31] =	ssyncset.done $0x0  }
.Ltmp3:
0x187: {  	s17 =	rddreg [dreg:$0xb];
	[sflag:s31] =	ssyncadd.s32 $0xFFFFD800;
	(pc) =	sbr.rel @p0 .LBB2_1-.Ltmp3, $4  }
0x188: {  	[hbm4b:s17+s3] =	stream.linear.scatter [tilespmem:s30], [sflag:$0x3], $0x2800, $0x38;
	[tilespmem:$0x1B080] =	vst v63  }
0x189: {  	_ =	swait.ge [sflag:s31], $0x2800  }
0x18a: {  	[sflag:s31] =	ssyncset.done $0x0  }
0x18b: {  	[sflag:s31] =	ssyncadd.s32 $0xFFFFD800  }
0x18c: {  	_ =	sfence.sel $0x180000  }
0x18d: {  	[bflag:$0x0] =	sbarrier.arrive $0xFFFF  }
0x18e: {  	_ =	strace $0x90000050  }
0x18f: {  	s0 =	stileid.u32;
	[bflag:$0x2] =	sbarrier.arrive $0xFFFF  }
0x190: {  	p0 =	sne.s32 s0, $0x0;
	s0 =	rddreg [dreg:$0x3]  }
0x191: {  	s0 =	sadd.s32 @!p0 $0x100000, s0  }
0x192: {  	[sflag:s0] =	ssyncadd.tile.s32 @!p0 $0x1;
	_ =	shalt  }
.Lfunc_end2:
_tile_overlayer_lowered:
.L_overlay_start_2:
0x193: {  	(tag) =	ssettag $0x2  }
0x194: {  	s0 =	rddreg [dreg:$0x0];
	s2 =	stileid.u32  }
0x195: {  	s1 =	rddreg [dreg:$0x1];
	p0 =	sne.s32 s2, $0x0  }
0x196: {  	s3 =	rddreg [dreg:$0x2];
	[bflag:$0x3] =	sbarrier.arrive $0xFFFF;
	s2 =	simm.s32 @!p0 $0x1C03  }
0x197: {  	[timem:s3], [sflag:s2] =	dma.local @!p0 [hbm:s0], s1  }
0x198: {  	s0 =	simm.s32 @!p0 $0x3  }
0x199: {  	_ =	swait.ge @!p0 [sflag:s0], s1  }
0x19a: {  	s1 =	ssub.s32 @!p0 $0x0, s1;
	[sflag:s0] =	ssyncset.done @!p0 $0x0  }
0x19b: {  	[sflag:s0] =	ssyncadd.s32 @!p0 s1  }
0x19c: {  	[bflag:$0x3] =	sbarrier.arrive $0xFFFF  }
0x19d: {  	_ =	shalt  }

// kernel: kernel.9.cloned.1.call-start
scs
__scs_entry_jumppad:
0x0: {  	(pc) =	sbr.rel $0x88, $3  }
0x1: {  	(tag) =	ssettag $0x0;
	lr =	simm.s32 $0x1  }
0x2: {  	[smem:$0x3F93] =	sst lr;
	_ =	strace $0xD0000000  }
0x3: {  	_ = 	snop  }
0x4: {  	_ = 	snop  }
0x5: {  	_ = 	snop  }
0x6: {  	_ = 	snop  }
0x7: {  	_ = 	snop  }
__scs_overlays_trampoline_lowered:
0x8: {  	[smem:$0x3FA2] =	sst s0  }
0x9: {  	[smem:$0x3FA3] =	sst s1  }
0xa: {  	[smem:$0x3FA4] =	sst s2  }
0xb: {  	[smem:$0x3FA5] =	sst s3  }
0xc: {  	[smem:$0x3FA6] =	sst s4  }
0xd: {  	[smem:$0x3FA7] =	sst s5  }
0xe: {  	[smem:$0x3FA8] =	sst s6  }
0xf: {  	[smem:$0x3FA9] =	sst s7  }
0x10: {  	[smem:$0x3FAA] =	sst s8  }
0x11: {  	[smem:$0x3FAB] =	sst s9;
	s0 =	simm.s32 @!p0 $0x0  }
0x12: {  	s1 =	sld [smem:$0x3F91];
	s0 =	simm.s32 @p0 $0x1  }
0x13: {  	[smem:$0x3FAC] =	sst s0;
	s0 =	simm.s32 @!p1 $0x0  }
0x14: {  	s2 =	sld [smem:$0x3F90];
	s0 =	simm.s32 @p1 $0x1  }
0x15: {  	[smem:$0x3FAD] =	sst s0;
	s0 =	simm.s32 @!p2 $0x0  }
0x16: {  	s3 =	sld [smem:$0x3FDB];
	s0 =	simm.s32 @p2 $0x1  }
0x17: {  	s4 =	simm.s32 $0x1BF5;
	[smem:$0x3FAF] =	sst s0  }
0x18: {  	s0 =	sld [smem:$0x3F92];
	_ =	swait.ge [sflag:s4], $0x0  }
0x19: {  	s7 =	sld [smem:$0x3F93]  }
0x1a: {  	s8 =	sadd.s32 $0xFFFFE003, lr  }
0x1b: {  	s9 =	sadd.s32 $0xFFFFFEF7, lr;
	s5 =	simm.s32 $0xFFFFFFFF;
	p2 =	slt.u32 s8, $0xFFFFF086  }
0x1c: {  	p1 =	slt.u32 s9, $0xF7A;
	s5 =	simm.s32 @!p2 $0x0  }
0x1d: {  	s5 =	simm.s32 @p1 $0x1;
	p0 =	seq.s32 s7, s2  }
0x1e: {  	s7 =	smul.u32 @!p0 $0xF7A, s2;
	p2 =	seq.s32 @!p0 s5, $0x0  }
0x1f: {  	s9 =	smul.u32 $0xF7A, s1;
	s8 =	simm.s32 @!p0 $0x1BF5;
	p2 =	por !p2, p0  }
0x20: {  	[sflag:s8] =	ssyncset.s32 @!p0 $0xFFFFF086;
	s6 =	sadd.s32 @!p0 s3, s7;
	s7 =	simm.s32 @!p0 $0x108  }
0x21: {  	s3 =	sadd.s32 s3, s9;
	s6 =	sadd.s32 @!p0 $0x88, s6;
	s7 =	simm.s32 @p2 $0x1082  }
0x22: {  	[simem:s7], [sflag:s8] =	dma.local @!p0 [hbm:s6], $0xF7A  }
0x23: {  	s9 =	sor.u32 $0xD0000000, s2;
	s6 =	simm.s32 $0x108;
	_ =	swait.ge @!p0 [sflag:s8], $0x0  }
0x24: {  	s3 =	sadd.s32 $0x88, s3;
	s6 =	simm.s32 @!p1 $0x1082;
	[sflag:s4] =	ssyncset.s32 $0xFFFFF086  }
0x25: {  	[simem:s6], [sflag:s4] =	dma.local [hbm:s3], $0xF7A  }
0x26: {  	[smem:$0x3F93] =	sst s1;
	(tag) =	ssettag s2;
	_ =	strace s9  }
0x27: {  	s1 =	sld [smem:$0x3FA3]  }
0x28: {  	s2 =	sld [smem:$0x3FA4]  }
0x29: {  	s4 =	sld [smem:$0x3FA6]  }
0x2a: {  	p0 =	seq.s32 s5, $0x0;
	s5 =	sld [smem:$0x3FA7]  }
0x2b: {  	s6 =	sld [smem:$0x3FA8]  }
0x2c: {  	s7 =	sld [smem:$0x3FA9]  }
0x2d: {  	s3 =	simm.s32 $0x108;
	s8 =	sld [smem:$0x3FAA]  }
0x2e: {  	s3 =	simm.s32 @!p0 $0x1082;
	s9 =	sld [smem:$0x3FAB]  }
0x2f: {  	lr =	sadd.s32 s0, s3;
	s0 =	sld [smem:$0x3FA2]  }
0x30: {  	s3 =	sld [smem:$0x3FA5]  }
0x31: {  	[smem:$0x3FAE] =	sst s10  }
0x32: {  	s10 =	sld [smem:$0x3FAC];
	_ =	sdelay $0x3  }
0x33: {  	p0 =	seq.s32 s10, $0x1;
	s10 =	sld [smem:$0x3FAE];
	_ =	sdelay $0x3  }
0x34: {  	[smem:$0x3FAE] =	sst s10  }
0x35: {  	s10 =	sld [smem:$0x3FAD];
	_ =	sdelay $0x3  }
0x36: {  	p1 =	seq.s32 s10, $0x1;
	s10 =	sld [smem:$0x3FAE];
	_ =	sdelay $0x3  }
0x37: {  	[smem:$0x3FAE] =	sst s10  }
0x38: {  	s10 =	sld [smem:$0x3FAF]  }
0x39: {  	_ = 	snop;
	(pc) =	sbr.ind lr, $3  }
0x3a: {  	_ = 	snop  }
0x3b: {  	_ = 	snop  }
0x3c: {  	p2 =	seq.s32 s10, $0x1;
	s10 =	sld [smem:$0x3FAE]  }
0x3d: {  	_ =	shalt  }
0x3e: {  	_ =	shalt  }
0x3f: {  	_ =	shalt  }
0x40: {  	_ =	shalt  }
0x41: {  	_ =	shalt  }
0x42: {  	_ =	shalt  }
0x43: {  	_ =	shalt  }
0x44: {  	_ =	shalt  }
0x45: {  	_ =	shalt  }
0x46: {  	_ =	shalt  }
0x47: {  	_ =	shalt  }
0x48: {  	_ =	shalt  }
0x49: {  	_ =	shalt  }
0x4a: {  	_ =	shalt  }
0x4b: {  	_ =	shalt  }
0x4c: {  	_ =	shalt  }
0x4d: {  	_ =	shalt  }
0x4e: {  	_ =	shalt  }
0x4f: {  	_ =	shalt  }
0x50: {  	_ =	shalt  }
0x51: {  	_ =	shalt  }
0x52: {  	_ =	shalt  }
0x53: {  	_ =	shalt  }
0x54: {  	_ =	shalt  }
0x55: {  	_ =	shalt  }
0x56: {  	_ =	shalt  }
0x57: {  	_ =	shalt  }
0x58: {  	_ =	shalt  }
0x59: {  	_ =	shalt  }
0x5a: {  	_ =	shalt  }
0x5b: {  	_ =	shalt  }
0x5c: {  	_ =	shalt  }
0x5d: {  	_ =	shalt  }
0x5e: {  	_ =	shalt  }
0x5f: {  	_ =	shalt  }
0x60: {  	_ =	shalt  }
0x61: {  	_ =	shalt  }
0x62: {  	_ =	shalt  }
0x63: {  	_ =	shalt  }
0x64: {  	_ =	shalt  }
0x65: {  	_ =	shalt  }
0x66: {  	_ =	shalt  }
0x67: {  	_ =	shalt  }
0x68: {  	_ =	shalt  }
0x69: {  	_ =	shalt  }
0x6a: {  	_ =	shalt  }
0x6b: {  	_ =	shalt  }
0x6c: {  	_ =	shalt  }
0x6d: {  	_ =	shalt  }
0x6e: {  	_ =	shalt  }
0x6f: {  	_ =	shalt  }
0x70: {  	_ =	shalt  }
0x71: {  	_ =	shalt  }
0x72: {  	_ =	shalt  }
0x73: {  	_ =	shalt  }
0x74: {  	_ =	shalt  }
0x75: {  	_ =	shalt  }
0x76: {  	_ =	shalt  }
0x77: {  	_ =	shalt  }
0x78: {  	_ =	shalt  }
0x79: {  	_ =	shalt  }
0x7a: {  	_ =	shalt  }
0x7b: {  	_ =	shalt  }
0x7c: {  	_ =	shalt  }
0x7d: {  	_ =	shalt  }
0x7e: {  	_ =	shalt  }
0x7f: {  	_ =	shalt  }
0x80: {  	_ =	shalt  }
0x81: {  	_ =	shalt  }
0x82: {  	_ =	shalt  }
0x83: {  	_ =	shalt  }
0x84: {  	_ =	shalt  }
0x85: {  	_ =	shalt  }
0x86: {  	_ =	shalt  }
0x87: {  	_ =	shalt  }
.Lfunc_end0:
.L_simem_size_0:
called_computation_lowered:
.L_overlay_start_0:
0x88: {  	s2 =	sld [smem:$0x3FD9]  }
0x89: {  	s3 =	sld [smem:$0x3FFE];
	_ =	sdelay $0x1  }
0x8a: {  	s1 =	srdreg.scid  }
0x8b: {  	s0 =	sand.u32 $0x1, s1  }
0x8c: {  	s17 =	sshll.u32 s0, $0xA;
	s2 =	sadd.s32 s3, s2  }
0x8d: {  	s2 =	sadd.s32 s2, s17  }
0x8e: {  	[smem:$0x3FBA] =	sst s2  }
0x8f: {  	_ = 	snop  }
0x90: {  	s2 =	sld [smem:$0x3FD0];
	(tm) =	ssettm $0x1  }
0x91: {  	s18 =	sld [smem:$0x3FFB];
	_ =	sdelay $0x3  }
0x92: {  	_ =	strace s18  }
0x93: {  	s3 =	sld [smem:$0x3FFC];
	_ =	sdelay $0x3  }
0x94: {  	_ =	strace s3  }
0x95: {  	s3 =	sld [smem:$0x3FFD];
	_ =	sdelay $0x3  }
0x96: {  	_ =	strace s3  }
0x97: {  	_ =	strace $0x8FFFFFFF  }
0x98: {  	s19 =	sld [smem:$0x3FDB];
	_ =	sdelay $0x1  }
0x99: {  	s4 =	simm.s32 $_scs_section_size  }
0x9a: {  	s5 =	simm.s32 $_size__tile_overlayer_lowered;
	s6 =	simm.s32 $_tile_overlayer_lowered  }
0x9b: {  	s22 =	simm.s32 $0x1BFF;
	s21 =	sshll.u32 s6, $0x1;
	s3 =	sadd.s32 s4, s19  }
0x9c: {  	s7 =	simm.s32 $0x0;
	s20 =	sshll.u32 s5, $0x1;
	s5 =	sadd.s32 s21, s3  }
0x9d: {  	[timem:s7], [sflag:s22] =	dma.local [hbm:s5], s20  }
0x9e: {  	_ =	swait.ge [sflag:s22], s20  }
0x9f: {  	s4 =	ssub.s32 $0x0, s20;
	[sflag:s22] =	ssyncset.done $0x0  }
0xa0: {  	[sflag:s22] =	ssyncadd.s32 s4;
	_ =	sdelay $0x1  }
0xa1: {  	s23 =	simm.s32 $0x1B8B  }
0xa2: {  	_ =	swait.ge [sflag:s23], $0x1  }
0xa3: {  	[sflag:s23] =	ssyncset.done $0x0  }
0xa4: {  	s25 =	simm.s32 $0x1B8E;
	s24 =	sld [smem:$0x3FFE];
	[sflag:s23] =	ssyncadd.s32 $0xFFFFFFFF  }
0xa5: {  	s26 =	simm.s32 $execute0_lowered;
	[smem:$0x3FD2] =	sst s25  }
0xa6: {  	s5 =	sshll.u32 s26, $0x1;
	_ =	strace $0x80000046;
	[dreg:$0x1] =	wrdreg $0xFFFFFFFF  }
0xa7: {  	s28 =	simm.s32 $_size_execute0_lowered;
	s3 =	sadd.s32 s3, s5;
	[dreg:$0x0] =	wrdreg $0x0  }
0xa8: {  	s5 =	sshll.u32 s28, $0x1;
	[dreg:$0x2] =	wrdreg s3  }
0xa9: {  	[dreg:$0x3] =	wrdreg s5  }
0xaa: {  	[dreg:$0x4] =	wrdreg $0xC0  }
0xab: {  	_ =	task [dreg:s7], $0x5FFFF  }
0xac: {  	[dreg:$0x1] =	wrdreg $0xFFFFFFFF  }
0xad: {  	[dreg:$0x0] =	wrdreg $0x60  }
0xae: {  	[dreg:$0x2] =	wrdreg s2  }
0xaf: {  	[dreg:$0x3] =	wrdreg s24  }
0xb0: {  	[dreg:$0x4] =	wrdreg $0x50000  }
0xb1: {  	[dreg:$0x5] =	wrdreg $0x9  }
0xb2: {  	_ =	task.clear_ibuf [dreg:s7], $0x6FFFF;
	_ =	strace $0x90000046  }
0xb3: {  	s29 =	simm.s32 $0x9;
	_ =	strace $0x80000048  }
0xb4: {  	_ =	swait.ge [sflag:s29], $0x1  }
0xb5: {  	[sflag:s29] =	ssyncadd.s32 $0xFFFFFFFF  }
0xb6: {  	_ =	strace $0x90000048  }
0xb7: {  	_ =	sfence  }
0xb8: {  	s30 =	sld [smem:$0x0];
	_ =	sdelay $0x2  }
0xb9: {  	s31 =	sshll.u32 s1, $0xD;
	s1 =	sshrl.u32 s1, $0x2  }
0xba: {  	s3 =	sand.u32 $0x4000, s31;
	s1 =	sadd.s32 s1, s30  }
0xbb: {  	s0 =	sor.u32 s3, s0;
	s1 =	sshll.u32 s1, $0x11  }
0xbc: {  	s0 =	sor.u32 s1, s0  }
0xbd: {  	s0 =	sadd.s32 $0x8F2B, s0  }
0xbe: {  	[sflag:s0] =	ssyncadd.remote.s32 $0x1  }
0xbf: {  	_ =	sfence.sel $0xFFFF  }
0xc0: {  	[dreg:$0x0] =	wrdreg $0xFFFFFFFF;
	(pc) =	sbr.abs _section_cstart, $3  }
0xc1: {  	[dreg:$0x1] =	wrdreg $0xFFFFFFFF  }
0xc2: {  	_ =	task.clear_ibuf [dreg:s7], $0x2FFFF;
	_ =	strace $0x9FFFFFFF  }
0xc3: {  	(tm) =	ssettm $0x7FFFFFFF  }
tec
execute0_lowered:
.L_overlay_start_1:
0x0: {  	(tag) =	ssettag $0x1  }
0x1: {  	s1 =	rddreg [dreg:$0x0]  }
0x2: {  	s0 =	rddreg [dreg:$0x1]  }
0x3: {  	s2 =	rddreg [dreg:$0x2];
	s3 =	simm.s32 $0x0;
	s4 =	srdreg.scid  }
0x4: {  	s11 =	stileid.u32;
	s29 =	simm.s32 $0x2000;
	s30 =	simm.s32 $0x2  }
0x5: {  	s31 =	simm.s32 $0x50;
	[smem:$0x7FF] =	sst s3;
	s8 =	smul.u32 $0x4E000, s11  }
0x6: {  	s4 =	sand.u32 $0x1, s4;
	s10 =	sshll.u32 s11, $0x1;
	s11 =	smul.u32 $0x13800, s11  }
0x7: {  	s5 =	sadd.s32 $0x18400, s0;
	s6 =	sadd.s32 $0x2CA00, s0;
	s7 =	ssub.s32 $0x2, s4  }
0x8: {  	_ =	strace $0x80000047;
	s9 =	sshrl.u32 s7, $0x1;
	s19 =	sadd.s32 $0x2800, s11  }
0x9: {  	s20 =	sadd.s32 $0x5000, s11;
	s21 =	sadd.s32 $0x7800, s11;
	s22 =	sadd.s32 $0xA000, s11  }
0xa: {  	s7 =	ssub.s32 s7, s9;
	s9 =	sor.u32 s4, s10;
	s4 =	smul.u32 $0x138800, s4  }
0xb: {  	s23 =	sadd.s32 $0xC800, s11;
	s24 =	sadd.s32 $0xF000, s11;
	s28 =	smax.u32 s7, $0x1  }
0xc: {  	s25 =	sadd.s32 s11, s4;
	s12 =	sadd.s32 s4, s19;
	s13 =	sadd.s32 s4, s22  }
0xd: {  	s16 =	sadd.s32 s4, s23;
	s17 =	sadd.s32 s4, s24;
	s19 =	sadd.s32 s19, s2  }
0xe: {  	s22 =	sadd.s32 s22, s2;
	s23 =	sadd.s32 s23, s2;
	s24 =	sadd.s32 s24, s2  }
0xf: {  	s10 =	sshrl.u32 s25, $0x3;
	s25 =	sadd.s32 $0x11800, s11;
	s26 =	sshrl.u32 s12, $0x3  }
0x10: {  	s11 =	sadd.s32 s4, s20;
	s12 =	sadd.s32 s4, s21;
	s15 =	sshrl.u32 s13, $0x3  }
0x11: {  	s20 =	sadd.s32 s20, s2;
	s21 =	sadd.s32 s21, s2;
	s10 =	sadd.s32 s6, s10  }
0x12: {  	s4 =	sadd.s32 s4, s25;
	s25 =	sadd.s32 s25, s2;
	[dreg:$0x4] =	wrdreg s10  }
0x13: {  	s10 =	sadd.s32 s6, s26;
	s4 =	sshrl.u32 s4, $0x3;
	s26 =	sshrl.u32 s8, $0x2  }
0x14: {  	[dreg:$0x5] =	wrdreg s10;
	s10 =	sshrl.u32 s11, $0x3;
	s11 =	sshrl.u32 s12, $0x3  }
0x15: {  	s12 =	sshrl.u32 s17, $0x3;
	s13 =	sadd.s32 s6, s4;
	s17 =	sadd.s32 $0x4200, s0  }
0x16: {  	s4 =	simm.s32 $0x1000;
	s10 =	sadd.s32 s6, s10;
	s14 =	sadd.s32 s6, s11  }
0x17: {  	s11 =	sshrl.u32 s16, $0x3;
	s12 =	sadd.s32 s6, s12;
	[dreg:$0x6] =	wrdreg s10  }
0x18: {  	s16 =	sadd.s32 $0x4000, s0;
	[dreg:$0x7] =	wrdreg s14;
	s10 =	sadd.s32 s6, s15  }
0x19: {  	s18 =	sadd.s32 s6, s11;
	s14 =	sadd.s32 $0x4400, s0;
	s15 =	sadd.s32 $0x2C400, s0  }
0x1a: {  	s0 =	simm.s32 $0x1;
	s6 =	simm.s32 $0x0;
	[dreg:$0x8] =	wrdreg s10  }
0x1b: {  	[dreg:$0x9] =	wrdreg s18;
	s18 =	sadd.s32 s26, s2;
	s26 =	smul.u32 $0x5000, s9  }
.LBB2_1:
0x1c: {  	[tilespmem:s29], [sflag:$0x2] =	stream.linear.gather [hbm4b:s15+s3], $0x2800, $0x38;
	[tilespmem:$0x18880] =	vst v63  }
0x1d: {  	_ =	swait.ge [sflag:s30], $0x2800  }
0x1e: {  	[sflag:s30] =	ssyncset.done $0x0  }
0x1f: {  	[sflag:s30] =	ssyncadd.s32 $0xFFFFD800  }
0x20: {  	[spmem:s18] =	stream.linear.scatter [tilespmem:s29], [sflag:$0x2], $0x2800, $0x38;
	[tilespmem:$0x18880] =	vst v63  }
0x21: {  	_ =	swait.ge [sflag:s30], $0x2800  }
0x22: {  	[sflag:s30] =	ssyncset.done $0x0  }
0x23: {  	[sflag:s30] =	ssyncadd.s32 $0xFFFFD800  }
0x24: {  	[spmem:s19] =	stream.linear.scatter [tilespmem:s29], [sflag:$0x2], $0x2800, $0x38;
	[tilespmem:$0x18880] =	vst v63  }
0x25: {  	_ =	swait.ge [sflag:s30], $0x2800  }
0x26: {  	[sflag:s30] =	ssyncset.done $0x0  }
0x27: {  	[sflag:s30] =	ssyncadd.s32 $0xFFFFD800  }
0x28: {  	[spmem:s20] =	stream.linear.scatter [tilespmem:s29], [sflag:$0x2], $0x2800, $0x38;
	[tilespmem:$0x18880] =	vst v63  }
0x29: {  	_ =	swait.ge [sflag:s30], $0x2800  }
0x2a: {  	[sflag:s30] =	ssyncset.done $0x0  }
0x2b: {  	[sflag:s30] =	ssyncadd.s32 $0xFFFFD800  }
0x2c: {  	[spmem:s21] =	stream.linear.scatter [tilespmem:s29], [sflag:$0x2], $0x2800, $0x38;
	[tilespmem:$0x18880] =	vst v63  }
0x2d: {  	_ =	swait.ge [sflag:s30], $0x2800  }
0x2e: {  	[sflag:s30] =	ssyncset.done $0x0  }
0x2f: {  	[sflag:s30] =	ssyncadd.s32 $0xFFFFD800  }
0x30: {  	[spmem:s22] =	stream.linear.scatter [tilespmem:s29], [sflag:$0x2], $0x2800, $0x38;
	[tilespmem:$0x18880] =	vst v63  }
0x31: {  	_ =	swait.ge [sflag:s30], $0x2800  }
0x32: {  	[sflag:s30] =	ssyncset.done $0x0  }
0x33: {  	[sflag:s30] =	ssyncadd.s32 $0xFFFFD800  }
0x34: {  	[spmem:s23] =	stream.linear.scatter [tilespmem:s29], [sflag:$0x2], $0x2800, $0x38;
	[tilespmem:$0x18880] =	vst v63  }
0x35: {  	_ =	swait.ge [sflag:s30], $0x2800  }
0x36: {  	[sflag:s30] =	ssyncset.done $0x0  }
0x37: {  	[sflag:s30] =	ssyncadd.s32 $0xFFFFD800  }
0x38: {  	[spmem:s24] =	stream.linear.scatter [tilespmem:s29], [sflag:$0x2], $0x2800, $0x38;
	[tilespmem:$0x18880] =	vst v63  }
0x39: {  	_ =	swait.ge [sflag:s30], $0x2800  }
0x3a: {  	[sflag:s30] =	ssyncset.done $0x0  }
0x3b: {  	[sflag:s30] =	ssyncadd.s32 $0xFFFFD800  }
0x3c: {  	[spmem:s25] =	stream.linear.scatter [tilespmem:s29], [sflag:$0x2], $0x2800, $0x38;
	[tilespmem:$0x18880] =	vst v63  }
0x3d: {  	_ =	swait.ge [sflag:s30], $0x2800  }
0x3e: {  	[sflag:s30] =	ssyncset.done $0x0  }
0x3f: {  	s7 =	simm.s32 $0x4800;
	[sflag:s30] =	ssyncadd.s32 $0xFFFFD800  }
0x40: {  	[tilespmem:s7], [sflag:$0x2] =	stream.linear.gather [hbm4b:s16+s3], $0x400, $0x38;
	[tilespmem:$0x18880] =	vst v63  }
0x41: {  	_ =	swait.ge [sflag:s30], $0x400  }
0x42: {  	[sflag:s30] =	ssyncset.done $0x0  }
0x43: {  	s11 =	simm.s32 $0x4C00;
	[sflag:s30] =	ssyncadd.s32 $0xFFFFFC00  }
0x44: {  	[tilespmem:s11], [sflag:$0x2] =	stream.linear.gather [hbm4b:s17+s3], $0x400, $0x38;
	[tilespmem:$0x18880] =	vst v63  }
0x45: {  	_ =	swait.ge [sflag:s30], $0x400  }
0x46: {  	[sflag:s30] =	ssyncset.done $0x0  }
0x47: {  	[sflag:s30] =	ssyncadd.s32 $0xFFFFFC00  }
0x48: {  	s7 =	simm.s32 $0x0;
	[bflag:$0x0] =	sbarrier.arrive $0xFFFF  }
.LBB2_2:
0x49: {  	s8 =	sshll.u32 s7, $0xC  }
0x4a: {  	s8 =	sadd.s32 s26, s8  }
0x4b: {  	s8 =	sshrl.u32 s8, $0x3  }
0x4c: {  	s10 =	simm.s32 $0x0;
	s9 =	sadd.s32 s5, s8  }
0x4d: {  	[tilespmem:s10], [sflag:$0x2] =	stream.linear.gather [hbm4b:s9+s10], $0xC80, $0x38;
	[tilespmem:$0x18880] =	vst v63  }
0x4e: {  	_ =	swait.ge [sflag:s30], $0xC80  }
0x4f: {  	[sflag:s30] =	ssyncset.done $0x0  }
0x50: {  	s8 =	sadd.s32 s14, s8;
	[sflag:s30] =	ssyncadd.s32 $0xFFFFF380  }
0x51: {  	[tilespmem:s4], [sflag:$0x2] =	stream.linear.gather [hbm4b:s8+s10], $0xC80, $0x38;
	[tilespmem:$0x18880] =	vst v63  }
0x52: {  	_ =	swait.ge [sflag:s30], $0xC80  }
0x53: {  	[sflag:s30] =	ssyncset.done $0x0  }
0x54: {  	s10 =	simm.s32 $0x0;
	[sflag:s30] =	ssyncadd.s32 $0xFFFFF380  }
0x55: {  	[tilespmem:s29], [sflag:$0x1] =	stream.indirect.gather [hbm4b:s1+s31], $0x80, s10, s31, $0xb8;
	[tilespmem:$0x18880] =	vst v63  }
0x56: {  	_ =	swait.ge [sflag:s0], $0x2800  }
0x57: {  	[sflag:s0] =	ssyncset.done $0x0  }
0x58: {  	s11 =	simm.s32 $0x1000;
	[sflag:s0] =	ssyncadd.s32 $0xFFFFD800  }
0x59: {  	[spmem:s2] =	stream.indirect.scatter.add.f32 [tilespmem:s29], [sflag:$0x2], $0x80, s11, s31, $0xb8;
	[tilespmem:$0x18880] =	vst v63  }
0x5a: {  	_ =	swait.ge [sflag:s30], $0x2800  }
0x5b: {  	s9 =	simm.s32 $0x400;
	s8 =	simm.s32 $0x200;
	[sflag:s30] =	ssyncset.done $0x0  }
.LBB2_3:
0x5c: {  	s10 =	sshra.s32 s8, $0x2  }
0x5d: {  	[sflag:s30] =	ssyncadd.s32 $0xFFFFD800;
	s8 =	smov.u32 s9;
	s11 =	sadd.s32 $0x200, s9  }
0x5e: {  	[tilespmem:s29], [sflag:$0x1] =	stream.indirect.gather [hbm4b:s1+s31], $0x80, s10, s31, $0xb8;
	[tilespmem:$0x18880] =	vst v63  }
0x5f: {  	p0 =	sne.s32 s9, $0x3000;
	_ =	swait.ge [sflag:s0], $0x2800  }
.Ltmp0:
0x60: {  	[sflag:s0] =	ssyncset.done $0x0;
	(pc) =	sbr.rel @p0 .LBB2_3-.Ltmp0, $4  }
0x61: {  	s9 =	sadd.s32 $0x1000, s10;
	[sflag:s0] =	ssyncadd.s32 $0xFFFFD800  }
0x62: {  	[spmem:s2] =	stream.indirect.scatter.add.f32 [tilespmem:s29], [sflag:$0x2], $0x80, s9, s31, $0xb8;
	[tilespmem:$0x18880] =	vst v63  }
0x63: {  	_ =	swait.ge [sflag:s30], $0x2800  }
0x64: {  	s9 =	smov.u32 s11;
	[sflag:s30] =	ssyncset.done $0x0  }
0x65: {  	s8 =	sshra.s32 s8, $0x2;
	[sflag:s30] =	ssyncadd.s32 $0xFFFFD800  }
0x66: {  	[tilespmem:s29], [sflag:$0x1] =	stream.indirect.gather [hbm4b:s1+s31], $0x80, s8, s31, $0xb8;
	[tilespmem:$0x18880] =	vst v63  }
0x67: {  	s7 =	sadd.s32 $0x1, s7;
	_ =	swait.ge [sflag:s0], $0x2800  }
0x68: {  	p0 =	sne.s32 s7, $0x5;
	[sflag:s0] =	ssyncset.done $0x0  }
.Ltmp1:
0x69: {  	s8 =	sadd.s32 $0x1000, s8;
	[sflag:s0] =	ssyncadd.s32 $0xFFFFD800;
	(pc) =	sbr.rel @p0 .LBB2_2-.Ltmp1, $4  }
0x6a: {  	[spmem:s2] =	stream.indirect.scatter.add.f32 [tilespmem:s29], [sflag:$0x2], $0x80, s8, s31, $0xb8;
	[tilespmem:$0x18880] =	vst v63  }
0x6b: {  	_ =	swait.ge [sflag:s30], $0x2800  }
0x6c: {  	[sflag:s30] =	ssyncset.done $0x0  }
0x6d: {  	[sflag:s30] =	ssyncadd.s32 $0xFFFFD800  }
0x6e: {  	[bflag:$0x0] =	sbarrier.arrive $0xFFFF  }
0x6f: {  	[tilespmem:s29], [sflag:$0x2] =	stream.linear.gather [spmem:s18], $0x2800, $0x38;
	[tilespmem:$0x18880] =	vst v63  }
0x70: {  	_ =	swait.ge [sflag:s30], $0x2800  }
0x71: {  	[sflag:s30] =	ssyncset.done $0x0  }
0x72: {  	s7 =	rddreg [dreg:$0x4];
	[sflag:s30] =	ssyncadd.s32 $0xFFFFD800  }
0x73: {  	[hbm4b:s7+s3] =	stream.linear.scatter [tilespmem:s29], [sflag:$0x2], $0x2800, $0x38;
	[tilespmem:$0x18880] =	vst v63  }
0x74: {  	_ =	swait.ge [sflag:s30], $0x2800  }
0x75: {  	[sflag:s30] =	ssyncset.done $0x0  }
0x76: {  	[sflag:s30] =	ssyncadd.s32 $0xFFFFD800  }
0x77: {  	[tilespmem:s29], [sflag:$0x2] =	stream.linear.gather [spmem:s19], $0x2800, $0x38;
	[tilespmem:$0x18880] =	vst v63  }
0x78: {  	_ =	swait.ge [sflag:s30], $0x2800  }
0x79: {  	[sflag:s30] =	ssyncset.done $0x0  }
0x7a: {  	s11 =	rddreg [dreg:$0x5];
	[sflag:s30] =	ssyncadd.s32 $0xFFFFD800  }
0x7b: {  	[hbm4b:s11+s3] =	stream.linear.scatter [tilespmem:s29], [sflag:$0x2], $0x2800, $0x38;
	[tilespmem:$0x18880] =	vst v63  }
0x7c: {  	_ =	swait.ge [sflag:s30], $0x2800  }
0x7d: {  	[sflag:s30] =	ssyncset.done $0x0  }
0x7e: {  	[sflag:s30] =	ssyncadd.s32 $0xFFFFD800  }
0x7f: {  	[tilespmem:s29], [sflag:$0x2] =	stream.linear.gather [spmem:s20], $0x2800, $0x38;
	[tilespmem:$0x18880] =	vst v63  }
0x80: {  	_ =	swait.ge [sflag:s30], $0x2800  }
0x81: {  	[sflag:s30] =	ssyncset.done $0x0  }
0x82: {  	s8 =	rddreg [dreg:$0x6];
	[sflag:s30] =	ssyncadd.s32 $0xFFFFD800  }
0x83: {  	[hbm4b:s8+s3] =	stream.linear.scatter [tilespmem:s29], [sflag:$0x2], $0x2800, $0x38;
	[tilespmem:$0x18880] =	vst v63  }
0x84: {  	_ =	swait.ge [sflag:s30], $0x2800  }
0x85: {  	[sflag:s30] =	ssyncset.done $0x0  }
0x86: {  	[sflag:s30] =	ssyncadd.s32 $0xFFFFD800  }
0x87: {  	[tilespmem:s29], [sflag:$0x2] =	stream.linear.gather [spmem:s21], $0x2800, $0x38;
	[tilespmem:$0x18880] =	vst v63  }
0x88: {  	_ =	swait.ge [sflag:s30], $0x2800  }
0x89: {  	[sflag:s30] =	ssyncset.done $0x0  }
0x8a: {  	s9 =	rddreg [dreg:$0x7];
	[sflag:s30] =	ssyncadd.s32 $0xFFFFD800  }
0x8b: {  	[hbm4b:s9+s3] =	stream.linear.scatter [tilespmem:s29], [sflag:$0x2], $0x2800, $0x38;
	[tilespmem:$0x18880] =	vst v63  }
0x8c: {  	_ =	swait.ge [sflag:s30], $0x2800  }
0x8d: {  	[sflag:s30] =	ssyncset.done $0x0  }
0x8e: {  	[sflag:s30] =	ssyncadd.s32 $0xFFFFD800  }
0x8f: {  	[tilespmem:s29], [sflag:$0x2] =	stream.linear.gather [spmem:s22], $0x2800, $0x38;
	[tilespmem:$0x18880] =	vst v63  }
0x90: {  	_ =	swait.ge [sflag:s30], $0x2800  }
0x91: {  	[sflag:s30] =	ssyncset.done $0x0  }
0x92: {  	s10 =	rddreg [dreg:$0x8];
	[sflag:s30] =	ssyncadd.s32 $0xFFFFD800  }
0x93: {  	[hbm4b:s10+s3] =	stream.linear.scatter [tilespmem:s29], [sflag:$0x2], $0x2800, $0x38;
	[tilespmem:$0x18880] =	vst v63  }
0x94: {  	_ =	swait.ge [sflag:s30], $0x2800  }
0x95: {  	[sflag:s30] =	ssyncset.done $0x0  }
0x96: {  	[sflag:s30] =	ssyncadd.s32 $0xFFFFD800  }
0x97: {  	[tilespmem:s29], [sflag:$0x2] =	stream.linear.gather [spmem:s23], $0x2800, $0x38;
	[tilespmem:$0x18880] =	vst v63  }
0x98: {  	_ =	swait.ge [sflag:s30], $0x2800  }
0x99: {  	[sflag:s30] =	ssyncset.done $0x0  }
0x9a: {  	s11 =	rddreg [dreg:$0x9];
	[sflag:s30] =	ssyncadd.s32 $0xFFFFD800  }
0x9b: {  	[hbm4b:s11+s3] =	stream.linear.scatter [tilespmem:s29], [sflag:$0x2], $0x2800, $0x38;
	[tilespmem:$0x18880] =	vst v63  }
0x9c: {  	_ =	swait.ge [sflag:s30], $0x2800  }
0x9d: {  	[sflag:s30] =	ssyncset.done $0x0  }
0x9e: {  	[sflag:s30] =	ssyncadd.s32 $0xFFFFD800  }
0x9f: {  	[tilespmem:s29], [sflag:$0x2] =	stream.linear.gather [spmem:s24], $0x2800, $0x38;
	[tilespmem:$0x18880] =	vst v63  }
0xa0: {  	_ =	swait.ge [sflag:s30], $0x2800  }
0xa1: {  	[sflag:s30] =	ssyncset.done $0x0  }
0xa2: {  	[sflag:s30] =	ssyncadd.s32 $0xFFFFD800  }
0xa3: {  	[hbm4b:s12+s3] =	stream.linear.scatter [tilespmem:s29], [sflag:$0x2], $0x2800, $0x38;
	[tilespmem:$0x18880] =	vst v63  }
0xa4: {  	_ =	swait.ge [sflag:s30], $0x2800  }
0xa5: {  	[sflag:s30] =	ssyncset.done $0x0  }
0xa6: {  	[sflag:s30] =	ssyncadd.s32 $0xFFFFD800  }
0xa7: {  	[tilespmem:s29], [sflag:$0x2] =	stream.linear.gather [spmem:s25], $0x2800, $0x38;
	[tilespmem:$0x18880] =	vst v63  }
0xa8: {  	s6 =	sadd.s32 $0x1, s6;
	_ =	swait.ge [sflag:s30], $0x2800  }
0xa9: {  	p0 =	sne.s32 s6, s28;
	[sflag:s30] =	ssyncset.done $0x0  }
.Ltmp2:
0xaa: {  	[sflag:s30] =	ssyncadd.s32 $0xFFFFD800;
	(pc) =	sbr.rel @p0 .LBB2_1-.Ltmp2, $4  }
0xab: {  	[hbm4b:s13+s3] =	stream.linear.scatter [tilespmem:s29], [sflag:$0x2], $0x2800, $0x38;
	[tilespmem:$0x18880] =	vst v63  }
0xac: {  	_ =	swait.ge [sflag:s30], $0x2800  }
0xad: {  	[sflag:s30] =	ssyncset.done $0x0  }
0xae: {  	[sflag:s30] =	ssyncadd.s32 $0xFFFFD800  }
0xaf: {  	_ =	sfence.sel $0x180000  }
0xb0: {  	[bflag:$0x0] =	sbarrier.arrive $0xFFFF  }
0xb1: {  	_ =	strace $0x90000047  }
0xb2: {  	s0 =	stileid.u32;
	[bflag:$0x2] =	sbarrier.arrive $0xFFFF  }
0xb3: {  	p0 =	sne.s32 s0, $0x0;
	s0 =	rddreg [dreg:$0x3]  }
0xb4: {  	s0 =	sadd.s32 @!p0 $0x100000, s0  }
0xb5: {  	[sflag:s0] =	ssyncadd.tile.s32 @!p0 $0x1;
	_ =	shalt  }
.Lfunc_end2:
_tile_overlayer_lowered:
.L_overlay_start_2:
0xb6: {  	(tag) =	ssettag $0x2  }
0xb7: {  	s0 =	rddreg [dreg:$0x0];
	s2 =	stileid.u32  }
0xb8: {  	s1 =	rddreg [dreg:$0x1];
	p0 =	sne.s32 s2, $0x0  }
0xb9: {  	s3 =	rddreg [dreg:$0x2];
	[bflag:$0x3] =	sbarrier.arrive $0xFFFF;
	s2 =	simm.s32 @!p0 $0x1C02  }
0xba: {  	[timem:s3], [sflag:s2] =	dma.local @!p0 [hbm:s0], s1  }
0xbb: {  	s0 =	simm.s32 @!p0 $0x2  }
0xbc: {  	_ =	swait.ge @!p0 [sflag:s0], s1  }
0xbd: {  	s1 =	ssub.s32 @!p0 $0x0, s1;
	[sflag:s0] =	ssyncset.done @!p0 $0x0  }
0xbe: {  	[sflag:s0] =	ssyncadd.s32 @!p0 s1  }
0xbf: {  	[bflag:$0x3] =	sbarrier.arrive $0xFFFF  }
0xc0: {  	_ =	shalt  }

</sc_bundles>
